<compile_context>
chip_gen: v7x
topology: tpu7x:2x2x1
jax: 0.10.2.dev20260603
libtpu: 0.0.44.dev20260713+nightly
codegen_flags: <defaults>
</compile_context>

<pallas_src>
import jax
import jax.numpy as jnp
import numpy as np
from jax import lax
from jax.experimental import pallas as pl
from jax.experimental.pallas import tpu as pltpu
from jax.experimental.pallas import tpu_sc as plsc

B, R, N, F = 32, 1024, 64, 128
ROI_PER_IMAGE = 128
FG_NUM = 64
HARD_NUM = 51
EASY_NUM = 13
REG_FG_THRESH = 0.55
CLS_FG_THRESH = 0.75
CLS_BG_THRESH = 0.25
CLS_BG_THRESH_LO = 0.1

NVEC_R = R // 16
NVEC_S = ROI_PER_IMAGE // 16
NVEC_G = N // 16
GROWS = 80


def _host_perms() -> np.ndarray:
    u = np.uint32

    def tf(k, n):
        i = np.arange(n, dtype=np.uint64)
        x0 = (i >> np.uint64(32)).astype(u)
        x1 = (i & np.uint64(0xFFFFFFFF)).astype(u)
        rot = ((13, 15, 26, 6), (17, 29, 16, 24))
        ks = (u(k[0]), u(k[1]), u(k[0]) ^ u(k[1]) ^ u(0x1BD11BDA))
        sched = ((ks[1], ks[2]), (ks[2], ks[0]), (ks[0], ks[1]),
                 (ks[1], ks[2]), (ks[2], ks[0]))
        with np.errstate(over="ignore"):
            x0 = x0 + ks[0]
            x1 = x1 + ks[1]
            for gi in range(5):
                for rr in rot[gi % 2]:
                    x0 = x0 + x1
                    x1 = (x1 << u(rr)) | (x1 >> u(32 - rr))
                    x1 = x1 ^ x0
                x0 = x0 + sched[gi][0]
                x1 = x1 + sched[gi][1] + u(gi + 1)
        return x0, x1

    def split(k, n):
        x0, x1 = tf(k, n)
        return list(zip(x0, x1))

    def uniform01(k, n):
        x0, x1 = tf(k, n)
        bits = x0 ^ x1
        return ((bits >> u(9)) | u(0x3F800000)).view(np.float32) - np.float32(1.0)

    r = np.stack([np.stack([uniform01(kj, R) for kj in split(kb, 3)])
                  for kb in split((u(0), u(1)), B)])
    return np.argsort(-r, axis=-1, kind="stable").astype(np.int32)


def _pack_perms(p: np.ndarray) -> np.ndarray:
    pr = p.reshape(B, 3, R // 32, 2, 16)
    return (pr[:, :, :, 0, :] | (pr[:, :, :, 1, :] << 16)).reshape(B, 3 * R // 2)


_PERM = _pack_perms(_host_perms())


def _body(rois_hbm, gtc_hbm, lab_hbm, sco_hbm, perm_hbm, feat_hbm,
          o_br, o_bgr, o_bi, o_bs, o_bl, o_bf, o_rvm, o_cls,
          v_rois, v_gtc, v_lab, v_sco, v_perm,
          v_bmin, v_bmax, v_vb, v_gorig, v_rcls,
          v_mo, v_asg, v_idx, v_gidx,
          v_br, v_bgr, v_bi, v_bs, v_bl, v_rvm, v_cls, v_bf,
          sem):
    b = lax.axis_index("c") * 16 + lax.axis_index("s")

    cp_in = [
        pltpu.async_copy(rois_hbm.at[:, b], v_rois, sem),
        pltpu.async_copy(gtc_hbm.at[b], v_gtc, sem),
        pltpu.async_copy(lab_hbm.at[b], v_lab, sem),
        pltpu.async_copy(sco_hbm.at[b], v_sco, sem),
        pltpu.async_copy(perm_hbm.at[b], v_perm, sem),
    ]
    for c in cp_in:
        c.wait()

    lane = lax.iota(jnp.int32, 16)
    zero16i = jnp.full((16,), 0, jnp.int32)
    qv = [zero16i + q for q in range(8)]

    glab = [v_gtc[7, pl.ds(ch * 16, 16)].astype(jnp.int32)
            for ch in range(NVEC_G)]
    gcnt = [jnp.full((16,), 0, jnp.int32) for _ in range(3)]
    for ch in range(NVEC_G):
        for c in range(3):
            gcnt[c] = gcnt[c] + plsc.all_reduce_population_count(glab[ch] == c + 1)
    a0 = (gcnt[0] + 3) & -4
    a1 = (gcnt[1] + 3) & -4
    gstart = [zero16i, a0, a0 + a1]

    grank = [jnp.full((16,), 0, jnp.int32) for _ in range(3)]
    for ch in range(NVEC_G):
        o = ch * 16
        labv = glab[ch]
        dest = zero16i
        for c in range(3):
            m = labv == c + 1
            pc = plsc.cumsum(m.astype(jnp.int32))
            dest = jnp.where(m, gstart[c] + grank[c] + pc - 1, dest)
            grank[c] = grank[c] + plsc.all_reduce_population_count(m)
        plsc.store_scatter(v_gorig, [dest], lane + o)
        c0 = v_gtc[0, pl.ds(o, 16)]
        c1 = v_gtc[1, pl.ds(o, 16)]
        c2 = v_gtc[2, pl.ds(o, 16)]
        s0 = v_gtc[3, pl.ds(o, 16)]
        s1 = v_gtc[4, pl.ds(o, 16)]
        s2 = v_gtc[5, pl.ds(o, 16)]
        rows = (c0 - s0 * 0.5, c1 - s1 * 0.5, c2 - s2 * 0.5,
                c0 + s0 * 0.5, c1 + s1 * 0.5, c2 + s2 * 0.5,
                (s0 * s1) * s2)
        refs = (v_bmin, v_bmin, v_bmin, v_bmax, v_bmax, v_bmax, v_vb)
        offs = (0, GROWS * 16, 2 * GROWS * 16, 0, GROWS * 16, 2 * GROWS * 16, 0)
        dest16 = dest * 16

        def lane_scatter(l, _, rows=rows, dest16=dest16):
            idx = dest16 + l
            for rowv, ref, qoff in zip(rows, refs, offs):
                plsc.store_scatter(ref, [idx + qoff], rowv)
            return ()

        lax.fori_loop(0, 16, lane_scatter, ())

    def rpass(v, carry):
        labv = v_lab[pl.ds(v * 16, 16)]
        idxvec = lane + v * 16
        out = []
        for c in range(3):
            m = labv == c + 1
            pc = plsc.cumsum(m.astype(jnp.int32))
            slot = carry[c] + pc - 1
            plsc.store_scatter(v_rcls, [slot + c * R], idxvec, mask=m)
            out.append(carry[c] + plsc.all_reduce_population_count(m))
        return tuple(out)

    rcnt = lax.fori_loop(0, NVEC_R, rpass, (zero16i, zero16i, zero16i))

    def class_sweep(c, _):
        r_lo = c * R
        r_n = jnp.max(jnp.where(c == 0, rcnt[0],
                                jnp.where(c == 1, rcnt[1], rcnt[2])))
        g_lo = jnp.max(jnp.where(c == 0, gstart[0],
                                 jnp.where(c == 1, gstart[1], gstart[2])))
        g_hi = g_lo + jnp.max(jnp.where(c == 0, gcnt[0],
                                        jnp.where(c == 1, gcnt[1], gcnt[2])))
        nchunk = (r_n + 15) // 16

        def chunk_body(j, _, r_lo=r_lo, r_n=r_n, g_lo=g_lo, g_hi=g_hi):
            idxv = v_rcls[pl.ds(r_lo + j * 16, 16)] & (R - 1)
            lanemask = lane < (r_n - j * 16)
            cx = plsc.load_gather(v_rois, [qv[0], idxv])
            cy = plsc.load_gather(v_rois, [qv[1], idxv])
            cz = plsc.load_gather(v_rois, [qv[2], idxv])
            dx = plsc.load_gather(v_rois, [qv[3], idxv])
            dy = plsc.load_gather(v_rois, [qv[4], idxv])
            dz = plsc.load_gather(v_rois, [qv[5], idxv])
            hx = dx * 0.5
            hy = dy * 0.5
            hz = dz * 0.5
            ax0 = cx - hx
            ax1 = cx + hx
            ay0 = cy - hy
            ay1 = cy + hy
            az0 = cz - hz
            az1 = cz + hz
            va = dx * dy * dz

            def inner(g, carry):
                bn, bd, bidx = carry
                go = g * 16
                ix = jnp.maximum(jnp.minimum(ax1, v_bmax[pl.ds(go, 16)])
                                 - jnp.maximum(ax0, v_bmin[pl.ds(go, 16)]), 0.0)
                iy = jnp.maximum(jnp.minimum(ay1, v_bmax[pl.ds(GROWS * 16 + go, 16)])
                                 - jnp.maximum(ay0, v_bmin[pl.ds(GROWS * 16 + go, 16)]), 0.0)
                iz = jnp.maximum(jnp.minimum(az1, v_bmax[pl.ds(2 * GROWS * 16 + go, 16)])
                                 - jnp.maximum(az0, v_bmin[pl.ds(2 * GROWS * 16 + go, 16)]), 0.0)
                iv = (ix * iy) * iz
                den = jnp.maximum(va + v_vb[pl.ds(go, 16)] - iv, 1e-6)
                better = iv * bd > bn * den
                gvec = zero16i + g
                bn = jnp.where(better, iv, bn)
                bd = jnp.where(better, den, bd)
                bidx = jnp.where(better, gvec, bidx)
                return bn, bd, bidx

            init = (jnp.full((16,), 0.0, jnp.float32),
                    jnp.full((16,), 1.0, jnp.float32),
                    jnp.full((16,), -1, jnp.int32))
            bn, bd, bidx = lax.fori_loop(g_lo, g_hi, inner, init)
            mo = bn / bd
            asg = plsc.load_gather(v_gorig, [jnp.maximum(bidx, 0)])
            asg = jnp.where(bidx < 0, 0, asg)
            plsc.store_scatter(v_mo, [idxv], mo, mask=lanemask)
            plsc.store_scatter(v_asg, [idxv], asg, mask=lanemask)
            return ()

        lax.fori_loop(0, nchunk, chunk_body, ())
        return ()

    lax.fori_loop(0, 3, class_sweep, ())

    thresholds = [
        lambda v: v >= REG_FG_THRESH,
        lambda v: jnp.logical_and(v < REG_FG_THRESH, v >= CLS_BG_THRESH_LO),
        lambda v: v < CLS_BG_THRESH_LO,
    ]
    pool_off = (0, FG_NUM, FG_NUM + HARD_NUM)
    pool_k = (FG_NUM, HARD_NUM, EASY_NUM)

    def pass_a(v, carry):
        out = []
        for pool in range(3):
            w = v_perm[pl.ds(pool * (R // 2) + v * 16, 16)]
            cnt = carry[pool]
            for pidx in (w & 0xFFFF, w >> 16):
                vals = plsc.load_gather(v_mo, [pidx])
                m = thresholds[pool](vals)
                pc = plsc.cumsum(m.astype(jnp.int32))
                slot = cnt + pc - 1
                ok = jnp.logical_and(m, slot < pool_k[pool])
                plsc.store_scatter(v_idx, [slot + pool_off[pool]], pidx, mask=ok)
                cnt = cnt + plsc.all_reduce_population_count(m)
            out.append(cnt)
        return tuple(out)

    cnt3 = lax.fori_loop(0, NVEC_R // 2, pass_a, (zero16i, zero16i, zero16i))

    for pool in range(3):
        off, k, cnt = pool_off[pool], pool_k[pool], cnt3[pool]
        mask_fn = thresholds[pool]

        def cond_b(st, k=k):
            v, cnt = st
            return jnp.logical_and(v < NVEC_R, jnp.max(cnt) < k)

        def pass_b(st, mask_fn=mask_fn, off=off, k=k):
            v, cnt = st
            pidx = lane + v * 16
            vals = v_mo[pl.ds(v * 16, 16)]
            m = jnp.logical_not(mask_fn(vals))
            pc = plsc.cumsum(m.astype(jnp.int32))
            slot = cnt + pc - 1
            ok = jnp.logical_and(m, slot < k)
            plsc.store_scatter(v_idx, [slot + off], pidx, mask=ok)
            return v + 1, cnt + plsc.all_reduce_population_count(m)

        lax.while_loop(cond_b, pass_b, (0, cnt))

    for s in range(NVEC_S):
        sl = pl.ds(s * 16, 16)
        sidx = v_idx[sl]
        iou_s = plsc.load_gather(v_mo, [sidx])
        v_bi[sl] = iou_s
        v_rvm[sl] = (iou_s > REG_FG_THRESH).astype(jnp.int32)
        fgm = iou_s > CLS_FG_THRESH
        bgm = iou_s < CLS_BG_THRESH
        interval = jnp.logical_and(jnp.logical_not(fgm), jnp.logical_not(bgm))
        v_cls[sl] = jnp.where(interval, (iou_s - CLS_BG_THRESH) * 2.0,
                              jnp.where(fgm, 1.0, 0.0))
        v_bl[sl] = plsc.load_gather(v_lab, [sidx])
        v_bs[sl] = plsc.load_gather(v_sco, [sidx])
        asgs = plsc.load_gather(v_asg, [sidx])
        for dd in range(7):
            v_br[dd, sl] = plsc.load_gather(v_rois, [qv[dd], sidx])
            v_bgr[dd, sl] = plsc.load_gather(v_gtc, [qv[dd], asgs])
        v_gidx[sl] = sidx + b * R

    pltpu.async_copy(feat_hbm.at[v_gidx], v_bf, sem).wait()

    cp_out = [
        pltpu.async_copy(v_br, o_br.at[:, b], sem),
        pltpu.async_copy(v_bgr, o_bgr.at[:, b], sem),
        pltpu.async_copy(v_bi, o_bi.at[b], sem),
        pltpu.async_copy(v_bs, o_bs.at[b], sem),
        pltpu.async_copy(v_bl, o_bl.at[b], sem),
        pltpu.async_copy(v_bf, o_bf.at[b], sem),
        pltpu.async_copy(v_rvm, o_rvm.at[b], sem),
        pltpu.async_copy(v_cls, o_cls.at[b], sem),
    ]
    for c in cp_out:
        c.wait()


@jax.jit
def kernel(rois, roi_scores, roi_labels, gt_boxes, roi_features):
    rois_q = jnp.transpose(rois, (2, 0, 1))
    gtc_q = jnp.transpose(gt_boxes, (0, 2, 1))
    feat2d = roi_features.reshape(B * R, F)
    perm = jnp.asarray(_PERM)

    f32, i32 = jnp.float32, jnp.int32
    out_type = (
        jax.ShapeDtypeStruct((7, B, ROI_PER_IMAGE), f32),
        jax.ShapeDtypeStruct((7, B, ROI_PER_IMAGE), f32),
        jax.ShapeDtypeStruct((B, ROI_PER_IMAGE), f32),
        jax.ShapeDtypeStruct((B, ROI_PER_IMAGE), f32),
        jax.ShapeDtypeStruct((B, ROI_PER_IMAGE), i32),
        jax.ShapeDtypeStruct((B, ROI_PER_IMAGE, F), f32),
        jax.ShapeDtypeStruct((B, ROI_PER_IMAGE), i32),
        jax.ShapeDtypeStruct((B, ROI_PER_IMAGE), f32),
    )
    scratch = [
        pltpu.VMEM((7, R), f32),
        pltpu.VMEM((8, N), f32),
        pltpu.VMEM((R,), i32),
        pltpu.VMEM((R,), f32),
        pltpu.VMEM((3 * R // 2,), i32),
        pltpu.VMEM((3 * GROWS * 16,), f32),
        pltpu.VMEM((3 * GROWS * 16,), f32),
        pltpu.VMEM((GROWS * 16,), f32),
        pltpu.VMEM((GROWS,), i32),
        pltpu.VMEM((3 * R,), i32),
        pltpu.VMEM((R,), f32),
        pltpu.VMEM((R,), i32),
        pltpu.VMEM((ROI_PER_IMAGE,), i32),
        pltpu.VMEM((ROI_PER_IMAGE,), i32),
        pltpu.VMEM((7, ROI_PER_IMAGE), f32),
        pltpu.VMEM((7, ROI_PER_IMAGE), f32),
        pltpu.VMEM((ROI_PER_IMAGE,), f32),
        pltpu.VMEM((ROI_PER_IMAGE,), f32),
        pltpu.VMEM((ROI_PER_IMAGE,), i32),
        pltpu.VMEM((ROI_PER_IMAGE,), i32),
        pltpu.VMEM((ROI_PER_IMAGE,), f32),
        pltpu.VMEM((ROI_PER_IMAGE, F), f32),
        pltpu.SemaphoreType.DMA,
    ]
    mesh = plsc.VectorSubcoreMesh(core_axis_name="c", subcore_axis_name="s")
    brq, bgrq, bi, bs, bl, bf, rvm, cls = pl.kernel(
        _body, out_type=out_type, mesh=mesh, scratch_types=scratch,
        compiler_params=pltpu.CompilerParams(needs_layout_passes=False),
    )(rois_q, gtc_q, roi_labels, roi_scores, perm, feat2d)

    br = jnp.transpose(brq, (1, 2, 0))
    bgr = jnp.transpose(bgrq, (1, 2, 0))
    return br, bgr, bi, bs, bl, bf, rvm, cls

# --- scband reference (transcript-rebuilt; emitter-appended) ---
"""Pipeline reference for scband-proposal-target-layer-cp-51505247813729 (READ-ONLY COPY).

The authoritative reference and input builder live on the scoring server;
editing this copy changes nothing except your own understanding.
"""

import jax, jax.numpy as jnp
import numpy as np
from jax import lax

ROI_PER_IMAGE = 128
FG_RATIO = 0.5
REG_FG_THRESH = 0.55
CLS_FG_THRESH = 0.75
CLS_BG_THRESH = 0.25
CLS_BG_THRESH_LO = 0.1
HARD_BG_RATIO = 0.8

B, R, N, F = 32, 1024, 64, 128


def _make_boxes(key, b, n):
    k1, k2, k3 = jax.random.split(key, 3)
    ctr = jax.random.uniform(k1, (b, n, 3), minval=-40.0, maxval=40.0)
    size = jax.random.uniform(k2, (b, n, 3), minval=1.0, maxval=5.0)
    ang = jax.random.uniform(k3, (b, n, 1), minval=-np.pi, maxval=np.pi)
    return jnp.concatenate([ctr, size, ang], axis=-1).astype(jnp.float32)


def setup_inputs(seed: int = 0):
    key = jax.random.key(seed)
    ks = jax.random.split(key, 6)
    rois = _make_boxes(ks[0], B, R)
    roi_scores = jax.random.uniform(ks[1], (B, R), dtype=jnp.float32)
    roi_labels = jax.random.randint(ks[2], (B, R), 1, 4, dtype=jnp.int32)
    gt7 = _make_boxes(ks[3], B, N)
    gt_labels = jax.random.randint(ks[4], (B, N), 1, 4).astype(jnp.float32)
    gt_boxes = jnp.concatenate([gt7, gt_labels[..., None]], axis=-1)
    roi_features = jax.random.normal(ks[5], (B, R, F), dtype=jnp.float32)
    return {"rois": rois, "roi_scores": roi_scores, "roi_labels": roi_labels,
            "gt_boxes": gt_boxes, "roi_features": roi_features}


def _iou3d(a, b):
    # axis-aligned 3D IoU (rotation-free approximation of boxes_iou3d_gpu)
    a_min = a[:, None, 0:3] - a[:, None, 3:6] * 0.5
    a_max = a[:, None, 0:3] + a[:, None, 3:6] * 0.5
    b_min = b[None, :, 0:3] - b[None, :, 3:6] * 0.5
    b_max = b[None, :, 0:3] + b[None, :, 3:6] * 0.5
    inter = jnp.clip(jnp.minimum(a_max, b_max) - jnp.maximum(a_min, b_min), 0.0, None)
    inter_v = inter[..., 0] * inter[..., 1] * inter[..., 2]
    va = a[:, 3] * a[:, 4] * a[:, 5]
    vb = b[:, 3] * b[:, 4] * b[:, 5]
    return inter_v / jnp.clip(va[:, None] + vb[None, :] - inter_v, 1e-6, None)


def _sample_one(cur_roi, cur_gt, cur_labels, cur_scores, cur_feats, key):
    # get_max_iou_with_same_class: only match RoIs to GT boxes of the same class
    iou = _iou3d(cur_roi[:, :7], cur_gt[:, :7])
    same = cur_labels[:, None] == cur_gt[None, :, 7].astype(cur_labels.dtype)
    iou_m = jnp.where(same, iou, 0.0)
    max_overlaps = jnp.max(iou_m, axis=1)
    gt_assignment = jnp.argmax(iou_m, axis=1)
    # subsample_rois with static shapes: random-priority top_k within fg / hard-bg / easy-bg pools
    fg_num = int(np.round(FG_RATIO * ROI_PER_IMAGE))
    bg_num = ROI_PER_IMAGE - fg_num
    hard_num = int(bg_num * HARD_BG_RATIO)
    easy_num = bg_num - hard_num
    fg_thresh = min(REG_FG_THRESH, CLS_FG_THRESH)
    k1, k2, k3 = jax.random.split(key, 3)
    n = cur_roi.shape[0]
    r1 = jax.random.uniform(k1, (n,))
    r2 = jax.random.uniform(k2, (n,))
    r3 = jax.random.uniform(k3, (n,))
    _, fg_inds = lax.top_k(jnp.where(max_overlaps >= fg_thresh, r1, -1.0), fg_num)
    hard_mask = (max_overlaps < REG_FG_THRESH) & (max_overlaps >= CLS_BG_THRESH_LO)
    _, hard_inds = lax.top_k(jnp.where(hard_mask, r2, -1.0), hard_num)
    _, easy_inds = lax.top_k(jnp.where(max_overlaps < CLS_BG_THRESH_LO, r3, -1.0), easy_num)
    sampled = jnp.concatenate([fg_inds, hard_inds, easy_inds], axis=0)
    rois_s = cur_roi[sampled]
    labels_s = cur_labels[sampled]
    ious_s = max_overlaps[sampled]
    scores_s = cur_scores[sampled]
    feats_s = cur_feats[sampled]
    gt_of_rois = cur_gt[gt_assignment[sampled], :7]
    return rois_s, gt_of_rois, ious_s, scores_s, labels_s, feats_s


def reference(rois, roi_scores, roi_labels, gt_boxes, roi_features):
    keys = jax.random.split(jax.random.key(1), rois.shape[0])
    br, bgr, bi, bs, bl, bf = jax.vmap(_sample_one)(
        rois, gt_boxes, roi_labels, roi_scores, roi_features, keys)
    reg_valid_mask = (bi > REG_FG_THRESH).astype(jnp.int32)
    # CLS_SCORE_TYPE == 'roi_iou'
    fg_mask = bi > CLS_FG_THRESH
    bg_mask = bi < CLS_BG_THRESH
    interval_mask = (~fg_mask) & (~bg_mask)
    rcnn_cls_labels = jnp.where(
        interval_mask,
        (bi - CLS_BG_THRESH) / (CLS_FG_THRESH - CLS_BG_THRESH),
        fg_mask.astype(jnp.float32))
    return br, bgr, bi, bs, bl, bf, reg_valid_mask, rcnn_cls_labels

if __name__ == "__main__":
    import jax
    _d = setup_inputs()
    print(jax.jit(kernel)(*tuple(_d.values())))

</pallas_src>

<mosaic_0001>
#map = affine_map<(d0, d1) -> (0, 0, 0)>
#map1 = affine_map<(d0, d1) -> (0, 0)>
module attributes {stable_mosaic.version = 14 : i64} {
  func.func @_body(%arg0: i32, %arg1: i32, %arg2: memref<7x32x1024xf32, #tpu.memory_space<hbm>>, %arg3: memref<32x8x64xf32, #tpu.memory_space<hbm>>, %arg4: memref<32x1024xi32, #tpu.memory_space<hbm>>, %arg5: memref<32x1024xf32, #tpu.memory_space<hbm>>, %arg6: memref<32x1536xi32, #tpu.memory_space<hbm>>, %arg7: memref<32768x128xf32, #tpu.memory_space<hbm>>, %arg8: memref<7x32x128xf32, #tpu.memory_space<hbm>>, %arg9: memref<7x32x128xf32, #tpu.memory_space<hbm>>, %arg10: memref<32x128xf32, #tpu.memory_space<hbm>>, %arg11: memref<32x128xf32, #tpu.memory_space<hbm>>, %arg12: memref<32x128xi32, #tpu.memory_space<hbm>>, %arg13: memref<32x128x128xf32, #tpu.memory_space<hbm>>, %arg14: memref<32x128xi32, #tpu.memory_space<hbm>>, %arg15: memref<32x128xf32, #tpu.memory_space<hbm>>, %arg16: memref<7x1024xf32, #tpu.memory_space<vmem>>, %arg17: memref<8x64xf32, #tpu.memory_space<vmem>>, %arg18: memref<1024xi32, #tpu.memory_space<vmem>>, %arg19: memref<1024xf32, #tpu.memory_space<vmem>>, %arg20: memref<1536xi32, #tpu.memory_space<vmem>>, %arg21: memref<3840xf32, #tpu.memory_space<vmem>>, %arg22: memref<3840xf32, #tpu.memory_space<vmem>>, %arg23: memref<1280xf32, #tpu.memory_space<vmem>>, %arg24: memref<80xi32, #tpu.memory_space<vmem>>, %arg25: memref<3072xi32, #tpu.memory_space<vmem>>, %arg26: memref<1024xf32, #tpu.memory_space<vmem>>, %arg27: memref<1024xi32, #tpu.memory_space<vmem>>, %arg28: memref<128xi32, #tpu.memory_space<vmem>>, %arg29: memref<128xi32, #tpu.memory_space<vmem>>, %arg30: memref<7x128xf32, #tpu.memory_space<vmem>>, %arg31: memref<7x128xf32, #tpu.memory_space<vmem>>, %arg32: memref<128xf32, #tpu.memory_space<vmem>>, %arg33: memref<128xf32, #tpu.memory_space<vmem>>, %arg34: memref<128xi32, #tpu.memory_space<vmem>>, %arg35: memref<128xi32, #tpu.memory_space<vmem>>, %arg36: memref<128xf32, #tpu.memory_space<vmem>>, %arg37: memref<128x128xf32, #tpu.memory_space<vmem>>, %arg38: memref<!tpu.dma_semaphore, #tpu.memory_space<semaphore_mem>>) attributes {dimension_semantics = [#tpu.dimension_semantics<core_parallel>, #tpu.dimension_semantics<subcore_parallel>], iteration_bounds = array<i64: 2, 16>, scalar_prefetch = 0 : i64, scratch_operands = 23 : i64, tpu.core_type = #tpu.core_type<sc_vector_subcore>, window_params = [{transform_indices = #map}, {transform_indices = #map}, {transform_indices = #map1}, {transform_indices = #map1}, {transform_indices = #map1}, {transform_indices = #map1}, {transform_indices = #map}, {transform_indices = #map}, {transform_indices = #map1}, {transform_indices = #map1}, {transform_indices = #map1}, {transform_indices = #map}, {transform_indices = #map1}, {transform_indices = #map1}]} {
    %mul3A = arith.constant 16 : i32
    %mul3A_0 = arith.muli %arg0, %mul3A : i32
    %add3A = arith.addi %mul3A_0, %arg1 : i32
    %dma_start3A = arith.constant 0 : i32
    %dma_start3A_1 = arith.constant 0 : i32
    %dma_start3A_2 = tpu.memref_slice %arg2[%dma_start3A, %add3A, %dma_start3A_1] : memref<7x32x1024xf32, #tpu.memory_space<hbm>> -> memref<7x1x1024xf32, #tpu.memory_space<hbm>>
    %dma_start3A_3 = tpu.memref_squeeze %dma_start3A_2 : memref<7x1x1024xf32, #tpu.memory_space<hbm>> -> memref<7x1024xf32, #tpu.memory_space<hbm>>
    %dma_start3A_4 = arith.constant 0 : i32
    %dma_start3A_5 = arith.constant 0 : i32
    %dma_start3A_6 = tpu.memref_slice %arg2[%dma_start3A_4, %add3A, %dma_start3A_5] : memref<7x32x1024xf32, #tpu.memory_space<hbm>> -> memref<7x1x1024xf32, #tpu.memory_space<hbm>>
    %dma_start3A_7 = tpu.memref_squeeze %dma_start3A_6 : memref<7x1x1024xf32, #tpu.memory_space<hbm>> -> memref<7x1024xf32, #tpu.memory_space<hbm>>
    tpu.enqueue_dma source(%dma_start3A_7 : memref<7x1024xf32, #tpu.memory_space<hbm>>) target(%arg16 : memref<7x1024xf32, #tpu.memory_space<vmem>>) target_semaphore(%arg38 : memref<!tpu.dma_semaphore, #tpu.memory_space<semaphore_mem>>)
    %dma_start3A_8 = arith.constant 0 : i32
    %dma_start3A_9 = arith.constant 0 : i32
    %dma_start3A_10 = tpu.memref_slice %arg3[%add3A, %dma_start3A_8, %dma_start3A_9] : memref<32x8x64xf32, #tpu.memory_space<hbm>> -> memref<1x8x64xf32, #tpu.memory_space<hbm>>
    %dma_start3A_11 = tpu.memref_squeeze %dma_start3A_10 : memref<1x8x64xf32, #tpu.memory_space<hbm>> -> memref<8x64xf32, #tpu.memory_space<hbm>>
    %dma_start3A_12 = arith.constant 0 : i32
    %dma_start3A_13 = arith.constant 0 : i32
    %dma_start3A_14 = tpu.memref_slice %arg3[%add3A, %dma_start3A_12, %dma_start3A_13] : memref<32x8x64xf32, #tpu.memory_space<hbm>> -> memref<1x8x64xf32, #tpu.memory_space<hbm>>
    %dma_start3A_15 = tpu.memref_squeeze %dma_start3A_14 : memref<1x8x64xf32, #tpu.memory_space<hbm>> -> memref<8x64xf32, #tpu.memory_space<hbm>>
    tpu.enqueue_dma source(%dma_start3A_15 : memref<8x64xf32, #tpu.memory_space<hbm>>) target(%arg17 : memref<8x64xf32, #tpu.memory_space<vmem>>) target_semaphore(%arg38 : memref<!tpu.dma_semaphore, #tpu.memory_space<semaphore_mem>>)
    %dma_start3A_16 = arith.constant 0 : i32
    %dma_start3A_17 = tpu.memref_slice %arg4[%add3A, %dma_start3A_16] : memref<32x1024xi32, #tpu.memory_space<hbm>> -> memref<1x1024xi32, #tpu.memory_space<hbm>>
    %dma_start3A_18 = tpu.memref_squeeze %dma_start3A_17 : memref<1x1024xi32, #tpu.memory_space<hbm>> -> memref<1024xi32, #tpu.memory_space<hbm>>
    %dma_start3A_19 = arith.constant 0 : i32
    %dma_start3A_20 = tpu.memref_slice %arg4[%add3A, %dma_start3A_19] : memref<32x1024xi32, #tpu.memory_space<hbm>> -> memref<1x1024xi32, #tpu.memory_space<hbm>>
    %dma_start3A_21 = tpu.memref_squeeze %dma_start3A_20 : memref<1x1024xi32, #tpu.memory_space<hbm>> -> memref<1024xi32, #tpu.memory_space<hbm>>
    tpu.enqueue_dma source(%dma_start3A_21 : memref<1024xi32, #tpu.memory_space<hbm>>) target(%arg18 : memref<1024xi32, #tpu.memory_space<vmem>>) target_semaphore(%arg38 : memref<!tpu.dma_semaphore, #tpu.memory_space<semaphore_mem>>)
    %dma_start3A_22 = arith.constant 0 : i32
    %dma_start3A_23 = tpu.memref_slice %arg5[%add3A, %dma_start3A_22] : memref<32x1024xf32, #tpu.memory_space<hbm>> -> memref<1x1024xf32, #tpu.memory_space<hbm>>
    %dma_start3A_24 = tpu.memref_squeeze %dma_start3A_23 : memref<1x1024xf32, #tpu.memory_space<hbm>> -> memref<1024xf32, #tpu.memory_space<hbm>>
    %dma_start3A_25 = arith.constant 0 : i32
    %dma_start3A_26 = tpu.memref_slice %arg5[%add3A, %dma_start3A_25] : memref<32x1024xf32, #tpu.memory_space<hbm>> -> memref<1x1024xf32, #tpu.memory_space<hbm>>
    %dma_start3A_27 = tpu.memref_squeeze %dma_start3A_26 : memref<1x1024xf32, #tpu.memory_space<hbm>> -> memref<1024xf32, #tpu.memory_space<hbm>>
    tpu.enqueue_dma source(%dma_start3A_27 : memref<1024xf32, #tpu.memory_space<hbm>>) target(%arg19 : memref<1024xf32, #tpu.memory_space<vmem>>) target_semaphore(%arg38 : memref<!tpu.dma_semaphore, #tpu.memory_space<semaphore_mem>>)
    %dma_start3A_28 = arith.constant 0 : i32
    %dma_start3A_29 = tpu.memref_slice %arg6[%add3A, %dma_start3A_28] : memref<32x1536xi32, #tpu.memory_space<hbm>> -> memref<1x1536xi32, #tpu.memory_space<hbm>>
    %dma_start3A_30 = tpu.memref_squeeze %dma_start3A_29 : memref<1x1536xi32, #tpu.memory_space<hbm>> -> memref<1536xi32, #tpu.memory_space<hbm>>
    %dma_start3A_31 = arith.constant 0 : i32
    %dma_start3A_32 = tpu.memref_slice %arg6[%add3A, %dma_start3A_31] : memref<32x1536xi32, #tpu.memory_space<hbm>> -> memref<1x1536xi32, #tpu.memory_space<hbm>>
    %dma_start3A_33 = tpu.memref_squeeze %dma_start3A_32 : memref<1x1536xi32, #tpu.memory_space<hbm>> -> memref<1536xi32, #tpu.memory_space<hbm>>
    tpu.enqueue_dma source(%dma_start3A_33 : memref<1536xi32, #tpu.memory_space<hbm>>) target(%arg20 : memref<1536xi32, #tpu.memory_space<vmem>>) target_semaphore(%arg38 : memref<!tpu.dma_semaphore, #tpu.memory_space<semaphore_mem>>)
    %dma_wait3A = arith.constant 0 : i32
    %dma_wait3A_34 = arith.constant 0 : i32
    %dma_wait3A_35 = tpu.memref_slice %arg2[%dma_wait3A, %add3A, %dma_wait3A_34] : memref<7x32x1024xf32, #tpu.memory_space<hbm>> -> memref<7x1x1024xf32, #tpu.memory_space<hbm>>
    %dma_wait3A_36 = tpu.memref_squeeze %dma_wait3A_35 : memref<7x1x1024xf32, #tpu.memory_space<hbm>> -> memref<7x1024xf32, #tpu.memory_space<hbm>>
    %dma_wait3A_37 = arith.constant 0 : i32
    %dma_wait3A_38 = arith.constant 0 : i32
    %dma_wait3A_39 = tpu.memref_slice %arg2[%dma_wait3A_37, %add3A, %dma_wait3A_38] : memref<7x32x1024xf32, #tpu.memory_space<hbm>> -> memref<7x1x1024xf32, #tpu.memory_space<hbm>>
    %dma_wait3A_40 = tpu.memref_squeeze %dma_wait3A_39 : memref<7x1x1024xf32, #tpu.memory_space<hbm>> -> memref<7x1024xf32, #tpu.memory_space<hbm>>
    tpu.wait_dma2 semaphore(%arg38 : memref<!tpu.dma_semaphore, #tpu.memory_space<semaphore_mem>>) src(%dma_wait3A_40 : memref<7x1024xf32, #tpu.memory_space<hbm>>) dst(%arg16 : memref<7x1024xf32, #tpu.memory_space<vmem>>)
    %dma_wait3A_41 = arith.constant 0 : i32
    %dma_wait3A_42 = arith.constant 0 : i32
    %dma_wait3A_43 = tpu.memref_slice %arg3[%add3A, %dma_wait3A_41, %dma_wait3A_42] : memref<32x8x64xf32, #tpu.memory_space<hbm>> -> memref<1x8x64xf32, #tpu.memory_space<hbm>>
    %dma_wait3A_44 = tpu.memref_squeeze %dma_wait3A_43 : memref<1x8x64xf32, #tpu.memory_space<hbm>> -> memref<8x64xf32, #tpu.memory_space<hbm>>
    %dma_wait3A_45 = arith.constant 0 : i32
    %dma_wait3A_46 = arith.constant 0 : i32
    %dma_wait3A_47 = tpu.memref_slice %arg3[%add3A, %dma_wait3A_45, %dma_wait3A_46] : memref<32x8x64xf32, #tpu.memory_space<hbm>> -> memref<1x8x64xf32, #tpu.memory_space<hbm>>
    %dma_wait3A_48 = tpu.memref_squeeze %dma_wait3A_47 : memref<1x8x64xf32, #tpu.memory_space<hbm>> -> memref<8x64xf32, #tpu.memory_space<hbm>>
    tpu.wait_dma2 semaphore(%arg38 : memref<!tpu.dma_semaphore, #tpu.memory_space<semaphore_mem>>) src(%dma_wait3A_48 : memref<8x64xf32, #tpu.memory_space<hbm>>) dst(%arg17 : memref<8x64xf32, #tpu.memory_space<vmem>>)
    %dma_wait3A_49 = arith.constant 0 : i32
    %dma_wait3A_50 = tpu.memref_slice %arg4[%add3A, %dma_wait3A_49] : memref<32x1024xi32, #tpu.memory_space<hbm>> -> memref<1x1024xi32, #tpu.memory_space<hbm>>
    %dma_wait3A_51 = tpu.memref_squeeze %dma_wait3A_50 : memref<1x1024xi32, #tpu.memory_space<hbm>> -> memref<1024xi32, #tpu.memory_space<hbm>>
    %dma_wait3A_52 = arith.constant 0 : i32
    %dma_wait3A_53 = tpu.memref_slice %arg4[%add3A, %dma_wait3A_52] : memref<32x1024xi32, #tpu.memory_space<hbm>> -> memref<1x1024xi32, #tpu.memory_space<hbm>>
    %dma_wait3A_54 = tpu.memref_squeeze %dma_wait3A_53 : memref<1x1024xi32, #tpu.memory_space<hbm>> -> memref<1024xi32, #tpu.memory_space<hbm>>
    tpu.wait_dma2 semaphore(%arg38 : memref<!tpu.dma_semaphore, #tpu.memory_space<semaphore_mem>>) src(%dma_wait3A_54 : memref<1024xi32, #tpu.memory_space<hbm>>) dst(%arg18 : memref<1024xi32, #tpu.memory_space<vmem>>)
    %dma_wait3A_55 = arith.constant 0 : i32
    %dma_wait3A_56 = tpu.memref_slice %arg5[%add3A, %dma_wait3A_55] : memref<32x1024xf32, #tpu.memory_space<hbm>> -> memref<1x1024xf32, #tpu.memory_space<hbm>>
    %dma_wait3A_57 = tpu.memref_squeeze %dma_wait3A_56 : memref<1x1024xf32, #tpu.memory_space<hbm>> -> memref<1024xf32, #tpu.memory_space<hbm>>
    %dma_wait3A_58 = arith.constant 0 : i32
    %dma_wait3A_59 = tpu.memref_slice %arg5[%add3A, %dma_wait3A_58] : memref<32x1024xf32, #tpu.memory_space<hbm>> -> memref<1x1024xf32, #tpu.memory_space<hbm>>
    %dma_wait3A_60 = tpu.memref_squeeze %dma_wait3A_59 : memref<1x1024xf32, #tpu.memory_space<hbm>> -> memref<1024xf32, #tpu.memory_space<hbm>>
    tpu.wait_dma2 semaphore(%arg38 : memref<!tpu.dma_semaphore, #tpu.memory_space<semaphore_mem>>) src(%dma_wait3A_60 : memref<1024xf32, #tpu.memory_space<hbm>>) dst(%arg19 : memref<1024xf32, #tpu.memory_space<vmem>>)
    %dma_wait3A_61 = arith.constant 0 : i32
    %dma_wait3A_62 = tpu.memref_slice %arg6[%add3A, %dma_wait3A_61] : memref<32x1536xi32, #tpu.memory_space<hbm>> -> memref<1x1536xi32, #tpu.memory_space<hbm>>
    %dma_wait3A_63 = tpu.memref_squeeze %dma_wait3A_62 : memref<1x1536xi32, #tpu.memory_space<hbm>> -> memref<1536xi32, #tpu.memory_space<hbm>>
    %dma_wait3A_64 = arith.constant 0 : i32
    %dma_wait3A_65 = tpu.memref_slice %arg6[%add3A, %dma_wait3A_64] : memref<32x1536xi32, #tpu.memory_space<hbm>> -> memref<1x1536xi32, #tpu.memory_space<hbm>>
    %dma_wait3A_66 = tpu.memref_squeeze %dma_wait3A_65 : memref<1x1536xi32, #tpu.memory_space<hbm>> -> memref<1536xi32, #tpu.memory_space<hbm>>
    tpu.wait_dma2 semaphore(%arg38 : memref<!tpu.dma_semaphore, #tpu.memory_space<semaphore_mem>>) src(%dma_wait3A_66 : memref<1536xi32, #tpu.memory_space<hbm>>) dst(%arg20 : memref<1536xi32, #tpu.memory_space<vmem>>)
    %iota3A = tpu.iota {dimensions = array<i32: 0>} : vector<16xi32>
    %broadcast_in_dim3A = arith.constant 0 : i32
    %broadcast_in_dim3A_67 = vector.broadcast %broadcast_in_dim3A : i32 to vector<16xi32>
    %add3A_68 = arith.constant 0 : i32
    %add3A_69 = vector.broadcast %add3A_68 : i32 to vector<16xi32>
    %add3A_70 = arith.addi %broadcast_in_dim3A_67, %add3A_69 : vector<16xi32>
    %add3A_71 = arith.constant 1 : i32
    %add3A_72 = vector.broadcast %add3A_71 : i32 to vector<16xi32>
    %add3A_73 = arith.addi %broadcast_in_dim3A_67, %add3A_72 : vector<16xi32>
    %add3A_74 = arith.constant 2 : i32
    %add3A_75 = vector.broadcast %add3A_74 : i32 to vector<16xi32>
    %add3A_76 = arith.addi %broadcast_in_dim3A_67, %add3A_75 : vector<16xi32>
    %add3A_77 = arith.constant 3 : i32
    %add3A_78 = vector.broadcast %add3A_77 : i32 to vector<16xi32>
    %add3A_79 = arith.addi %broadcast_in_dim3A_67, %add3A_78 : vector<16xi32>
    %add3A_80 = arith.constant 4 : i32
    %add3A_81 = vector.broadcast %add3A_80 : i32 to vector<16xi32>
    %add3A_82 = arith.addi %broadcast_in_dim3A_67, %add3A_81 : vector<16xi32>
    %add3A_83 = arith.constant 5 : i32
    %add3A_84 = vector.broadcast %add3A_83 : i32 to vector<16xi32>
    %add3A_85 = arith.addi %broadcast_in_dim3A_67, %add3A_84 : vector<16xi32>
    %add3A_86 = arith.constant 6 : i32
    %add3A_87 = vector.broadcast %add3A_86 : i32 to vector<16xi32>
    %add3A_88 = arith.addi %broadcast_in_dim3A_67, %add3A_87 : vector<16xi32>
    %add3A_89 = arith.constant 7 : i32
    %add3A_90 = vector.broadcast %add3A_89 : i32 to vector<16xi32>
    %add3A_91 = arith.addi %broadcast_in_dim3A_67, %add3A_90 : vector<16xi32>
    %get3A = arith.constant 7 : i32
    %get3A_92 = arith.index_cast %get3A : i32 to index
    %get3A_93 = arith.constant 0 : index
    %get3A_94 = tpu.vector_load %arg17[%get3A_92, %get3A_93] {strides = array<i32>} : memref<8x64xf32, #tpu.memory_space<vmem>>, vector<16xf32>,
    %convert_element_type3A = arith.fptosi %get3A_94 : vector<16xf32> to vector<16xi32>
    %get3A_95 = arith.constant 7 : i32
    %get3A_96 = arith.index_cast %get3A_95 : i32 to index
    %get3A_97 = arith.constant 16 : index
    %get3A_98 = tpu.vector_load %arg17[%get3A_96, %get3A_97] {strides = array<i32>} : memref<8x64xf32, #tpu.memory_space<vmem>>, vector<16xf32>,
    %convert_element_type3A_99 = arith.fptosi %get3A_98 : vector<16xf32> to vector<16xi32>
    %get3A_100 = arith.constant 7 : i32
    %get3A_101 = arith.index_cast %get3A_100 : i32 to index
    %get3A_102 = arith.constant 32 : index
    %get3A_103 = tpu.vector_load %arg17[%get3A_101, %get3A_102] {strides = array<i32>} : memref<8x64xf32, #tpu.memory_space<vmem>>, vector<16xf32>,
    %convert_element_type3A_104 = arith.fptosi %get3A_103 : vector<16xf32> to vector<16xi32>
    %get3A_105 = arith.constant 7 : i32
    %get3A_106 = arith.index_cast %get3A_105 : i32 to index
    %get3A_107 = arith.constant 48 : index
    %get3A_108 = tpu.vector_load %arg17[%get3A_106, %get3A_107] {strides = array<i32>} : memref<8x64xf32, #tpu.memory_space<vmem>>, vector<16xf32>,
    %convert_element_type3A_109 = arith.fptosi %get3A_108 : vector<16xf32> to vector<16xi32>
    %broadcast_in_dim3A_110 = arith.constant 0 : i32
    %broadcast_in_dim3A_111 = vector.broadcast %broadcast_in_dim3A_110 : i32 to vector<16xi32>
    %broadcast_in_dim3A_112 = arith.constant 0 : i32
    %broadcast_in_dim3A_113 = vector.broadcast %broadcast_in_dim3A_112 : i32 to vector<16xi32>
    %broadcast_in_dim3A_114 = arith.constant 0 : i32
    %broadcast_in_dim3A_115 = vector.broadcast %broadcast_in_dim3A_114 : i32 to vector<16xi32>
    %eq3A = arith.constant 1 : i32
    %eq3A_116 = vector.broadcast %eq3A : i32 to vector<16xi32>
    %eq3A_117 = arith.cmpi eq, %convert_element_type3A, %eq3A_116 : vector<16xi32>
    %all_reduce_population_count3A = tpu.all_reduce %eq3A_117 {dim = 0 : i64, kind = #tpu.reduction_kind<sum>} : vector<16xi1> -> vector<16xi32>
    %add3A_118 = arith.addi %broadcast_in_dim3A_111, %all_reduce_population_count3A : vector<16xi32>
    %eq3A_119 = arith.constant 2 : i32
    %eq3A_120 = vector.broadcast %eq3A_119 : i32 to vector<16xi32>
    %eq3A_121 = arith.cmpi eq, %convert_element_type3A, %eq3A_120 : vector<16xi32>
    %all_reduce_population_count3A_122 = tpu.all_reduce %eq3A_121 {dim = 0 : i64, kind = #tpu.reduction_kind<sum>} : vector<16xi1> -> vector<16xi32>
    %add3A_123 = arith.addi %broadcast_in_dim3A_113, %all_reduce_population_count3A_122 : vector<16xi32>
    %eq3A_124 = arith.constant 3 : i32
    %eq3A_125 = vector.broadcast %eq3A_124 : i32 to vector<16xi32>
    %eq3A_126 = arith.cmpi eq, %convert_element_type3A, %eq3A_125 : vector<16xi32>
    %all_reduce_population_count3A_127 = tpu.all_reduce %eq3A_126 {dim = 0 : i64, kind = #tpu.reduction_kind<sum>} : vector<16xi1> -> vector<16xi32>
    %add3A_128 = arith.addi %broadcast_in_dim3A_115, %all_reduce_population_count3A_127 : vector<16xi32>
    %eq3A_129 = arith.constant 1 : i32
    %eq3A_130 = vector.broadcast %eq3A_129 : i32 to vector<16xi32>
    %eq3A_131 = arith.cmpi eq, %convert_element_type3A_99, %eq3A_130 : vector<16xi32>
    %all_reduce_population_count3A_132 = tpu.all_reduce %eq3A_131 {dim = 0 : i64, kind = #tpu.reduction_kind<sum>} : vector<16xi1> -> vector<16xi32>
    %add3A_133 = arith.addi %add3A_118, %all_reduce_population_count3A_132 : vector<16xi32>
    %eq3A_134 = arith.constant 2 : i32
    %eq3A_135 = vector.broadcast %eq3A_134 : i32 to vector<16xi32>
    %eq3A_136 = arith.cmpi eq, %convert_element_type3A_99, %eq3A_135 : vector<16xi32>
    %all_reduce_population_count3A_137 = tpu.all_reduce %eq3A_136 {dim = 0 : i64, kind = #tpu.reduction_kind<sum>} : vector<16xi1> -> vector<16xi32>
    %add3A_138 = arith.addi %add3A_123, %all_reduce_population_count3A_137 : vector<16xi32>
    %eq3A_139 = arith.constant 3 : i32
    %eq3A_140 = vector.broadcast %eq3A_139 : i32 to vector<16xi32>
    %eq3A_141 = arith.cmpi eq, %convert_element_type3A_99, %eq3A_140 : vector<16xi32>
    %all_reduce_population_count3A_142 = tpu.all_reduce %eq3A_141 {dim = 0 : i64, kind = #tpu.reduction_kind<sum>} : vector<16xi1> -> vector<16xi32>
    %add3A_143 = arith.addi %add3A_128, %all_reduce_population_count3A_142 : vector<16xi32>
    %eq3A_144 = arith.constant 1 : i32
    %eq3A_145 = vector.broadcast %eq3A_144 : i32 to vector<16xi32>
    %eq3A_146 = arith.cmpi eq, %convert_element_type3A_104, %eq3A_145 : vector<16xi32>
    %all_reduce_population_count3A_147 = tpu.all_reduce %eq3A_146 {dim = 0 : i64, kind = #tpu.reduction_kind<sum>} : vector<16xi1> -> vector<16xi32>
    %add3A_148 = arith.addi %add3A_133, %all_reduce_population_count3A_147 : vector<16xi32>
    %eq3A_149 = arith.constant 2 : i32
    %eq3A_150 = vector.broadcast %eq3A_149 : i32 to vector<16xi32>
    %eq3A_151 = arith.cmpi eq, %convert_element_type3A_104, %eq3A_150 : vector<16xi32>
    %all_reduce_population_count3A_152 = tpu.all_reduce %eq3A_151 {dim = 0 : i64, kind = #tpu.reduction_kind<sum>} : vector<16xi1> -> vector<16xi32>
    %add3A_153 = arith.addi %add3A_138, %all_reduce_population_count3A_152 : vector<16xi32>
    %eq3A_154 = arith.constant 3 : i32
    %eq3A_155 = vector.broadcast %eq3A_154 : i32 to vector<16xi32>
    %eq3A_156 = arith.cmpi eq, %convert_element_type3A_104, %eq3A_155 : vector<16xi32>
    %all_reduce_population_count3A_157 = tpu.all_reduce %eq3A_156 {dim = 0 : i64, kind = #tpu.reduction_kind<sum>} : vector<16xi1> -> vector<16xi32>
    %add3A_158 = arith.addi %add3A_143, %all_reduce_population_count3A_157 : vector<16xi32>
    %eq3A_159 = arith.constant 1 : i32
    %eq3A_160 = vector.broadcast %eq3A_159 : i32 to vector<16xi32>
    %eq3A_161 = arith.cmpi eq, %convert_element_type3A_109, %eq3A_160 : vector<16xi32>
    %all_reduce_population_count3A_162 = tpu.all_reduce %eq3A_161 {dim = 0 : i64, kind = #tpu.reduction_kind<sum>} : vector<16xi1> -> vector<16xi32>
    %add3A_163 = arith.addi %add3A_148, %all_reduce_population_count3A_162 : vector<16xi32>
    %eq3A_164 = arith.constant 2 : i32
    %eq3A_165 = vector.broadcast %eq3A_164 : i32 to vector<16xi32>
    %eq3A_166 = arith.cmpi eq, %convert_element_type3A_109, %eq3A_165 : vector<16xi32>
    %all_reduce_population_count3A_167 = tpu.all_reduce %eq3A_166 {dim = 0 : i64, kind = #tpu.reduction_kind<sum>} : vector<16xi1> -> vector<16xi32>
    %add3A_168 = arith.addi %add3A_153, %all_reduce_population_count3A_167 : vector<16xi32>
    %eq3A_169 = arith.constant 3 : i32
    %eq3A_170 = vector.broadcast %eq3A_169 : i32 to vector<16xi32>
    %eq3A_171 = arith.cmpi eq, %convert_element_type3A_109, %eq3A_170 : vector<16xi32>
    %all_reduce_population_count3A_172 = tpu.all_reduce %eq3A_171 {dim = 0 : i64, kind = #tpu.reduction_kind<sum>} : vector<16xi1> -> vector<16xi32>
    %add3A_173 = arith.addi %add3A_158, %all_reduce_population_count3A_172 : vector<16xi32>
    %add3A_174 = arith.constant 3 : i32
    %add3A_175 = vector.broadcast %add3A_174 : i32 to vector<16xi32>
    %add3A_176 = arith.addi %add3A_163, %add3A_175 : vector<16xi32>
    %and3A = arith.constant -4 : i32
    %and3A_177 = vector.broadcast %and3A : i32 to vector<16xi32>
    %and3A_178 = arith.andi %add3A_176, %and3A_177 : vector<16xi32>
    %add3A_179 = arith.constant 3 : i32
    %add3A_180 = vector.broadcast %add3A_179 : i32 to vector<16xi32>
    %add3A_181 = arith.addi %add3A_168, %add3A_180 : vector<16xi32>
    %and3A_182 = arith.constant -4 : i32
    %and3A_183 = vector.broadcast %and3A_182 : i32 to vector<16xi32>
    %and3A_184 = arith.andi %add3A_181, %and3A_183 : vector<16xi32>
    %add3A_185 = arith.addi %and3A_178, %and3A_184 : vector<16xi32>
    %broadcast_in_dim3A_186 = arith.constant 0 : i32
    %broadcast_in_dim3A_187 = vector.broadcast %broadcast_in_dim3A_186 : i32 to vector<16xi32>
    %broadcast_in_dim3A_188 = arith.constant 0 : i32
    %broadcast_in_dim3A_189 = vector.broadcast %broadcast_in_dim3A_188 : i32 to vector<16xi32>
    %broadcast_in_dim3A_190 = arith.constant 0 : i32
    %broadcast_in_dim3A_191 = vector.broadcast %broadcast_in_dim3A_190 : i32 to vector<16xi32>
    %eq3A_192 = arith.constant 1 : i32
    %eq3A_193 = vector.broadcast %eq3A_192 : i32 to vector<16xi32>
    %eq3A_194 = arith.cmpi eq, %convert_element_type3A, %eq3A_193 : vector<16xi32>
    %convert_element_type3A_195 = arith.extui %eq3A_194 : vector<16xi1> to vector<16xi32>
    %broadcast_in_dim3A_196 = arith.constant true
    %broadcast_in_dim3A_197 = vector.broadcast %broadcast_in_dim3A_196 : i1 to vector<16xi1>
    %masked_cumsum3A = tpu.scan <sum>, %convert_element_type3A_195 masked %broadcast_in_dim3A_197 : vector<16xi32>, vector<16xi1> -> vector<16xi32>
    %add3A_198 = arith.addi %broadcast_in_dim3A_67, %broadcast_in_dim3A_187 : vector<16xi32>
    %add3A_199 = arith.addi %add3A_198, %masked_cumsum3A : vector<16xi32>
    %sub3A = arith.constant 1 : i32
    %sub3A_200 = vector.broadcast %sub3A : i32 to vector<16xi32>
    %sub3A_201 = arith.subi %add3A_199, %sub3A_200 : vector<16xi32>
    %select_n3A = arith.select %eq3A_194, %sub3A_201, %broadcast_in_dim3A_67 : vector<16xi1>, vector<16xi32>
    %all_reduce_population_count3A_202 = tpu.all_reduce %eq3A_194 {dim = 0 : i64, kind = #tpu.reduction_kind<sum>} : vector<16xi1> -> vector<16xi32>
    %add3A_203 = arith.addi %broadcast_in_dim3A_187, %all_reduce_population_count3A_202 : vector<16xi32>
    %eq3A_204 = arith.constant 2 : i32
    %eq3A_205 = vector.broadcast %eq3A_204 : i32 to vector<16xi32>
    %eq3A_206 = arith.cmpi eq, %convert_element_type3A, %eq3A_205 : vector<16xi32>
    %convert_element_type3A_207 = arith.extui %eq3A_206 : vector<16xi1> to vector<16xi32>
    %broadcast_in_dim3A_208 = arith.constant true
    %broadcast_in_dim3A_209 = vector.broadcast %broadcast_in_dim3A_208 : i1 to vector<16xi1>
    %masked_cumsum3A_210 = tpu.scan <sum>, %convert_element_type3A_207 masked %broadcast_in_dim3A_209 : vector<16xi32>, vector<16xi1> -> vector<16xi32>
    %add3A_211 = arith.addi %and3A_178, %broadcast_in_dim3A_189 : vector<16xi32>
    %add3A_212 = arith.addi %add3A_211, %masked_cumsum3A_210 : vector<16xi32>
    %sub3A_213 = arith.constant 1 : i32
    %sub3A_214 = vector.broadcast %sub3A_213 : i32 to vector<16xi32>
    %sub3A_215 = arith.subi %add3A_212, %sub3A_214 : vector<16xi32>
    %select_n3A_216 = arith.select %eq3A_206, %sub3A_215, %select_n3A : vector<16xi1>, vector<16xi32>
    %all_reduce_population_count3A_217 = tpu.all_reduce %eq3A_206 {dim = 0 : i64, kind = #tpu.reduction_kind<sum>} : vector<16xi1> -> vector<16xi32>
    %add3A_218 = arith.addi %broadcast_in_dim3A_189, %all_reduce_population_count3A_217 : vector<16xi32>
    %eq3A_219 = arith.constant 3 : i32
    %eq3A_220 = vector.broadcast %eq3A_219 : i32 to vector<16xi32>
    %eq3A_221 = arith.cmpi eq, %convert_element_type3A, %eq3A_220 : vector<16xi32>
    %convert_element_type3A_222 = arith.extui %eq3A_221 : vector<16xi1> to vector<16xi32>
    %broadcast_in_dim3A_223 = arith.constant true
    %broadcast_in_dim3A_224 = vector.broadcast %broadcast_in_dim3A_223 : i1 to vector<16xi1>
    %masked_cumsum3A_225 = tpu.scan <sum>, %convert_element_type3A_222 masked %broadcast_in_dim3A_224 : vector<16xi32>, vector<16xi1> -> vector<16xi32>
    %add3A_226 = arith.addi %add3A_185, %broadcast_in_dim3A_191 : vector<16xi32>
    %add3A_227 = arith.addi %add3A_226, %masked_cumsum3A_225 : vector<16xi32>
    %sub3A_228 = arith.constant 1 : i32
    %sub3A_229 = vector.broadcast %sub3A_228 : i32 to vector<16xi32>
    %sub3A_230 = arith.subi %add3A_227, %sub3A_229 : vector<16xi32>
    %select_n3A_231 = arith.select %eq3A_221, %sub3A_230, %select_n3A_216 : vector<16xi1>, vector<16xi32>
    %all_reduce_population_count3A_232 = tpu.all_reduce %eq3A_221 {dim = 0 : i64, kind = #tpu.reduction_kind<sum>} : vector<16xi1> -> vector<16xi32>
    %add3A_233 = arith.addi %broadcast_in_dim3A_191, %all_reduce_population_count3A_232 : vector<16xi32>
    %add3A_234 = arith.constant 0 : i32
    %add3A_235 = vector.broadcast %add3A_234 : i32 to vector<16xi32>
    %add3A_236 = arith.addi %iota3A, %add3A_235 : vector<16xi32>
    tpu.vector_store_idx %arg24[%select_n3A_231], %add3A_236 : memref<80xi32, #tpu.memory_space<vmem>>[vector<16xi32>], vector<16xi32>,
    %get3A_237 = arith.constant 0 : i32
    %get3A_238 = arith.index_cast %get3A_237 : i32 to index
    %get3A_239 = arith.constant 0 : index
    %get3A_240 = tpu.vector_load %arg17[%get3A_238, %get3A_239] {strides = array<i32>} : memref<8x64xf32, #tpu.memory_space<vmem>>, vector<16xf32>,
    %get3A_241 = arith.constant 1 : i32
    %get3A_242 = arith.index_cast %get3A_241 : i32 to index
    %get3A_243 = arith.constant 0 : index
    %get3A_244 = tpu.vector_load %arg17[%get3A_242, %get3A_243] {strides = array<i32>} : memref<8x64xf32, #tpu.memory_space<vmem>>, vector<16xf32>,
    %get3A_245 = arith.constant 2 : i32
    %get3A_246 = arith.index_cast %get3A_245 : i32 to index
    %get3A_247 = arith.constant 0 : index
    %get3A_248 = tpu.vector_load %arg17[%get3A_246, %get3A_247] {strides = array<i32>} : memref<8x64xf32, #tpu.memory_space<vmem>>, vector<16xf32>,
    %get3A_249 = arith.constant 3 : i32
    %get3A_250 = arith.index_cast %get3A_249 : i32 to index
    %get3A_251 = arith.constant 0 : index
    %get3A_252 = tpu.vector_load %arg17[%get3A_250, %get3A_251] {strides = array<i32>} : memref<8x64xf32, #tpu.memory_space<vmem>>, vector<16xf32>,
    %get3A_253 = arith.constant 4 : i32
    %get3A_254 = arith.index_cast %get3A_253 : i32 to index
    %get3A_255 = arith.constant 0 : index
    %get3A_256 = tpu.vector_load %arg17[%get3A_254, %get3A_255] {strides = array<i32>} : memref<8x64xf32, #tpu.memory_space<vmem>>, vector<16xf32>,
    %get3A_257 = arith.constant 5 : i32
    %get3A_258 = arith.index_cast %get3A_257 : i32 to index
    %get3A_259 = arith.constant 0 : index
    %get3A_260 = tpu.vector_load %arg17[%get3A_258, %get3A_259] {strides = array<i32>} : memref<8x64xf32, #tpu.memory_space<vmem>>, vector<16xf32>,
    %mul3A_261 = arith.constant 5.000000e-01 : f32
    %mul3A_262 = vector.broadcast %mul3A_261 : f32 to vector<16xf32>
    %mul3A_263 = arith.mulf %get3A_252, %mul3A_262 : vector<16xf32>
    %sub3A_264 = arith.subf %get3A_240, %mul3A_263 : vector<16xf32>
    %mul3A_265 = arith.constant 5.000000e-01 : f32
    %mul3A_266 = vector.broadcast %mul3A_265 : f32 to vector<16xf32>
    %mul3A_267 = arith.mulf %get3A_256, %mul3A_266 : vector<16xf32>
    %sub3A_268 = arith.subf %get3A_244, %mul3A_267 : vector<16xf32>
    %mul3A_269 = arith.constant 5.000000e-01 : f32
    %mul3A_270 = vector.broadcast %mul3A_269 : f32 to vector<16xf32>
    %mul3A_271 = arith.mulf %get3A_260, %mul3A_270 : vector<16xf32>
    %sub3A_272 = arith.subf %get3A_248, %mul3A_271 : vector<16xf32>
    %mul3A_273 = arith.constant 5.000000e-01 : f32
    %mul3A_274 = vector.broadcast %mul3A_273 : f32 to vector<16xf32>
    %mul3A_275 = arith.mulf %get3A_252, %mul3A_274 : vector<16xf32>
    %add3A_276 = arith.addf %get3A_240, %mul3A_275 : vector<16xf32>
    %mul3A_277 = arith.constant 5.000000e-01 : f32
    %mul3A_278 = vector.broadcast %mul3A_277 : f32 to vector<16xf32>
    %mul3A_279 = arith.mulf %get3A_256, %mul3A_278 : vector<16xf32>
    %add3A_280 = arith.addf %get3A_244, %mul3A_279 : vector<16xf32>
    %mul3A_281 = arith.constant 5.000000e-01 : f32
    %mul3A_282 = vector.broadcast %mul3A_281 : f32 to vector<16xf32>
    %mul3A_283 = arith.mulf %get3A_260, %mul3A_282 : vector<16xf32>
    %add3A_284 = arith.addf %get3A_248, %mul3A_283 : vector<16xf32>
    %mul3A_285 = arith.mulf %get3A_252, %get3A_256 : vector<16xf32>
    %mul3A_286 = arith.mulf %mul3A_285, %get3A_260 : vector<16xf32>
    %mul3A_287 = arith.constant 16 : i32
    %mul3A_288 = vector.broadcast %mul3A_287 : i32 to vector<16xi32>
    %mul3A_289 = arith.muli %select_n3A_231, %mul3A_288 : vector<16xi32>
    %scan3A = arith.constant 0 : i32
    %scan3A_290 = arith.constant 16 : i32
    %scan3A_291 = arith.addi %scan3A, %scan3A_290 : i32
    %scan3A_292 = arith.constant 1 : i32
    scf.for %scan3A_1694 = %scan3A to %scan3A_291 step %scan3A_292  : i32 {
      %add3A_1695 = vector.broadcast %scan3A_1694 : i32 to vector<16xi32>
      %add3A_1696 = arith.addi %mul3A_289, %add3A_1695 : vector<16xi32>
      %add3A_1697 = arith.constant 0 : i32
      %add3A_1698 = vector.broadcast %add3A_1697 : i32 to vector<16xi32>
      %add3A_1699 = arith.addi %add3A_1696, %add3A_1698 : vector<16xi32>
      tpu.vector_store_idx %arg21[%add3A_1699], %sub3A_264 : memref<3840xf32, #tpu.memory_space<vmem>>[vector<16xi32>], vector<16xf32>,
      %add3A_1700 = arith.constant 1280 : i32
      %add3A_1701 = vector.broadcast %add3A_1700 : i32 to vector<16xi32>
      %add3A_1702 = arith.addi %add3A_1696, %add3A_1701 : vector<16xi32>
      tpu.vector_store_idx %arg21[%add3A_1702], %sub3A_268 : memref<3840xf32, #tpu.memory_space<vmem>>[vector<16xi32>], vector<16xf32>,
      %add3A_1703 = arith.constant 2560 : i32
      %add3A_1704 = vector.broadcast %add3A_1703 : i32 to vector<16xi32>
      %add3A_1705 = arith.addi %add3A_1696, %add3A_1704 : vector<16xi32>
      tpu.vector_store_idx %arg21[%add3A_1705], %sub3A_272 : memref<3840xf32, #tpu.memory_space<vmem>>[vector<16xi32>], vector<16xf32>,
      %add3A_1706 = arith.constant 0 : i32
      %add3A_1707 = vector.broadcast %add3A_1706 : i32 to vector<16xi32>
      %add3A_1708 = arith.addi %add3A_1696, %add3A_1707 : vector<16xi32>
      tpu.vector_store_idx %arg22[%add3A_1708], %add3A_276 : memref<3840xf32, #tpu.memory_space<vmem>>[vector<16xi32>], vector<16xf32>,
      %add3A_1709 = arith.constant 1280 : i32
      %add3A_1710 = vector.broadcast %add3A_1709 : i32 to vector<16xi32>
      %add3A_1711 = arith.addi %add3A_1696, %add3A_1710 : vector<16xi32>
      tpu.vector_store_idx %arg22[%add3A_1711], %add3A_280 : memref<3840xf32, #tpu.memory_space<vmem>>[vector<16xi32>], vector<16xf32>,
      %add3A_1712 = arith.constant 2560 : i32
      %add3A_1713 = vector.broadcast %add3A_1712 : i32 to vector<16xi32>
      %add3A_1714 = arith.addi %add3A_1696, %add3A_1713 : vector<16xi32>
      tpu.vector_store_idx %arg22[%add3A_1714], %add3A_284 : memref<3840xf32, #tpu.memory_space<vmem>>[vector<16xi32>], vector<16xf32>,
      %add3A_1715 = arith.constant 0 : i32
      %add3A_1716 = vector.broadcast %add3A_1715 : i32 to vector<16xi32>
      %add3A_1717 = arith.addi %add3A_1696, %add3A_1716 : vector<16xi32>
      tpu.vector_store_idx %arg23[%add3A_1717], %mul3A_286 : memref<1280xf32, #tpu.memory_space<vmem>>[vector<16xi32>], vector<16xf32>,
    }
    %scan3A_293 = arith.constant 16 : i32
    %eq3A_294 = arith.constant 1 : i32
    %eq3A_295 = vector.broadcast %eq3A_294 : i32 to vector<16xi32>
    %eq3A_296 = arith.cmpi eq, %convert_element_type3A_99, %eq3A_295 : vector<16xi32>
    %convert_element_type3A_297 = arith.extui %eq3A_296 : vector<16xi1> to vector<16xi32>
    %broadcast_in_dim3A_298 = arith.constant true
    %broadcast_in_dim3A_299 = vector.broadcast %broadcast_in_dim3A_298 : i1 to vector<16xi1>
    %masked_cumsum3A_300 = tpu.scan <sum>, %convert_element_type3A_297 masked %broadcast_in_dim3A_299 : vector<16xi32>, vector<16xi1> -> vector<16xi32>
    %add3A_301 = arith.addi %broadcast_in_dim3A_67, %add3A_203 : vector<16xi32>
    %add3A_302 = arith.addi %add3A_301, %masked_cumsum3A_300 : vector<16xi32>
    %sub3A_303 = arith.constant 1 : i32
    %sub3A_304 = vector.broadcast %sub3A_303 : i32 to vector<16xi32>
    %sub3A_305 = arith.subi %add3A_302, %sub3A_304 : vector<16xi32>
    %select_n3A_306 = arith.select %eq3A_296, %sub3A_305, %broadcast_in_dim3A_67 : vector<16xi1>, vector<16xi32>
    %all_reduce_population_count3A_307 = tpu.all_reduce %eq3A_296 {dim = 0 : i64, kind = #tpu.reduction_kind<sum>} : vector<16xi1> -> vector<16xi32>
    %add3A_308 = arith.addi %add3A_203, %all_reduce_population_count3A_307 : vector<16xi32>
    %eq3A_309 = arith.constant 2 : i32
    %eq3A_310 = vector.broadcast %eq3A_309 : i32 to vector<16xi32>
    %eq3A_311 = arith.cmpi eq, %convert_element_type3A_99, %eq3A_310 : vector<16xi32>
    %convert_element_type3A_312 = arith.extui %eq3A_311 : vector<16xi1> to vector<16xi32>
    %broadcast_in_dim3A_313 = arith.constant true
    %broadcast_in_dim3A_314 = vector.broadcast %broadcast_in_dim3A_313 : i1 to vector<16xi1>
    %masked_cumsum3A_315 = tpu.scan <sum>, %convert_element_type3A_312 masked %broadcast_in_dim3A_314 : vector<16xi32>, vector<16xi1> -> vector<16xi32>
    %add3A_316 = arith.addi %and3A_178, %add3A_218 : vector<16xi32>
    %add3A_317 = arith.addi %add3A_316, %masked_cumsum3A_315 : vector<16xi32>
    %sub3A_318 = arith.constant 1 : i32
    %sub3A_319 = vector.broadcast %sub3A_318 : i32 to vector<16xi32>
    %sub3A_320 = arith.subi %add3A_317, %sub3A_319 : vector<16xi32>
    %select_n3A_321 = arith.select %eq3A_311, %sub3A_320, %select_n3A_306 : vector<16xi1>, vector<16xi32>
    %all_reduce_population_count3A_322 = tpu.all_reduce %eq3A_311 {dim = 0 : i64, kind = #tpu.reduction_kind<sum>} : vector<16xi1> -> vector<16xi32>
    %add3A_323 = arith.addi %add3A_218, %all_reduce_population_count3A_322 : vector<16xi32>
    %eq3A_324 = arith.constant 3 : i32
    %eq3A_325 = vector.broadcast %eq3A_324 : i32 to vector<16xi32>
    %eq3A_326 = arith.cmpi eq, %convert_element_type3A_99, %eq3A_325 : vector<16xi32>
    %convert_element_type3A_327 = arith.extui %eq3A_326 : vector<16xi1> to vector<16xi32>
    %broadcast_in_dim3A_328 = arith.constant true
    %broadcast_in_dim3A_329 = vector.broadcast %broadcast_in_dim3A_328 : i1 to vector<16xi1>
    %masked_cumsum3A_330 = tpu.scan <sum>, %convert_element_type3A_327 masked %broadcast_in_dim3A_329 : vector<16xi32>, vector<16xi1> -> vector<16xi32>
    %add3A_331 = arith.addi %add3A_185, %add3A_233 : vector<16xi32>
    %add3A_332 = arith.addi %add3A_331, %masked_cumsum3A_330 : vector<16xi32>
    %sub3A_333 = arith.constant 1 : i32
    %sub3A_334 = vector.broadcast %sub3A_333 : i32 to vector<16xi32>
    %sub3A_335 = arith.subi %add3A_332, %sub3A_334 : vector<16xi32>
    %select_n3A_336 = arith.select %eq3A_326, %sub3A_335, %select_n3A_321 : vector<16xi1>, vector<16xi32>
    %all_reduce_population_count3A_337 = tpu.all_reduce %eq3A_326 {dim = 0 : i64, kind = #tpu.reduction_kind<sum>} : vector<16xi1> -> vector<16xi32>
    %add3A_338 = arith.addi %add3A_233, %all_reduce_population_count3A_337 : vector<16xi32>
    %add3A_339 = arith.constant 16 : i32
    %add3A_340 = vector.broadcast %add3A_339 : i32 to vector<16xi32>
    %add3A_341 = arith.addi %iota3A, %add3A_340 : vector<16xi32>
    tpu.vector_store_idx %arg24[%select_n3A_336], %add3A_341 : memref<80xi32, #tpu.memory_space<vmem>>[vector<16xi32>], vector<16xi32>,
    %get3A_342 = arith.constant 0 : i32
    %get3A_343 = arith.index_cast %get3A_342 : i32 to index
    %get3A_344 = arith.constant 16 : index
    %get3A_345 = tpu.vector_load %arg17[%get3A_343, %get3A_344] {strides = array<i32>} : memref<8x64xf32, #tpu.memory_space<vmem>>, vector<16xf32>,
    %get3A_346 = arith.constant 1 : i32
    %get3A_347 = arith.index_cast %get3A_346 : i32 to index
    %get3A_348 = arith.constant 16 : index
    %get3A_349 = tpu.vector_load %arg17[%get3A_347, %get3A_348] {strides = array<i32>} : memref<8x64xf32, #tpu.memory_space<vmem>>, vector<16xf32>,
    %get3A_350 = arith.constant 2 : i32
    %get3A_351 = arith.index_cast %get3A_350 : i32 to index
    %get3A_352 = arith.constant 16 : index
    %get3A_353 = tpu.vector_load %arg17[%get3A_351, %get3A_352] {strides = array<i32>} : memref<8x64xf32, #tpu.memory_space<vmem>>, vector<16xf32>,
    %get3A_354 = arith.constant 3 : i32
    %get3A_355 = arith.index_cast %get3A_354 : i32 to index
    %get3A_356 = arith.constant 16 : index
    %get3A_357 = tpu.vector_load %arg17[%get3A_355, %get3A_356] {strides = array<i32>} : memref<8x64xf32, #tpu.memory_space<vmem>>, vector<16xf32>,
    %get3A_358 = arith.constant 4 : i32
    %get3A_359 = arith.index_cast %get3A_358 : i32 to index
    %get3A_360 = arith.constant 16 : index
    %get3A_361 = tpu.vector_load %arg17[%get3A_359, %get3A_360] {strides = array<i32>} : memref<8x64xf32, #tpu.memory_space<vmem>>, vector<16xf32>,
    %get3A_362 = arith.constant 5 : i32
    %get3A_363 = arith.index_cast %get3A_362 : i32 to index
    %get3A_364 = arith.constant 16 : index
    %get3A_365 = tpu.vector_load %arg17[%get3A_363, %get3A_364] {strides = array<i32>} : memref<8x64xf32, #tpu.memory_space<vmem>>, vector<16xf32>,
    %mul3A_366 = arith.constant 5.000000e-01 : f32
    %mul3A_367 = vector.broadcast %mul3A_366 : f32 to vector<16xf32>
    %mul3A_368 = arith.mulf %get3A_357, %mul3A_367 : vector<16xf32>
    %sub3A_369 = arith.subf %get3A_345, %mul3A_368 : vector<16xf32>
    %mul3A_370 = arith.constant 5.000000e-01 : f32
    %mul3A_371 = vector.broadcast %mul3A_370 : f32 to vector<16xf32>
    %mul3A_372 = arith.mulf %get3A_361, %mul3A_371 : vector<16xf32>
    %sub3A_373 = arith.subf %get3A_349, %mul3A_372 : vector<16xf32>
    %mul3A_374 = arith.constant 5.000000e-01 : f32
    %mul3A_375 = vector.broadcast %mul3A_374 : f32 to vector<16xf32>
    %mul3A_376 = arith.mulf %get3A_365, %mul3A_375 : vector<16xf32>
    %sub3A_377 = arith.subf %get3A_353, %mul3A_376 : vector<16xf32>
    %mul3A_378 = arith.constant 5.000000e-01 : f32
    %mul3A_379 = vector.broadcast %mul3A_378 : f32 to vector<16xf32>
    %mul3A_380 = arith.mulf %get3A_357, %mul3A_379 : vector<16xf32>
    %add3A_381 = arith.addf %get3A_345, %mul3A_380 : vector<16xf32>
    %mul3A_382 = arith.constant 5.000000e-01 : f32
    %mul3A_383 = vector.broadcast %mul3A_382 : f32 to vector<16xf32>
    %mul3A_384 = arith.mulf %get3A_361, %mul3A_383 : vector<16xf32>
    %add3A_385 = arith.addf %get3A_349, %mul3A_384 : vector<16xf32>
    %mul3A_386 = arith.constant 5.000000e-01 : f32
    %mul3A_387 = vector.broadcast %mul3A_386 : f32 to vector<16xf32>
    %mul3A_388 = arith.mulf %get3A_365, %mul3A_387 : vector<16xf32>
    %add3A_389 = arith.addf %get3A_353, %mul3A_388 : vector<16xf32>
    %mul3A_390 = arith.mulf %get3A_357, %get3A_361 : vector<16xf32>
    %mul3A_391 = arith.mulf %mul3A_390, %get3A_365 : vector<16xf32>
    %mul3A_392 = arith.constant 16 : i32
    %mul3A_393 = vector.broadcast %mul3A_392 : i32 to vector<16xi32>
    %mul3A_394 = arith.muli %select_n3A_336, %mul3A_393 : vector<16xi32>
    %scan3A_395 = arith.constant 0 : i32
    %scan3A_396 = arith.constant 16 : i32
    %scan3A_397 = arith.addi %scan3A_395, %scan3A_396 : i32
    %scan3A_398 = arith.constant 1 : i32
    scf.for %scan3A_1694 = %scan3A_395 to %scan3A_397 step %scan3A_398  : i32 {
      %add3A_1695 = vector.broadcast %scan3A_1694 : i32 to vector<16xi32>
      %add3A_1696 = arith.addi %mul3A_394, %add3A_1695 : vector<16xi32>
      %add3A_1697 = arith.constant 0 : i32
      %add3A_1698 = vector.broadcast %add3A_1697 : i32 to vector<16xi32>
      %add3A_1699 = arith.addi %add3A_1696, %add3A_1698 : vector<16xi32>
      tpu.vector_store_idx %arg21[%add3A_1699], %sub3A_369 : memref<3840xf32, #tpu.memory_space<vmem>>[vector<16xi32>], vector<16xf32>,
      %add3A_1700 = arith.constant 1280 : i32
      %add3A_1701 = vector.broadcast %add3A_1700 : i32 to vector<16xi32>
      %add3A_1702 = arith.addi %add3A_1696, %add3A_1701 : vector<16xi32>
      tpu.vector_store_idx %arg21[%add3A_1702], %sub3A_373 : memref<3840xf32, #tpu.memory_space<vmem>>[vector<16xi32>], vector<16xf32>,
      %add3A_1703 = arith.constant 2560 : i32
      %add3A_1704 = vector.broadcast %add3A_1703 : i32 to vector<16xi32>
      %add3A_1705 = arith.addi %add3A_1696, %add3A_1704 : vector<16xi32>
      tpu.vector_store_idx %arg21[%add3A_1705], %sub3A_377 : memref<3840xf32, #tpu.memory_space<vmem>>[vector<16xi32>], vector<16xf32>,
      %add3A_1706 = arith.constant 0 : i32
      %add3A_1707 = vector.broadcast %add3A_1706 : i32 to vector<16xi32>
      %add3A_1708 = arith.addi %add3A_1696, %add3A_1707 : vector<16xi32>
      tpu.vector_store_idx %arg22[%add3A_1708], %add3A_381 : memref<3840xf32, #tpu.memory_space<vmem>>[vector<16xi32>], vector<16xf32>,
      %add3A_1709 = arith.constant 1280 : i32
      %add3A_1710 = vector.broadcast %add3A_1709 : i32 to vector<16xi32>
      %add3A_1711 = arith.addi %add3A_1696, %add3A_1710 : vector<16xi32>
      tpu.vector_store_idx %arg22[%add3A_1711], %add3A_385 : memref<3840xf32, #tpu.memory_space<vmem>>[vector<16xi32>], vector<16xf32>,
      %add3A_1712 = arith.constant 2560 : i32
      %add3A_1713 = vector.broadcast %add3A_1712 : i32 to vector<16xi32>
      %add3A_1714 = arith.addi %add3A_1696, %add3A_1713 : vector<16xi32>
      tpu.vector_store_idx %arg22[%add3A_1714], %add3A_389 : memref<3840xf32, #tpu.memory_space<vmem>>[vector<16xi32>], vector<16xf32>,
      %add3A_1715 = arith.constant 0 : i32
      %add3A_1716 = vector.broadcast %add3A_1715 : i32 to vector<16xi32>
      %add3A_1717 = arith.addi %add3A_1696, %add3A_1716 : vector<16xi32>
      tpu.vector_store_idx %arg23[%add3A_1717], %mul3A_391 : memref<1280xf32, #tpu.memory_space<vmem>>[vector<16xi32>], vector<16xf32>,
    }
    %scan3A_399 = arith.constant 16 : i32
    %eq3A_400 = arith.constant 1 : i32
    %eq3A_401 = vector.broadcast %eq3A_400 : i32 to vector<16xi32>
    %eq3A_402 = arith.cmpi eq, %convert_element_type3A_104, %eq3A_401 : vector<16xi32>
    %convert_element_type3A_403 = arith.extui %eq3A_402 : vector<16xi1> to vector<16xi32>
    %broadcast_in_dim3A_404 = arith.constant true
    %broadcast_in_dim3A_405 = vector.broadcast %broadcast_in_dim3A_404 : i1 to vector<16xi1>
    %masked_cumsum3A_406 = tpu.scan <sum>, %convert_element_type3A_403 masked %broadcast_in_dim3A_405 : vector<16xi32>, vector<16xi1> -> vector<16xi32>
    %add3A_407 = arith.addi %broadcast_in_dim3A_67, %add3A_308 : vector<16xi32>
    %add3A_408 = arith.addi %add3A_407, %masked_cumsum3A_406 : vector<16xi32>
    %sub3A_409 = arith.constant 1 : i32
    %sub3A_410 = vector.broadcast %sub3A_409 : i32 to vector<16xi32>
    %sub3A_411 = arith.subi %add3A_408, %sub3A_410 : vector<16xi32>
    %select_n3A_412 = arith.select %eq3A_402, %sub3A_411, %broadcast_in_dim3A_67 : vector<16xi1>, vector<16xi32>
    %all_reduce_population_count3A_413 = tpu.all_reduce %eq3A_402 {dim = 0 : i64, kind = #tpu.reduction_kind<sum>} : vector<16xi1> -> vector<16xi32>
    %add3A_414 = arith.addi %add3A_308, %all_reduce_population_count3A_413 : vector<16xi32>
    %eq3A_415 = arith.constant 2 : i32
    %eq3A_416 = vector.broadcast %eq3A_415 : i32 to vector<16xi32>
    %eq3A_417 = arith.cmpi eq, %convert_element_type3A_104, %eq3A_416 : vector<16xi32>
    %convert_element_type3A_418 = arith.extui %eq3A_417 : vector<16xi1> to vector<16xi32>
    %broadcast_in_dim3A_419 = arith.constant true
    %broadcast_in_dim3A_420 = vector.broadcast %broadcast_in_dim3A_419 : i1 to vector<16xi1>
    %masked_cumsum3A_421 = tpu.scan <sum>, %convert_element_type3A_418 masked %broadcast_in_dim3A_420 : vector<16xi32>, vector<16xi1> -> vector<16xi32>
    %add3A_422 = arith.addi %and3A_178, %add3A_323 : vector<16xi32>
    %add3A_423 = arith.addi %add3A_422, %masked_cumsum3A_421 : vector<16xi32>
    %sub3A_424 = arith.constant 1 : i32
    %sub3A_425 = vector.broadcast %sub3A_424 : i32 to vector<16xi32>
    %sub3A_426 = arith.subi %add3A_423, %sub3A_425 : vector<16xi32>
    %select_n3A_427 = arith.select %eq3A_417, %sub3A_426, %select_n3A_412 : vector<16xi1>, vector<16xi32>
    %all_reduce_population_count3A_428 = tpu.all_reduce %eq3A_417 {dim = 0 : i64, kind = #tpu.reduction_kind<sum>} : vector<16xi1> -> vector<16xi32>
    %add3A_429 = arith.addi %add3A_323, %all_reduce_population_count3A_428 : vector<16xi32>
    %eq3A_430 = arith.constant 3 : i32
    %eq3A_431 = vector.broadcast %eq3A_430 : i32 to vector<16xi32>
    %eq3A_432 = arith.cmpi eq, %convert_element_type3A_104, %eq3A_431 : vector<16xi32>
    %convert_element_type3A_433 = arith.extui %eq3A_432 : vector<16xi1> to vector<16xi32>
    %broadcast_in_dim3A_434 = arith.constant true
    %broadcast_in_dim3A_435 = vector.broadcast %broadcast_in_dim3A_434 : i1 to vector<16xi1>
    %masked_cumsum3A_436 = tpu.scan <sum>, %convert_element_type3A_433 masked %broadcast_in_dim3A_435 : vector<16xi32>, vector<16xi1> -> vector<16xi32>
    %add3A_437 = arith.addi %add3A_185, %add3A_338 : vector<16xi32>
    %add3A_438 = arith.addi %add3A_437, %masked_cumsum3A_436 : vector<16xi32>
    %sub3A_439 = arith.constant 1 : i32
    %sub3A_440 = vector.broadcast %sub3A_439 : i32 to vector<16xi32>
    %sub3A_441 = arith.subi %add3A_438, %sub3A_440 : vector<16xi32>
    %select_n3A_442 = arith.select %eq3A_432, %sub3A_441, %select_n3A_427 : vector<16xi1>, vector<16xi32>
    %all_reduce_population_count3A_443 = tpu.all_reduce %eq3A_432 {dim = 0 : i64, kind = #tpu.reduction_kind<sum>} : vector<16xi1> -> vector<16xi32>
    %add3A_444 = arith.addi %add3A_338, %all_reduce_population_count3A_443 : vector<16xi32>
    %add3A_445 = arith.constant 32 : i32
    %add3A_446 = vector.broadcast %add3A_445 : i32 to vector<16xi32>
    %add3A_447 = arith.addi %iota3A, %add3A_446 : vector<16xi32>
    tpu.vector_store_idx %arg24[%select_n3A_442], %add3A_447 : memref<80xi32, #tpu.memory_space<vmem>>[vector<16xi32>], vector<16xi32>,
    %get3A_448 = arith.constant 0 : i32
    %get3A_449 = arith.index_cast %get3A_448 : i32 to index
    %get3A_450 = arith.constant 32 : index
    %get3A_451 = tpu.vector_load %arg17[%get3A_449, %get3A_450] {strides = array<i32>} : memref<8x64xf32, #tpu.memory_space<vmem>>, vector<16xf32>,
    %get3A_452 = arith.constant 1 : i32
    %get3A_453 = arith.index_cast %get3A_452 : i32 to index
    %get3A_454 = arith.constant 32 : index
    %get3A_455 = tpu.vector_load %arg17[%get3A_453, %get3A_454] {strides = array<i32>} : memref<8x64xf32, #tpu.memory_space<vmem>>, vector<16xf32>,
    %get3A_456 = arith.constant 2 : i32
    %get3A_457 = arith.index_cast %get3A_456 : i32 to index
    %get3A_458 = arith.constant 32 : index
    %get3A_459 = tpu.vector_load %arg17[%get3A_457, %get3A_458] {strides = array<i32>} : memref<8x64xf32, #tpu.memory_space<vmem>>, vector<16xf32>,
    %get3A_460 = arith.constant 3 : i32
    %get3A_461 = arith.index_cast %get3A_460 : i32 to index
    %get3A_462 = arith.constant 32 : index
    %get3A_463 = tpu.vector_load %arg17[%get3A_461, %get3A_462] {strides = array<i32>} : memref<8x64xf32, #tpu.memory_space<vmem>>, vector<16xf32>,
    %get3A_464 = arith.constant 4 : i32
    %get3A_465 = arith.index_cast %get3A_464 : i32 to index
    %get3A_466 = arith.constant 32 : index
    %get3A_467 = tpu.vector_load %arg17[%get3A_465, %get3A_466] {strides = array<i32>} : memref<8x64xf32, #tpu.memory_space<vmem>>, vector<16xf32>,
    %get3A_468 = arith.constant 5 : i32
    %get3A_469 = arith.index_cast %get3A_468 : i32 to index
    %get3A_470 = arith.constant 32 : index
    %get3A_471 = tpu.vector_load %arg17[%get3A_469, %get3A_470] {strides = array<i32>} : memref<8x64xf32, #tpu.memory_space<vmem>>, vector<16xf32>,
    %mul3A_472 = arith.constant 5.000000e-01 : f32
    %mul3A_473 = vector.broadcast %mul3A_472 : f32 to vector<16xf32>
    %mul3A_474 = arith.mulf %get3A_463, %mul3A_473 : vector<16xf32>
    %sub3A_475 = arith.subf %get3A_451, %mul3A_474 : vector<16xf32>
    %mul3A_476 = arith.constant 5.000000e-01 : f32
    %mul3A_477 = vector.broadcast %mul3A_476 : f32 to vector<16xf32>
    %mul3A_478 = arith.mulf %get3A_467, %mul3A_477 : vector<16xf32>
    %sub3A_479 = arith.subf %get3A_455, %mul3A_478 : vector<16xf32>
    %mul3A_480 = arith.constant 5.000000e-01 : f32
    %mul3A_481 = vector.broadcast %mul3A_480 : f32 to vector<16xf32>
    %mul3A_482 = arith.mulf %get3A_471, %mul3A_481 : vector<16xf32>
    %sub3A_483 = arith.subf %get3A_459, %mul3A_482 : vector<16xf32>
    %mul3A_484 = arith.constant 5.000000e-01 : f32
    %mul3A_485 = vector.broadcast %mul3A_484 : f32 to vector<16xf32>
    %mul3A_486 = arith.mulf %get3A_463, %mul3A_485 : vector<16xf32>
    %add3A_487 = arith.addf %get3A_451, %mul3A_486 : vector<16xf32>
    %mul3A_488 = arith.constant 5.000000e-01 : f32
    %mul3A_489 = vector.broadcast %mul3A_488 : f32 to vector<16xf32>
    %mul3A_490 = arith.mulf %get3A_467, %mul3A_489 : vector<16xf32>
    %add3A_491 = arith.addf %get3A_455, %mul3A_490 : vector<16xf32>
    %mul3A_492 = arith.constant 5.000000e-01 : f32
    %mul3A_493 = vector.broadcast %mul3A_492 : f32 to vector<16xf32>
    %mul3A_494 = arith.mulf %get3A_471, %mul3A_493 : vector<16xf32>
    %add3A_495 = arith.addf %get3A_459, %mul3A_494 : vector<16xf32>
    %mul3A_496 = arith.mulf %get3A_463, %get3A_467 : vector<16xf32>
    %mul3A_497 = arith.mulf %mul3A_496, %get3A_471 : vector<16xf32>
    %mul3A_498 = arith.constant 16 : i32
    %mul3A_499 = vector.broadcast %mul3A_498 : i32 to vector<16xi32>
    %mul3A_500 = arith.muli %select_n3A_442, %mul3A_499 : vector<16xi32>
    %scan3A_501 = arith.constant 0 : i32
    %scan3A_502 = arith.constant 16 : i32
    %scan3A_503 = arith.addi %scan3A_501, %scan3A_502 : i32
    %scan3A_504 = arith.constant 1 : i32
    scf.for %scan3A_1694 = %scan3A_501 to %scan3A_503 step %scan3A_504  : i32 {
      %add3A_1695 = vector.broadcast %scan3A_1694 : i32 to vector<16xi32>
      %add3A_1696 = arith.addi %mul3A_500, %add3A_1695 : vector<16xi32>
      %add3A_1697 = arith.constant 0 : i32
      %add3A_1698 = vector.broadcast %add3A_1697 : i32 to vector<16xi32>
      %add3A_1699 = arith.addi %add3A_1696, %add3A_1698 : vector<16xi32>
      tpu.vector_store_idx %arg21[%add3A_1699], %sub3A_475 : memref<3840xf32, #tpu.memory_space<vmem>>[vector<16xi32>], vector<16xf32>,
      %add3A_1700 = arith.constant 1280 : i32
      %add3A_1701 = vector.broadcast %add3A_1700 : i32 to vector<16xi32>
      %add3A_1702 = arith.addi %add3A_1696, %add3A_1701 : vector<16xi32>
      tpu.vector_store_idx %arg21[%add3A_1702], %sub3A_479 : memref<3840xf32, #tpu.memory_space<vmem>>[vector<16xi32>], vector<16xf32>,
      %add3A_1703 = arith.constant 2560 : i32
      %add3A_1704 = vector.broadcast %add3A_1703 : i32 to vector<16xi32>
      %add3A_1705 = arith.addi %add3A_1696, %add3A_1704 : vector<16xi32>
      tpu.vector_store_idx %arg21[%add3A_1705], %sub3A_483 : memref<3840xf32, #tpu.memory_space<vmem>>[vector<16xi32>], vector<16xf32>,
      %add3A_1706 = arith.constant 0 : i32
      %add3A_1707 = vector.broadcast %add3A_1706 : i32 to vector<16xi32>
      %add3A_1708 = arith.addi %add3A_1696, %add3A_1707 : vector<16xi32>
      tpu.vector_store_idx %arg22[%add3A_1708], %add3A_487 : memref<3840xf32, #tpu.memory_space<vmem>>[vector<16xi32>], vector<16xf32>,
      %add3A_1709 = arith.constant 1280 : i32
      %add3A_1710 = vector.broadcast %add3A_1709 : i32 to vector<16xi32>
      %add3A_1711 = arith.addi %add3A_1696, %add3A_1710 : vector<16xi32>
      tpu.vector_store_idx %arg22[%add3A_1711], %add3A_491 : memref<3840xf32, #tpu.memory_space<vmem>>[vector<16xi32>], vector<16xf32>,
      %add3A_1712 = arith.constant 2560 : i32
      %add3A_1713 = vector.broadcast %add3A_1712 : i32 to vector<16xi32>
      %add3A_1714 = arith.addi %add3A_1696, %add3A_1713 : vector<16xi32>
      tpu.vector_store_idx %arg22[%add3A_1714], %add3A_495 : memref<3840xf32, #tpu.memory_space<vmem>>[vector<16xi32>], vector<16xf32>,
      %add3A_1715 = arith.constant 0 : i32
      %add3A_1716 = vector.broadcast %add3A_1715 : i32 to vector<16xi32>
      %add3A_1717 = arith.addi %add3A_1696, %add3A_1716 : vector<16xi32>
      tpu.vector_store_idx %arg23[%add3A_1717], %mul3A_497 : memref<1280xf32, #tpu.memory_space<vmem>>[vector<16xi32>], vector<16xf32>,
    }
    %scan3A_505 = arith.constant 16 : i32
    %eq3A_506 = arith.constant 1 : i32
    %eq3A_507 = vector.broadcast %eq3A_506 : i32 to vector<16xi32>
    %eq3A_508 = arith.cmpi eq, %convert_element_type3A_109, %eq3A_507 : vector<16xi32>
    %convert_element_type3A_509 = arith.extui %eq3A_508 : vector<16xi1> to vector<16xi32>
    %broadcast_in_dim3A_510 = arith.constant true
    %broadcast_in_dim3A_511 = vector.broadcast %broadcast_in_dim3A_510 : i1 to vector<16xi1>
    %masked_cumsum3A_512 = tpu.scan <sum>, %convert_element_type3A_509 masked %broadcast_in_dim3A_511 : vector<16xi32>, vector<16xi1> -> vector<16xi32>
    %add3A_513 = arith.addi %broadcast_in_dim3A_67, %add3A_414 : vector<16xi32>
    %add3A_514 = arith.addi %add3A_513, %masked_cumsum3A_512 : vector<16xi32>
    %sub3A_515 = arith.constant 1 : i32
    %sub3A_516 = vector.broadcast %sub3A_515 : i32 to vector<16xi32>
    %sub3A_517 = arith.subi %add3A_514, %sub3A_516 : vector<16xi32>
    %select_n3A_518 = arith.select %eq3A_508, %sub3A_517, %broadcast_in_dim3A_67 : vector<16xi1>, vector<16xi32>
    %all_reduce_population_count3A_519 = tpu.all_reduce %eq3A_508 {dim = 0 : i64, kind = #tpu.reduction_kind<sum>} : vector<16xi1> -> vector<16xi32>
    %add3A_520 = arith.addi %add3A_414, %all_reduce_population_count3A_519 : vector<16xi32>
    %eq3A_521 = arith.constant 2 : i32
    %eq3A_522 = vector.broadcast %eq3A_521 : i32 to vector<16xi32>
    %eq3A_523 = arith.cmpi eq, %convert_element_type3A_109, %eq3A_522 : vector<16xi32>
    %convert_element_type3A_524 = arith.extui %eq3A_523 : vector<16xi1> to vector<16xi32>
    %broadcast_in_dim3A_525 = arith.constant true
    %broadcast_in_dim3A_526 = vector.broadcast %broadcast_in_dim3A_525 : i1 to vector<16xi1>
    %masked_cumsum3A_527 = tpu.scan <sum>, %convert_element_type3A_524 masked %broadcast_in_dim3A_526 : vector<16xi32>, vector<16xi1> -> vector<16xi32>
    %add3A_528 = arith.addi %and3A_178, %add3A_429 : vector<16xi32>
    %add3A_529 = arith.addi %add3A_528, %masked_cumsum3A_527 : vector<16xi32>
    %sub3A_530 = arith.constant 1 : i32
    %sub3A_531 = vector.broadcast %sub3A_530 : i32 to vector<16xi32>
    %sub3A_532 = arith.subi %add3A_529, %sub3A_531 : vector<16xi32>
    %select_n3A_533 = arith.select %eq3A_523, %sub3A_532, %select_n3A_518 : vector<16xi1>, vector<16xi32>
    %all_reduce_population_count3A_534 = tpu.all_reduce %eq3A_523 {dim = 0 : i64, kind = #tpu.reduction_kind<sum>} : vector<16xi1> -> vector<16xi32>
    %add3A_535 = arith.addi %add3A_429, %all_reduce_population_count3A_534 : vector<16xi32>
    %eq3A_536 = arith.constant 3 : i32
    %eq3A_537 = vector.broadcast %eq3A_536 : i32 to vector<16xi32>
    %eq3A_538 = arith.cmpi eq, %convert_element_type3A_109, %eq3A_537 : vector<16xi32>
    %convert_element_type3A_539 = arith.extui %eq3A_538 : vector<16xi1> to vector<16xi32>
    %broadcast_in_dim3A_540 = arith.constant true
    %broadcast_in_dim3A_541 = vector.broadcast %broadcast_in_dim3A_540 : i1 to vector<16xi1>
    %masked_cumsum3A_542 = tpu.scan <sum>, %convert_element_type3A_539 masked %broadcast_in_dim3A_541 : vector<16xi32>, vector<16xi1> -> vector<16xi32>
    %add3A_543 = arith.addi %add3A_185, %add3A_444 : vector<16xi32>
    %add3A_544 = arith.addi %add3A_543, %masked_cumsum3A_542 : vector<16xi32>
    %sub3A_545 = arith.constant 1 : i32
    %sub3A_546 = vector.broadcast %sub3A_545 : i32 to vector<16xi32>
    %sub3A_547 = arith.subi %add3A_544, %sub3A_546 : vector<16xi32>
    %select_n3A_548 = arith.select %eq3A_538, %sub3A_547, %select_n3A_533 : vector<16xi1>, vector<16xi32>
    %all_reduce_population_count3A_549 = tpu.all_reduce %eq3A_538 {dim = 0 : i64, kind = #tpu.reduction_kind<sum>} : vector<16xi1> -> vector<16xi32>
    %add3A_550 = arith.addi %add3A_444, %all_reduce_population_count3A_549 : vector<16xi32>
    %add3A_551 = arith.constant 48 : i32
    %add3A_552 = vector.broadcast %add3A_551 : i32 to vector<16xi32>
    %add3A_553 = arith.addi %iota3A, %add3A_552 : vector<16xi32>
    tpu.vector_store_idx %arg24[%select_n3A_548], %add3A_553 : memref<80xi32, #tpu.memory_space<vmem>>[vector<16xi32>], vector<16xi32>,
    %get3A_554 = arith.constant 0 : i32
    %get3A_555 = arith.index_cast %get3A_554 : i32 to index
    %get3A_556 = arith.constant 48 : index
    %get3A_557 = tpu.vector_load %arg17[%get3A_555, %get3A_556] {strides = array<i32>} : memref<8x64xf32, #tpu.memory_space<vmem>>, vector<16xf32>,
    %get3A_558 = arith.constant 1 : i32
    %get3A_559 = arith.index_cast %get3A_558 : i32 to index
    %get3A_560 = arith.constant 48 : index
    %get3A_561 = tpu.vector_load %arg17[%get3A_559, %get3A_560] {strides = array<i32>} : memref<8x64xf32, #tpu.memory_space<vmem>>, vector<16xf32>,
    %get3A_562 = arith.constant 2 : i32
    %get3A_563 = arith.index_cast %get3A_562 : i32 to index
    %get3A_564 = arith.constant 48 : index
    %get3A_565 = tpu.vector_load %arg17[%get3A_563, %get3A_564] {strides = array<i32>} : memref<8x64xf32, #tpu.memory_space<vmem>>, vector<16xf32>,
    %get3A_566 = arith.constant 3 : i32
    %get3A_567 = arith.index_cast %get3A_566 : i32 to index
    %get3A_568 = arith.constant 48 : index
    %get3A_569 = tpu.vector_load %arg17[%get3A_567, %get3A_568] {strides = array<i32>} : memref<8x64xf32, #tpu.memory_space<vmem>>, vector<16xf32>,
    %get3A_570 = arith.constant 4 : i32
    %get3A_571 = arith.index_cast %get3A_570 : i32 to index
    %get3A_572 = arith.constant 48 : index
    %get3A_573 = tpu.vector_load %arg17[%get3A_571, %get3A_572] {strides = array<i32>} : memref<8x64xf32, #tpu.memory_space<vmem>>, vector<16xf32>,
    %get3A_574 = arith.constant 5 : i32
    %get3A_575 = arith.index_cast %get3A_574 : i32 to index
    %get3A_576 = arith.constant 48 : index
    %get3A_577 = tpu.vector_load %arg17[%get3A_575, %get3A_576] {strides = array<i32>} : memref<8x64xf32, #tpu.memory_space<vmem>>, vector<16xf32>,
    %mul3A_578 = arith.constant 5.000000e-01 : f32
    %mul3A_579 = vector.broadcast %mul3A_578 : f32 to vector<16xf32>
    %mul3A_580 = arith.mulf %get3A_569, %mul3A_579 : vector<16xf32>
    %sub3A_581 = arith.subf %get3A_557, %mul3A_580 : vector<16xf32>
    %mul3A_582 = arith.constant 5.000000e-01 : f32
    %mul3A_583 = vector.broadcast %mul3A_582 : f32 to vector<16xf32>
    %mul3A_584 = arith.mulf %get3A_573, %mul3A_583 : vector<16xf32>
    %sub3A_585 = arith.subf %get3A_561, %mul3A_584 : vector<16xf32>
    %mul3A_586 = arith.constant 5.000000e-01 : f32
    %mul3A_587 = vector.broadcast %mul3A_586 : f32 to vector<16xf32>
    %mul3A_588 = arith.mulf %get3A_577, %mul3A_587 : vector<16xf32>
    %sub3A_589 = arith.subf %get3A_565, %mul3A_588 : vector<16xf32>
    %mul3A_590 = arith.constant 5.000000e-01 : f32
    %mul3A_591 = vector.broadcast %mul3A_590 : f32 to vector<16xf32>
    %mul3A_592 = arith.mulf %get3A_569, %mul3A_591 : vector<16xf32>
    %add3A_593 = arith.addf %get3A_557, %mul3A_592 : vector<16xf32>
    %mul3A_594 = arith.constant 5.000000e-01 : f32
    %mul3A_595 = vector.broadcast %mul3A_594 : f32 to vector<16xf32>
    %mul3A_596 = arith.mulf %get3A_573, %mul3A_595 : vector<16xf32>
    %add3A_597 = arith.addf %get3A_561, %mul3A_596 : vector<16xf32>
    %mul3A_598 = arith.constant 5.000000e-01 : f32
    %mul3A_599 = vector.broadcast %mul3A_598 : f32 to vector<16xf32>
    %mul3A_600 = arith.mulf %get3A_577, %mul3A_599 : vector<16xf32>
    %add3A_601 = arith.addf %get3A_565, %mul3A_600 : vector<16xf32>
    %mul3A_602 = arith.mulf %get3A_569, %get3A_573 : vector<16xf32>
    %mul3A_603 = arith.mulf %mul3A_602, %get3A_577 : vector<16xf32>
    %mul3A_604 = arith.constant 16 : i32
    %mul3A_605 = vector.broadcast %mul3A_604 : i32 to vector<16xi32>
    %mul3A_606 = arith.muli %select_n3A_548, %mul3A_605 : vector<16xi32>
    %scan3A_607 = arith.constant 0 : i32
    %scan3A_608 = arith.constant 16 : i32
    %scan3A_609 = arith.addi %scan3A_607, %scan3A_608 : i32
    %scan3A_610 = arith.constant 1 : i32
    scf.for %scan3A_1694 = %scan3A_607 to %scan3A_609 step %scan3A_610  : i32 {
      %add3A_1695 = vector.broadcast %scan3A_1694 : i32 to vector<16xi32>
      %add3A_1696 = arith.addi %mul3A_606, %add3A_1695 : vector<16xi32>
      %add3A_1697 = arith.constant 0 : i32
      %add3A_1698 = vector.broadcast %add3A_1697 : i32 to vector<16xi32>
      %add3A_1699 = arith.addi %add3A_1696, %add3A_1698 : vector<16xi32>
      tpu.vector_store_idx %arg21[%add3A_1699], %sub3A_581 : memref<3840xf32, #tpu.memory_space<vmem>>[vector<16xi32>], vector<16xf32>,
      %add3A_1700 = arith.constant 1280 : i32
      %add3A_1701 = vector.broadcast %add3A_1700 : i32 to vector<16xi32>
      %add3A_1702 = arith.addi %add3A_1696, %add3A_1701 : vector<16xi32>
      tpu.vector_store_idx %arg21[%add3A_1702], %sub3A_585 : memref<3840xf32, #tpu.memory_space<vmem>>[vector<16xi32>], vector<16xf32>,
      %add3A_1703 = arith.constant 2560 : i32
      %add3A_1704 = vector.broadcast %add3A_1703 : i32 to vector<16xi32>
      %add3A_1705 = arith.addi %add3A_1696, %add3A_1704 : vector<16xi32>
      tpu.vector_store_idx %arg21[%add3A_1705], %sub3A_589 : memref<3840xf32, #tpu.memory_space<vmem>>[vector<16xi32>], vector<16xf32>,
      %add3A_1706 = arith.constant 0 : i32
      %add3A_1707 = vector.broadcast %add3A_1706 : i32 to vector<16xi32>
      %add3A_1708 = arith.addi %add3A_1696, %add3A_1707 : vector<16xi32>
      tpu.vector_store_idx %arg22[%add3A_1708], %add3A_593 : memref<3840xf32, #tpu.memory_space<vmem>>[vector<16xi32>], vector<16xf32>,
      %add3A_1709 = arith.constant 1280 : i32
      %add3A_1710 = vector.broadcast %add3A_1709 : i32 to vector<16xi32>
      %add3A_1711 = arith.addi %add3A_1696, %add3A_1710 : vector<16xi32>
      tpu.vector_store_idx %arg22[%add3A_1711], %add3A_597 : memref<3840xf32, #tpu.memory_space<vmem>>[vector<16xi32>], vector<16xf32>,
      %add3A_1712 = arith.constant 2560 : i32
      %add3A_1713 = vector.broadcast %add3A_1712 : i32 to vector<16xi32>
      %add3A_1714 = arith.addi %add3A_1696, %add3A_1713 : vector<16xi32>
      tpu.vector_store_idx %arg22[%add3A_1714], %add3A_601 : memref<3840xf32, #tpu.memory_space<vmem>>[vector<16xi32>], vector<16xf32>,
      %add3A_1715 = arith.constant 0 : i32
      %add3A_1716 = vector.broadcast %add3A_1715 : i32 to vector<16xi32>
      %add3A_1717 = arith.addi %add3A_1696, %add3A_1716 : vector<16xi32>
      tpu.vector_store_idx %arg23[%add3A_1717], %mul3A_603 : memref<1280xf32, #tpu.memory_space<vmem>>[vector<16xi32>], vector<16xf32>,
    }
    %scan3A_611 = arith.constant 16 : i32
    %scan3A_612 = arith.constant 0 : i32
    %scan3A_613 = arith.constant 64 : i32
    %scan3A_614 = arith.addi %scan3A_612, %scan3A_613 : i32
    %scan3A_615 = arith.constant 1 : i32
    %scan3A_616:3 = scf.for %scan3A_1694 = %scan3A_612 to %scan3A_614 step %scan3A_615 iter_args(%scan3A_1695 = %broadcast_in_dim3A_67, %scan3A_1696 = %broadcast_in_dim3A_67, %scan3A_1697 = %broadcast_in_dim3A_67) -> (vector<16xi32>, vector<16xi32>, vector<16xi32>)  : i32 {
      %mul3A_1698 = arith.constant 16 : i32
      %mul3A_1699 = arith.muli %scan3A_1694, %mul3A_1698 : i32
      %get3A_1700 = arith.index_cast %mul3A_1699 : i32 to index
      %get3A_1701 = tpu.vector_load %arg18[%get3A_1700] {strides = array<i32>} : memref<1024xi32, #tpu.memory_space<vmem>>, vector<16xi32>,
      %mul3A_1702 = arith.constant 16 : i32
      %mul3A_1703 = arith.muli %scan3A_1694, %mul3A_1702 : i32
      %add3A_1704 = vector.broadcast %mul3A_1703 : i32 to vector<16xi32>
      %add3A_1705 = arith.addi %iota3A, %add3A_1704 : vector<16xi32>
      %eq3A_1706 = arith.constant 1 : i32
      %eq3A_1707 = vector.broadcast %eq3A_1706 : i32 to vector<16xi32>
      %eq3A_1708 = arith.cmpi eq, %get3A_1701, %eq3A_1707 : vector<16xi32>
      %convert_element_type3A_1709 = arith.extui %eq3A_1708 : vector<16xi1> to vector<16xi32>
      %broadcast_in_dim3A_1710 = arith.constant true
      %broadcast_in_dim3A_1711 = vector.broadcast %broadcast_in_dim3A_1710 : i1 to vector<16xi1>
      %masked_cumsum3A_1712 = tpu.scan <sum>, %convert_element_type3A_1709 masked %broadcast_in_dim3A_1711 : vector<16xi32>, vector<16xi1> -> vector<16xi32>
      %add3A_1713 = arith.addi %scan3A_1695, %masked_cumsum3A_1712 : vector<16xi32>
      %sub3A_1714 = arith.constant 1 : i32
      %sub3A_1715 = vector.broadcast %sub3A_1714 : i32 to vector<16xi32>
      %sub3A_1716 = arith.subi %add3A_1713, %sub3A_1715 : vector<16xi32>
      %add3A_1717 = arith.constant 0 : i32
      %add3A_1718 = vector.broadcast %add3A_1717 : i32 to vector<16xi32>
      %add3A_1719 = arith.addi %sub3A_1716, %add3A_1718 : vector<16xi32>
      tpu.vector_store_idx %arg25[%add3A_1719], %add3A_1705 masked %eq3A_1708 : memref<3072xi32, #tpu.memory_space<vmem>>[vector<16xi32>], vector<16xi32>, vector<16xi1>
      %all_reduce_population_count3A_1720 = tpu.all_reduce %eq3A_1708 {dim = 0 : i64, kind = #tpu.reduction_kind<sum>} : vector<16xi1> -> vector<16xi32>
      %add3A_1721 = arith.addi %scan3A_1695, %all_reduce_population_count3A_1720 : vector<16xi32>
      %eq3A_1722 = arith.constant 2 : i32
      %eq3A_1723 = vector.broadcast %eq3A_1722 : i32 to vector<16xi32>
      %eq3A_1724 = arith.cmpi eq, %get3A_1701, %eq3A_1723 : vector<16xi32>
      %convert_element_type3A_1725 = arith.extui %eq3A_1724 : vector<16xi1> to vector<16xi32>
      %broadcast_in_dim3A_1726 = arith.constant true
      %broadcast_in_dim3A_1727 = vector.broadcast %broadcast_in_dim3A_1726 : i1 to vector<16xi1>
      %masked_cumsum3A_1728 = tpu.scan <sum>, %convert_element_type3A_1725 masked %broadcast_in_dim3A_1727 : vector<16xi32>, vector<16xi1> -> vector<16xi32>
      %add3A_1729 = arith.addi %scan3A_1696, %masked_cumsum3A_1728 : vector<16xi32>
      %sub3A_1730 = arith.constant 1 : i32
      %sub3A_1731 = vector.broadcast %sub3A_1730 : i32 to vector<16xi32>
      %sub3A_1732 = arith.subi %add3A_1729, %sub3A_1731 : vector<16xi32>
      %add3A_1733 = arith.constant 1024 : i32
      %add3A_1734 = vector.broadcast %add3A_1733 : i32 to vector<16xi32>
      %add3A_1735 = arith.addi %sub3A_1732, %add3A_1734 : vector<16xi32>
      tpu.vector_store_idx %arg25[%add3A_1735], %add3A_1705 masked %eq3A_1724 : memref<3072xi32, #tpu.memory_space<vmem>>[vector<16xi32>], vector<16xi32>, vector<16xi1>
      %all_reduce_population_count3A_1736 = tpu.all_reduce %eq3A_1724 {dim = 0 : i64, kind = #tpu.reduction_kind<sum>} : vector<16xi1> -> vector<16xi32>
      %add3A_1737 = arith.addi %scan3A_1696, %all_reduce_population_count3A_1736 : vector<16xi32>
      %eq3A_1738 = arith.constant 3 : i32
      %eq3A_1739 = vector.broadcast %eq3A_1738 : i32 to vector<16xi32>
      %eq3A_1740 = arith.cmpi eq, %get3A_1701, %eq3A_1739 : vector<16xi32>
      %convert_element_type3A_1741 = arith.extui %eq3A_1740 : vector<16xi1> to vector<16xi32>
      %broadcast_in_dim3A_1742 = arith.constant true
      %broadcast_in_dim3A_1743 = vector.broadcast %broadcast_in_dim3A_1742 : i1 to vector<16xi1>
      %masked_cumsum3A_1744 = tpu.scan <sum>, %convert_element_type3A_1741 masked %broadcast_in_dim3A_1743 : vector<16xi32>, vector<16xi1> -> vector<16xi32>
      %add3A_1745 = arith.addi %scan3A_1697, %masked_cumsum3A_1744 : vector<16xi32>
      %sub3A_1746 = arith.constant 1 : i32
      %sub3A_1747 = vector.broadcast %sub3A_1746 : i32 to vector<16xi32>
      %sub3A_1748 = arith.subi %add3A_1745, %sub3A_1747 : vector<16xi32>
      %add3A_1749 = arith.constant 2048 : i32
      %add3A_1750 = vector.broadcast %add3A_1749 : i32 to vector<16xi32>
      %add3A_1751 = arith.addi %sub3A_1748, %add3A_1750 : vector<16xi32>
      tpu.vector_store_idx %arg25[%add3A_1751], %add3A_1705 masked %eq3A_1740 : memref<3072xi32, #tpu.memory_space<vmem>>[vector<16xi32>], vector<16xi32>, vector<16xi1>
      %all_reduce_population_count3A_1752 = tpu.all_reduce %eq3A_1740 {dim = 0 : i64, kind = #tpu.reduction_kind<sum>} : vector<16xi1> -> vector<16xi32>
      %add3A_1753 = arith.addi %scan3A_1697, %all_reduce_population_count3A_1752 : vector<16xi32>
      scf.yield %add3A_1721, %add3A_1737, %add3A_1753 : vector<16xi32>, vector<16xi32>, vector<16xi32>
    }
    %scan3A_617 = arith.constant 64 : i32
    %scan3A_618 = arith.constant 0 : i32
    %scan3A_619 = arith.constant 3 : i32
    %scan3A_620 = arith.addi %scan3A_618, %scan3A_619 : i32
    %scan3A_621 = arith.constant 1 : i32
    scf.for %scan3A_1694 = %scan3A_618 to %scan3A_620 step %scan3A_621  : i32 {
      %mul3A_1695 = arith.constant 1024 : i32
      %mul3A_1696 = arith.muli %scan3A_1694, %mul3A_1695 : i32
      %eq3A_1697 = arith.constant 0 : i32
      %eq3A_1698 = arith.cmpi eq, %scan3A_1694, %eq3A_1697 : i32
      %eq3A_1699 = arith.constant 1 : i32
      %eq3A_1700 = arith.cmpi eq, %scan3A_1694, %eq3A_1699 : i32
      %select_n3A_1701 = arith.select %eq3A_1700, %scan3A_616#1, %scan3A_616#2 : vector<16xi32>
      %select_n3A_1702 = arith.select %eq3A_1698, %scan3A_616#0, %select_n3A_1701 : vector<16xi32>
      %reduce_max3A = arith.constant true
      %reduce_max3A_1703 = vector.broadcast %reduce_max3A : i1 to vector<16xi1>
      %reduce_max3A_1704 = arith.constant -2147483648 : i32
      %reduce_max3A_1705 = vector.broadcast %reduce_max3A_1704 : i32 to vector<16xi32>
      %reduce_max3A_1706 = arith.xori %select_n3A_1702, %reduce_max3A_1705 : vector<16xi32>
      %reduce_max3A_1707 = tpu.scan <max>, %reduce_max3A_1706 masked %reduce_max3A_1703 : vector<16xi32>, vector<16xi1> -> vector<16xi32>
      %reduce_max3A_1708 = arith.xori %reduce_max3A_1707, %reduce_max3A_1705 : vector<16xi32>
      %reduce_max3A_1709 = vector.extract %reduce_max3A_1708[15] : i32 from vector<16xi32>
      %eq3A_1710 = arith.constant 0 : i32
      %eq3A_1711 = arith.cmpi eq, %scan3A_1694, %eq3A_1710 : i32
      %eq3A_1712 = arith.constant 1 : i32
      %eq3A_1713 = arith.cmpi eq, %scan3A_1694, %eq3A_1712 : i32
      %select_n3A_1714 = arith.select %eq3A_1713, %and3A_178, %add3A_185 : vector<16xi32>
      %select_n3A_1715 = arith.select %eq3A_1711, %broadcast_in_dim3A_67, %select_n3A_1714 : vector<16xi32>
      %reduce_max3A_1716 = arith.constant true
      %reduce_max3A_1717 = vector.broadcast %reduce_max3A_1716 : i1 to vector<16xi1>
      %reduce_max3A_1718 = arith.constant -2147483648 : i32
      %reduce_max3A_1719 = vector.broadcast %reduce_max3A_1718 : i32 to vector<16xi32>
      %reduce_max3A_1720 = arith.xori %select_n3A_1715, %reduce_max3A_1719 : vector<16xi32>
      %reduce_max3A_1721 = tpu.scan <max>, %reduce_max3A_1720 masked %reduce_max3A_1717 : vector<16xi32>, vector<16xi1> -> vector<16xi32>
      %reduce_max3A_1722 = arith.xori %reduce_max3A_1721, %reduce_max3A_1719 : vector<16xi32>
      %reduce_max3A_1723 = vector.extract %reduce_max3A_1722[15] : i32 from vector<16xi32>
      %eq3A_1724 = arith.constant 0 : i32
      %eq3A_1725 = arith.cmpi eq, %scan3A_1694, %eq3A_1724 : i32
      %eq3A_1726 = arith.constant 1 : i32
      %eq3A_1727 = arith.cmpi eq, %scan3A_1694, %eq3A_1726 : i32
      %select_n3A_1728 = arith.select %eq3A_1727, %add3A_168, %add3A_173 : vector<16xi32>
      %select_n3A_1729 = arith.select %eq3A_1725, %add3A_163, %select_n3A_1728 : vector<16xi32>
      %reduce_max3A_1730 = arith.constant true
      %reduce_max3A_1731 = vector.broadcast %reduce_max3A_1730 : i1 to vector<16xi1>
      %reduce_max3A_1732 = arith.constant -2147483648 : i32
      %reduce_max3A_1733 = vector.broadcast %reduce_max3A_1732 : i32 to vector<16xi32>
      %reduce_max3A_1734 = arith.xori %select_n3A_1729, %reduce_max3A_1733 : vector<16xi32>
      %reduce_max3A_1735 = tpu.scan <max>, %reduce_max3A_1734 masked %reduce_max3A_1731 : vector<16xi32>, vector<16xi1> -> vector<16xi32>
      %reduce_max3A_1736 = arith.xori %reduce_max3A_1735, %reduce_max3A_1733 : vector<16xi32>
      %reduce_max3A_1737 = vector.extract %reduce_max3A_1736[15] : i32 from vector<16xi32>
      %add3A_1738 = arith.addi %reduce_max3A_1723, %reduce_max3A_1737 : i32
      %add3A_1739 = arith.constant 15 : i32
      %add3A_1740 = arith.addi %reduce_max3A_1709, %add3A_1739 : i32
      %jit3A_1741 = arith.constant 16 : i32
      %div3A = arith.divsi %add3A_1740, %jit3A_1741 : i32
      %sign3A = arith.constant 0 : i32
      %sign3A_1742 = arith.cmpi sgt, %add3A_1740, %sign3A : i32
      %sign3A_1743 = arith.extui %sign3A_1742 : i1 to i32
      %sign3A_1744 = arith.constant 0 : i32
      %sign3A_1745 = arith.cmpi slt, %add3A_1740, %sign3A_1744 : i32
      %sign3A_1746 = arith.extui %sign3A_1745 : i1 to i32
      %sign3A_1747 = arith.subi %sign3A_1743, %sign3A_1746 : i32
      %sign3A_1748 = arith.constant 0 : i32
      %sign3A_1749 = arith.cmpi sgt, %jit3A_1741, %sign3A_1748 : i32
      %sign3A_1750 = arith.extui %sign3A_1749 : i1 to i32
      %sign3A_1751 = arith.constant 0 : i32
      %sign3A_1752 = arith.cmpi slt, %jit3A_1741, %sign3A_1751 : i32
      %sign3A_1753 = arith.extui %sign3A_1752 : i1 to i32
      %sign3A_1754 = arith.subi %sign3A_1750, %sign3A_1753 : i32
      %ne3A = arith.cmpi ne, %sign3A_1747, %sign3A_1754 : i32
      %rem3A = arith.remsi %add3A_1740, %jit3A_1741 : i32
      %ne3A_1755 = arith.constant 0 : i32
      %ne3A_1756 = arith.cmpi ne, %rem3A, %ne3A_1755 : i32
      %and3A_1757 = arith.andi %ne3A, %ne3A_1756 : i1
      %sub3A_1758 = arith.constant 1 : i32
      %sub3A_1759 = arith.subi %div3A, %sub3A_1758 : i32
      %select_n3A_1760 = arith.select %and3A_1757, %sub3A_1759, %div3A : i32
      %while3A_1761 = arith.constant 0 : i32
      %while3A_1762 = arith.subi %select_n3A_1760, %while3A_1761 : i32
      %while3A_1763 = arith.addi %while3A_1761, %while3A_1762 : i32
      %while3A_1764 = arith.constant 1 : i32
      %while3A_1765 = arith.divsi %while3A_1762, %while3A_1764 : i32
      %while3A_1766 = arith.muli %while3A_1765, %while3A_1764 : i32
      %while3A_1767 = arith.addi %while3A_1761, %while3A_1766 : i32
      %while3A_1768 = arith.constant 1 : i32
      scf.for %while3A_1770 = %while3A_1761 to %while3A_1767 step %while3A_1768  : i32 {
        %mul3A_1771 = arith.constant 16 : i32
        %mul3A_1772 = arith.muli %while3A_1770, %mul3A_1771 : i32
        %add3A_1773 = arith.addi %mul3A_1696, %mul3A_1772 : i32
        %get3A_1774 = arith.index_cast %add3A_1773 : i32 to index
        %get3A_1775 = tpu.vector_load %arg25[%get3A_1774] {strides = array<i32>} : memref<3072xi32, #tpu.memory_space<vmem>>, vector<16xi32>,
        %and3A_1776 = arith.constant 1023 : i32
        %and3A_1777 = vector.broadcast %and3A_1776 : i32 to vector<16xi32>
        %and3A_1778 = arith.andi %get3A_1775, %and3A_1777 : vector<16xi32>
        %mul3A_1779 = arith.constant 16 : i32
        %mul3A_1780 = arith.muli %while3A_1770, %mul3A_1779 : i32
        %sub3A_1781 = arith.subi %reduce_max3A_1709, %mul3A_1780 : i32
        %lt3A_1782 = vector.broadcast %sub3A_1781 : i32 to vector<16xi32>
        %lt3A_1783 = arith.cmpi slt, %iota3A, %lt3A_1782 : vector<16xi32>
        %gather3A_1784 = tpu.vector_load_idx %arg16[%add3A_70, %and3A_1778] : memref<7x1024xf32, #tpu.memory_space<vmem>>[vector<16xi32>, vector<16xi32>], vector<16xf32>,
        %gather3A_1785 = tpu.vector_load_idx %arg16[%add3A_73, %and3A_1778] : memref<7x1024xf32, #tpu.memory_space<vmem>>[vector<16xi32>, vector<16xi32>], vector<16xf32>,
        %gather3A_1786 = tpu.vector_load_idx %arg16[%add3A_76, %and3A_1778] : memref<7x1024xf32, #tpu.memory_space<vmem>>[vector<16xi32>, vector<16xi32>], vector<16xf32>,
        %gather3A_1787 = tpu.vector_load_idx %arg16[%add3A_79, %and3A_1778] : memref<7x1024xf32, #tpu.memory_space<vmem>>[vector<16xi32>, vector<16xi32>], vector<16xf32>,
        %gather3A_1788 = tpu.vector_load_idx %arg16[%add3A_82, %and3A_1778] : memref<7x1024xf32, #tpu.memory_space<vmem>>[vector<16xi32>, vector<16xi32>], vector<16xf32>,
        %gather3A_1789 = tpu.vector_load_idx %arg16[%add3A_85, %and3A_1778] : memref<7x1024xf32, #tpu.memory_space<vmem>>[vector<16xi32>, vector<16xi32>], vector<16xf32>,
        %mul3A_1790 = arith.constant 5.000000e-01 : f32
        %mul3A_1791 = vector.broadcast %mul3A_1790 : f32 to vector<16xf32>
        %mul3A_1792 = arith.mulf %gather3A_1787, %mul3A_1791 : vector<16xf32>
        %mul3A_1793 = arith.constant 5.000000e-01 : f32
        %mul3A_1794 = vector.broadcast %mul3A_1793 : f32 to vector<16xf32>
        %mul3A_1795 = arith.mulf %gather3A_1788, %mul3A_1794 : vector<16xf32>
        %mul3A_1796 = arith.constant 5.000000e-01 : f32
        %mul3A_1797 = vector.broadcast %mul3A_1796 : f32 to vector<16xf32>
        %mul3A_1798 = arith.mulf %gather3A_1789, %mul3A_1797 : vector<16xf32>
        %sub3A_1799 = arith.subf %gather3A_1784, %mul3A_1792 : vector<16xf32>
        %add3A_1800 = arith.addf %gather3A_1784, %mul3A_1792 : vector<16xf32>
        %sub3A_1801 = arith.subf %gather3A_1785, %mul3A_1795 : vector<16xf32>
        %add3A_1802 = arith.addf %gather3A_1785, %mul3A_1795 : vector<16xf32>
        %sub3A_1803 = arith.subf %gather3A_1786, %mul3A_1798 : vector<16xf32>
        %add3A_1804 = arith.addf %gather3A_1786, %mul3A_1798 : vector<16xf32>
        %mul3A_1805 = arith.mulf %gather3A_1787, %gather3A_1788 : vector<16xf32>
        %mul3A_1806 = arith.mulf %mul3A_1805, %gather3A_1789 : vector<16xf32>
        %broadcast_in_dim3A_1807 = arith.constant 0.000000e+00 : f32
        %broadcast_in_dim3A_1808 = vector.broadcast %broadcast_in_dim3A_1807 : f32 to vector<16xf32>
        %broadcast_in_dim3A_1809 = arith.constant 1.000000e+00 : f32
        %broadcast_in_dim3A_1810 = vector.broadcast %broadcast_in_dim3A_1809 : f32 to vector<16xf32>
        %broadcast_in_dim3A_1811 = arith.constant -1 : i32
        %broadcast_in_dim3A_1812 = vector.broadcast %broadcast_in_dim3A_1811 : i32 to vector<16xi32>
        %while3A_1813 = arith.subi %add3A_1738, %reduce_max3A_1723 : i32
        %while3A_1814 = arith.addi %reduce_max3A_1723, %while3A_1813 : i32
        %while3A_1815 = arith.constant 1 : i32
        %while3A_1816 = arith.divsi %while3A_1813, %while3A_1815 : i32
        %while3A_1817 = arith.muli %while3A_1816, %while3A_1815 : i32
        %while3A_1818 = arith.addi %reduce_max3A_1723, %while3A_1817 : i32
        %while3A_1819 = arith.constant 1 : i32
        %while3A_1820:3 = scf.for %while3A_1833 = %reduce_max3A_1723 to %while3A_1818 step %while3A_1819 iter_args(%while3A_1834 = %broadcast_in_dim3A_1808, %while3A_1835 = %broadcast_in_dim3A_1810, %while3A_1836 = %broadcast_in_dim3A_1812) -> (vector<16xf32>, vector<16xf32>, vector<16xi32>)  : i32 {
          %mul3A_1837 = arith.constant 16 : i32
          %mul3A_1838 = arith.muli %while3A_1833, %mul3A_1837 : i32
          %get3A_1839 = arith.index_cast %mul3A_1838 : i32 to index
          %get3A_1840 = tpu.vector_load %arg22[%get3A_1839] {strides = array<i32>} : memref<3840xf32, #tpu.memory_space<vmem>>, vector<16xf32>,
          %min3A = arith.minimumf %add3A_1800, %get3A_1840 : vector<16xf32>
          %get3A_1841 = arith.index_cast %mul3A_1838 : i32 to index
          %get3A_1842 = tpu.vector_load %arg21[%get3A_1841] {strides = array<i32>} : memref<3840xf32, #tpu.memory_space<vmem>>, vector<16xf32>,
          %max3A_1843 = arith.maximumf %sub3A_1799, %get3A_1842 : vector<16xf32>
          %sub3A_1844 = arith.subf %min3A, %max3A_1843 : vector<16xf32>
          %max3A_1845 = arith.constant 0.000000e+00 : f32
          %max3A_1846 = vector.broadcast %max3A_1845 : f32 to vector<16xf32>
          %max3A_1847 = arith.maximumf %sub3A_1844, %max3A_1846 : vector<16xf32>
          %add3A_1848 = arith.constant 1280 : i32
          %add3A_1849 = arith.addi %add3A_1848, %mul3A_1838 : i32
          %get3A_1850 = arith.index_cast %add3A_1849 : i32 to index
          %get3A_1851 = tpu.vector_load %arg22[%get3A_1850] {strides = array<i32>} : memref<3840xf32, #tpu.memory_space<vmem>>, vector<16xf32>,
          %min3A_1852 = arith.minimumf %add3A_1802, %get3A_1851 : vector<16xf32>
          %add3A_1853 = arith.constant 1280 : i32
          %add3A_1854 = arith.addi %add3A_1853, %mul3A_1838 : i32
          %get3A_1855 = arith.index_cast %add3A_1854 : i32 to index
          %get3A_1856 = tpu.vector_load %arg21[%get3A_1855] {strides = array<i32>} : memref<3840xf32, #tpu.memory_space<vmem>>, vector<16xf32>,
          %max3A_1857 = arith.maximumf %sub3A_1801, %get3A_1856 : vector<16xf32>
          %sub3A_1858 = arith.subf %min3A_1852, %max3A_1857 : vector<16xf32>
          %max3A_1859 = arith.constant 0.000000e+00 : f32
          %max3A_1860 = vector.broadcast %max3A_1859 : f32 to vector<16xf32>
          %max3A_1861 = arith.maximumf %sub3A_1858, %max3A_1860 : vector<16xf32>
          %add3A_1862 = arith.constant 2560 : i32
          %add3A_1863 = arith.addi %add3A_1862, %mul3A_1838 : i32
          %get3A_1864 = arith.index_cast %add3A_1863 : i32 to index
          %get3A_1865 = tpu.vector_load %arg22[%get3A_1864] {strides = array<i32>} : memref<3840xf32, #tpu.memory_space<vmem>>, vector<16xf32>,
          %min3A_1866 = arith.minimumf %add3A_1804, %get3A_1865 : vector<16xf32>
          %add3A_1867 = arith.constant 2560 : i32
          %add3A_1868 = arith.addi %add3A_1867, %mul3A_1838 : i32
          %get3A_1869 = arith.index_cast %add3A_1868 : i32 to index
          %get3A_1870 = tpu.vector_load %arg21[%get3A_1869] {strides = array<i32>} : memref<3840xf32, #tpu.memory_space<vmem>>, vector<16xf32>,
          %max3A_1871 = arith.maximumf %sub3A_1803, %get3A_1870 : vector<16xf32>
          %sub3A_1872 = arith.subf %min3A_1866, %max3A_1871 : vector<16xf32>
          %max3A_1873 = arith.constant 0.000000e+00 : f32
          %max3A_1874 = vector.broadcast %max3A_1873 : f32 to vector<16xf32>
          %max3A_1875 = arith.maximumf %sub3A_1872, %max3A_1874 : vector<16xf32>
          %mul3A_1876 = arith.mulf %max3A_1847, %max3A_1861 : vector<16xf32>
          %mul3A_1877 = arith.mulf %mul3A_1876, %max3A_1875 : vector<16xf32>
          %get3A_1878 = arith.index_cast %mul3A_1838 : i32 to index
          %get3A_1879 = tpu.vector_load %arg23[%get3A_1878] {strides = array<i32>} : memref<1280xf32, #tpu.memory_space<vmem>>, vector<16xf32>,
          %add3A_1880 = arith.addf %mul3A_1806, %get3A_1879 : vector<16xf32>
          %sub3A_1881 = arith.subf %add3A_1880, %mul3A_1877 : vector<16xf32>
          %max3A_1882 = arith.constant 9.99999997E-7 : f32
          %max3A_1883 = vector.broadcast %max3A_1882 : f32 to vector<16xf32>
          %max3A_1884 = arith.maximumf %sub3A_1881, %max3A_1883 : vector<16xf32>
          %mul3A_1885 = arith.mulf %mul3A_1877, %while3A_1835 : vector<16xf32>
          %mul3A_1886 = arith.mulf %while3A_1834, %max3A_1884 : vector<16xf32>
          %gt3A_1887 = arith.cmpf ogt, %mul3A_1885, %mul3A_1886 : vector<16xf32>
          %add3A_1888 = vector.broadcast %while3A_1833 : i32 to vector<16xi32>
          %add3A_1889 = arith.addi %broadcast_in_dim3A_67, %add3A_1888 : vector<16xi32>
          %select_n3A_1890 = arith.select %gt3A_1887, %mul3A_1877, %while3A_1834 : vector<16xi1>, vector<16xf32>
          %select_n3A_1891 = arith.select %gt3A_1887, %max3A_1884, %while3A_1835 : vector<16xi1>, vector<16xf32>
          %select_n3A_1892 = arith.select %gt3A_1887, %add3A_1889, %while3A_1836 : vector<16xi1>, vector<16xi32>
          scf.yield %select_n3A_1890, %select_n3A_1891, %select_n3A_1892 : vector<16xf32>, vector<16xf32>, vector<16xi32>
        }
        %while3A_1821 = arith.constant 1 : i32
        %while3A_1822:3 = scf.for %while3A_1833 = %while3A_1818 to %while3A_1814 step %while3A_1821 iter_args(%while3A_1834 = %while3A_1820#0, %while3A_1835 = %while3A_1820#1, %while3A_1836 = %while3A_1820#2) -> (vector<16xf32>, vector<16xf32>, vector<16xi32>)  : i32 {
          %mul3A_1837 = arith.constant 16 : i32
          %mul3A_1838 = arith.muli %while3A_1833, %mul3A_1837 : i32
          %get3A_1839 = arith.index_cast %mul3A_1838 : i32 to index
          %get3A_1840 = tpu.vector_load %arg22[%get3A_1839] {strides = array<i32>} : memref<3840xf32, #tpu.memory_space<vmem>>, vector<16xf32>,
          %min3A = arith.minimumf %add3A_1800, %get3A_1840 : vector<16xf32>
          %get3A_1841 = arith.index_cast %mul3A_1838 : i32 to index
          %get3A_1842 = tpu.vector_load %arg21[%get3A_1841] {strides = array<i32>} : memref<3840xf32, #tpu.memory_space<vmem>>, vector<16xf32>,
          %max3A_1843 = arith.maximumf %sub3A_1799, %get3A_1842 : vector<16xf32>
          %sub3A_1844 = arith.subf %min3A, %max3A_1843 : vector<16xf32>
          %max3A_1845 = arith.constant 0.000000e+00 : f32
          %max3A_1846 = vector.broadcast %max3A_1845 : f32 to vector<16xf32>
          %max3A_1847 = arith.maximumf %sub3A_1844, %max3A_1846 : vector<16xf32>
          %add3A_1848 = arith.constant 1280 : i32
          %add3A_1849 = arith.addi %add3A_1848, %mul3A_1838 : i32
          %get3A_1850 = arith.index_cast %add3A_1849 : i32 to index
          %get3A_1851 = tpu.vector_load %arg22[%get3A_1850] {strides = array<i32>} : memref<3840xf32, #tpu.memory_space<vmem>>, vector<16xf32>,
          %min3A_1852 = arith.minimumf %add3A_1802, %get3A_1851 : vector<16xf32>
          %add3A_1853 = arith.constant 1280 : i32
          %add3A_1854 = arith.addi %add3A_1853, %mul3A_1838 : i32
          %get3A_1855 = arith.index_cast %add3A_1854 : i32 to index
          %get3A_1856 = tpu.vector_load %arg21[%get3A_1855] {strides = array<i32>} : memref<3840xf32, #tpu.memory_space<vmem>>, vector<16xf32>,
          %max3A_1857 = arith.maximumf %sub3A_1801, %get3A_1856 : vector<16xf32>
          %sub3A_1858 = arith.subf %min3A_1852, %max3A_1857 : vector<16xf32>
          %max3A_1859 = arith.constant 0.000000e+00 : f32
          %max3A_1860 = vector.broadcast %max3A_1859 : f32 to vector<16xf32>
          %max3A_1861 = arith.maximumf %sub3A_1858, %max3A_1860 : vector<16xf32>
          %add3A_1862 = arith.constant 2560 : i32
          %add3A_1863 = arith.addi %add3A_1862, %mul3A_1838 : i32
          %get3A_1864 = arith.index_cast %add3A_1863 : i32 to index
          %get3A_1865 = tpu.vector_load %arg22[%get3A_1864] {strides = array<i32>} : memref<3840xf32, #tpu.memory_space<vmem>>, vector<16xf32>,
          %min3A_1866 = arith.minimumf %add3A_1804, %get3A_1865 : vector<16xf32>
          %add3A_1867 = arith.constant 2560 : i32
          %add3A_1868 = arith.addi %add3A_1867, %mul3A_1838 : i32
          %get3A_1869 = arith.index_cast %add3A_1868 : i32 to index
          %get3A_1870 = tpu.vector_load %arg21[%get3A_1869] {strides = array<i32>} : memref<3840xf32, #tpu.memory_space<vmem>>, vector<16xf32>,
          %max3A_1871 = arith.maximumf %sub3A_1803, %get3A_1870 : vector<16xf32>
          %sub3A_1872 = arith.subf %min3A_1866, %max3A_1871 : vector<16xf32>
          %max3A_1873 = arith.constant 0.000000e+00 : f32
          %max3A_1874 = vector.broadcast %max3A_1873 : f32 to vector<16xf32>
          %max3A_1875 = arith.maximumf %sub3A_1872, %max3A_1874 : vector<16xf32>
          %mul3A_1876 = arith.mulf %max3A_1847, %max3A_1861 : vector<16xf32>
          %mul3A_1877 = arith.mulf %mul3A_1876, %max3A_1875 : vector<16xf32>
          %get3A_1878 = arith.index_cast %mul3A_1838 : i32 to index
          %get3A_1879 = tpu.vector_load %arg23[%get3A_1878] {strides = array<i32>} : memref<1280xf32, #tpu.memory_space<vmem>>, vector<16xf32>,
          %add3A_1880 = arith.addf %mul3A_1806, %get3A_1879 : vector<16xf32>
          %sub3A_1881 = arith.subf %add3A_1880, %mul3A_1877 : vector<16xf32>
          %max3A_1882 = arith.constant 9.99999997E-7 : f32
          %max3A_1883 = vector.broadcast %max3A_1882 : f32 to vector<16xf32>
          %max3A_1884 = arith.maximumf %sub3A_1881, %max3A_1883 : vector<16xf32>
          %mul3A_1885 = arith.mulf %mul3A_1877, %while3A_1835 : vector<16xf32>
          %mul3A_1886 = arith.mulf %while3A_1834, %max3A_1884 : vector<16xf32>
          %gt3A_1887 = arith.cmpf ogt, %mul3A_1885, %mul3A_1886 : vector<16xf32>
          %add3A_1888 = vector.broadcast %while3A_1833 : i32 to vector<16xi32>
          %add3A_1889 = arith.addi %broadcast_in_dim3A_67, %add3A_1888 : vector<16xi32>
          %select_n3A_1890 = arith.select %gt3A_1887, %mul3A_1877, %while3A_1834 : vector<16xi1>, vector<16xf32>
          %select_n3A_1891 = arith.select %gt3A_1887, %max3A_1884, %while3A_1835 : vector<16xi1>, vector<16xf32>
          %select_n3A_1892 = arith.select %gt3A_1887, %add3A_1889, %while3A_1836 : vector<16xi1>, vector<16xi32>
          scf.yield %select_n3A_1890, %select_n3A_1891, %select_n3A_1892 : vector<16xf32>, vector<16xf32>, vector<16xi32>
        }
        %div3A_1823 = arith.divf %while3A_1822#0, %while3A_1822#1 : vector<16xf32>
        %max3A = arith.constant 0 : i32
        %max3A_1824 = vector.broadcast %max3A : i32 to vector<16xi32>
        %max3A_1825 = arith.maxsi %while3A_1822#2, %max3A_1824 : vector<16xi32>
        %gather3A_1826 = tpu.vector_load_idx %arg24[%max3A_1825] : memref<80xi32, #tpu.memory_space<vmem>>[vector<16xi32>], vector<16xi32>,
        %lt3A_1827 = arith.constant 0 : i32
        %lt3A_1828 = vector.broadcast %lt3A_1827 : i32 to vector<16xi32>
        %lt3A_1829 = arith.cmpi slt, %while3A_1822#2, %lt3A_1828 : vector<16xi32>
        %jit3A_1830 = arith.constant 0 : i32
        %broadcast_in_dim3A_1831 = vector.broadcast %jit3A_1830 : i32 to vector<16xi32>
        %select_n3A_1832 = arith.select %lt3A_1829, %broadcast_in_dim3A_1831, %gather3A_1826 : vector<16xi1>, vector<16xi32>
        tpu.vector_store_idx %arg26[%and3A_1778], %div3A_1823 masked %lt3A_1783 : memref<1024xf32, #tpu.memory_space<vmem>>[vector<16xi32>], vector<16xf32>, vector<16xi1>
        tpu.vector_store_idx %arg27[%and3A_1778], %select_n3A_1832 masked %lt3A_1783 : memref<1024xi32, #tpu.memory_space<vmem>>[vector<16xi32>], vector<16xi32>, vector<16xi1>
      }
      %while3A_1769 = arith.constant 1 : i32
      scf.for %while3A_1770 = %while3A_1767 to %while3A_1763 step %while3A_1769  : i32 {
        %mul3A_1771 = arith.constant 16 : i32
        %mul3A_1772 = arith.muli %while3A_1770, %mul3A_1771 : i32
        %add3A_1773 = arith.addi %mul3A_1696, %mul3A_1772 : i32
        %get3A_1774 = arith.index_cast %add3A_1773 : i32 to index
        %get3A_1775 = tpu.vector_load %arg25[%get3A_1774] {strides = array<i32>} : memref<3072xi32, #tpu.memory_space<vmem>>, vector<16xi32>,
        %and3A_1776 = arith.constant 1023 : i32
        %and3A_1777 = vector.broadcast %and3A_1776 : i32 to vector<16xi32>
        %and3A_1778 = arith.andi %get3A_1775, %and3A_1777 : vector<16xi32>
        %mul3A_1779 = arith.constant 16 : i32
        %mul3A_1780 = arith.muli %while3A_1770, %mul3A_1779 : i32
        %sub3A_1781 = arith.subi %reduce_max3A_1709, %mul3A_1780 : i32
        %lt3A_1782 = vector.broadcast %sub3A_1781 : i32 to vector<16xi32>
        %lt3A_1783 = arith.cmpi slt, %iota3A, %lt3A_1782 : vector<16xi32>
        %gather3A_1784 = tpu.vector_load_idx %arg16[%add3A_70, %and3A_1778] : memref<7x1024xf32, #tpu.memory_space<vmem>>[vector<16xi32>, vector<16xi32>], vector<16xf32>,
        %gather3A_1785 = tpu.vector_load_idx %arg16[%add3A_73, %and3A_1778] : memref<7x1024xf32, #tpu.memory_space<vmem>>[vector<16xi32>, vector<16xi32>], vector<16xf32>,
        %gather3A_1786 = tpu.vector_load_idx %arg16[%add3A_76, %and3A_1778] : memref<7x1024xf32, #tpu.memory_space<vmem>>[vector<16xi32>, vector<16xi32>], vector<16xf32>,
        %gather3A_1787 = tpu.vector_load_idx %arg16[%add3A_79, %and3A_1778] : memref<7x1024xf32, #tpu.memory_space<vmem>>[vector<16xi32>, vector<16xi32>], vector<16xf32>,
        %gather3A_1788 = tpu.vector_load_idx %arg16[%add3A_82, %and3A_1778] : memref<7x1024xf32, #tpu.memory_space<vmem>>[vector<16xi32>, vector<16xi32>], vector<16xf32>,
        %gather3A_1789 = tpu.vector_load_idx %arg16[%add3A_85, %and3A_1778] : memref<7x1024xf32, #tpu.memory_space<vmem>>[vector<16xi32>, vector<16xi32>], vector<16xf32>,
        %mul3A_1790 = arith.constant 5.000000e-01 : f32
        %mul3A_1791 = vector.broadcast %mul3A_1790 : f32 to vector<16xf32>
        %mul3A_1792 = arith.mulf %gather3A_1787, %mul3A_1791 : vector<16xf32>
        %mul3A_1793 = arith.constant 5.000000e-01 : f32
        %mul3A_1794 = vector.broadcast %mul3A_1793 : f32 to vector<16xf32>
        %mul3A_1795 = arith.mulf %gather3A_1788, %mul3A_1794 : vector<16xf32>
        %mul3A_1796 = arith.constant 5.000000e-01 : f32
        %mul3A_1797 = vector.broadcast %mul3A_1796 : f32 to vector<16xf32>
        %mul3A_1798 = arith.mulf %gather3A_1789, %mul3A_1797 : vector<16xf32>
        %sub3A_1799 = arith.subf %gather3A_1784, %mul3A_1792 : vector<16xf32>
        %add3A_1800 = arith.addf %gather3A_1784, %mul3A_1792 : vector<16xf32>
        %sub3A_1801 = arith.subf %gather3A_1785, %mul3A_1795 : vector<16xf32>
        %add3A_1802 = arith.addf %gather3A_1785, %mul3A_1795 : vector<16xf32>
        %sub3A_1803 = arith.subf %gather3A_1786, %mul3A_1798 : vector<16xf32>
        %add3A_1804 = arith.addf %gather3A_1786, %mul3A_1798 : vector<16xf32>
        %mul3A_1805 = arith.mulf %gather3A_1787, %gather3A_1788 : vector<16xf32>
        %mul3A_1806 = arith.mulf %mul3A_1805, %gather3A_1789 : vector<16xf32>
        %broadcast_in_dim3A_1807 = arith.constant 0.000000e+00 : f32
        %broadcast_in_dim3A_1808 = vector.broadcast %broadcast_in_dim3A_1807 : f32 to vector<16xf32>
        %broadcast_in_dim3A_1809 = arith.constant 1.000000e+00 : f32
        %broadcast_in_dim3A_1810 = vector.broadcast %broadcast_in_dim3A_1809 : f32 to vector<16xf32>
        %broadcast_in_dim3A_1811 = arith.constant -1 : i32
        %broadcast_in_dim3A_1812 = vector.broadcast %broadcast_in_dim3A_1811 : i32 to vector<16xi32>
        %while3A_1813 = arith.subi %add3A_1738, %reduce_max3A_1723 : i32
        %while3A_1814 = arith.addi %reduce_max3A_1723, %while3A_1813 : i32
        %while3A_1815 = arith.constant 1 : i32
        %while3A_1816 = arith.divsi %while3A_1813, %while3A_1815 : i32
        %while3A_1817 = arith.muli %while3A_1816, %while3A_1815 : i32
        %while3A_1818 = arith.addi %reduce_max3A_1723, %while3A_1817 : i32
        %while3A_1819 = arith.constant 1 : i32
        %while3A_1820:3 = scf.for %while3A_1833 = %reduce_max3A_1723 to %while3A_1818 step %while3A_1819 iter_args(%while3A_1834 = %broadcast_in_dim3A_1808, %while3A_1835 = %broadcast_in_dim3A_1810, %while3A_1836 = %broadcast_in_dim3A_1812) -> (vector<16xf32>, vector<16xf32>, vector<16xi32>)  : i32 {
          %mul3A_1837 = arith.constant 16 : i32
          %mul3A_1838 = arith.muli %while3A_1833, %mul3A_1837 : i32
          %get3A_1839 = arith.index_cast %mul3A_1838 : i32 to index
          %get3A_1840 = tpu.vector_load %arg22[%get3A_1839] {strides = array<i32>} : memref<3840xf32, #tpu.memory_space<vmem>>, vector<16xf32>,
          %min3A = arith.minimumf %add3A_1800, %get3A_1840 : vector<16xf32>
          %get3A_1841 = arith.index_cast %mul3A_1838 : i32 to index
          %get3A_1842 = tpu.vector_load %arg21[%get3A_1841] {strides = array<i32>} : memref<3840xf32, #tpu.memory_space<vmem>>, vector<16xf32>,
          %max3A_1843 = arith.maximumf %sub3A_1799, %get3A_1842 : vector<16xf32>
          %sub3A_1844 = arith.subf %min3A, %max3A_1843 : vector<16xf32>
          %max3A_1845 = arith.constant 0.000000e+00 : f32
          %max3A_1846 = vector.broadcast %max3A_1845 : f32 to vector<16xf32>
          %max3A_1847 = arith.maximumf %sub3A_1844, %max3A_1846 : vector<16xf32>
          %add3A_1848 = arith.constant 1280 : i32
          %add3A_1849 = arith.addi %add3A_1848, %mul3A_1838 : i32
          %get3A_1850 = arith.index_cast %add3A_1849 : i32 to index
          %get3A_1851 = tpu.vector_load %arg22[%get3A_1850] {strides = array<i32>} : memref<3840xf32, #tpu.memory_space<vmem>>, vector<16xf32>,
          %min3A_1852 = arith.minimumf %add3A_1802, %get3A_1851 : vector<16xf32>
          %add3A_1853 = arith.constant 1280 : i32
          %add3A_1854 = arith.addi %add3A_1853, %mul3A_1838 : i32
          %get3A_1855 = arith.index_cast %add3A_1854 : i32 to index
          %get3A_1856 = tpu.vector_load %arg21[%get3A_1855] {strides = array<i32>} : memref<3840xf32, #tpu.memory_space<vmem>>, vector<16xf32>,
          %max3A_1857 = arith.maximumf %sub3A_1801, %get3A_1856 : vector<16xf32>
          %sub3A_1858 = arith.subf %min3A_1852, %max3A_1857 : vector<16xf32>
          %max3A_1859 = arith.constant 0.000000e+00 : f32
          %max3A_1860 = vector.broadcast %max3A_1859 : f32 to vector<16xf32>
          %max3A_1861 = arith.maximumf %sub3A_1858, %max3A_1860 : vector<16xf32>
          %add3A_1862 = arith.constant 2560 : i32
          %add3A_1863 = arith.addi %add3A_1862, %mul3A_1838 : i32
          %get3A_1864 = arith.index_cast %add3A_1863 : i32 to index
          %get3A_1865 = tpu.vector_load %arg22[%get3A_1864] {strides = array<i32>} : memref<3840xf32, #tpu.memory_space<vmem>>, vector<16xf32>,
          %min3A_1866 = arith.minimumf %add3A_1804, %get3A_1865 : vector<16xf32>
          %add3A_1867 = arith.constant 2560 : i32
          %add3A_1868 = arith.addi %add3A_1867, %mul3A_1838 : i32
          %get3A_1869 = arith.index_cast %add3A_1868 : i32 to index
          %get3A_1870 = tpu.vector_load %arg21[%get3A_1869] {strides = array<i32>} : memref<3840xf32, #tpu.memory_space<vmem>>, vector<16xf32>,
          %max3A_1871 = arith.maximumf %sub3A_1803, %get3A_1870 : vector<16xf32>
          %sub3A_1872 = arith.subf %min3A_1866, %max3A_1871 : vector<16xf32>
          %max3A_1873 = arith.constant 0.000000e+00 : f32
          %max3A_1874 = vector.broadcast %max3A_1873 : f32 to vector<16xf32>
          %max3A_1875 = arith.maximumf %sub3A_1872, %max3A_1874 : vector<16xf32>
          %mul3A_1876 = arith.mulf %max3A_1847, %max3A_1861 : vector<16xf32>
          %mul3A_1877 = arith.mulf %mul3A_1876, %max3A_1875 : vector<16xf32>
          %get3A_1878 = arith.index_cast %mul3A_1838 : i32 to index
          %get3A_1879 = tpu.vector_load %arg23[%get3A_1878] {strides = array<i32>} : memref<1280xf32, #tpu.memory_space<vmem>>, vector<16xf32>,
          %add3A_1880 = arith.addf %mul3A_1806, %get3A_1879 : vector<16xf32>
          %sub3A_1881 = arith.subf %add3A_1880, %mul3A_1877 : vector<16xf32>
          %max3A_1882 = arith.constant 9.99999997E-7 : f32
          %max3A_1883 = vector.broadcast %max3A_1882 : f32 to vector<16xf32>
          %max3A_1884 = arith.maximumf %sub3A_1881, %max3A_1883 : vector<16xf32>
          %mul3A_1885 = arith.mulf %mul3A_1877, %while3A_1835 : vector<16xf32>
          %mul3A_1886 = arith.mulf %while3A_1834, %max3A_1884 : vector<16xf32>
          %gt3A_1887 = arith.cmpf ogt, %mul3A_1885, %mul3A_1886 : vector<16xf32>
          %add3A_1888 = vector.broadcast %while3A_1833 : i32 to vector<16xi32>
          %add3A_1889 = arith.addi %broadcast_in_dim3A_67, %add3A_1888 : vector<16xi32>
          %select_n3A_1890 = arith.select %gt3A_1887, %mul3A_1877, %while3A_1834 : vector<16xi1>, vector<16xf32>
          %select_n3A_1891 = arith.select %gt3A_1887, %max3A_1884, %while3A_1835 : vector<16xi1>, vector<16xf32>
          %select_n3A_1892 = arith.select %gt3A_1887, %add3A_1889, %while3A_1836 : vector<16xi1>, vector<16xi32>
          scf.yield %select_n3A_1890, %select_n3A_1891, %select_n3A_1892 : vector<16xf32>, vector<16xf32>, vector<16xi32>
        }
        %while3A_1821 = arith.constant 1 : i32
        %while3A_1822:3 = scf.for %while3A_1833 = %while3A_1818 to %while3A_1814 step %while3A_1821 iter_args(%while3A_1834 = %while3A_1820#0, %while3A_1835 = %while3A_1820#1, %while3A_1836 = %while3A_1820#2) -> (vector<16xf32>, vector<16xf32>, vector<16xi32>)  : i32 {
          %mul3A_1837 = arith.constant 16 : i32
          %mul3A_1838 = arith.muli %while3A_1833, %mul3A_1837 : i32
          %get3A_1839 = arith.index_cast %mul3A_1838 : i32 to index
          %get3A_1840 = tpu.vector_load %arg22[%get3A_1839] {strides = array<i32>} : memref<3840xf32, #tpu.memory_space<vmem>>, vector<16xf32>,
          %min3A = arith.minimumf %add3A_1800, %get3A_1840 : vector<16xf32>
          %get3A_1841 = arith.index_cast %mul3A_1838 : i32 to index
          %get3A_1842 = tpu.vector_load %arg21[%get3A_1841] {strides = array<i32>} : memref<3840xf32, #tpu.memory_space<vmem>>, vector<16xf32>,
          %max3A_1843 = arith.maximumf %sub3A_1799, %get3A_1842 : vector<16xf32>
          %sub3A_1844 = arith.subf %min3A, %max3A_1843 : vector<16xf32>
          %max3A_1845 = arith.constant 0.000000e+00 : f32
          %max3A_1846 = vector.broadcast %max3A_1845 : f32 to vector<16xf32>
          %max3A_1847 = arith.maximumf %sub3A_1844, %max3A_1846 : vector<16xf32>
          %add3A_1848 = arith.constant 1280 : i32
          %add3A_1849 = arith.addi %add3A_1848, %mul3A_1838 : i32
          %get3A_1850 = arith.index_cast %add3A_1849 : i32 to index
          %get3A_1851 = tpu.vector_load %arg22[%get3A_1850] {strides = array<i32>} : memref<3840xf32, #tpu.memory_space<vmem>>, vector<16xf32>,
          %min3A_1852 = arith.minimumf %add3A_1802, %get3A_1851 : vector<16xf32>
          %add3A_1853 = arith.constant 1280 : i32
          %add3A_1854 = arith.addi %add3A_1853, %mul3A_1838 : i32
          %get3A_1855 = arith.index_cast %add3A_1854 : i32 to index
          %get3A_1856 = tpu.vector_load %arg21[%get3A_1855] {strides = array<i32>} : memref<3840xf32, #tpu.memory_space<vmem>>, vector<16xf32>,
          %max3A_1857 = arith.maximumf %sub3A_1801, %get3A_1856 : vector<16xf32>
          %sub3A_1858 = arith.subf %min3A_1852, %max3A_1857 : vector<16xf32>
          %max3A_1859 = arith.constant 0.000000e+00 : f32
          %max3A_1860 = vector.broadcast %max3A_1859 : f32 to vector<16xf32>
          %max3A_1861 = arith.maximumf %sub3A_1858, %max3A_1860 : vector<16xf32>
          %add3A_1862 = arith.constant 2560 : i32
          %add3A_1863 = arith.addi %add3A_1862, %mul3A_1838 : i32
          %get3A_1864 = arith.index_cast %add3A_1863 : i32 to index
          %get3A_1865 = tpu.vector_load %arg22[%get3A_1864] {strides = array<i32>} : memref<3840xf32, #tpu.memory_space<vmem>>, vector<16xf32>,
          %min3A_1866 = arith.minimumf %add3A_1804, %get3A_1865 : vector<16xf32>
          %add3A_1867 = arith.constant 2560 : i32
          %add3A_1868 = arith.addi %add3A_1867, %mul3A_1838 : i32
          %get3A_1869 = arith.index_cast %add3A_1868 : i32 to index
          %get3A_1870 = tpu.vector_load %arg21[%get3A_1869] {strides = array<i32>} : memref<3840xf32, #tpu.memory_space<vmem>>, vector<16xf32>,
          %max3A_1871 = arith.maximumf %sub3A_1803, %get3A_1870 : vector<16xf32>
          %sub3A_1872 = arith.subf %min3A_1866, %max3A_1871 : vector<16xf32>
          %max3A_1873 = arith.constant 0.000000e+00 : f32
          %max3A_1874 = vector.broadcast %max3A_1873 : f32 to vector<16xf32>
          %max3A_1875 = arith.maximumf %sub3A_1872, %max3A_1874 : vector<16xf32>
          %mul3A_1876 = arith.mulf %max3A_1847, %max3A_1861 : vector<16xf32>
          %mul3A_1877 = arith.mulf %mul3A_1876, %max3A_1875 : vector<16xf32>
          %get3A_1878 = arith.index_cast %mul3A_1838 : i32 to index
          %get3A_1879 = tpu.vector_load %arg23[%get3A_1878] {strides = array<i32>} : memref<1280xf32, #tpu.memory_space<vmem>>, vector<16xf32>,
          %add3A_1880 = arith.addf %mul3A_1806, %get3A_1879 : vector<16xf32>
          %sub3A_1881 = arith.subf %add3A_1880, %mul3A_1877 : vector<16xf32>
          %max3A_1882 = arith.constant 9.99999997E-7 : f32
          %max3A_1883 = vector.broadcast %max3A_1882 : f32 to vector<16xf32>
          %max3A_1884 = arith.maximumf %sub3A_1881, %max3A_1883 : vector<16xf32>
          %mul3A_1885 = arith.mulf %mul3A_1877, %while3A_1835 : vector<16xf32>
          %mul3A_1886 = arith.mulf %while3A_1834, %max3A_1884 : vector<16xf32>
          %gt3A_1887 = arith.cmpf ogt, %mul3A_1885, %mul3A_1886 : vector<16xf32>
          %add3A_1888 = vector.broadcast %while3A_1833 : i32 to vector<16xi32>
          %add3A_1889 = arith.addi %broadcast_in_dim3A_67, %add3A_1888 : vector<16xi32>
          %select_n3A_1890 = arith.select %gt3A_1887, %mul3A_1877, %while3A_1834 : vector<16xi1>, vector<16xf32>
          %select_n3A_1891 = arith.select %gt3A_1887, %max3A_1884, %while3A_1835 : vector<16xi1>, vector<16xf32>
          %select_n3A_1892 = arith.select %gt3A_1887, %add3A_1889, %while3A_1836 : vector<16xi1>, vector<16xi32>
          scf.yield %select_n3A_1890, %select_n3A_1891, %select_n3A_1892 : vector<16xf32>, vector<16xf32>, vector<16xi32>
        }
        %div3A_1823 = arith.divf %while3A_1822#0, %while3A_1822#1 : vector<16xf32>
        %max3A = arith.constant 0 : i32
        %max3A_1824 = vector.broadcast %max3A : i32 to vector<16xi32>
        %max3A_1825 = arith.maxsi %while3A_1822#2, %max3A_1824 : vector<16xi32>
        %gather3A_1826 = tpu.vector_load_idx %arg24[%max3A_1825] : memref<80xi32, #tpu.memory_space<vmem>>[vector<16xi32>], vector<16xi32>,
        %lt3A_1827 = arith.constant 0 : i32
        %lt3A_1828 = vector.broadcast %lt3A_1827 : i32 to vector<16xi32>
        %lt3A_1829 = arith.cmpi slt, %while3A_1822#2, %lt3A_1828 : vector<16xi32>
        %jit3A_1830 = arith.constant 0 : i32
        %broadcast_in_dim3A_1831 = vector.broadcast %jit3A_1830 : i32 to vector<16xi32>
        %select_n3A_1832 = arith.select %lt3A_1829, %broadcast_in_dim3A_1831, %gather3A_1826 : vector<16xi1>, vector<16xi32>
        tpu.vector_store_idx %arg26[%and3A_1778], %div3A_1823 masked %lt3A_1783 : memref<1024xf32, #tpu.memory_space<vmem>>[vector<16xi32>], vector<16xf32>, vector<16xi1>
        tpu.vector_store_idx %arg27[%and3A_1778], %select_n3A_1832 masked %lt3A_1783 : memref<1024xi32, #tpu.memory_space<vmem>>[vector<16xi32>], vector<16xi32>, vector<16xi1>
      }
    }
    %scan3A_622 = arith.constant 3 : i32
    %scan3A_623 = arith.constant 0 : i32
    %scan3A_624 = arith.constant 32 : i32
    %scan3A_625 = arith.addi %scan3A_623, %scan3A_624 : i32
    %scan3A_626 = arith.constant 1 : i32
    %scan3A_627:3 = scf.for %scan3A_1694 = %scan3A_623 to %scan3A_625 step %scan3A_626 iter_args(%scan3A_1695 = %broadcast_in_dim3A_67, %scan3A_1696 = %broadcast_in_dim3A_67, %scan3A_1697 = %broadcast_in_dim3A_67) -> (vector<16xi32>, vector<16xi32>, vector<16xi32>)  : i32 {
      %mul3A_1698 = arith.constant 16 : i32
      %mul3A_1699 = arith.muli %scan3A_1694, %mul3A_1698 : i32
      %add3A_1700 = arith.constant 0 : i32
      %add3A_1701 = arith.addi %add3A_1700, %mul3A_1699 : i32
      %get3A_1702 = arith.index_cast %add3A_1701 : i32 to index
      %get3A_1703 = tpu.vector_load %arg20[%get3A_1702] {strides = array<i32>} : memref<1536xi32, #tpu.memory_space<vmem>>, vector<16xi32>,
      %and3A_1704 = arith.constant 65535 : i32
      %and3A_1705 = vector.broadcast %and3A_1704 : i32 to vector<16xi32>
      %and3A_1706 = arith.andi %get3A_1703, %and3A_1705 : vector<16xi32>
      %shift_right_arithmetic3A = arith.constant 16 : i32
      %shift_right_arithmetic3A_1707 = vector.broadcast %shift_right_arithmetic3A : i32 to vector<16xi32>
      %shift_right_arithmetic3A_1708 = arith.shrsi %get3A_1703, %shift_right_arithmetic3A_1707 : vector<16xi32>
      %gather3A_1709 = tpu.vector_load_idx %arg26[%and3A_1706] : memref<1024xf32, #tpu.memory_space<vmem>>[vector<16xi32>], vector<16xf32>,
      %ge3A = arith.constant 5.500000e-01 : f32
      %ge3A_1710 = vector.broadcast %ge3A : f32 to vector<16xf32>
      %ge3A_1711 = arith.cmpf oge, %gather3A_1709, %ge3A_1710 : vector<16xf32>
      %convert_element_type3A_1712 = arith.extui %ge3A_1711 : vector<16xi1> to vector<16xi32>
      %broadcast_in_dim3A_1713 = arith.constant true
      %broadcast_in_dim3A_1714 = vector.broadcast %broadcast_in_dim3A_1713 : i1 to vector<16xi1>
      %masked_cumsum3A_1715 = tpu.scan <sum>, %convert_element_type3A_1712 masked %broadcast_in_dim3A_1714 : vector<16xi32>, vector<16xi1> -> vector<16xi32>
      %add3A_1716 = arith.addi %scan3A_1695, %masked_cumsum3A_1715 : vector<16xi32>
      %sub3A_1717 = arith.constant 1 : i32
      %sub3A_1718 = vector.broadcast %sub3A_1717 : i32 to vector<16xi32>
      %sub3A_1719 = arith.subi %add3A_1716, %sub3A_1718 : vector<16xi32>
      %lt3A_1720 = arith.constant 64 : i32
      %lt3A_1721 = vector.broadcast %lt3A_1720 : i32 to vector<16xi32>
      %lt3A_1722 = arith.cmpi slt, %sub3A_1719, %lt3A_1721 : vector<16xi32>
      %and3A_1723 = arith.andi %ge3A_1711, %lt3A_1722 : vector<16xi1>
      %add3A_1724 = arith.constant 0 : i32
      %add3A_1725 = vector.broadcast %add3A_1724 : i32 to vector<16xi32>
      %add3A_1726 = arith.addi %sub3A_1719, %add3A_1725 : vector<16xi32>
      tpu.vector_store_idx %arg28[%add3A_1726], %and3A_1706 masked %and3A_1723 : memref<128xi32, #tpu.memory_space<vmem>>[vector<16xi32>], vector<16xi32>, vector<16xi1>
      %all_reduce_population_count3A_1727 = tpu.all_reduce %ge3A_1711 {dim = 0 : i64, kind = #tpu.reduction_kind<sum>} : vector<16xi1> -> vector<16xi32>
      %add3A_1728 = arith.addi %scan3A_1695, %all_reduce_population_count3A_1727 : vector<16xi32>
      %gather3A_1729 = tpu.vector_load_idx %arg26[%shift_right_arithmetic3A_1708] : memref<1024xf32, #tpu.memory_space<vmem>>[vector<16xi32>], vector<16xf32>,
      %ge3A_1730 = arith.constant 5.500000e-01 : f32
      %ge3A_1731 = vector.broadcast %ge3A_1730 : f32 to vector<16xf32>
      %ge3A_1732 = arith.cmpf oge, %gather3A_1729, %ge3A_1731 : vector<16xf32>
      %convert_element_type3A_1733 = arith.extui %ge3A_1732 : vector<16xi1> to vector<16xi32>
      %broadcast_in_dim3A_1734 = arith.constant true
      %broadcast_in_dim3A_1735 = vector.broadcast %broadcast_in_dim3A_1734 : i1 to vector<16xi1>
      %masked_cumsum3A_1736 = tpu.scan <sum>, %convert_element_type3A_1733 masked %broadcast_in_dim3A_1735 : vector<16xi32>, vector<16xi1> -> vector<16xi32>
      %add3A_1737 = arith.addi %add3A_1728, %masked_cumsum3A_1736 : vector<16xi32>
      %sub3A_1738 = arith.constant 1 : i32
      %sub3A_1739 = vector.broadcast %sub3A_1738 : i32 to vector<16xi32>
      %sub3A_1740 = arith.subi %add3A_1737, %sub3A_1739 : vector<16xi32>
      %lt3A_1741 = arith.constant 64 : i32
      %lt3A_1742 = vector.broadcast %lt3A_1741 : i32 to vector<16xi32>
      %lt3A_1743 = arith.cmpi slt, %sub3A_1740, %lt3A_1742 : vector<16xi32>
      %and3A_1744 = arith.andi %ge3A_1732, %lt3A_1743 : vector<16xi1>
      %add3A_1745 = arith.constant 0 : i32
      %add3A_1746 = vector.broadcast %add3A_1745 : i32 to vector<16xi32>
      %add3A_1747 = arith.addi %sub3A_1740, %add3A_1746 : vector<16xi32>
      tpu.vector_store_idx %arg28[%add3A_1747], %shift_right_arithmetic3A_1708 masked %and3A_1744 : memref<128xi32, #tpu.memory_space<vmem>>[vector<16xi32>], vector<16xi32>, vector<16xi1>
      %all_reduce_population_count3A_1748 = tpu.all_reduce %ge3A_1732 {dim = 0 : i64, kind = #tpu.reduction_kind<sum>} : vector<16xi1> -> vector<16xi32>
      %add3A_1749 = arith.addi %add3A_1728, %all_reduce_population_count3A_1748 : vector<16xi32>
      %mul3A_1750 = arith.constant 16 : i32
      %mul3A_1751 = arith.muli %scan3A_1694, %mul3A_1750 : i32
      %add3A_1752 = arith.constant 512 : i32
      %add3A_1753 = arith.addi %add3A_1752, %mul3A_1751 : i32
      %get3A_1754 = arith.index_cast %add3A_1753 : i32 to index
      %get3A_1755 = tpu.vector_load %arg20[%get3A_1754] {strides = array<i32>} : memref<1536xi32, #tpu.memory_space<vmem>>, vector<16xi32>,
      %and3A_1756 = arith.constant 65535 : i32
      %and3A_1757 = vector.broadcast %and3A_1756 : i32 to vector<16xi32>
      %and3A_1758 = arith.andi %get3A_1755, %and3A_1757 : vector<16xi32>
      %shift_right_arithmetic3A_1759 = arith.constant 16 : i32
      %shift_right_arithmetic3A_1760 = vector.broadcast %shift_right_arithmetic3A_1759 : i32 to vector<16xi32>
      %shift_right_arithmetic3A_1761 = arith.shrsi %get3A_1755, %shift_right_arithmetic3A_1760 : vector<16xi32>
      %gather3A_1762 = tpu.vector_load_idx %arg26[%and3A_1758] : memref<1024xf32, #tpu.memory_space<vmem>>[vector<16xi32>], vector<16xf32>,
      %lt3A_1763 = arith.constant 5.500000e-01 : f32
      %lt3A_1764 = vector.broadcast %lt3A_1763 : f32 to vector<16xf32>
      %lt3A_1765 = arith.cmpf olt, %gather3A_1762, %lt3A_1764 : vector<16xf32>
      %ge3A_1766 = arith.constant 1.000000e-01 : f32
      %ge3A_1767 = vector.broadcast %ge3A_1766 : f32 to vector<16xf32>
      %ge3A_1768 = arith.cmpf oge, %gather3A_1762, %ge3A_1767 : vector<16xf32>
      %and3A_1769 = arith.andi %lt3A_1765, %ge3A_1768 : vector<16xi1>
      %convert_element_type3A_1770 = arith.extui %and3A_1769 : vector<16xi1> to vector<16xi32>
      %broadcast_in_dim3A_1771 = arith.constant true
      %broadcast_in_dim3A_1772 = vector.broadcast %broadcast_in_dim3A_1771 : i1 to vector<16xi1>
      %masked_cumsum3A_1773 = tpu.scan <sum>, %convert_element_type3A_1770 masked %broadcast_in_dim3A_1772 : vector<16xi32>, vector<16xi1> -> vector<16xi32>
      %add3A_1774 = arith.addi %scan3A_1696, %masked_cumsum3A_1773 : vector<16xi32>
      %sub3A_1775 = arith.constant 1 : i32
      %sub3A_1776 = vector.broadcast %sub3A_1775 : i32 to vector<16xi32>
      %sub3A_1777 = arith.subi %add3A_1774, %sub3A_1776 : vector<16xi32>
      %lt3A_1778 = arith.constant 51 : i32
      %lt3A_1779 = vector.broadcast %lt3A_1778 : i32 to vector<16xi32>
      %lt3A_1780 = arith.cmpi slt, %sub3A_1777, %lt3A_1779 : vector<16xi32>
      %and3A_1781 = arith.andi %and3A_1769, %lt3A_1780 : vector<16xi1>
      %add3A_1782 = arith.constant 64 : i32
      %add3A_1783 = vector.broadcast %add3A_1782 : i32 to vector<16xi32>
      %add3A_1784 = arith.addi %sub3A_1777, %add3A_1783 : vector<16xi32>
      tpu.vector_store_idx %arg28[%add3A_1784], %and3A_1758 masked %and3A_1781 : memref<128xi32, #tpu.memory_space<vmem>>[vector<16xi32>], vector<16xi32>, vector<16xi1>
      %all_reduce_population_count3A_1785 = tpu.all_reduce %and3A_1769 {dim = 0 : i64, kind = #tpu.reduction_kind<sum>} : vector<16xi1> -> vector<16xi32>
      %add3A_1786 = arith.addi %scan3A_1696, %all_reduce_population_count3A_1785 : vector<16xi32>
      %gather3A_1787 = tpu.vector_load_idx %arg26[%shift_right_arithmetic3A_1761] : memref<1024xf32, #tpu.memory_space<vmem>>[vector<16xi32>], vector<16xf32>,
      %lt3A_1788 = arith.constant 5.500000e-01 : f32
      %lt3A_1789 = vector.broadcast %lt3A_1788 : f32 to vector<16xf32>
      %lt3A_1790 = arith.cmpf olt, %gather3A_1787, %lt3A_1789 : vector<16xf32>
      %ge3A_1791 = arith.constant 1.000000e-01 : f32
      %ge3A_1792 = vector.broadcast %ge3A_1791 : f32 to vector<16xf32>
      %ge3A_1793 = arith.cmpf oge, %gather3A_1787, %ge3A_1792 : vector<16xf32>
      %and3A_1794 = arith.andi %lt3A_1790, %ge3A_1793 : vector<16xi1>
      %convert_element_type3A_1795 = arith.extui %and3A_1794 : vector<16xi1> to vector<16xi32>
      %broadcast_in_dim3A_1796 = arith.constant true
      %broadcast_in_dim3A_1797 = vector.broadcast %broadcast_in_dim3A_1796 : i1 to vector<16xi1>
      %masked_cumsum3A_1798 = tpu.scan <sum>, %convert_element_type3A_1795 masked %broadcast_in_dim3A_1797 : vector<16xi32>, vector<16xi1> -> vector<16xi32>
      %add3A_1799 = arith.addi %add3A_1786, %masked_cumsum3A_1798 : vector<16xi32>
      %sub3A_1800 = arith.constant 1 : i32
      %sub3A_1801 = vector.broadcast %sub3A_1800 : i32 to vector<16xi32>
      %sub3A_1802 = arith.subi %add3A_1799, %sub3A_1801 : vector<16xi32>
      %lt3A_1803 = arith.constant 51 : i32
      %lt3A_1804 = vector.broadcast %lt3A_1803 : i32 to vector<16xi32>
      %lt3A_1805 = arith.cmpi slt, %sub3A_1802, %lt3A_1804 : vector<16xi32>
      %and3A_1806 = arith.andi %and3A_1794, %lt3A_1805 : vector<16xi1>
      %add3A_1807 = arith.constant 64 : i32
      %add3A_1808 = vector.broadcast %add3A_1807 : i32 to vector<16xi32>
      %add3A_1809 = arith.addi %sub3A_1802, %add3A_1808 : vector<16xi32>
      tpu.vector_store_idx %arg28[%add3A_1809], %shift_right_arithmetic3A_1761 masked %and3A_1806 : memref<128xi32, #tpu.memory_space<vmem>>[vector<16xi32>], vector<16xi32>, vector<16xi1>
      %all_reduce_population_count3A_1810 = tpu.all_reduce %and3A_1794 {dim = 0 : i64, kind = #tpu.reduction_kind<sum>} : vector<16xi1> -> vector<16xi32>
      %add3A_1811 = arith.addi %add3A_1786, %all_reduce_population_count3A_1810 : vector<16xi32>
      %mul3A_1812 = arith.constant 16 : i32
      %mul3A_1813 = arith.muli %scan3A_1694, %mul3A_1812 : i32
      %add3A_1814 = arith.constant 1024 : i32
      %add3A_1815 = arith.addi %add3A_1814, %mul3A_1813 : i32
      %get3A_1816 = arith.index_cast %add3A_1815 : i32 to index
      %get3A_1817 = tpu.vector_load %arg20[%get3A_1816] {strides = array<i32>} : memref<1536xi32, #tpu.memory_space<vmem>>, vector<16xi32>,
      %and3A_1818 = arith.constant 65535 : i32
      %and3A_1819 = vector.broadcast %and3A_1818 : i32 to vector<16xi32>
      %and3A_1820 = arith.andi %get3A_1817, %and3A_1819 : vector<16xi32>
      %shift_right_arithmetic3A_1821 = arith.constant 16 : i32
      %shift_right_arithmetic3A_1822 = vector.broadcast %shift_right_arithmetic3A_1821 : i32 to vector<16xi32>
      %shift_right_arithmetic3A_1823 = arith.shrsi %get3A_1817, %shift_right_arithmetic3A_1822 : vector<16xi32>
      %gather3A_1824 = tpu.vector_load_idx %arg26[%and3A_1820] : memref<1024xf32, #tpu.memory_space<vmem>>[vector<16xi32>], vector<16xf32>,
      %lt3A_1825 = arith.constant 1.000000e-01 : f32
      %lt3A_1826 = vector.broadcast %lt3A_1825 : f32 to vector<16xf32>
      %lt3A_1827 = arith.cmpf olt, %gather3A_1824, %lt3A_1826 : vector<16xf32>
      %convert_element_type3A_1828 = arith.extui %lt3A_1827 : vector<16xi1> to vector<16xi32>
      %broadcast_in_dim3A_1829 = arith.constant true
      %broadcast_in_dim3A_1830 = vector.broadcast %broadcast_in_dim3A_1829 : i1 to vector<16xi1>
      %masked_cumsum3A_1831 = tpu.scan <sum>, %convert_element_type3A_1828 masked %broadcast_in_dim3A_1830 : vector<16xi32>, vector<16xi1> -> vector<16xi32>
      %add3A_1832 = arith.addi %scan3A_1697, %masked_cumsum3A_1831 : vector<16xi32>
      %sub3A_1833 = arith.constant 1 : i32
      %sub3A_1834 = vector.broadcast %sub3A_1833 : i32 to vector<16xi32>
      %sub3A_1835 = arith.subi %add3A_1832, %sub3A_1834 : vector<16xi32>
      %lt3A_1836 = arith.constant 13 : i32
      %lt3A_1837 = vector.broadcast %lt3A_1836 : i32 to vector<16xi32>
      %lt3A_1838 = arith.cmpi slt, %sub3A_1835, %lt3A_1837 : vector<16xi32>
      %and3A_1839 = arith.andi %lt3A_1827, %lt3A_1838 : vector<16xi1>
      %add3A_1840 = arith.constant 115 : i32
      %add3A_1841 = vector.broadcast %add3A_1840 : i32 to vector<16xi32>
      %add3A_1842 = arith.addi %sub3A_1835, %add3A_1841 : vector<16xi32>
      tpu.vector_store_idx %arg28[%add3A_1842], %and3A_1820 masked %and3A_1839 : memref<128xi32, #tpu.memory_space<vmem>>[vector<16xi32>], vector<16xi32>, vector<16xi1>
      %all_reduce_population_count3A_1843 = tpu.all_reduce %lt3A_1827 {dim = 0 : i64, kind = #tpu.reduction_kind<sum>} : vector<16xi1> -> vector<16xi32>
      %add3A_1844 = arith.addi %scan3A_1697, %all_reduce_population_count3A_1843 : vector<16xi32>
      %gather3A_1845 = tpu.vector_load_idx %arg26[%shift_right_arithmetic3A_1823] : memref<1024xf32, #tpu.memory_space<vmem>>[vector<16xi32>], vector<16xf32>,
      %lt3A_1846 = arith.constant 1.000000e-01 : f32
      %lt3A_1847 = vector.broadcast %lt3A_1846 : f32 to vector<16xf32>
      %lt3A_1848 = arith.cmpf olt, %gather3A_1845, %lt3A_1847 : vector<16xf32>
      %convert_element_type3A_1849 = arith.extui %lt3A_1848 : vector<16xi1> to vector<16xi32>
      %broadcast_in_dim3A_1850 = arith.constant true
      %broadcast_in_dim3A_1851 = vector.broadcast %broadcast_in_dim3A_1850 : i1 to vector<16xi1>
      %masked_cumsum3A_1852 = tpu.scan <sum>, %convert_element_type3A_1849 masked %broadcast_in_dim3A_1851 : vector<16xi32>, vector<16xi1> -> vector<16xi32>
      %add3A_1853 = arith.addi %add3A_1844, %masked_cumsum3A_1852 : vector<16xi32>
      %sub3A_1854 = arith.constant 1 : i32
      %sub3A_1855 = vector.broadcast %sub3A_1854 : i32 to vector<16xi32>
      %sub3A_1856 = arith.subi %add3A_1853, %sub3A_1855 : vector<16xi32>
      %lt3A_1857 = arith.constant 13 : i32
      %lt3A_1858 = vector.broadcast %lt3A_1857 : i32 to vector<16xi32>
      %lt3A_1859 = arith.cmpi slt, %sub3A_1856, %lt3A_1858 : vector<16xi32>
      %and3A_1860 = arith.andi %lt3A_1848, %lt3A_1859 : vector<16xi1>
      %add3A_1861 = arith.constant 115 : i32
      %add3A_1862 = vector.broadcast %add3A_1861 : i32 to vector<16xi32>
      %add3A_1863 = arith.addi %sub3A_1856, %add3A_1862 : vector<16xi32>
      tpu.vector_store_idx %arg28[%add3A_1863], %shift_right_arithmetic3A_1823 masked %and3A_1860 : memref<128xi32, #tpu.memory_space<vmem>>[vector<16xi32>], vector<16xi32>, vector<16xi1>
      %all_reduce_population_count3A_1864 = tpu.all_reduce %lt3A_1848 {dim = 0 : i64, kind = #tpu.reduction_kind<sum>} : vector<16xi1> -> vector<16xi32>
      %add3A_1865 = arith.addi %add3A_1844, %all_reduce_population_count3A_1864 : vector<16xi32>
      scf.yield %add3A_1749, %add3A_1811, %add3A_1865 : vector<16xi32>, vector<16xi32>, vector<16xi32>
    }
    %scan3A_628 = arith.constant 32 : i32
    %while3A = arith.constant 0 : i32
    %while3A_629:2 = scf.while (%while3A_1694 = %while3A, %while3A_1695 = %scan3A_627#0) : (i32, vector<16xi32>) -> (i32, vector<16xi32>) {
      %lt3A_1696 = arith.constant 64 : i32
      %lt3A_1697 = arith.cmpi slt, %while3A_1694, %lt3A_1696 : i32
      %reduce_max3A = arith.constant true
      %reduce_max3A_1698 = vector.broadcast %reduce_max3A : i1 to vector<16xi1>
      %reduce_max3A_1699 = arith.constant -2147483648 : i32
      %reduce_max3A_1700 = vector.broadcast %reduce_max3A_1699 : i32 to vector<16xi32>
      %reduce_max3A_1701 = arith.xori %while3A_1695, %reduce_max3A_1700 : vector<16xi32>
      %reduce_max3A_1702 = tpu.scan <max>, %reduce_max3A_1701 masked %reduce_max3A_1698 : vector<16xi32>, vector<16xi1> -> vector<16xi32>
      %reduce_max3A_1703 = arith.xori %reduce_max3A_1702, %reduce_max3A_1700 : vector<16xi32>
      %reduce_max3A_1704 = vector.extract %reduce_max3A_1703[15] : i32 from vector<16xi32>
      %lt3A_1705 = arith.constant 64 : i32
      %lt3A_1706 = arith.cmpi slt, %reduce_max3A_1704, %lt3A_1705 : i32
      %and3A_1707 = arith.andi %lt3A_1697, %lt3A_1706 : i1
      scf.condition(%and3A_1707) %while3A_1694, %while3A_1695 : i32, vector<16xi32>
    } do {
    ^bb0(%while3A_1694: i32, %while3A_1695: vector<16xi32>):
      %mul3A_1696 = arith.constant 16 : i32
      %mul3A_1697 = arith.muli %while3A_1694, %mul3A_1696 : i32
      %add3A_1698 = vector.broadcast %mul3A_1697 : i32 to vector<16xi32>
      %add3A_1699 = arith.addi %iota3A, %add3A_1698 : vector<16xi32>
      %mul3A_1700 = arith.constant 16 : i32
      %mul3A_1701 = arith.muli %while3A_1694, %mul3A_1700 : i32
      %get3A_1702 = arith.index_cast %mul3A_1701 : i32 to index
      %get3A_1703 = tpu.vector_load %arg26[%get3A_1702] {strides = array<i32>} : memref<1024xf32, #tpu.memory_space<vmem>>, vector<16xf32>,
      %ge3A = arith.constant 5.500000e-01 : f32
      %ge3A_1704 = vector.broadcast %ge3A : f32 to vector<16xf32>
      %ge3A_1705 = arith.cmpf oge, %get3A_1703, %ge3A_1704 : vector<16xf32>
      %not3A_1706 = arith.constant dense<true> : vector<16xi1>
      %not3A_1707 = arith.xori %ge3A_1705, %not3A_1706 : vector<16xi1>
      %convert_element_type3A_1708 = arith.extui %not3A_1707 : vector<16xi1> to vector<16xi32>
      %broadcast_in_dim3A_1709 = arith.constant true
      %broadcast_in_dim3A_1710 = vector.broadcast %broadcast_in_dim3A_1709 : i1 to vector<16xi1>
      %masked_cumsum3A_1711 = tpu.scan <sum>, %convert_element_type3A_1708 masked %broadcast_in_dim3A_1710 : vector<16xi32>, vector<16xi1> -> vector<16xi32>
      %add3A_1712 = arith.addi %while3A_1695, %masked_cumsum3A_1711 : vector<16xi32>
      %sub3A_1713 = arith.constant 1 : i32
      %sub3A_1714 = vector.broadcast %sub3A_1713 : i32 to vector<16xi32>
      %sub3A_1715 = arith.subi %add3A_1712, %sub3A_1714 : vector<16xi32>
      %lt3A_1716 = arith.constant 64 : i32
      %lt3A_1717 = vector.broadcast %lt3A_1716 : i32 to vector<16xi32>
      %lt3A_1718 = arith.cmpi slt, %sub3A_1715, %lt3A_1717 : vector<16xi32>
      %and3A_1719 = arith.andi %not3A_1707, %lt3A_1718 : vector<16xi1>
      %add3A_1720 = arith.constant 0 : i32
      %add3A_1721 = vector.broadcast %add3A_1720 : i32 to vector<16xi32>
      %add3A_1722 = arith.addi %sub3A_1715, %add3A_1721 : vector<16xi32>
      tpu.vector_store_idx %arg28[%add3A_1722], %add3A_1699 masked %and3A_1719 : memref<128xi32, #tpu.memory_space<vmem>>[vector<16xi32>], vector<16xi32>, vector<16xi1>
      %add3A_1723 = arith.constant 1 : i32
      %add3A_1724 = arith.addi %while3A_1694, %add3A_1723 : i32
      %all_reduce_population_count3A_1725 = tpu.all_reduce %not3A_1707 {dim = 0 : i64, kind = #tpu.reduction_kind<sum>} : vector<16xi1> -> vector<16xi32>
      %add3A_1726 = arith.addi %while3A_1695, %all_reduce_population_count3A_1725 : vector<16xi32>
      scf.yield %add3A_1724, %add3A_1726 : i32, vector<16xi32>
    }
    %while3A_630 = arith.constant 0 : i32
    %while3A_631:2 = scf.while (%while3A_1694 = %while3A_630, %while3A_1695 = %scan3A_627#1) : (i32, vector<16xi32>) -> (i32, vector<16xi32>) {
      %lt3A_1696 = arith.constant 64 : i32
      %lt3A_1697 = arith.cmpi slt, %while3A_1694, %lt3A_1696 : i32
      %reduce_max3A = arith.constant true
      %reduce_max3A_1698 = vector.broadcast %reduce_max3A : i1 to vector<16xi1>
      %reduce_max3A_1699 = arith.constant -2147483648 : i32
      %reduce_max3A_1700 = vector.broadcast %reduce_max3A_1699 : i32 to vector<16xi32>
      %reduce_max3A_1701 = arith.xori %while3A_1695, %reduce_max3A_1700 : vector<16xi32>
      %reduce_max3A_1702 = tpu.scan <max>, %reduce_max3A_1701 masked %reduce_max3A_1698 : vector<16xi32>, vector<16xi1> -> vector<16xi32>
      %reduce_max3A_1703 = arith.xori %reduce_max3A_1702, %reduce_max3A_1700 : vector<16xi32>
      %reduce_max3A_1704 = vector.extract %reduce_max3A_1703[15] : i32 from vector<16xi32>
      %lt3A_1705 = arith.constant 51 : i32
      %lt3A_1706 = arith.cmpi slt, %reduce_max3A_1704, %lt3A_1705 : i32
      %and3A_1707 = arith.andi %lt3A_1697, %lt3A_1706 : i1
      scf.condition(%and3A_1707) %while3A_1694, %while3A_1695 : i32, vector<16xi32>
    } do {
    ^bb0(%while3A_1694: i32, %while3A_1695: vector<16xi32>):
      %mul3A_1696 = arith.constant 16 : i32
      %mul3A_1697 = arith.muli %while3A_1694, %mul3A_1696 : i32
      %add3A_1698 = vector.broadcast %mul3A_1697 : i32 to vector<16xi32>
      %add3A_1699 = arith.addi %iota3A, %add3A_1698 : vector<16xi32>
      %mul3A_1700 = arith.constant 16 : i32
      %mul3A_1701 = arith.muli %while3A_1694, %mul3A_1700 : i32
      %get3A_1702 = arith.index_cast %mul3A_1701 : i32 to index
      %get3A_1703 = tpu.vector_load %arg26[%get3A_1702] {strides = array<i32>} : memref<1024xf32, #tpu.memory_space<vmem>>, vector<16xf32>,
      %lt3A_1704 = arith.constant 5.500000e-01 : f32
      %lt3A_1705 = vector.broadcast %lt3A_1704 : f32 to vector<16xf32>
      %lt3A_1706 = arith.cmpf olt, %get3A_1703, %lt3A_1705 : vector<16xf32>
      %ge3A = arith.constant 1.000000e-01 : f32
      %ge3A_1707 = vector.broadcast %ge3A : f32 to vector<16xf32>
      %ge3A_1708 = arith.cmpf oge, %get3A_1703, %ge3A_1707 : vector<16xf32>
      %and3A_1709 = arith.andi %lt3A_1706, %ge3A_1708 : vector<16xi1>
      %not3A_1710 = arith.constant dense<true> : vector<16xi1>
      %not3A_1711 = arith.xori %and3A_1709, %not3A_1710 : vector<16xi1>
      %convert_element_type3A_1712 = arith.extui %not3A_1711 : vector<16xi1> to vector<16xi32>
      %broadcast_in_dim3A_1713 = arith.constant true
      %broadcast_in_dim3A_1714 = vector.broadcast %broadcast_in_dim3A_1713 : i1 to vector<16xi1>
      %masked_cumsum3A_1715 = tpu.scan <sum>, %convert_element_type3A_1712 masked %broadcast_in_dim3A_1714 : vector<16xi32>, vector<16xi1> -> vector<16xi32>
      %add3A_1716 = arith.addi %while3A_1695, %masked_cumsum3A_1715 : vector<16xi32>
      %sub3A_1717 = arith.constant 1 : i32
      %sub3A_1718 = vector.broadcast %sub3A_1717 : i32 to vector<16xi32>
      %sub3A_1719 = arith.subi %add3A_1716, %sub3A_1718 : vector<16xi32>
      %lt3A_1720 = arith.constant 51 : i32
      %lt3A_1721 = vector.broadcast %lt3A_1720 : i32 to vector<16xi32>
      %lt3A_1722 = arith.cmpi slt, %sub3A_1719, %lt3A_1721 : vector<16xi32>
      %and3A_1723 = arith.andi %not3A_1711, %lt3A_1722 : vector<16xi1>
      %add3A_1724 = arith.constant 64 : i32
      %add3A_1725 = vector.broadcast %add3A_1724 : i32 to vector<16xi32>
      %add3A_1726 = arith.addi %sub3A_1719, %add3A_1725 : vector<16xi32>
      tpu.vector_store_idx %arg28[%add3A_1726], %add3A_1699 masked %and3A_1723 : memref<128xi32, #tpu.memory_space<vmem>>[vector<16xi32>], vector<16xi32>, vector<16xi1>
      %add3A_1727 = arith.constant 1 : i32
      %add3A_1728 = arith.addi %while3A_1694, %add3A_1727 : i32
      %all_reduce_population_count3A_1729 = tpu.all_reduce %not3A_1711 {dim = 0 : i64, kind = #tpu.reduction_kind<sum>} : vector<16xi1> -> vector<16xi32>
      %add3A_1730 = arith.addi %while3A_1695, %all_reduce_population_count3A_1729 : vector<16xi32>
      scf.yield %add3A_1728, %add3A_1730 : i32, vector<16xi32>
    }
    %while3A_632 = arith.constant 0 : i32
    %while3A_633:2 = scf.while (%while3A_1694 = %while3A_632, %while3A_1695 = %scan3A_627#2) : (i32, vector<16xi32>) -> (i32, vector<16xi32>) {
      %lt3A_1696 = arith.constant 64 : i32
      %lt3A_1697 = arith.cmpi slt, %while3A_1694, %lt3A_1696 : i32
      %reduce_max3A = arith.constant true
      %reduce_max3A_1698 = vector.broadcast %reduce_max3A : i1 to vector<16xi1>
      %reduce_max3A_1699 = arith.constant -2147483648 : i32
      %reduce_max3A_1700 = vector.broadcast %reduce_max3A_1699 : i32 to vector<16xi32>
      %reduce_max3A_1701 = arith.xori %while3A_1695, %reduce_max3A_1700 : vector<16xi32>
      %reduce_max3A_1702 = tpu.scan <max>, %reduce_max3A_1701 masked %reduce_max3A_1698 : vector<16xi32>, vector<16xi1> -> vector<16xi32>
      %reduce_max3A_1703 = arith.xori %reduce_max3A_1702, %reduce_max3A_1700 : vector<16xi32>
      %reduce_max3A_1704 = vector.extract %reduce_max3A_1703[15] : i32 from vector<16xi32>
      %lt3A_1705 = arith.constant 13 : i32
      %lt3A_1706 = arith.cmpi slt, %reduce_max3A_1704, %lt3A_1705 : i32
      %and3A_1707 = arith.andi %lt3A_1697, %lt3A_1706 : i1
      scf.condition(%and3A_1707) %while3A_1694, %while3A_1695 : i32, vector<16xi32>
    } do {
    ^bb0(%while3A_1694: i32, %while3A_1695: vector<16xi32>):
      %mul3A_1696 = arith.constant 16 : i32
      %mul3A_1697 = arith.muli %while3A_1694, %mul3A_1696 : i32
      %add3A_1698 = vector.broadcast %mul3A_1697 : i32 to vector<16xi32>
      %add3A_1699 = arith.addi %iota3A, %add3A_1698 : vector<16xi32>
      %mul3A_1700 = arith.constant 16 : i32
      %mul3A_1701 = arith.muli %while3A_1694, %mul3A_1700 : i32
      %get3A_1702 = arith.index_cast %mul3A_1701 : i32 to index
      %get3A_1703 = tpu.vector_load %arg26[%get3A_1702] {strides = array<i32>} : memref<1024xf32, #tpu.memory_space<vmem>>, vector<16xf32>,
      %lt3A_1704 = arith.constant 1.000000e-01 : f32
      %lt3A_1705 = vector.broadcast %lt3A_1704 : f32 to vector<16xf32>
      %lt3A_1706 = arith.cmpf olt, %get3A_1703, %lt3A_1705 : vector<16xf32>
      %not3A_1707 = arith.constant dense<true> : vector<16xi1>
      %not3A_1708 = arith.xori %lt3A_1706, %not3A_1707 : vector<16xi1>
      %convert_element_type3A_1709 = arith.extui %not3A_1708 : vector<16xi1> to vector<16xi32>
      %broadcast_in_dim3A_1710 = arith.constant true
      %broadcast_in_dim3A_1711 = vector.broadcast %broadcast_in_dim3A_1710 : i1 to vector<16xi1>
      %masked_cumsum3A_1712 = tpu.scan <sum>, %convert_element_type3A_1709 masked %broadcast_in_dim3A_1711 : vector<16xi32>, vector<16xi1> -> vector<16xi32>
      %add3A_1713 = arith.addi %while3A_1695, %masked_cumsum3A_1712 : vector<16xi32>
      %sub3A_1714 = arith.constant 1 : i32
      %sub3A_1715 = vector.broadcast %sub3A_1714 : i32 to vector<16xi32>
      %sub3A_1716 = arith.subi %add3A_1713, %sub3A_1715 : vector<16xi32>
      %lt3A_1717 = arith.constant 13 : i32
      %lt3A_1718 = vector.broadcast %lt3A_1717 : i32 to vector<16xi32>
      %lt3A_1719 = arith.cmpi slt, %sub3A_1716, %lt3A_1718 : vector<16xi32>
      %and3A_1720 = arith.andi %not3A_1708, %lt3A_1719 : vector<16xi1>
      %add3A_1721 = arith.constant 115 : i32
      %add3A_1722 = vector.broadcast %add3A_1721 : i32 to vector<16xi32>
      %add3A_1723 = arith.addi %sub3A_1716, %add3A_1722 : vector<16xi32>
      tpu.vector_store_idx %arg28[%add3A_1723], %add3A_1699 masked %and3A_1720 : memref<128xi32, #tpu.memory_space<vmem>>[vector<16xi32>], vector<16xi32>, vector<16xi1>
      %add3A_1724 = arith.constant 1 : i32
      %add3A_1725 = arith.addi %while3A_1694, %add3A_1724 : i32
      %all_reduce_population_count3A_1726 = tpu.all_reduce %not3A_1708 {dim = 0 : i64, kind = #tpu.reduction_kind<sum>} : vector<16xi1> -> vector<16xi32>
      %add3A_1727 = arith.addi %while3A_1695, %all_reduce_population_count3A_1726 : vector<16xi32>
      scf.yield %add3A_1725, %add3A_1727 : i32, vector<16xi32>
    }
    %get3A_634 = arith.constant 0 : index
    %get3A_635 = tpu.vector_load %arg28[%get3A_634] {strides = array<i32>} : memref<128xi32, #tpu.memory_space<vmem>>, vector<16xi32>,
    %gather3A = tpu.vector_load_idx %arg26[%get3A_635] : memref<1024xf32, #tpu.memory_space<vmem>>[vector<16xi32>], vector<16xf32>,
    %swap3A = arith.constant 0 : index
    %swap3A_636 = tpu.vector_load %arg32[%swap3A] {strides = array<i32>} : memref<128xf32, #tpu.memory_space<vmem>>, vector<16xf32>,
    tpu.vector_store %arg32[%swap3A], %gather3A {strides = array<i32>} : memref<128xf32, #tpu.memory_space<vmem>>, vector<16xf32>,
    %gt3A = arith.constant 5.500000e-01 : f32
    %gt3A_637 = vector.broadcast %gt3A : f32 to vector<16xf32>
    %gt3A_638 = arith.cmpf ogt, %gather3A, %gt3A_637 : vector<16xf32>
    %convert_element_type3A_639 = arith.extui %gt3A_638 : vector<16xi1> to vector<16xi32>
    %swap3A_640 = arith.constant 0 : index
    %swap3A_641 = tpu.vector_load %arg35[%swap3A_640] {strides = array<i32>} : memref<128xi32, #tpu.memory_space<vmem>>, vector<16xi32>,
    tpu.vector_store %arg35[%swap3A_640], %convert_element_type3A_639 {strides = array<i32>} : memref<128xi32, #tpu.memory_space<vmem>>, vector<16xi32>,
    %gt3A_642 = arith.constant 7.500000e-01 : f32
    %gt3A_643 = vector.broadcast %gt3A_642 : f32 to vector<16xf32>
    %gt3A_644 = arith.cmpf ogt, %gather3A, %gt3A_643 : vector<16xf32>
    %lt3A = arith.constant 2.500000e-01 : f32
    %lt3A_645 = vector.broadcast %lt3A : f32 to vector<16xf32>
    %lt3A_646 = arith.cmpf olt, %gather3A, %lt3A_645 : vector<16xf32>
    %not3A = arith.constant dense<true> : vector<16xi1>
    %not3A_647 = arith.xori %gt3A_644, %not3A : vector<16xi1>
    %not3A_648 = arith.constant dense<true> : vector<16xi1>
    %not3A_649 = arith.xori %lt3A_646, %not3A_648 : vector<16xi1>
    %and3A_650 = arith.andi %not3A_647, %not3A_649 : vector<16xi1>
    %sub3A_651 = arith.constant 2.500000e-01 : f32
    %sub3A_652 = vector.broadcast %sub3A_651 : f32 to vector<16xf32>
    %sub3A_653 = arith.subf %gather3A, %sub3A_652 : vector<16xf32>
    %mul3A_654 = arith.constant 2.000000e+00 : f32
    %mul3A_655 = vector.broadcast %mul3A_654 : f32 to vector<16xf32>
    %mul3A_656 = arith.mulf %sub3A_653, %mul3A_655 : vector<16xf32>
    %jit3A = arith.constant 1.000000e+00 : f32
    %jit3A_657 = arith.constant 0.000000e+00 : f32
    %broadcast_in_dim3A_658 = vector.broadcast %jit3A : f32 to vector<16xf32>
    %broadcast_in_dim3A_659 = vector.broadcast %jit3A_657 : f32 to vector<16xf32>
    %select_n3A_660 = arith.select %gt3A_644, %broadcast_in_dim3A_658, %broadcast_in_dim3A_659 : vector<16xi1>, vector<16xf32>
    %select_n3A_661 = arith.select %and3A_650, %mul3A_656, %select_n3A_660 : vector<16xi1>, vector<16xf32>
    %swap3A_662 = arith.constant 0 : index
    %swap3A_663 = tpu.vector_load %arg36[%swap3A_662] {strides = array<i32>} : memref<128xf32, #tpu.memory_space<vmem>>, vector<16xf32>,
    tpu.vector_store %arg36[%swap3A_662], %select_n3A_661 {strides = array<i32>} : memref<128xf32, #tpu.memory_space<vmem>>, vector<16xf32>,
    %gather3A_664 = tpu.vector_load_idx %arg18[%get3A_635] : memref<1024xi32, #tpu.memory_space<vmem>>[vector<16xi32>], vector<16xi32>,
    %swap3A_665 = arith.constant 0 : index
    %swap3A_666 = tpu.vector_load %arg34[%swap3A_665] {strides = array<i32>} : memref<128xi32, #tpu.memory_space<vmem>>, vector<16xi32>,
    tpu.vector_store %arg34[%swap3A_665], %gather3A_664 {strides = array<i32>} : memref<128xi32, #tpu.memory_space<vmem>>, vector<16xi32>,
    %gather3A_667 = tpu.vector_load_idx %arg19[%get3A_635] : memref<1024xf32, #tpu.memory_space<vmem>>[vector<16xi32>], vector<16xf32>,
    %swap3A_668 = arith.constant 0 : index
    %swap3A_669 = tpu.vector_load %arg33[%swap3A_668] {strides = array<i32>} : memref<128xf32, #tpu.memory_space<vmem>>, vector<16xf32>,
    tpu.vector_store %arg33[%swap3A_668], %gather3A_667 {strides = array<i32>} : memref<128xf32, #tpu.memory_space<vmem>>, vector<16xf32>,
    %gather3A_670 = tpu.vector_load_idx %arg27[%get3A_635] : memref<1024xi32, #tpu.memory_space<vmem>>[vector<16xi32>], vector<16xi32>,
    %gather3A_671 = tpu.vector_load_idx %arg16[%add3A_70, %get3A_635] : memref<7x1024xf32, #tpu.memory_space<vmem>>[vector<16xi32>, vector<16xi32>], vector<16xf32>,
    %swap3A_672 = arith.constant 0 : i32
    %swap3A_673 = arith.index_cast %swap3A_672 : i32 to index
    %swap3A_674 = arith.constant 0 : index
    %swap3A_675 = tpu.vector_load %arg30[%swap3A_673, %swap3A_674] {strides = array<i32>} : memref<7x128xf32, #tpu.memory_space<vmem>>, vector<16xf32>,
    tpu.vector_store %arg30[%swap3A_673, %swap3A_674], %gather3A_671 {strides = array<i32>} : memref<7x128xf32, #tpu.memory_space<vmem>>, vector<16xf32>,
    %gather3A_676 = tpu.vector_load_idx %arg17[%add3A_70, %gather3A_670] : memref<8x64xf32, #tpu.memory_space<vmem>>[vector<16xi32>, vector<16xi32>], vector<16xf32>,
    %swap3A_677 = arith.constant 0 : i32
    %swap3A_678 = arith.index_cast %swap3A_677 : i32 to index
    %swap3A_679 = arith.constant 0 : index
    %swap3A_680 = tpu.vector_load %arg31[%swap3A_678, %swap3A_679] {strides = array<i32>} : memref<7x128xf32, #tpu.memory_space<vmem>>, vector<16xf32>,
    tpu.vector_store %arg31[%swap3A_678, %swap3A_679], %gather3A_676 {strides = array<i32>} : memref<7x128xf32, #tpu.memory_space<vmem>>, vector<16xf32>,
    %gather3A_681 = tpu.vector_load_idx %arg16[%add3A_73, %get3A_635] : memref<7x1024xf32, #tpu.memory_space<vmem>>[vector<16xi32>, vector<16xi32>], vector<16xf32>,
    %swap3A_682 = arith.constant 1 : i32
    %swap3A_683 = arith.index_cast %swap3A_682 : i32 to index
    %swap3A_684 = arith.constant 0 : index
    %swap3A_685 = tpu.vector_load %arg30[%swap3A_683, %swap3A_684] {strides = array<i32>} : memref<7x128xf32, #tpu.memory_space<vmem>>, vector<16xf32>,
    tpu.vector_store %arg30[%swap3A_683, %swap3A_684], %gather3A_681 {strides = array<i32>} : memref<7x128xf32, #tpu.memory_space<vmem>>, vector<16xf32>,
    %gather3A_686 = tpu.vector_load_idx %arg17[%add3A_73, %gather3A_670] : memref<8x64xf32, #tpu.memory_space<vmem>>[vector<16xi32>, vector<16xi32>], vector<16xf32>,
    %swap3A_687 = arith.constant 1 : i32
    %swap3A_688 = arith.index_cast %swap3A_687 : i32 to index
    %swap3A_689 = arith.constant 0 : index
    %swap3A_690 = tpu.vector_load %arg31[%swap3A_688, %swap3A_689] {strides = array<i32>} : memref<7x128xf32, #tpu.memory_space<vmem>>, vector<16xf32>,
    tpu.vector_store %arg31[%swap3A_688, %swap3A_689], %gather3A_686 {strides = array<i32>} : memref<7x128xf32, #tpu.memory_space<vmem>>, vector<16xf32>,
    %gather3A_691 = tpu.vector_load_idx %arg16[%add3A_76, %get3A_635] : memref<7x1024xf32, #tpu.memory_space<vmem>>[vector<16xi32>, vector<16xi32>], vector<16xf32>,
    %swap3A_692 = arith.constant 2 : i32
    %swap3A_693 = arith.index_cast %swap3A_692 : i32 to index
    %swap3A_694 = arith.constant 0 : index
    %swap3A_695 = tpu.vector_load %arg30[%swap3A_693, %swap3A_694] {strides = array<i32>} : memref<7x128xf32, #tpu.memory_space<vmem>>, vector<16xf32>,
    tpu.vector_store %arg30[%swap3A_693, %swap3A_694], %gather3A_691 {strides = array<i32>} : memref<7x128xf32, #tpu.memory_space<vmem>>, vector<16xf32>,
    %gather3A_696 = tpu.vector_load_idx %arg17[%add3A_76, %gather3A_670] : memref<8x64xf32, #tpu.memory_space<vmem>>[vector<16xi32>, vector<16xi32>], vector<16xf32>,
    %swap3A_697 = arith.constant 2 : i32
    %swap3A_698 = arith.index_cast %swap3A_697 : i32 to index
    %swap3A_699 = arith.constant 0 : index
    %swap3A_700 = tpu.vector_load %arg31[%swap3A_698, %swap3A_699] {strides = array<i32>} : memref<7x128xf32, #tpu.memory_space<vmem>>, vector<16xf32>,
    tpu.vector_store %arg31[%swap3A_698, %swap3A_699], %gather3A_696 {strides = array<i32>} : memref<7x128xf32, #tpu.memory_space<vmem>>, vector<16xf32>,
    %gather3A_701 = tpu.vector_load_idx %arg16[%add3A_79, %get3A_635] : memref<7x1024xf32, #tpu.memory_space<vmem>>[vector<16xi32>, vector<16xi32>], vector<16xf32>,
    %swap3A_702 = arith.constant 3 : i32
    %swap3A_703 = arith.index_cast %swap3A_702 : i32 to index
    %swap3A_704 = arith.constant 0 : index
    %swap3A_705 = tpu.vector_load %arg30[%swap3A_703, %swap3A_704] {strides = array<i32>} : memref<7x128xf32, #tpu.memory_space<vmem>>, vector<16xf32>,
    tpu.vector_store %arg30[%swap3A_703, %swap3A_704], %gather3A_701 {strides = array<i32>} : memref<7x128xf32, #tpu.memory_space<vmem>>, vector<16xf32>,
    %gather3A_706 = tpu.vector_load_idx %arg17[%add3A_79, %gather3A_670] : memref<8x64xf32, #tpu.memory_space<vmem>>[vector<16xi32>, vector<16xi32>], vector<16xf32>,
    %swap3A_707 = arith.constant 3 : i32
    %swap3A_708 = arith.index_cast %swap3A_707 : i32 to index
    %swap3A_709 = arith.constant 0 : index
    %swap3A_710 = tpu.vector_load %arg31[%swap3A_708, %swap3A_709] {strides = array<i32>} : memref<7x128xf32, #tpu.memory_space<vmem>>, vector<16xf32>,
    tpu.vector_store %arg31[%swap3A_708, %swap3A_709], %gather3A_706 {strides = array<i32>} : memref<7x128xf32, #tpu.memory_space<vmem>>, vector<16xf32>,
    %gather3A_711 = tpu.vector_load_idx %arg16[%add3A_82, %get3A_635] : memref<7x1024xf32, #tpu.memory_space<vmem>>[vector<16xi32>, vector<16xi32>], vector<16xf32>,
    %swap3A_712 = arith.constant 4 : i32
    %swap3A_713 = arith.index_cast %swap3A_712 : i32 to index
    %swap3A_714 = arith.constant 0 : index
    %swap3A_715 = tpu.vector_load %arg30[%swap3A_713, %swap3A_714] {strides = array<i32>} : memref<7x128xf32, #tpu.memory_space<vmem>>, vector<16xf32>,
    tpu.vector_store %arg30[%swap3A_713, %swap3A_714], %gather3A_711 {strides = array<i32>} : memref<7x128xf32, #tpu.memory_space<vmem>>, vector<16xf32>,
    %gather3A_716 = tpu.vector_load_idx %arg17[%add3A_82, %gather3A_670] : memref<8x64xf32, #tpu.memory_space<vmem>>[vector<16xi32>, vector<16xi32>], vector<16xf32>,
    %swap3A_717 = arith.constant 4 : i32
    %swap3A_718 = arith.index_cast %swap3A_717 : i32 to index
    %swap3A_719 = arith.constant 0 : index
    %swap3A_720 = tpu.vector_load %arg31[%swap3A_718, %swap3A_719] {strides = array<i32>} : memref<7x128xf32, #tpu.memory_space<vmem>>, vector<16xf32>,
    tpu.vector_store %arg31[%swap3A_718, %swap3A_719], %gather3A_716 {strides = array<i32>} : memref<7x128xf32, #tpu.memory_space<vmem>>, vector<16xf32>,
    %gather3A_721 = tpu.vector_load_idx %arg16[%add3A_85, %get3A_635] : memref<7x1024xf32, #tpu.memory_space<vmem>>[vector<16xi32>, vector<16xi32>], vector<16xf32>,
    %swap3A_722 = arith.constant 5 : i32
    %swap3A_723 = arith.index_cast %swap3A_722 : i32 to index
    %swap3A_724 = arith.constant 0 : index
    %swap3A_725 = tpu.vector_load %arg30[%swap3A_723, %swap3A_724] {strides = array<i32>} : memref<7x128xf32, #tpu.memory_space<vmem>>, vector<16xf32>,
    tpu.vector_store %arg30[%swap3A_723, %swap3A_724], %gather3A_721 {strides = array<i32>} : memref<7x128xf32, #tpu.memory_space<vmem>>, vector<16xf32>,
    %gather3A_726 = tpu.vector_load_idx %arg17[%add3A_85, %gather3A_670] : memref<8x64xf32, #tpu.memory_space<vmem>>[vector<16xi32>, vector<16xi32>], vector<16xf32>,
    %swap3A_727 = arith.constant 5 : i32
    %swap3A_728 = arith.index_cast %swap3A_727 : i32 to index
    %swap3A_729 = arith.constant 0 : index
    %swap3A_730 = tpu.vector_load %arg31[%swap3A_728, %swap3A_729] {strides = array<i32>} : memref<7x128xf32, #tpu.memory_space<vmem>>, vector<16xf32>,
    tpu.vector_store %arg31[%swap3A_728, %swap3A_729], %gather3A_726 {strides = array<i32>} : memref<7x128xf32, #tpu.memory_space<vmem>>, vector<16xf32>,
    %gather3A_731 = tpu.vector_load_idx %arg16[%add3A_88, %get3A_635] : memref<7x1024xf32, #tpu.memory_space<vmem>>[vector<16xi32>, vector<16xi32>], vector<16xf32>,
    %swap3A_732 = arith.constant 6 : i32
    %swap3A_733 = arith.index_cast %swap3A_732 : i32 to index
    %swap3A_734 = arith.constant 0 : index
    %swap3A_735 = tpu.vector_load %arg30[%swap3A_733, %swap3A_734] {strides = array<i32>} : memref<7x128xf32, #tpu.memory_space<vmem>>, vector<16xf32>,
    tpu.vector_store %arg30[%swap3A_733, %swap3A_734], %gather3A_731 {strides = array<i32>} : memref<7x128xf32, #tpu.memory_space<vmem>>, vector<16xf32>,
    %gather3A_736 = tpu.vector_load_idx %arg17[%add3A_88, %gather3A_670] : memref<8x64xf32, #tpu.memory_space<vmem>>[vector<16xi32>, vector<16xi32>], vector<16xf32>,
    %swap3A_737 = arith.constant 6 : i32
    %swap3A_738 = arith.index_cast %swap3A_737 : i32 to index
    %swap3A_739 = arith.constant 0 : index
    %swap3A_740 = tpu.vector_load %arg31[%swap3A_738, %swap3A_739] {strides = array<i32>} : memref<7x128xf32, #tpu.memory_space<vmem>>, vector<16xf32>,
    tpu.vector_store %arg31[%swap3A_738, %swap3A_739], %gather3A_736 {strides = array<i32>} : memref<7x128xf32, #tpu.memory_space<vmem>>, vector<16xf32>,
    %mul3A_741 = arith.constant 1024 : i32
    %mul3A_742 = arith.muli %add3A, %mul3A_741 : i32
    %add3A_743 = vector.broadcast %mul3A_742 : i32 to vector<16xi32>
    %add3A_744 = arith.addi %get3A_635, %add3A_743 : vector<16xi32>
    %swap3A_745 = arith.constant 0 : index
    %swap3A_746 = tpu.vector_load %arg29[%swap3A_745] {strides = array<i32>} : memref<128xi32, #tpu.memory_space<vmem>>, vector<16xi32>,
    tpu.vector_store %arg29[%swap3A_745], %add3A_744 {strides = array<i32>} : memref<128xi32, #tpu.memory_space<vmem>>, vector<16xi32>,
    %get3A_747 = arith.constant 16 : index
    %get3A_748 = tpu.vector_load %arg28[%get3A_747] {strides = array<i32>} : memref<128xi32, #tpu.memory_space<vmem>>, vector<16xi32>,
    %gather3A_749 = tpu.vector_load_idx %arg26[%get3A_748] : memref<1024xf32, #tpu.memory_space<vmem>>[vector<16xi32>], vector<16xf32>,
    %swap3A_750 = arith.constant 16 : index
    %swap3A_751 = tpu.vector_load %arg32[%swap3A_750] {strides = array<i32>} : memref<128xf32, #tpu.memory_space<vmem>>, vector<16xf32>,
    tpu.vector_store %arg32[%swap3A_750], %gather3A_749 {strides = array<i32>} : memref<128xf32, #tpu.memory_space<vmem>>, vector<16xf32>,
    %gt3A_752 = arith.constant 5.500000e-01 : f32
    %gt3A_753 = vector.broadcast %gt3A_752 : f32 to vector<16xf32>
    %gt3A_754 = arith.cmpf ogt, %gather3A_749, %gt3A_753 : vector<16xf32>
    %convert_element_type3A_755 = arith.extui %gt3A_754 : vector<16xi1> to vector<16xi32>
    %swap3A_756 = arith.constant 16 : index
    %swap3A_757 = tpu.vector_load %arg35[%swap3A_756] {strides = array<i32>} : memref<128xi32, #tpu.memory_space<vmem>>, vector<16xi32>,
    tpu.vector_store %arg35[%swap3A_756], %convert_element_type3A_755 {strides = array<i32>} : memref<128xi32, #tpu.memory_space<vmem>>, vector<16xi32>,
    %gt3A_758 = arith.constant 7.500000e-01 : f32
    %gt3A_759 = vector.broadcast %gt3A_758 : f32 to vector<16xf32>
    %gt3A_760 = arith.cmpf ogt, %gather3A_749, %gt3A_759 : vector<16xf32>
    %lt3A_761 = arith.constant 2.500000e-01 : f32
    %lt3A_762 = vector.broadcast %lt3A_761 : f32 to vector<16xf32>
    %lt3A_763 = arith.cmpf olt, %gather3A_749, %lt3A_762 : vector<16xf32>
    %not3A_764 = arith.constant dense<true> : vector<16xi1>
    %not3A_765 = arith.xori %gt3A_760, %not3A_764 : vector<16xi1>
    %not3A_766 = arith.constant dense<true> : vector<16xi1>
    %not3A_767 = arith.xori %lt3A_763, %not3A_766 : vector<16xi1>
    %and3A_768 = arith.andi %not3A_765, %not3A_767 : vector<16xi1>
    %sub3A_769 = arith.constant 2.500000e-01 : f32
    %sub3A_770 = vector.broadcast %sub3A_769 : f32 to vector<16xf32>
    %sub3A_771 = arith.subf %gather3A_749, %sub3A_770 : vector<16xf32>
    %mul3A_772 = arith.constant 2.000000e+00 : f32
    %mul3A_773 = vector.broadcast %mul3A_772 : f32 to vector<16xf32>
    %mul3A_774 = arith.mulf %sub3A_771, %mul3A_773 : vector<16xf32>
    %jit3A_775 = arith.constant 1.000000e+00 : f32
    %jit3A_776 = arith.constant 0.000000e+00 : f32
    %broadcast_in_dim3A_777 = vector.broadcast %jit3A_775 : f32 to vector<16xf32>
    %broadcast_in_dim3A_778 = vector.broadcast %jit3A_776 : f32 to vector<16xf32>
    %select_n3A_779 = arith.select %gt3A_760, %broadcast_in_dim3A_777, %broadcast_in_dim3A_778 : vector<16xi1>, vector<16xf32>
    %select_n3A_780 = arith.select %and3A_768, %mul3A_774, %select_n3A_779 : vector<16xi1>, vector<16xf32>
    %swap3A_781 = arith.constant 16 : index
    %swap3A_782 = tpu.vector_load %arg36[%swap3A_781] {strides = array<i32>} : memref<128xf32, #tpu.memory_space<vmem>>, vector<16xf32>,
    tpu.vector_store %arg36[%swap3A_781], %select_n3A_780 {strides = array<i32>} : memref<128xf32, #tpu.memory_space<vmem>>, vector<16xf32>,
    %gather3A_783 = tpu.vector_load_idx %arg18[%get3A_748] : memref<1024xi32, #tpu.memory_space<vmem>>[vector<16xi32>], vector<16xi32>,
    %swap3A_784 = arith.constant 16 : index
    %swap3A_785 = tpu.vector_load %arg34[%swap3A_784] {strides = array<i32>} : memref<128xi32, #tpu.memory_space<vmem>>, vector<16xi32>,
    tpu.vector_store %arg34[%swap3A_784], %gather3A_783 {strides = array<i32>} : memref<128xi32, #tpu.memory_space<vmem>>, vector<16xi32>,
    %gather3A_786 = tpu.vector_load_idx %arg19[%get3A_748] : memref<1024xf32, #tpu.memory_space<vmem>>[vector<16xi32>], vector<16xf32>,
    %swap3A_787 = arith.constant 16 : index
    %swap3A_788 = tpu.vector_load %arg33[%swap3A_787] {strides = array<i32>} : memref<128xf32, #tpu.memory_space<vmem>>, vector<16xf32>,
    tpu.vector_store %arg33[%swap3A_787], %gather3A_786 {strides = array<i32>} : memref<128xf32, #tpu.memory_space<vmem>>, vector<16xf32>,
    %gather3A_789 = tpu.vector_load_idx %arg27[%get3A_748] : memref<1024xi32, #tpu.memory_space<vmem>>[vector<16xi32>], vector<16xi32>,
    %gather3A_790 = tpu.vector_load_idx %arg16[%add3A_70, %get3A_748] : memref<7x1024xf32, #tpu.memory_space<vmem>>[vector<16xi32>, vector<16xi32>], vector<16xf32>,
    %swap3A_791 = arith.constant 0 : i32
    %swap3A_792 = arith.index_cast %swap3A_791 : i32 to index
    %swap3A_793 = arith.constant 16 : index
    %swap3A_794 = tpu.vector_load %arg30[%swap3A_792, %swap3A_793] {strides = array<i32>} : memref<7x128xf32, #tpu.memory_space<vmem>>, vector<16xf32>,
    tpu.vector_store %arg30[%swap3A_792, %swap3A_793], %gather3A_790 {strides = array<i32>} : memref<7x128xf32, #tpu.memory_space<vmem>>, vector<16xf32>,
    %gather3A_795 = tpu.vector_load_idx %arg17[%add3A_70, %gather3A_789] : memref<8x64xf32, #tpu.memory_space<vmem>>[vector<16xi32>, vector<16xi32>], vector<16xf32>,
    %swap3A_796 = arith.constant 0 : i32
    %swap3A_797 = arith.index_cast %swap3A_796 : i32 to index
    %swap3A_798 = arith.constant 16 : index
    %swap3A_799 = tpu.vector_load %arg31[%swap3A_797, %swap3A_798] {strides = array<i32>} : memref<7x128xf32, #tpu.memory_space<vmem>>, vector<16xf32>,
    tpu.vector_store %arg31[%swap3A_797, %swap3A_798], %gather3A_795 {strides = array<i32>} : memref<7x128xf32, #tpu.memory_space<vmem>>, vector<16xf32>,
    %gather3A_800 = tpu.vector_load_idx %arg16[%add3A_73, %get3A_748] : memref<7x1024xf32, #tpu.memory_space<vmem>>[vector<16xi32>, vector<16xi32>], vector<16xf32>,
    %swap3A_801 = arith.constant 1 : i32
    %swap3A_802 = arith.index_cast %swap3A_801 : i32 to index
    %swap3A_803 = arith.constant 16 : index
    %swap3A_804 = tpu.vector_load %arg30[%swap3A_802, %swap3A_803] {strides = array<i32>} : memref<7x128xf32, #tpu.memory_space<vmem>>, vector<16xf32>,
    tpu.vector_store %arg30[%swap3A_802, %swap3A_803], %gather3A_800 {strides = array<i32>} : memref<7x128xf32, #tpu.memory_space<vmem>>, vector<16xf32>,
    %gather3A_805 = tpu.vector_load_idx %arg17[%add3A_73, %gather3A_789] : memref<8x64xf32, #tpu.memory_space<vmem>>[vector<16xi32>, vector<16xi32>], vector<16xf32>,
    %swap3A_806 = arith.constant 1 : i32
    %swap3A_807 = arith.index_cast %swap3A_806 : i32 to index
    %swap3A_808 = arith.constant 16 : index
    %swap3A_809 = tpu.vector_load %arg31[%swap3A_807, %swap3A_808] {strides = array<i32>} : memref<7x128xf32, #tpu.memory_space<vmem>>, vector<16xf32>,
    tpu.vector_store %arg31[%swap3A_807, %swap3A_808], %gather3A_805 {strides = array<i32>} : memref<7x128xf32, #tpu.memory_space<vmem>>, vector<16xf32>,
    %gather3A_810 = tpu.vector_load_idx %arg16[%add3A_76, %get3A_748] : memref<7x1024xf32, #tpu.memory_space<vmem>>[vector<16xi32>, vector<16xi32>], vector<16xf32>,
    %swap3A_811 = arith.constant 2 : i32
    %swap3A_812 = arith.index_cast %swap3A_811 : i32 to index
    %swap3A_813 = arith.constant 16 : index
    %swap3A_814 = tpu.vector_load %arg30[%swap3A_812, %swap3A_813] {strides = array<i32>} : memref<7x128xf32, #tpu.memory_space<vmem>>, vector<16xf32>,
    tpu.vector_store %arg30[%swap3A_812, %swap3A_813], %gather3A_810 {strides = array<i32>} : memref<7x128xf32, #tpu.memory_space<vmem>>, vector<16xf32>,
    %gather3A_815 = tpu.vector_load_idx %arg17[%add3A_76, %gather3A_789] : memref<8x64xf32, #tpu.memory_space<vmem>>[vector<16xi32>, vector<16xi32>], vector<16xf32>,
    %swap3A_816 = arith.constant 2 : i32
    %swap3A_817 = arith.index_cast %swap3A_816 : i32 to index
    %swap3A_818 = arith.constant 16 : index
    %swap3A_819 = tpu.vector_load %arg31[%swap3A_817, %swap3A_818] {strides = array<i32>} : memref<7x128xf32, #tpu.memory_space<vmem>>, vector<16xf32>,
    tpu.vector_store %arg31[%swap3A_817, %swap3A_818], %gather3A_815 {strides = array<i32>} : memref<7x128xf32, #tpu.memory_space<vmem>>, vector<16xf32>,
    %gather3A_820 = tpu.vector_load_idx %arg16[%add3A_79, %get3A_748] : memref<7x1024xf32, #tpu.memory_space<vmem>>[vector<16xi32>, vector<16xi32>], vector<16xf32>,
    %swap3A_821 = arith.constant 3 : i32
    %swap3A_822 = arith.index_cast %swap3A_821 : i32 to index
    %swap3A_823 = arith.constant 16 : index
    %swap3A_824 = tpu.vector_load %arg30[%swap3A_822, %swap3A_823] {strides = array<i32>} : memref<7x128xf32, #tpu.memory_space<vmem>>, vector<16xf32>,
    tpu.vector_store %arg30[%swap3A_822, %swap3A_823], %gather3A_820 {strides = array<i32>} : memref<7x128xf32, #tpu.memory_space<vmem>>, vector<16xf32>,
    %gather3A_825 = tpu.vector_load_idx %arg17[%add3A_79, %gather3A_789] : memref<8x64xf32, #tpu.memory_space<vmem>>[vector<16xi32>, vector<16xi32>], vector<16xf32>,
    %swap3A_826 = arith.constant 3 : i32
    %swap3A_827 = arith.index_cast %swap3A_826 : i32 to index
    %swap3A_828 = arith.constant 16 : index
    %swap3A_829 = tpu.vector_load %arg31[%swap3A_827, %swap3A_828] {strides = array<i32>} : memref<7x128xf32, #tpu.memory_space<vmem>>, vector<16xf32>,
    tpu.vector_store %arg31[%swap3A_827, %swap3A_828], %gather3A_825 {strides = array<i32>} : memref<7x128xf32, #tpu.memory_space<vmem>>, vector<16xf32>,
    %gather3A_830 = tpu.vector_load_idx %arg16[%add3A_82, %get3A_748] : memref<7x1024xf32, #tpu.memory_space<vmem>>[vector<16xi32>, vector<16xi32>], vector<16xf32>,
    %swap3A_831 = arith.constant 4 : i32
    %swap3A_832 = arith.index_cast %swap3A_831 : i32 to index
    %swap3A_833 = arith.constant 16 : index
    %swap3A_834 = tpu.vector_load %arg30[%swap3A_832, %swap3A_833] {strides = array<i32>} : memref<7x128xf32, #tpu.memory_space<vmem>>, vector<16xf32>,
    tpu.vector_store %arg30[%swap3A_832, %swap3A_833], %gather3A_830 {strides = array<i32>} : memref<7x128xf32, #tpu.memory_space<vmem>>, vector<16xf32>,
    %gather3A_835 = tpu.vector_load_idx %arg17[%add3A_82, %gather3A_789] : memref<8x64xf32, #tpu.memory_space<vmem>>[vector<16xi32>, vector<16xi32>], vector<16xf32>,
    %swap3A_836 = arith.constant 4 : i32
    %swap3A_837 = arith.index_cast %swap3A_836 : i32 to index
    %swap3A_838 = arith.constant 16 : index
    %swap3A_839 = tpu.vector_load %arg31[%swap3A_837, %swap3A_838] {strides = array<i32>} : memref<7x128xf32, #tpu.memory_space<vmem>>, vector<16xf32>,
    tpu.vector_store %arg31[%swap3A_837, %swap3A_838], %gather3A_835 {strides = array<i32>} : memref<7x128xf32, #tpu.memory_space<vmem>>, vector<16xf32>,
    %gather3A_840 = tpu.vector_load_idx %arg16[%add3A_85, %get3A_748] : memref<7x1024xf32, #tpu.memory_space<vmem>>[vector<16xi32>, vector<16xi32>], vector<16xf32>,
    %swap3A_841 = arith.constant 5 : i32
    %swap3A_842 = arith.index_cast %swap3A_841 : i32 to index
    %swap3A_843 = arith.constant 16 : index
    %swap3A_844 = tpu.vector_load %arg30[%swap3A_842, %swap3A_843] {strides = array<i32>} : memref<7x128xf32, #tpu.memory_space<vmem>>, vector<16xf32>,
    tpu.vector_store %arg30[%swap3A_842, %swap3A_843], %gather3A_840 {strides = array<i32>} : memref<7x128xf32, #tpu.memory_space<vmem>>, vector<16xf32>,
    %gather3A_845 = tpu.vector_load_idx %arg17[%add3A_85, %gather3A_789] : memref<8x64xf32, #tpu.memory_space<vmem>>[vector<16xi32>, vector<16xi32>], vector<16xf32>,
    %swap3A_846 = arith.constant 5 : i32
    %swap3A_847 = arith.index_cast %swap3A_846 : i32 to index
    %swap3A_848 = arith.constant 16 : index
    %swap3A_849 = tpu.vector_load %arg31[%swap3A_847, %swap3A_848] {strides = array<i32>} : memref<7x128xf32, #tpu.memory_space<vmem>>, vector<16xf32>,
    tpu.vector_store %arg31[%swap3A_847, %swap3A_848], %gather3A_845 {strides = array<i32>} : memref<7x128xf32, #tpu.memory_space<vmem>>, vector<16xf32>,
    %gather3A_850 = tpu.vector_load_idx %arg16[%add3A_88, %get3A_748] : memref<7x1024xf32, #tpu.memory_space<vmem>>[vector<16xi32>, vector<16xi32>], vector<16xf32>,
    %swap3A_851 = arith.constant 6 : i32
    %swap3A_852 = arith.index_cast %swap3A_851 : i32 to index
    %swap3A_853 = arith.constant 16 : index
    %swap3A_854 = tpu.vector_load %arg30[%swap3A_852, %swap3A_853] {strides = array<i32>} : memref<7x128xf32, #tpu.memory_space<vmem>>, vector<16xf32>,
    tpu.vector_store %arg30[%swap3A_852, %swap3A_853], %gather3A_850 {strides = array<i32>} : memref<7x128xf32, #tpu.memory_space<vmem>>, vector<16xf32>,
    %gather3A_855 = tpu.vector_load_idx %arg17[%add3A_88, %gather3A_789] : memref<8x64xf32, #tpu.memory_space<vmem>>[vector<16xi32>, vector<16xi32>], vector<16xf32>,
    %swap3A_856 = arith.constant 6 : i32
    %swap3A_857 = arith.index_cast %swap3A_856 : i32 to index
    %swap3A_858 = arith.constant 16 : index
    %swap3A_859 = tpu.vector_load %arg31[%swap3A_857, %swap3A_858] {strides = array<i32>} : memref<7x128xf32, #tpu.memory_space<vmem>>, vector<16xf32>,
    tpu.vector_store %arg31[%swap3A_857, %swap3A_858], %gather3A_855 {strides = array<i32>} : memref<7x128xf32, #tpu.memory_space<vmem>>, vector<16xf32>,
    %mul3A_860 = arith.constant 1024 : i32
    %mul3A_861 = arith.muli %add3A, %mul3A_860 : i32
    %add3A_862 = vector.broadcast %mul3A_861 : i32 to vector<16xi32>
    %add3A_863 = arith.addi %get3A_748, %add3A_862 : vector<16xi32>
    %swap3A_864 = arith.constant 16 : index
    %swap3A_865 = tpu.vector_load %arg29[%swap3A_864] {strides = array<i32>} : memref<128xi32, #tpu.memory_space<vmem>>, vector<16xi32>,
    tpu.vector_store %arg29[%swap3A_864], %add3A_863 {strides = array<i32>} : memref<128xi32, #tpu.memory_space<vmem>>, vector<16xi32>,
    %get3A_866 = arith.constant 32 : index
    %get3A_867 = tpu.vector_load %arg28[%get3A_866] {strides = array<i32>} : memref<128xi32, #tpu.memory_space<vmem>>, vector<16xi32>,
    %gather3A_868 = tpu.vector_load_idx %arg26[%get3A_867] : memref<1024xf32, #tpu.memory_space<vmem>>[vector<16xi32>], vector<16xf32>,
    %swap3A_869 = arith.constant 32 : index
    %swap3A_870 = tpu.vector_load %arg32[%swap3A_869] {strides = array<i32>} : memref<128xf32, #tpu.memory_space<vmem>>, vector<16xf32>,
    tpu.vector_store %arg32[%swap3A_869], %gather3A_868 {strides = array<i32>} : memref<128xf32, #tpu.memory_space<vmem>>, vector<16xf32>,
    %gt3A_871 = arith.constant 5.500000e-01 : f32
    %gt3A_872 = vector.broadcast %gt3A_871 : f32 to vector<16xf32>
    %gt3A_873 = arith.cmpf ogt, %gather3A_868, %gt3A_872 : vector<16xf32>
    %convert_element_type3A_874 = arith.extui %gt3A_873 : vector<16xi1> to vector<16xi32>
    %swap3A_875 = arith.constant 32 : index
    %swap3A_876 = tpu.vector_load %arg35[%swap3A_875] {strides = array<i32>} : memref<128xi32, #tpu.memory_space<vmem>>, vector<16xi32>,
    tpu.vector_store %arg35[%swap3A_875], %convert_element_type3A_874 {strides = array<i32>} : memref<128xi32, #tpu.memory_space<vmem>>, vector<16xi32>,
    %gt3A_877 = arith.constant 7.500000e-01 : f32
    %gt3A_878 = vector.broadcast %gt3A_877 : f32 to vector<16xf32>
    %gt3A_879 = arith.cmpf ogt, %gather3A_868, %gt3A_878 : vector<16xf32>
    %lt3A_880 = arith.constant 2.500000e-01 : f32
    %lt3A_881 = vector.broadcast %lt3A_880 : f32 to vector<16xf32>
    %lt3A_882 = arith.cmpf olt, %gather3A_868, %lt3A_881 : vector<16xf32>
    %not3A_883 = arith.constant dense<true> : vector<16xi1>
    %not3A_884 = arith.xori %gt3A_879, %not3A_883 : vector<16xi1>
    %not3A_885 = arith.constant dense<true> : vector<16xi1>
    %not3A_886 = arith.xori %lt3A_882, %not3A_885 : vector<16xi1>
    %and3A_887 = arith.andi %not3A_884, %not3A_886 : vector<16xi1>
    %sub3A_888 = arith.constant 2.500000e-01 : f32
    %sub3A_889 = vector.broadcast %sub3A_888 : f32 to vector<16xf32>
    %sub3A_890 = arith.subf %gather3A_868, %sub3A_889 : vector<16xf32>
    %mul3A_891 = arith.constant 2.000000e+00 : f32
    %mul3A_892 = vector.broadcast %mul3A_891 : f32 to vector<16xf32>
    %mul3A_893 = arith.mulf %sub3A_890, %mul3A_892 : vector<16xf32>
    %jit3A_894 = arith.constant 1.000000e+00 : f32
    %jit3A_895 = arith.constant 0.000000e+00 : f32
    %broadcast_in_dim3A_896 = vector.broadcast %jit3A_894 : f32 to vector<16xf32>
    %broadcast_in_dim3A_897 = vector.broadcast %jit3A_895 : f32 to vector<16xf32>
    %select_n3A_898 = arith.select %gt3A_879, %broadcast_in_dim3A_896, %broadcast_in_dim3A_897 : vector<16xi1>, vector<16xf32>
    %select_n3A_899 = arith.select %and3A_887, %mul3A_893, %select_n3A_898 : vector<16xi1>, vector<16xf32>
    %swap3A_900 = arith.constant 32 : index
    %swap3A_901 = tpu.vector_load %arg36[%swap3A_900] {strides = array<i32>} : memref<128xf32, #tpu.memory_space<vmem>>, vector<16xf32>,
    tpu.vector_store %arg36[%swap3A_900], %select_n3A_899 {strides = array<i32>} : memref<128xf32, #tpu.memory_space<vmem>>, vector<16xf32>,
    %gather3A_902 = tpu.vector_load_idx %arg18[%get3A_867] : memref<1024xi32, #tpu.memory_space<vmem>>[vector<16xi32>], vector<16xi32>,
    %swap3A_903 = arith.constant 32 : index
    %swap3A_904 = tpu.vector_load %arg34[%swap3A_903] {strides = array<i32>} : memref<128xi32, #tpu.memory_space<vmem>>, vector<16xi32>,
    tpu.vector_store %arg34[%swap3A_903], %gather3A_902 {strides = array<i32>} : memref<128xi32, #tpu.memory_space<vmem>>, vector<16xi32>,
    %gather3A_905 = tpu.vector_load_idx %arg19[%get3A_867] : memref<1024xf32, #tpu.memory_space<vmem>>[vector<16xi32>], vector<16xf32>,
    %swap3A_906 = arith.constant 32 : index
    %swap3A_907 = tpu.vector_load %arg33[%swap3A_906] {strides = array<i32>} : memref<128xf32, #tpu.memory_space<vmem>>, vector<16xf32>,
    tpu.vector_store %arg33[%swap3A_906], %gather3A_905 {strides = array<i32>} : memref<128xf32, #tpu.memory_space<vmem>>, vector<16xf32>,
    %gather3A_908 = tpu.vector_load_idx %arg27[%get3A_867] : memref<1024xi32, #tpu.memory_space<vmem>>[vector<16xi32>], vector<16xi32>,
    %gather3A_909 = tpu.vector_load_idx %arg16[%add3A_70, %get3A_867] : memref<7x1024xf32, #tpu.memory_space<vmem>>[vector<16xi32>, vector<16xi32>], vector<16xf32>,
    %swap3A_910 = arith.constant 0 : i32
    %swap3A_911 = arith.index_cast %swap3A_910 : i32 to index
    %swap3A_912 = arith.constant 32 : index
    %swap3A_913 = tpu.vector_load %arg30[%swap3A_911, %swap3A_912] {strides = array<i32>} : memref<7x128xf32, #tpu.memory_space<vmem>>, vector<16xf32>,
    tpu.vector_store %arg30[%swap3A_911, %swap3A_912], %gather3A_909 {strides = array<i32>} : memref<7x128xf32, #tpu.memory_space<vmem>>, vector<16xf32>,
    %gather3A_914 = tpu.vector_load_idx %arg17[%add3A_70, %gather3A_908] : memref<8x64xf32, #tpu.memory_space<vmem>>[vector<16xi32>, vector<16xi32>], vector<16xf32>,
    %swap3A_915 = arith.constant 0 : i32
    %swap3A_916 = arith.index_cast %swap3A_915 : i32 to index
    %swap3A_917 = arith.constant 32 : index
    %swap3A_918 = tpu.vector_load %arg31[%swap3A_916, %swap3A_917] {strides = array<i32>} : memref<7x128xf32, #tpu.memory_space<vmem>>, vector<16xf32>,
    tpu.vector_store %arg31[%swap3A_916, %swap3A_917], %gather3A_914 {strides = array<i32>} : memref<7x128xf32, #tpu.memory_space<vmem>>, vector<16xf32>,
    %gather3A_919 = tpu.vector_load_idx %arg16[%add3A_73, %get3A_867] : memref<7x1024xf32, #tpu.memory_space<vmem>>[vector<16xi32>, vector<16xi32>], vector<16xf32>,
    %swap3A_920 = arith.constant 1 : i32
    %swap3A_921 = arith.index_cast %swap3A_920 : i32 to index
    %swap3A_922 = arith.constant 32 : index
    %swap3A_923 = tpu.vector_load %arg30[%swap3A_921, %swap3A_922] {strides = array<i32>} : memref<7x128xf32, #tpu.memory_space<vmem>>, vector<16xf32>,
    tpu.vector_store %arg30[%swap3A_921, %swap3A_922], %gather3A_919 {strides = array<i32>} : memref<7x128xf32, #tpu.memory_space<vmem>>, vector<16xf32>,
    %gather3A_924 = tpu.vector_load_idx %arg17[%add3A_73, %gather3A_908] : memref<8x64xf32, #tpu.memory_space<vmem>>[vector<16xi32>, vector<16xi32>], vector<16xf32>,
    %swap3A_925 = arith.constant 1 : i32
    %swap3A_926 = arith.index_cast %swap3A_925 : i32 to index
    %swap3A_927 = arith.constant 32 : index
    %swap3A_928 = tpu.vector_load %arg31[%swap3A_926, %swap3A_927] {strides = array<i32>} : memref<7x128xf32, #tpu.memory_space<vmem>>, vector<16xf32>,
    tpu.vector_store %arg31[%swap3A_926, %swap3A_927], %gather3A_924 {strides = array<i32>} : memref<7x128xf32, #tpu.memory_space<vmem>>, vector<16xf32>,
    %gather3A_929 = tpu.vector_load_idx %arg16[%add3A_76, %get3A_867] : memref<7x1024xf32, #tpu.memory_space<vmem>>[vector<16xi32>, vector<16xi32>], vector<16xf32>,
    %swap3A_930 = arith.constant 2 : i32
    %swap3A_931 = arith.index_cast %swap3A_930 : i32 to index
    %swap3A_932 = arith.constant 32 : index
    %swap3A_933 = tpu.vector_load %arg30[%swap3A_931, %swap3A_932] {strides = array<i32>} : memref<7x128xf32, #tpu.memory_space<vmem>>, vector<16xf32>,
    tpu.vector_store %arg30[%swap3A_931, %swap3A_932], %gather3A_929 {strides = array<i32>} : memref<7x128xf32, #tpu.memory_space<vmem>>, vector<16xf32>,
    %gather3A_934 = tpu.vector_load_idx %arg17[%add3A_76, %gather3A_908] : memref<8x64xf32, #tpu.memory_space<vmem>>[vector<16xi32>, vector<16xi32>], vector<16xf32>,
    %swap3A_935 = arith.constant 2 : i32
    %swap3A_936 = arith.index_cast %swap3A_935 : i32 to index
    %swap3A_937 = arith.constant 32 : index
    %swap3A_938 = tpu.vector_load %arg31[%swap3A_936, %swap3A_937] {strides = array<i32>} : memref<7x128xf32, #tpu.memory_space<vmem>>, vector<16xf32>,
    tpu.vector_store %arg31[%swap3A_936, %swap3A_937], %gather3A_934 {strides = array<i32>} : memref<7x128xf32, #tpu.memory_space<vmem>>, vector<16xf32>,
    %gather3A_939 = tpu.vector_load_idx %arg16[%add3A_79, %get3A_867] : memref<7x1024xf32, #tpu.memory_space<vmem>>[vector<16xi32>, vector<16xi32>], vector<16xf32>,
    %swap3A_940 = arith.constant 3 : i32
    %swap3A_941 = arith.index_cast %swap3A_940 : i32 to index
    %swap3A_942 = arith.constant 32 : index
    %swap3A_943 = tpu.vector_load %arg30[%swap3A_941, %swap3A_942] {strides = array<i32>} : memref<7x128xf32, #tpu.memory_space<vmem>>, vector<16xf32>,
    tpu.vector_store %arg30[%swap3A_941, %swap3A_942], %gather3A_939 {strides = array<i32>} : memref<7x128xf32, #tpu.memory_space<vmem>>, vector<16xf32>,
    %gather3A_944 = tpu.vector_load_idx %arg17[%add3A_79, %gather3A_908] : memref<8x64xf32, #tpu.memory_space<vmem>>[vector<16xi32>, vector<16xi32>], vector<16xf32>,
    %swap3A_945 = arith.constant 3 : i32
    %swap3A_946 = arith.index_cast %swap3A_945 : i32 to index
    %swap3A_947 = arith.constant 32 : index
    %swap3A_948 = tpu.vector_load %arg31[%swap3A_946, %swap3A_947] {strides = array<i32>} : memref<7x128xf32, #tpu.memory_space<vmem>>, vector<16xf32>,
    tpu.vector_store %arg31[%swap3A_946, %swap3A_947], %gather3A_944 {strides = array<i32>} : memref<7x128xf32, #tpu.memory_space<vmem>>, vector<16xf32>,
    %gather3A_949 = tpu.vector_load_idx %arg16[%add3A_82, %get3A_867] : memref<7x1024xf32, #tpu.memory_space<vmem>>[vector<16xi32>, vector<16xi32>], vector<16xf32>,
    %swap3A_950 = arith.constant 4 : i32
    %swap3A_951 = arith.index_cast %swap3A_950 : i32 to index
    %swap3A_952 = arith.constant 32 : index
    %swap3A_953 = tpu.vector_load %arg30[%swap3A_951, %swap3A_952] {strides = array<i32>} : memref<7x128xf32, #tpu.memory_space<vmem>>, vector<16xf32>,
    tpu.vector_store %arg30[%swap3A_951, %swap3A_952], %gather3A_949 {strides = array<i32>} : memref<7x128xf32, #tpu.memory_space<vmem>>, vector<16xf32>,
    %gather3A_954 = tpu.vector_load_idx %arg17[%add3A_82, %gather3A_908] : memref<8x64xf32, #tpu.memory_space<vmem>>[vector<16xi32>, vector<16xi32>], vector<16xf32>,
    %swap3A_955 = arith.constant 4 : i32
    %swap3A_956 = arith.index_cast %swap3A_955 : i32 to index
    %swap3A_957 = arith.constant 32 : index
    %swap3A_958 = tpu.vector_load %arg31[%swap3A_956, %swap3A_957] {strides = array<i32>} : memref<7x128xf32, #tpu.memory_space<vmem>>, vector<16xf32>,
    tpu.vector_store %arg31[%swap3A_956, %swap3A_957], %gather3A_954 {strides = array<i32>} : memref<7x128xf32, #tpu.memory_space<vmem>>, vector<16xf32>,
    %gather3A_959 = tpu.vector_load_idx %arg16[%add3A_85, %get3A_867] : memref<7x1024xf32, #tpu.memory_space<vmem>>[vector<16xi32>, vector<16xi32>], vector<16xf32>,
    %swap3A_960 = arith.constant 5 : i32
    %swap3A_961 = arith.index_cast %swap3A_960 : i32 to index
    %swap3A_962 = arith.constant 32 : index
    %swap3A_963 = tpu.vector_load %arg30[%swap3A_961, %swap3A_962] {strides = array<i32>} : memref<7x128xf32, #tpu.memory_space<vmem>>, vector<16xf32>,
    tpu.vector_store %arg30[%swap3A_961, %swap3A_962], %gather3A_959 {strides = array<i32>} : memref<7x128xf32, #tpu.memory_space<vmem>>, vector<16xf32>,
    %gather3A_964 = tpu.vector_load_idx %arg17[%add3A_85, %gather3A_908] : memref<8x64xf32, #tpu.memory_space<vmem>>[vector<16xi32>, vector<16xi32>], vector<16xf32>,
    %swap3A_965 = arith.constant 5 : i32
    %swap3A_966 = arith.index_cast %swap3A_965 : i32 to index
    %swap3A_967 = arith.constant 32 : index
    %swap3A_968 = tpu.vector_load %arg31[%swap3A_966, %swap3A_967] {strides = array<i32>} : memref<7x128xf32, #tpu.memory_space<vmem>>, vector<16xf32>,
    tpu.vector_store %arg31[%swap3A_966, %swap3A_967], %gather3A_964 {strides = array<i32>} : memref<7x128xf32, #tpu.memory_space<vmem>>, vector<16xf32>,
    %gather3A_969 = tpu.vector_load_idx %arg16[%add3A_88, %get3A_867] : memref<7x1024xf32, #tpu.memory_space<vmem>>[vector<16xi32>, vector<16xi32>], vector<16xf32>,
    %swap3A_970 = arith.constant 6 : i32
    %swap3A_971 = arith.index_cast %swap3A_970 : i32 to index
    %swap3A_972 = arith.constant 32 : index
    %swap3A_973 = tpu.vector_load %arg30[%swap3A_971, %swap3A_972] {strides = array<i32>} : memref<7x128xf32, #tpu.memory_space<vmem>>, vector<16xf32>,
    tpu.vector_store %arg30[%swap3A_971, %swap3A_972], %gather3A_969 {strides = array<i32>} : memref<7x128xf32, #tpu.memory_space<vmem>>, vector<16xf32>,
    %gather3A_974 = tpu.vector_load_idx %arg17[%add3A_88, %gather3A_908] : memref<8x64xf32, #tpu.memory_space<vmem>>[vector<16xi32>, vector<16xi32>], vector<16xf32>,
    %swap3A_975 = arith.constant 6 : i32
    %swap3A_976 = arith.index_cast %swap3A_975 : i32 to index
    %swap3A_977 = arith.constant 32 : index
    %swap3A_978 = tpu.vector_load %arg31[%swap3A_976, %swap3A_977] {strides = array<i32>} : memref<7x128xf32, #tpu.memory_space<vmem>>, vector<16xf32>,
    tpu.vector_store %arg31[%swap3A_976, %swap3A_977], %gather3A_974 {strides = array<i32>} : memref<7x128xf32, #tpu.memory_space<vmem>>, vector<16xf32>,
    %mul3A_979 = arith.constant 1024 : i32
    %mul3A_980 = arith.muli %add3A, %mul3A_979 : i32
    %add3A_981 = vector.broadcast %mul3A_980 : i32 to vector<16xi32>
    %add3A_982 = arith.addi %get3A_867, %add3A_981 : vector<16xi32>
    %swap3A_983 = arith.constant 32 : index
    %swap3A_984 = tpu.vector_load %arg29[%swap3A_983] {strides = array<i32>} : memref<128xi32, #tpu.memory_space<vmem>>, vector<16xi32>,
    tpu.vector_store %arg29[%swap3A_983], %add3A_982 {strides = array<i32>} : memref<128xi32, #tpu.memory_space<vmem>>, vector<16xi32>,
    %get3A_985 = arith.constant 48 : index
    %get3A_986 = tpu.vector_load %arg28[%get3A_985] {strides = array<i32>} : memref<128xi32, #tpu.memory_space<vmem>>, vector<16xi32>,
    %gather3A_987 = tpu.vector_load_idx %arg26[%get3A_986] : memref<1024xf32, #tpu.memory_space<vmem>>[vector<16xi32>], vector<16xf32>,
    %swap3A_988 = arith.constant 48 : index
    %swap3A_989 = tpu.vector_load %arg32[%swap3A_988] {strides = array<i32>} : memref<128xf32, #tpu.memory_space<vmem>>, vector<16xf32>,
    tpu.vector_store %arg32[%swap3A_988], %gather3A_987 {strides = array<i32>} : memref<128xf32, #tpu.memory_space<vmem>>, vector<16xf32>,
    %gt3A_990 = arith.constant 5.500000e-01 : f32
    %gt3A_991 = vector.broadcast %gt3A_990 : f32 to vector<16xf32>
    %gt3A_992 = arith.cmpf ogt, %gather3A_987, %gt3A_991 : vector<16xf32>
    %convert_element_type3A_993 = arith.extui %gt3A_992 : vector<16xi1> to vector<16xi32>
    %swap3A_994 = arith.constant 48 : index
    %swap3A_995 = tpu.vector_load %arg35[%swap3A_994] {strides = array<i32>} : memref<128xi32, #tpu.memory_space<vmem>>, vector<16xi32>,
    tpu.vector_store %arg35[%swap3A_994], %convert_element_type3A_993 {strides = array<i32>} : memref<128xi32, #tpu.memory_space<vmem>>, vector<16xi32>,
    %gt3A_996 = arith.constant 7.500000e-01 : f32
    %gt3A_997 = vector.broadcast %gt3A_996 : f32 to vector<16xf32>
    %gt3A_998 = arith.cmpf ogt, %gather3A_987, %gt3A_997 : vector<16xf32>
    %lt3A_999 = arith.constant 2.500000e-01 : f32
    %lt3A_1000 = vector.broadcast %lt3A_999 : f32 to vector<16xf32>
    %lt3A_1001 = arith.cmpf olt, %gather3A_987, %lt3A_1000 : vector<16xf32>
    %not3A_1002 = arith.constant dense<true> : vector<16xi1>
    %not3A_1003 = arith.xori %gt3A_998, %not3A_1002 : vector<16xi1>
    %not3A_1004 = arith.constant dense<true> : vector<16xi1>
    %not3A_1005 = arith.xori %lt3A_1001, %not3A_1004 : vector<16xi1>
    %and3A_1006 = arith.andi %not3A_1003, %not3A_1005 : vector<16xi1>
    %sub3A_1007 = arith.constant 2.500000e-01 : f32
    %sub3A_1008 = vector.broadcast %sub3A_1007 : f32 to vector<16xf32>
    %sub3A_1009 = arith.subf %gather3A_987, %sub3A_1008 : vector<16xf32>
    %mul3A_1010 = arith.constant 2.000000e+00 : f32
    %mul3A_1011 = vector.broadcast %mul3A_1010 : f32 to vector<16xf32>
    %mul3A_1012 = arith.mulf %sub3A_1009, %mul3A_1011 : vector<16xf32>
    %jit3A_1013 = arith.constant 1.000000e+00 : f32
    %jit3A_1014 = arith.constant 0.000000e+00 : f32
    %broadcast_in_dim3A_1015 = vector.broadcast %jit3A_1013 : f32 to vector<16xf32>
    %broadcast_in_dim3A_1016 = vector.broadcast %jit3A_1014 : f32 to vector<16xf32>
    %select_n3A_1017 = arith.select %gt3A_998, %broadcast_in_dim3A_1015, %broadcast_in_dim3A_1016 : vector<16xi1>, vector<16xf32>
    %select_n3A_1018 = arith.select %and3A_1006, %mul3A_1012, %select_n3A_1017 : vector<16xi1>, vector<16xf32>
    %swap3A_1019 = arith.constant 48 : index
    %swap3A_1020 = tpu.vector_load %arg36[%swap3A_1019] {strides = array<i32>} : memref<128xf32, #tpu.memory_space<vmem>>, vector<16xf32>,
    tpu.vector_store %arg36[%swap3A_1019], %select_n3A_1018 {strides = array<i32>} : memref<128xf32, #tpu.memory_space<vmem>>, vector<16xf32>,
    %gather3A_1021 = tpu.vector_load_idx %arg18[%get3A_986] : memref<1024xi32, #tpu.memory_space<vmem>>[vector<16xi32>], vector<16xi32>,
    %swap3A_1022 = arith.constant 48 : index
    %swap3A_1023 = tpu.vector_load %arg34[%swap3A_1022] {strides = array<i32>} : memref<128xi32, #tpu.memory_space<vmem>>, vector<16xi32>,
    tpu.vector_store %arg34[%swap3A_1022], %gather3A_1021 {strides = array<i32>} : memref<128xi32, #tpu.memory_space<vmem>>, vector<16xi32>,
    %gather3A_1024 = tpu.vector_load_idx %arg19[%get3A_986] : memref<1024xf32, #tpu.memory_space<vmem>>[vector<16xi32>], vector<16xf32>,
    %swap3A_1025 = arith.constant 48 : index
    %swap3A_1026 = tpu.vector_load %arg33[%swap3A_1025] {strides = array<i32>} : memref<128xf32, #tpu.memory_space<vmem>>, vector<16xf32>,
    tpu.vector_store %arg33[%swap3A_1025], %gather3A_1024 {strides = array<i32>} : memref<128xf32, #tpu.memory_space<vmem>>, vector<16xf32>,
    %gather3A_1027 = tpu.vector_load_idx %arg27[%get3A_986] : memref<1024xi32, #tpu.memory_space<vmem>>[vector<16xi32>], vector<16xi32>,
    %gather3A_1028 = tpu.vector_load_idx %arg16[%add3A_70, %get3A_986] : memref<7x1024xf32, #tpu.memory_space<vmem>>[vector<16xi32>, vector<16xi32>], vector<16xf32>,
    %swap3A_1029 = arith.constant 0 : i32
    %swap3A_1030 = arith.index_cast %swap3A_1029 : i32 to index
    %swap3A_1031 = arith.constant 48 : index
    %swap3A_1032 = tpu.vector_load %arg30[%swap3A_1030, %swap3A_1031] {strides = array<i32>} : memref<7x128xf32, #tpu.memory_space<vmem>>, vector<16xf32>,
    tpu.vector_store %arg30[%swap3A_1030, %swap3A_1031], %gather3A_1028 {strides = array<i32>} : memref<7x128xf32, #tpu.memory_space<vmem>>, vector<16xf32>,
    %gather3A_1033 = tpu.vector_load_idx %arg17[%add3A_70, %gather3A_1027] : memref<8x64xf32, #tpu.memory_space<vmem>>[vector<16xi32>, vector<16xi32>], vector<16xf32>,
    %swap3A_1034 = arith.constant 0 : i32
    %swap3A_1035 = arith.index_cast %swap3A_1034 : i32 to index
    %swap3A_1036 = arith.constant 48 : index
    %swap3A_1037 = tpu.vector_load %arg31[%swap3A_1035, %swap3A_1036] {strides = array<i32>} : memref<7x128xf32, #tpu.memory_space<vmem>>, vector<16xf32>,
    tpu.vector_store %arg31[%swap3A_1035, %swap3A_1036], %gather3A_1033 {strides = array<i32>} : memref<7x128xf32, #tpu.memory_space<vmem>>, vector<16xf32>,
    %gather3A_1038 = tpu.vector_load_idx %arg16[%add3A_73, %get3A_986] : memref<7x1024xf32, #tpu.memory_space<vmem>>[vector<16xi32>, vector<16xi32>], vector<16xf32>,
    %swap3A_1039 = arith.constant 1 : i32
    %swap3A_1040 = arith.index_cast %swap3A_1039 : i32 to index
    %swap3A_1041 = arith.constant 48 : index
    %swap3A_1042 = tpu.vector_load %arg30[%swap3A_1040, %swap3A_1041] {strides = array<i32>} : memref<7x128xf32, #tpu.memory_space<vmem>>, vector<16xf32>,
    tpu.vector_store %arg30[%swap3A_1040, %swap3A_1041], %gather3A_1038 {strides = array<i32>} : memref<7x128xf32, #tpu.memory_space<vmem>>, vector<16xf32>,
    %gather3A_1043 = tpu.vector_load_idx %arg17[%add3A_73, %gather3A_1027] : memref<8x64xf32, #tpu.memory_space<vmem>>[vector<16xi32>, vector<16xi32>], vector<16xf32>,
    %swap3A_1044 = arith.constant 1 : i32
    %swap3A_1045 = arith.index_cast %swap3A_1044 : i32 to index
    %swap3A_1046 = arith.constant 48 : index
    %swap3A_1047 = tpu.vector_load %arg31[%swap3A_1045, %swap3A_1046] {strides = array<i32>} : memref<7x128xf32, #tpu.memory_space<vmem>>, vector<16xf32>,
    tpu.vector_store %arg31[%swap3A_1045, %swap3A_1046], %gather3A_1043 {strides = array<i32>} : memref<7x128xf32, #tpu.memory_space<vmem>>, vector<16xf32>,
    %gather3A_1048 = tpu.vector_load_idx %arg16[%add3A_76, %get3A_986] : memref<7x1024xf32, #tpu.memory_space<vmem>>[vector<16xi32>, vector<16xi32>], vector<16xf32>,
    %swap3A_1049 = arith.constant 2 : i32
    %swap3A_1050 = arith.index_cast %swap3A_1049 : i32 to index
    %swap3A_1051 = arith.constant 48 : index
    %swap3A_1052 = tpu.vector_load %arg30[%swap3A_1050, %swap3A_1051] {strides = array<i32>} : memref<7x128xf32, #tpu.memory_space<vmem>>, vector<16xf32>,
    tpu.vector_store %arg30[%swap3A_1050, %swap3A_1051], %gather3A_1048 {strides = array<i32>} : memref<7x128xf32, #tpu.memory_space<vmem>>, vector<16xf32>,
    %gather3A_1053 = tpu.vector_load_idx %arg17[%add3A_76, %gather3A_1027] : memref<8x64xf32, #tpu.memory_space<vmem>>[vector<16xi32>, vector<16xi32>], vector<16xf32>,
    %swap3A_1054 = arith.constant 2 : i32
    %swap3A_1055 = arith.index_cast %swap3A_1054 : i32 to index
    %swap3A_1056 = arith.constant 48 : index
    %swap3A_1057 = tpu.vector_load %arg31[%swap3A_1055, %swap3A_1056] {strides = array<i32>} : memref<7x128xf32, #tpu.memory_space<vmem>>, vector<16xf32>,
    tpu.vector_store %arg31[%swap3A_1055, %swap3A_1056], %gather3A_1053 {strides = array<i32>} : memref<7x128xf32, #tpu.memory_space<vmem>>, vector<16xf32>,
    %gather3A_1058 = tpu.vector_load_idx %arg16[%add3A_79, %get3A_986] : memref<7x1024xf32, #tpu.memory_space<vmem>>[vector<16xi32>, vector<16xi32>], vector<16xf32>,
    %swap3A_1059 = arith.constant 3 : i32
    %swap3A_1060 = arith.index_cast %swap3A_1059 : i32 to index
    %swap3A_1061 = arith.constant 48 : index
    %swap3A_1062 = tpu.vector_load %arg30[%swap3A_1060, %swap3A_1061] {strides = array<i32>} : memref<7x128xf32, #tpu.memory_space<vmem>>, vector<16xf32>,
    tpu.vector_store %arg30[%swap3A_1060, %swap3A_1061], %gather3A_1058 {strides = array<i32>} : memref<7x128xf32, #tpu.memory_space<vmem>>, vector<16xf32>,
    %gather3A_1063 = tpu.vector_load_idx %arg17[%add3A_79, %gather3A_1027] : memref<8x64xf32, #tpu.memory_space<vmem>>[vector<16xi32>, vector<16xi32>], vector<16xf32>,
    %swap3A_1064 = arith.constant 3 : i32
    %swap3A_1065 = arith.index_cast %swap3A_1064 : i32 to index
    %swap3A_1066 = arith.constant 48 : index
    %swap3A_1067 = tpu.vector_load %arg31[%swap3A_1065, %swap3A_1066] {strides = array<i32>} : memref<7x128xf32, #tpu.memory_space<vmem>>, vector<16xf32>,
    tpu.vector_store %arg31[%swap3A_1065, %swap3A_1066], %gather3A_1063 {strides = array<i32>} : memref<7x128xf32, #tpu.memory_space<vmem>>, vector<16xf32>,
    %gather3A_1068 = tpu.vector_load_idx %arg16[%add3A_82, %get3A_986] : memref<7x1024xf32, #tpu.memory_space<vmem>>[vector<16xi32>, vector<16xi32>], vector<16xf32>,
    %swap3A_1069 = arith.constant 4 : i32
    %swap3A_1070 = arith.index_cast %swap3A_1069 : i32 to index
    %swap3A_1071 = arith.constant 48 : index
    %swap3A_1072 = tpu.vector_load %arg30[%swap3A_1070, %swap3A_1071] {strides = array<i32>} : memref<7x128xf32, #tpu.memory_space<vmem>>, vector<16xf32>,
    tpu.vector_store %arg30[%swap3A_1070, %swap3A_1071], %gather3A_1068 {strides = array<i32>} : memref<7x128xf32, #tpu.memory_space<vmem>>, vector<16xf32>,
    %gather3A_1073 = tpu.vector_load_idx %arg17[%add3A_82, %gather3A_1027] : memref<8x64xf32, #tpu.memory_space<vmem>>[vector<16xi32>, vector<16xi32>], vector<16xf32>,
    %swap3A_1074 = arith.constant 4 : i32
    %swap3A_1075 = arith.index_cast %swap3A_1074 : i32 to index
    %swap3A_1076 = arith.constant 48 : index
    %swap3A_1077 = tpu.vector_load %arg31[%swap3A_1075, %swap3A_1076] {strides = array<i32>} : memref<7x128xf32, #tpu.memory_space<vmem>>, vector<16xf32>,
    tpu.vector_store %arg31[%swap3A_1075, %swap3A_1076], %gather3A_1073 {strides = array<i32>} : memref<7x128xf32, #tpu.memory_space<vmem>>, vector<16xf32>,
    %gather3A_1078 = tpu.vector_load_idx %arg16[%add3A_85, %get3A_986] : memref<7x1024xf32, #tpu.memory_space<vmem>>[vector<16xi32>, vector<16xi32>], vector<16xf32>,
    %swap3A_1079 = arith.constant 5 : i32
    %swap3A_1080 = arith.index_cast %swap3A_1079 : i32 to index
    %swap3A_1081 = arith.constant 48 : index
    %swap3A_1082 = tpu.vector_load %arg30[%swap3A_1080, %swap3A_1081] {strides = array<i32>} : memref<7x128xf32, #tpu.memory_space<vmem>>, vector<16xf32>,
    tpu.vector_store %arg30[%swap3A_1080, %swap3A_1081], %gather3A_1078 {strides = array<i32>} : memref<7x128xf32, #tpu.memory_space<vmem>>, vector<16xf32>,
    %gather3A_1083 = tpu.vector_load_idx %arg17[%add3A_85, %gather3A_1027] : memref<8x64xf32, #tpu.memory_space<vmem>>[vector<16xi32>, vector<16xi32>], vector<16xf32>,
    %swap3A_1084 = arith.constant 5 : i32
    %swap3A_1085 = arith.index_cast %swap3A_1084 : i32 to index
    %swap3A_1086 = arith.constant 48 : index
    %swap3A_1087 = tpu.vector_load %arg31[%swap3A_1085, %swap3A_1086] {strides = array<i32>} : memref<7x128xf32, #tpu.memory_space<vmem>>, vector<16xf32>,
    tpu.vector_store %arg31[%swap3A_1085, %swap3A_1086], %gather3A_1083 {strides = array<i32>} : memref<7x128xf32, #tpu.memory_space<vmem>>, vector<16xf32>,
    %gather3A_1088 = tpu.vector_load_idx %arg16[%add3A_88, %get3A_986] : memref<7x1024xf32, #tpu.memory_space<vmem>>[vector<16xi32>, vector<16xi32>], vector<16xf32>,
    %swap3A_1089 = arith.constant 6 : i32
    %swap3A_1090 = arith.index_cast %swap3A_1089 : i32 to index
    %swap3A_1091 = arith.constant 48 : index
    %swap3A_1092 = tpu.vector_load %arg30[%swap3A_1090, %swap3A_1091] {strides = array<i32>} : memref<7x128xf32, #tpu.memory_space<vmem>>, vector<16xf32>,
    tpu.vector_store %arg30[%swap3A_1090, %swap3A_1091], %gather3A_1088 {strides = array<i32>} : memref<7x128xf32, #tpu.memory_space<vmem>>, vector<16xf32>,
    %gather3A_1093 = tpu.vector_load_idx %arg17[%add3A_88, %gather3A_1027] : memref<8x64xf32, #tpu.memory_space<vmem>>[vector<16xi32>, vector<16xi32>], vector<16xf32>,
    %swap3A_1094 = arith.constant 6 : i32
    %swap3A_1095 = arith.index_cast %swap3A_1094 : i32 to index
    %swap3A_1096 = arith.constant 48 : index
    %swap3A_1097 = tpu.vector_load %arg31[%swap3A_1095, %swap3A_1096] {strides = array<i32>} : memref<7x128xf32, #tpu.memory_space<vmem>>, vector<16xf32>,
    tpu.vector_store %arg31[%swap3A_1095, %swap3A_1096], %gather3A_1093 {strides = array<i32>} : memref<7x128xf32, #tpu.memory_space<vmem>>, vector<16xf32>,
    %mul3A_1098 = arith.constant 1024 : i32
    %mul3A_1099 = arith.muli %add3A, %mul3A_1098 : i32
    %add3A_1100 = vector.broadcast %mul3A_1099 : i32 to vector<16xi32>
    %add3A_1101 = arith.addi %get3A_986, %add3A_1100 : vector<16xi32>
    %swap3A_1102 = arith.constant 48 : index
    %swap3A_1103 = tpu.vector_load %arg29[%swap3A_1102] {strides = array<i32>} : memref<128xi32, #tpu.memory_space<vmem>>, vector<16xi32>,
    tpu.vector_store %arg29[%swap3A_1102], %add3A_1101 {strides = array<i32>} : memref<128xi32, #tpu.memory_space<vmem>>, vector<16xi32>,
    %get3A_1104 = arith.constant 64 : index
    %get3A_1105 = tpu.vector_load %arg28[%get3A_1104] {strides = array<i32>} : memref<128xi32, #tpu.memory_space<vmem>>, vector<16xi32>,
    %gather3A_1106 = tpu.vector_load_idx %arg26[%get3A_1105] : memref<1024xf32, #tpu.memory_space<vmem>>[vector<16xi32>], vector<16xf32>,
    %swap3A_1107 = arith.constant 64 : index
    %swap3A_1108 = tpu.vector_load %arg32[%swap3A_1107] {strides = array<i32>} : memref<128xf32, #tpu.memory_space<vmem>>, vector<16xf32>,
    tpu.vector_store %arg32[%swap3A_1107], %gather3A_1106 {strides = array<i32>} : memref<128xf32, #tpu.memory_space<vmem>>, vector<16xf32>,
    %gt3A_1109 = arith.constant 5.500000e-01 : f32
    %gt3A_1110 = vector.broadcast %gt3A_1109 : f32 to vector<16xf32>
    %gt3A_1111 = arith.cmpf ogt, %gather3A_1106, %gt3A_1110 : vector<16xf32>
    %convert_element_type3A_1112 = arith.extui %gt3A_1111 : vector<16xi1> to vector<16xi32>
    %swap3A_1113 = arith.constant 64 : index
    %swap3A_1114 = tpu.vector_load %arg35[%swap3A_1113] {strides = array<i32>} : memref<128xi32, #tpu.memory_space<vmem>>, vector<16xi32>,
    tpu.vector_store %arg35[%swap3A_1113], %convert_element_type3A_1112 {strides = array<i32>} : memref<128xi32, #tpu.memory_space<vmem>>, vector<16xi32>,
    %gt3A_1115 = arith.constant 7.500000e-01 : f32
    %gt3A_1116 = vector.broadcast %gt3A_1115 : f32 to vector<16xf32>
    %gt3A_1117 = arith.cmpf ogt, %gather3A_1106, %gt3A_1116 : vector<16xf32>
    %lt3A_1118 = arith.constant 2.500000e-01 : f32
    %lt3A_1119 = vector.broadcast %lt3A_1118 : f32 to vector<16xf32>
    %lt3A_1120 = arith.cmpf olt, %gather3A_1106, %lt3A_1119 : vector<16xf32>
    %not3A_1121 = arith.constant dense<true> : vector<16xi1>
    %not3A_1122 = arith.xori %gt3A_1117, %not3A_1121 : vector<16xi1>
    %not3A_1123 = arith.constant dense<true> : vector<16xi1>
    %not3A_1124 = arith.xori %lt3A_1120, %not3A_1123 : vector<16xi1>
    %and3A_1125 = arith.andi %not3A_1122, %not3A_1124 : vector<16xi1>
    %sub3A_1126 = arith.constant 2.500000e-01 : f32
    %sub3A_1127 = vector.broadcast %sub3A_1126 : f32 to vector<16xf32>
    %sub3A_1128 = arith.subf %gather3A_1106, %sub3A_1127 : vector<16xf32>
    %mul3A_1129 = arith.constant 2.000000e+00 : f32
    %mul3A_1130 = vector.broadcast %mul3A_1129 : f32 to vector<16xf32>
    %mul3A_1131 = arith.mulf %sub3A_1128, %mul3A_1130 : vector<16xf32>
    %jit3A_1132 = arith.constant 1.000000e+00 : f32
    %jit3A_1133 = arith.constant 0.000000e+00 : f32
    %broadcast_in_dim3A_1134 = vector.broadcast %jit3A_1132 : f32 to vector<16xf32>
    %broadcast_in_dim3A_1135 = vector.broadcast %jit3A_1133 : f32 to vector<16xf32>
    %select_n3A_1136 = arith.select %gt3A_1117, %broadcast_in_dim3A_1134, %broadcast_in_dim3A_1135 : vector<16xi1>, vector<16xf32>
    %select_n3A_1137 = arith.select %and3A_1125, %mul3A_1131, %select_n3A_1136 : vector<16xi1>, vector<16xf32>
    %swap3A_1138 = arith.constant 64 : index
    %swap3A_1139 = tpu.vector_load %arg36[%swap3A_1138] {strides = array<i32>} : memref<128xf32, #tpu.memory_space<vmem>>, vector<16xf32>,
    tpu.vector_store %arg36[%swap3A_1138], %select_n3A_1137 {strides = array<i32>} : memref<128xf32, #tpu.memory_space<vmem>>, vector<16xf32>,
    %gather3A_1140 = tpu.vector_load_idx %arg18[%get3A_1105] : memref<1024xi32, #tpu.memory_space<vmem>>[vector<16xi32>], vector<16xi32>,
    %swap3A_1141 = arith.constant 64 : index
    %swap3A_1142 = tpu.vector_load %arg34[%swap3A_1141] {strides = array<i32>} : memref<128xi32, #tpu.memory_space<vmem>>, vector<16xi32>,
    tpu.vector_store %arg34[%swap3A_1141], %gather3A_1140 {strides = array<i32>} : memref<128xi32, #tpu.memory_space<vmem>>, vector<16xi32>,
    %gather3A_1143 = tpu.vector_load_idx %arg19[%get3A_1105] : memref<1024xf32, #tpu.memory_space<vmem>>[vector<16xi32>], vector<16xf32>,
    %swap3A_1144 = arith.constant 64 : index
    %swap3A_1145 = tpu.vector_load %arg33[%swap3A_1144] {strides = array<i32>} : memref<128xf32, #tpu.memory_space<vmem>>, vector<16xf32>,
    tpu.vector_store %arg33[%swap3A_1144], %gather3A_1143 {strides = array<i32>} : memref<128xf32, #tpu.memory_space<vmem>>, vector<16xf32>,
    %gather3A_1146 = tpu.vector_load_idx %arg27[%get3A_1105] : memref<1024xi32, #tpu.memory_space<vmem>>[vector<16xi32>], vector<16xi32>,
    %gather3A_1147 = tpu.vector_load_idx %arg16[%add3A_70, %get3A_1105] : memref<7x1024xf32, #tpu.memory_space<vmem>>[vector<16xi32>, vector<16xi32>], vector<16xf32>,
    %swap3A_1148 = arith.constant 0 : i32
    %swap3A_1149 = arith.index_cast %swap3A_1148 : i32 to index
    %swap3A_1150 = arith.constant 64 : index
    %swap3A_1151 = tpu.vector_load %arg30[%swap3A_1149, %swap3A_1150] {strides = array<i32>} : memref<7x128xf32, #tpu.memory_space<vmem>>, vector<16xf32>,
    tpu.vector_store %arg30[%swap3A_1149, %swap3A_1150], %gather3A_1147 {strides = array<i32>} : memref<7x128xf32, #tpu.memory_space<vmem>>, vector<16xf32>,
    %gather3A_1152 = tpu.vector_load_idx %arg17[%add3A_70, %gather3A_1146] : memref<8x64xf32, #tpu.memory_space<vmem>>[vector<16xi32>, vector<16xi32>], vector<16xf32>,
    %swap3A_1153 = arith.constant 0 : i32
    %swap3A_1154 = arith.index_cast %swap3A_1153 : i32 to index
    %swap3A_1155 = arith.constant 64 : index
    %swap3A_1156 = tpu.vector_load %arg31[%swap3A_1154, %swap3A_1155] {strides = array<i32>} : memref<7x128xf32, #tpu.memory_space<vmem>>, vector<16xf32>,
    tpu.vector_store %arg31[%swap3A_1154, %swap3A_1155], %gather3A_1152 {strides = array<i32>} : memref<7x128xf32, #tpu.memory_space<vmem>>, vector<16xf32>,
    %gather3A_1157 = tpu.vector_load_idx %arg16[%add3A_73, %get3A_1105] : memref<7x1024xf32, #tpu.memory_space<vmem>>[vector<16xi32>, vector<16xi32>], vector<16xf32>,
    %swap3A_1158 = arith.constant 1 : i32
    %swap3A_1159 = arith.index_cast %swap3A_1158 : i32 to index
    %swap3A_1160 = arith.constant 64 : index
    %swap3A_1161 = tpu.vector_load %arg30[%swap3A_1159, %swap3A_1160] {strides = array<i32>} : memref<7x128xf32, #tpu.memory_space<vmem>>, vector<16xf32>,
    tpu.vector_store %arg30[%swap3A_1159, %swap3A_1160], %gather3A_1157 {strides = array<i32>} : memref<7x128xf32, #tpu.memory_space<vmem>>, vector<16xf32>,
    %gather3A_1162 = tpu.vector_load_idx %arg17[%add3A_73, %gather3A_1146] : memref<8x64xf32, #tpu.memory_space<vmem>>[vector<16xi32>, vector<16xi32>], vector<16xf32>,
    %swap3A_1163 = arith.constant 1 : i32
    %swap3A_1164 = arith.index_cast %swap3A_1163 : i32 to index
    %swap3A_1165 = arith.constant 64 : index
    %swap3A_1166 = tpu.vector_load %arg31[%swap3A_1164, %swap3A_1165] {strides = array<i32>} : memref<7x128xf32, #tpu.memory_space<vmem>>, vector<16xf32>,
    tpu.vector_store %arg31[%swap3A_1164, %swap3A_1165], %gather3A_1162 {strides = array<i32>} : memref<7x128xf32, #tpu.memory_space<vmem>>, vector<16xf32>,
    %gather3A_1167 = tpu.vector_load_idx %arg16[%add3A_76, %get3A_1105] : memref<7x1024xf32, #tpu.memory_space<vmem>>[vector<16xi32>, vector<16xi32>], vector<16xf32>,
    %swap3A_1168 = arith.constant 2 : i32
    %swap3A_1169 = arith.index_cast %swap3A_1168 : i32 to index
    %swap3A_1170 = arith.constant 64 : index
    %swap3A_1171 = tpu.vector_load %arg30[%swap3A_1169, %swap3A_1170] {strides = array<i32>} : memref<7x128xf32, #tpu.memory_space<vmem>>, vector<16xf32>,
    tpu.vector_store %arg30[%swap3A_1169, %swap3A_1170], %gather3A_1167 {strides = array<i32>} : memref<7x128xf32, #tpu.memory_space<vmem>>, vector<16xf32>,
    %gather3A_1172 = tpu.vector_load_idx %arg17[%add3A_76, %gather3A_1146] : memref<8x64xf32, #tpu.memory_space<vmem>>[vector<16xi32>, vector<16xi32>], vector<16xf32>,
    %swap3A_1173 = arith.constant 2 : i32
    %swap3A_1174 = arith.index_cast %swap3A_1173 : i32 to index
    %swap3A_1175 = arith.constant 64 : index
    %swap3A_1176 = tpu.vector_load %arg31[%swap3A_1174, %swap3A_1175] {strides = array<i32>} : memref<7x128xf32, #tpu.memory_space<vmem>>, vector<16xf32>,
    tpu.vector_store %arg31[%swap3A_1174, %swap3A_1175], %gather3A_1172 {strides = array<i32>} : memref<7x128xf32, #tpu.memory_space<vmem>>, vector<16xf32>,
    %gather3A_1177 = tpu.vector_load_idx %arg16[%add3A_79, %get3A_1105] : memref<7x1024xf32, #tpu.memory_space<vmem>>[vector<16xi32>, vector<16xi32>], vector<16xf32>,
    %swap3A_1178 = arith.constant 3 : i32
    %swap3A_1179 = arith.index_cast %swap3A_1178 : i32 to index
    %swap3A_1180 = arith.constant 64 : index
    %swap3A_1181 = tpu.vector_load %arg30[%swap3A_1179, %swap3A_1180] {strides = array<i32>} : memref<7x128xf32, #tpu.memory_space<vmem>>, vector<16xf32>,
    tpu.vector_store %arg30[%swap3A_1179, %swap3A_1180], %gather3A_1177 {strides = array<i32>} : memref<7x128xf32, #tpu.memory_space<vmem>>, vector<16xf32>,
    %gather3A_1182 = tpu.vector_load_idx %arg17[%add3A_79, %gather3A_1146] : memref<8x64xf32, #tpu.memory_space<vmem>>[vector<16xi32>, vector<16xi32>], vector<16xf32>,
    %swap3A_1183 = arith.constant 3 : i32
    %swap3A_1184 = arith.index_cast %swap3A_1183 : i32 to index
    %swap3A_1185 = arith.constant 64 : index
    %swap3A_1186 = tpu.vector_load %arg31[%swap3A_1184, %swap3A_1185] {strides = array<i32>} : memref<7x128xf32, #tpu.memory_space<vmem>>, vector<16xf32>,
    tpu.vector_store %arg31[%swap3A_1184, %swap3A_1185], %gather3A_1182 {strides = array<i32>} : memref<7x128xf32, #tpu.memory_space<vmem>>, vector<16xf32>,
    %gather3A_1187 = tpu.vector_load_idx %arg16[%add3A_82, %get3A_1105] : memref<7x1024xf32, #tpu.memory_space<vmem>>[vector<16xi32>, vector<16xi32>], vector<16xf32>,
    %swap3A_1188 = arith.constant 4 : i32
    %swap3A_1189 = arith.index_cast %swap3A_1188 : i32 to index
    %swap3A_1190 = arith.constant 64 : index
    %swap3A_1191 = tpu.vector_load %arg30[%swap3A_1189, %swap3A_1190] {strides = array<i32>} : memref<7x128xf32, #tpu.memory_space<vmem>>, vector<16xf32>,
    tpu.vector_store %arg30[%swap3A_1189, %swap3A_1190], %gather3A_1187 {strides = array<i32>} : memref<7x128xf32, #tpu.memory_space<vmem>>, vector<16xf32>,
    %gather3A_1192 = tpu.vector_load_idx %arg17[%add3A_82, %gather3A_1146] : memref<8x64xf32, #tpu.memory_space<vmem>>[vector<16xi32>, vector<16xi32>], vector<16xf32>,
    %swap3A_1193 = arith.constant 4 : i32
    %swap3A_1194 = arith.index_cast %swap3A_1193 : i32 to index
    %swap3A_1195 = arith.constant 64 : index
    %swap3A_1196 = tpu.vector_load %arg31[%swap3A_1194, %swap3A_1195] {strides = array<i32>} : memref<7x128xf32, #tpu.memory_space<vmem>>, vector<16xf32>,
    tpu.vector_store %arg31[%swap3A_1194, %swap3A_1195], %gather3A_1192 {strides = array<i32>} : memref<7x128xf32, #tpu.memory_space<vmem>>, vector<16xf32>,
    %gather3A_1197 = tpu.vector_load_idx %arg16[%add3A_85, %get3A_1105] : memref<7x1024xf32, #tpu.memory_space<vmem>>[vector<16xi32>, vector<16xi32>], vector<16xf32>,
    %swap3A_1198 = arith.constant 5 : i32
    %swap3A_1199 = arith.index_cast %swap3A_1198 : i32 to index
    %swap3A_1200 = arith.constant 64 : index
    %swap3A_1201 = tpu.vector_load %arg30[%swap3A_1199, %swap3A_1200] {strides = array<i32>} : memref<7x128xf32, #tpu.memory_space<vmem>>, vector<16xf32>,
    tpu.vector_store %arg30[%swap3A_1199, %swap3A_1200], %gather3A_1197 {strides = array<i32>} : memref<7x128xf32, #tpu.memory_space<vmem>>, vector<16xf32>,
    %gather3A_1202 = tpu.vector_load_idx %arg17[%add3A_85, %gather3A_1146] : memref<8x64xf32, #tpu.memory_space<vmem>>[vector<16xi32>, vector<16xi32>], vector<16xf32>,
    %swap3A_1203 = arith.constant 5 : i32
    %swap3A_1204 = arith.index_cast %swap3A_1203 : i32 to index
    %swap3A_1205 = arith.constant 64 : index
    %swap3A_1206 = tpu.vector_load %arg31[%swap3A_1204, %swap3A_1205] {strides = array<i32>} : memref<7x128xf32, #tpu.memory_space<vmem>>, vector<16xf32>,
    tpu.vector_store %arg31[%swap3A_1204, %swap3A_1205], %gather3A_1202 {strides = array<i32>} : memref<7x128xf32, #tpu.memory_space<vmem>>, vector<16xf32>,
    %gather3A_1207 = tpu.vector_load_idx %arg16[%add3A_88, %get3A_1105] : memref<7x1024xf32, #tpu.memory_space<vmem>>[vector<16xi32>, vector<16xi32>], vector<16xf32>,
    %swap3A_1208 = arith.constant 6 : i32
    %swap3A_1209 = arith.index_cast %swap3A_1208 : i32 to index
    %swap3A_1210 = arith.constant 64 : index
    %swap3A_1211 = tpu.vector_load %arg30[%swap3A_1209, %swap3A_1210] {strides = array<i32>} : memref<7x128xf32, #tpu.memory_space<vmem>>, vector<16xf32>,
    tpu.vector_store %arg30[%swap3A_1209, %swap3A_1210], %gather3A_1207 {strides = array<i32>} : memref<7x128xf32, #tpu.memory_space<vmem>>, vector<16xf32>,
    %gather3A_1212 = tpu.vector_load_idx %arg17[%add3A_88, %gather3A_1146] : memref<8x64xf32, #tpu.memory_space<vmem>>[vector<16xi32>, vector<16xi32>], vector<16xf32>,
    %swap3A_1213 = arith.constant 6 : i32
    %swap3A_1214 = arith.index_cast %swap3A_1213 : i32 to index
    %swap3A_1215 = arith.constant 64 : index
    %swap3A_1216 = tpu.vector_load %arg31[%swap3A_1214, %swap3A_1215] {strides = array<i32>} : memref<7x128xf32, #tpu.memory_space<vmem>>, vector<16xf32>,
    tpu.vector_store %arg31[%swap3A_1214, %swap3A_1215], %gather3A_1212 {strides = array<i32>} : memref<7x128xf32, #tpu.memory_space<vmem>>, vector<16xf32>,
    %mul3A_1217 = arith.constant 1024 : i32
    %mul3A_1218 = arith.muli %add3A, %mul3A_1217 : i32
    %add3A_1219 = vector.broadcast %mul3A_1218 : i32 to vector<16xi32>
    %add3A_1220 = arith.addi %get3A_1105, %add3A_1219 : vector<16xi32>
    %swap3A_1221 = arith.constant 64 : index
    %swap3A_1222 = tpu.vector_load %arg29[%swap3A_1221] {strides = array<i32>} : memref<128xi32, #tpu.memory_space<vmem>>, vector<16xi32>,
    tpu.vector_store %arg29[%swap3A_1221], %add3A_1220 {strides = array<i32>} : memref<128xi32, #tpu.memory_space<vmem>>, vector<16xi32>,
    %get3A_1223 = arith.constant 80 : index
    %get3A_1224 = tpu.vector_load %arg28[%get3A_1223] {strides = array<i32>} : memref<128xi32, #tpu.memory_space<vmem>>, vector<16xi32>,
    %gather3A_1225 = tpu.vector_load_idx %arg26[%get3A_1224] : memref<1024xf32, #tpu.memory_space<vmem>>[vector<16xi32>], vector<16xf32>,
    %swap3A_1226 = arith.constant 80 : index
    %swap3A_1227 = tpu.vector_load %arg32[%swap3A_1226] {strides = array<i32>} : memref<128xf32, #tpu.memory_space<vmem>>, vector<16xf32>,
    tpu.vector_store %arg32[%swap3A_1226], %gather3A_1225 {strides = array<i32>} : memref<128xf32, #tpu.memory_space<vmem>>, vector<16xf32>,
    %gt3A_1228 = arith.constant 5.500000e-01 : f32
    %gt3A_1229 = vector.broadcast %gt3A_1228 : f32 to vector<16xf32>
    %gt3A_1230 = arith.cmpf ogt, %gather3A_1225, %gt3A_1229 : vector<16xf32>
    %convert_element_type3A_1231 = arith.extui %gt3A_1230 : vector<16xi1> to vector<16xi32>
    %swap3A_1232 = arith.constant 80 : index
    %swap3A_1233 = tpu.vector_load %arg35[%swap3A_1232] {strides = array<i32>} : memref<128xi32, #tpu.memory_space<vmem>>, vector<16xi32>,
    tpu.vector_store %arg35[%swap3A_1232], %convert_element_type3A_1231 {strides = array<i32>} : memref<128xi32, #tpu.memory_space<vmem>>, vector<16xi32>,
    %gt3A_1234 = arith.constant 7.500000e-01 : f32
    %gt3A_1235 = vector.broadcast %gt3A_1234 : f32 to vector<16xf32>
    %gt3A_1236 = arith.cmpf ogt, %gather3A_1225, %gt3A_1235 : vector<16xf32>
    %lt3A_1237 = arith.constant 2.500000e-01 : f32
    %lt3A_1238 = vector.broadcast %lt3A_1237 : f32 to vector<16xf32>
    %lt3A_1239 = arith.cmpf olt, %gather3A_1225, %lt3A_1238 : vector<16xf32>
    %not3A_1240 = arith.constant dense<true> : vector<16xi1>
    %not3A_1241 = arith.xori %gt3A_1236, %not3A_1240 : vector<16xi1>
    %not3A_1242 = arith.constant dense<true> : vector<16xi1>
    %not3A_1243 = arith.xori %lt3A_1239, %not3A_1242 : vector<16xi1>
    %and3A_1244 = arith.andi %not3A_1241, %not3A_1243 : vector<16xi1>
    %sub3A_1245 = arith.constant 2.500000e-01 : f32
    %sub3A_1246 = vector.broadcast %sub3A_1245 : f32 to vector<16xf32>
    %sub3A_1247 = arith.subf %gather3A_1225, %sub3A_1246 : vector<16xf32>
    %mul3A_1248 = arith.constant 2.000000e+00 : f32
    %mul3A_1249 = vector.broadcast %mul3A_1248 : f32 to vector<16xf32>
    %mul3A_1250 = arith.mulf %sub3A_1247, %mul3A_1249 : vector<16xf32>
    %jit3A_1251 = arith.constant 1.000000e+00 : f32
    %jit3A_1252 = arith.constant 0.000000e+00 : f32
    %broadcast_in_dim3A_1253 = vector.broadcast %jit3A_1251 : f32 to vector<16xf32>
    %broadcast_in_dim3A_1254 = vector.broadcast %jit3A_1252 : f32 to vector<16xf32>
    %select_n3A_1255 = arith.select %gt3A_1236, %broadcast_in_dim3A_1253, %broadcast_in_dim3A_1254 : vector<16xi1>, vector<16xf32>
    %select_n3A_1256 = arith.select %and3A_1244, %mul3A_1250, %select_n3A_1255 : vector<16xi1>, vector<16xf32>
    %swap3A_1257 = arith.constant 80 : index
    %swap3A_1258 = tpu.vector_load %arg36[%swap3A_1257] {strides = array<i32>} : memref<128xf32, #tpu.memory_space<vmem>>, vector<16xf32>,
    tpu.vector_store %arg36[%swap3A_1257], %select_n3A_1256 {strides = array<i32>} : memref<128xf32, #tpu.memory_space<vmem>>, vector<16xf32>,
    %gather3A_1259 = tpu.vector_load_idx %arg18[%get3A_1224] : memref<1024xi32, #tpu.memory_space<vmem>>[vector<16xi32>], vector<16xi32>,
    %swap3A_1260 = arith.constant 80 : index
    %swap3A_1261 = tpu.vector_load %arg34[%swap3A_1260] {strides = array<i32>} : memref<128xi32, #tpu.memory_space<vmem>>, vector<16xi32>,
    tpu.vector_store %arg34[%swap3A_1260], %gather3A_1259 {strides = array<i32>} : memref<128xi32, #tpu.memory_space<vmem>>, vector<16xi32>,
    %gather3A_1262 = tpu.vector_load_idx %arg19[%get3A_1224] : memref<1024xf32, #tpu.memory_space<vmem>>[vector<16xi32>], vector<16xf32>,
    %swap3A_1263 = arith.constant 80 : index
    %swap3A_1264 = tpu.vector_load %arg33[%swap3A_1263] {strides = array<i32>} : memref<128xf32, #tpu.memory_space<vmem>>, vector<16xf32>,
    tpu.vector_store %arg33[%swap3A_1263], %gather3A_1262 {strides = array<i32>} : memref<128xf32, #tpu.memory_space<vmem>>, vector<16xf32>,
    %gather3A_1265 = tpu.vector_load_idx %arg27[%get3A_1224] : memref<1024xi32, #tpu.memory_space<vmem>>[vector<16xi32>], vector<16xi32>,
    %gather3A_1266 = tpu.vector_load_idx %arg16[%add3A_70, %get3A_1224] : memref<7x1024xf32, #tpu.memory_space<vmem>>[vector<16xi32>, vector<16xi32>], vector<16xf32>,
    %swap3A_1267 = arith.constant 0 : i32
    %swap3A_1268 = arith.index_cast %swap3A_1267 : i32 to index
    %swap3A_1269 = arith.constant 80 : index
    %swap3A_1270 = tpu.vector_load %arg30[%swap3A_1268, %swap3A_1269] {strides = array<i32>} : memref<7x128xf32, #tpu.memory_space<vmem>>, vector<16xf32>,
    tpu.vector_store %arg30[%swap3A_1268, %swap3A_1269], %gather3A_1266 {strides = array<i32>} : memref<7x128xf32, #tpu.memory_space<vmem>>, vector<16xf32>,
    %gather3A_1271 = tpu.vector_load_idx %arg17[%add3A_70, %gather3A_1265] : memref<8x64xf32, #tpu.memory_space<vmem>>[vector<16xi32>, vector<16xi32>], vector<16xf32>,
    %swap3A_1272 = arith.constant 0 : i32
    %swap3A_1273 = arith.index_cast %swap3A_1272 : i32 to index
    %swap3A_1274 = arith.constant 80 : index
    %swap3A_1275 = tpu.vector_load %arg31[%swap3A_1273, %swap3A_1274] {strides = array<i32>} : memref<7x128xf32, #tpu.memory_space<vmem>>, vector<16xf32>,
    tpu.vector_store %arg31[%swap3A_1273, %swap3A_1274], %gather3A_1271 {strides = array<i32>} : memref<7x128xf32, #tpu.memory_space<vmem>>, vector<16xf32>,
    %gather3A_1276 = tpu.vector_load_idx %arg16[%add3A_73, %get3A_1224] : memref<7x1024xf32, #tpu.memory_space<vmem>>[vector<16xi32>, vector<16xi32>], vector<16xf32>,
    %swap3A_1277 = arith.constant 1 : i32
    %swap3A_1278 = arith.index_cast %swap3A_1277 : i32 to index
    %swap3A_1279 = arith.constant 80 : index
    %swap3A_1280 = tpu.vector_load %arg30[%swap3A_1278, %swap3A_1279] {strides = array<i32>} : memref<7x128xf32, #tpu.memory_space<vmem>>, vector<16xf32>,
    tpu.vector_store %arg30[%swap3A_1278, %swap3A_1279], %gather3A_1276 {strides = array<i32>} : memref<7x128xf32, #tpu.memory_space<vmem>>, vector<16xf32>,
    %gather3A_1281 = tpu.vector_load_idx %arg17[%add3A_73, %gather3A_1265] : memref<8x64xf32, #tpu.memory_space<vmem>>[vector<16xi32>, vector<16xi32>], vector<16xf32>,
    %swap3A_1282 = arith.constant 1 : i32
    %swap3A_1283 = arith.index_cast %swap3A_1282 : i32 to index
    %swap3A_1284 = arith.constant 80 : index
    %swap3A_1285 = tpu.vector_load %arg31[%swap3A_1283, %swap3A_1284] {strides = array<i32>} : memref<7x128xf32, #tpu.memory_space<vmem>>, vector<16xf32>,
    tpu.vector_store %arg31[%swap3A_1283, %swap3A_1284], %gather3A_1281 {strides = array<i32>} : memref<7x128xf32, #tpu.memory_space<vmem>>, vector<16xf32>,
    %gather3A_1286 = tpu.vector_load_idx %arg16[%add3A_76, %get3A_1224] : memref<7x1024xf32, #tpu.memory_space<vmem>>[vector<16xi32>, vector<16xi32>], vector<16xf32>,
    %swap3A_1287 = arith.constant 2 : i32
    %swap3A_1288 = arith.index_cast %swap3A_1287 : i32 to index
    %swap3A_1289 = arith.constant 80 : index
    %swap3A_1290 = tpu.vector_load %arg30[%swap3A_1288, %swap3A_1289] {strides = array<i32>} : memref<7x128xf32, #tpu.memory_space<vmem>>, vector<16xf32>,
    tpu.vector_store %arg30[%swap3A_1288, %swap3A_1289], %gather3A_1286 {strides = array<i32>} : memref<7x128xf32, #tpu.memory_space<vmem>>, vector<16xf32>,
    %gather3A_1291 = tpu.vector_load_idx %arg17[%add3A_76, %gather3A_1265] : memref<8x64xf32, #tpu.memory_space<vmem>>[vector<16xi32>, vector<16xi32>], vector<16xf32>,
    %swap3A_1292 = arith.constant 2 : i32
    %swap3A_1293 = arith.index_cast %swap3A_1292 : i32 to index
    %swap3A_1294 = arith.constant 80 : index
    %swap3A_1295 = tpu.vector_load %arg31[%swap3A_1293, %swap3A_1294] {strides = array<i32>} : memref<7x128xf32, #tpu.memory_space<vmem>>, vector<16xf32>,
    tpu.vector_store %arg31[%swap3A_1293, %swap3A_1294], %gather3A_1291 {strides = array<i32>} : memref<7x128xf32, #tpu.memory_space<vmem>>, vector<16xf32>,
    %gather3A_1296 = tpu.vector_load_idx %arg16[%add3A_79, %get3A_1224] : memref<7x1024xf32, #tpu.memory_space<vmem>>[vector<16xi32>, vector<16xi32>], vector<16xf32>,
    %swap3A_1297 = arith.constant 3 : i32
    %swap3A_1298 = arith.index_cast %swap3A_1297 : i32 to index
    %swap3A_1299 = arith.constant 80 : index
    %swap3A_1300 = tpu.vector_load %arg30[%swap3A_1298, %swap3A_1299] {strides = array<i32>} : memref<7x128xf32, #tpu.memory_space<vmem>>, vector<16xf32>,
    tpu.vector_store %arg30[%swap3A_1298, %swap3A_1299], %gather3A_1296 {strides = array<i32>} : memref<7x128xf32, #tpu.memory_space<vmem>>, vector<16xf32>,
    %gather3A_1301 = tpu.vector_load_idx %arg17[%add3A_79, %gather3A_1265] : memref<8x64xf32, #tpu.memory_space<vmem>>[vector<16xi32>, vector<16xi32>], vector<16xf32>,
    %swap3A_1302 = arith.constant 3 : i32
    %swap3A_1303 = arith.index_cast %swap3A_1302 : i32 to index
    %swap3A_1304 = arith.constant 80 : index
    %swap3A_1305 = tpu.vector_load %arg31[%swap3A_1303, %swap3A_1304] {strides = array<i32>} : memref<7x128xf32, #tpu.memory_space<vmem>>, vector<16xf32>,
    tpu.vector_store %arg31[%swap3A_1303, %swap3A_1304], %gather3A_1301 {strides = array<i32>} : memref<7x128xf32, #tpu.memory_space<vmem>>, vector<16xf32>,
    %gather3A_1306 = tpu.vector_load_idx %arg16[%add3A_82, %get3A_1224] : memref<7x1024xf32, #tpu.memory_space<vmem>>[vector<16xi32>, vector<16xi32>], vector<16xf32>,
    %swap3A_1307 = arith.constant 4 : i32
    %swap3A_1308 = arith.index_cast %swap3A_1307 : i32 to index
    %swap3A_1309 = arith.constant 80 : index
    %swap3A_1310 = tpu.vector_load %arg30[%swap3A_1308, %swap3A_1309] {strides = array<i32>} : memref<7x128xf32, #tpu.memory_space<vmem>>, vector<16xf32>,
    tpu.vector_store %arg30[%swap3A_1308, %swap3A_1309], %gather3A_1306 {strides = array<i32>} : memref<7x128xf32, #tpu.memory_space<vmem>>, vector<16xf32>,
    %gather3A_1311 = tpu.vector_load_idx %arg17[%add3A_82, %gather3A_1265] : memref<8x64xf32, #tpu.memory_space<vmem>>[vector<16xi32>, vector<16xi32>], vector<16xf32>,
    %swap3A_1312 = arith.constant 4 : i32
    %swap3A_1313 = arith.index_cast %swap3A_1312 : i32 to index
    %swap3A_1314 = arith.constant 80 : index
    %swap3A_1315 = tpu.vector_load %arg31[%swap3A_1313, %swap3A_1314] {strides = array<i32>} : memref<7x128xf32, #tpu.memory_space<vmem>>, vector<16xf32>,
    tpu.vector_store %arg31[%swap3A_1313, %swap3A_1314], %gather3A_1311 {strides = array<i32>} : memref<7x128xf32, #tpu.memory_space<vmem>>, vector<16xf32>,
    %gather3A_1316 = tpu.vector_load_idx %arg16[%add3A_85, %get3A_1224] : memref<7x1024xf32, #tpu.memory_space<vmem>>[vector<16xi32>, vector<16xi32>], vector<16xf32>,
    %swap3A_1317 = arith.constant 5 : i32
    %swap3A_1318 = arith.index_cast %swap3A_1317 : i32 to index
    %swap3A_1319 = arith.constant 80 : index
    %swap3A_1320 = tpu.vector_load %arg30[%swap3A_1318, %swap3A_1319] {strides = array<i32>} : memref<7x128xf32, #tpu.memory_space<vmem>>, vector<16xf32>,
    tpu.vector_store %arg30[%swap3A_1318, %swap3A_1319], %gather3A_1316 {strides = array<i32>} : memref<7x128xf32, #tpu.memory_space<vmem>>, vector<16xf32>,
    %gather3A_1321 = tpu.vector_load_idx %arg17[%add3A_85, %gather3A_1265] : memref<8x64xf32, #tpu.memory_space<vmem>>[vector<16xi32>, vector<16xi32>], vector<16xf32>,
    %swap3A_1322 = arith.constant 5 : i32
    %swap3A_1323 = arith.index_cast %swap3A_1322 : i32 to index
    %swap3A_1324 = arith.constant 80 : index
    %swap3A_1325 = tpu.vector_load %arg31[%swap3A_1323, %swap3A_1324] {strides = array<i32>} : memref<7x128xf32, #tpu.memory_space<vmem>>, vector<16xf32>,
    tpu.vector_store %arg31[%swap3A_1323, %swap3A_1324], %gather3A_1321 {strides = array<i32>} : memref<7x128xf32, #tpu.memory_space<vmem>>, vector<16xf32>,
    %gather3A_1326 = tpu.vector_load_idx %arg16[%add3A_88, %get3A_1224] : memref<7x1024xf32, #tpu.memory_space<vmem>>[vector<16xi32>, vector<16xi32>], vector<16xf32>,
    %swap3A_1327 = arith.constant 6 : i32
    %swap3A_1328 = arith.index_cast %swap3A_1327 : i32 to index
    %swap3A_1329 = arith.constant 80 : index
    %swap3A_1330 = tpu.vector_load %arg30[%swap3A_1328, %swap3A_1329] {strides = array<i32>} : memref<7x128xf32, #tpu.memory_space<vmem>>, vector<16xf32>,
    tpu.vector_store %arg30[%swap3A_1328, %swap3A_1329], %gather3A_1326 {strides = array<i32>} : memref<7x128xf32, #tpu.memory_space<vmem>>, vector<16xf32>,
    %gather3A_1331 = tpu.vector_load_idx %arg17[%add3A_88, %gather3A_1265] : memref<8x64xf32, #tpu.memory_space<vmem>>[vector<16xi32>, vector<16xi32>], vector<16xf32>,
    %swap3A_1332 = arith.constant 6 : i32
    %swap3A_1333 = arith.index_cast %swap3A_1332 : i32 to index
    %swap3A_1334 = arith.constant 80 : index
    %swap3A_1335 = tpu.vector_load %arg31[%swap3A_1333, %swap3A_1334] {strides = array<i32>} : memref<7x128xf32, #tpu.memory_space<vmem>>, vector<16xf32>,
    tpu.vector_store %arg31[%swap3A_1333, %swap3A_1334], %gather3A_1331 {strides = array<i32>} : memref<7x128xf32, #tpu.memory_space<vmem>>, vector<16xf32>,
    %mul3A_1336 = arith.constant 1024 : i32
    %mul3A_1337 = arith.muli %add3A, %mul3A_1336 : i32
    %add3A_1338 = vector.broadcast %mul3A_1337 : i32 to vector<16xi32>
    %add3A_1339 = arith.addi %get3A_1224, %add3A_1338 : vector<16xi32>
    %swap3A_1340 = arith.constant 80 : index
    %swap3A_1341 = tpu.vector_load %arg29[%swap3A_1340] {strides = array<i32>} : memref<128xi32, #tpu.memory_space<vmem>>, vector<16xi32>,
    tpu.vector_store %arg29[%swap3A_1340], %add3A_1339 {strides = array<i32>} : memref<128xi32, #tpu.memory_space<vmem>>, vector<16xi32>,
    %get3A_1342 = arith.constant 96 : index
    %get3A_1343 = tpu.vector_load %arg28[%get3A_1342] {strides = array<i32>} : memref<128xi32, #tpu.memory_space<vmem>>, vector<16xi32>,
    %gather3A_1344 = tpu.vector_load_idx %arg26[%get3A_1343] : memref<1024xf32, #tpu.memory_space<vmem>>[vector<16xi32>], vector<16xf32>,
    %swap3A_1345 = arith.constant 96 : index
    %swap3A_1346 = tpu.vector_load %arg32[%swap3A_1345] {strides = array<i32>} : memref<128xf32, #tpu.memory_space<vmem>>, vector<16xf32>,
    tpu.vector_store %arg32[%swap3A_1345], %gather3A_1344 {strides = array<i32>} : memref<128xf32, #tpu.memory_space<vmem>>, vector<16xf32>,
    %gt3A_1347 = arith.constant 5.500000e-01 : f32
    %gt3A_1348 = vector.broadcast %gt3A_1347 : f32 to vector<16xf32>
    %gt3A_1349 = arith.cmpf ogt, %gather3A_1344, %gt3A_1348 : vector<16xf32>
    %convert_element_type3A_1350 = arith.extui %gt3A_1349 : vector<16xi1> to vector<16xi32>
    %swap3A_1351 = arith.constant 96 : index
    %swap3A_1352 = tpu.vector_load %arg35[%swap3A_1351] {strides = array<i32>} : memref<128xi32, #tpu.memory_space<vmem>>, vector<16xi32>,
    tpu.vector_store %arg35[%swap3A_1351], %convert_element_type3A_1350 {strides = array<i32>} : memref<128xi32, #tpu.memory_space<vmem>>, vector<16xi32>,
    %gt3A_1353 = arith.constant 7.500000e-01 : f32
    %gt3A_1354 = vector.broadcast %gt3A_1353 : f32 to vector<16xf32>
    %gt3A_1355 = arith.cmpf ogt, %gather3A_1344, %gt3A_1354 : vector<16xf32>
    %lt3A_1356 = arith.constant 2.500000e-01 : f32
    %lt3A_1357 = vector.broadcast %lt3A_1356 : f32 to vector<16xf32>
    %lt3A_1358 = arith.cmpf olt, %gather3A_1344, %lt3A_1357 : vector<16xf32>
    %not3A_1359 = arith.constant dense<true> : vector<16xi1>
    %not3A_1360 = arith.xori %gt3A_1355, %not3A_1359 : vector<16xi1>
    %not3A_1361 = arith.constant dense<true> : vector<16xi1>
    %not3A_1362 = arith.xori %lt3A_1358, %not3A_1361 : vector<16xi1>
    %and3A_1363 = arith.andi %not3A_1360, %not3A_1362 : vector<16xi1>
    %sub3A_1364 = arith.constant 2.500000e-01 : f32
    %sub3A_1365 = vector.broadcast %sub3A_1364 : f32 to vector<16xf32>
    %sub3A_1366 = arith.subf %gather3A_1344, %sub3A_1365 : vector<16xf32>
    %mul3A_1367 = arith.constant 2.000000e+00 : f32
    %mul3A_1368 = vector.broadcast %mul3A_1367 : f32 to vector<16xf32>
    %mul3A_1369 = arith.mulf %sub3A_1366, %mul3A_1368 : vector<16xf32>
    %jit3A_1370 = arith.constant 1.000000e+00 : f32
    %jit3A_1371 = arith.constant 0.000000e+00 : f32
    %broadcast_in_dim3A_1372 = vector.broadcast %jit3A_1370 : f32 to vector<16xf32>
    %broadcast_in_dim3A_1373 = vector.broadcast %jit3A_1371 : f32 to vector<16xf32>
    %select_n3A_1374 = arith.select %gt3A_1355, %broadcast_in_dim3A_1372, %broadcast_in_dim3A_1373 : vector<16xi1>, vector<16xf32>
    %select_n3A_1375 = arith.select %and3A_1363, %mul3A_1369, %select_n3A_1374 : vector<16xi1>, vector<16xf32>
    %swap3A_1376 = arith.constant 96 : index
    %swap3A_1377 = tpu.vector_load %arg36[%swap3A_1376] {strides = array<i32>} : memref<128xf32, #tpu.memory_space<vmem>>, vector<16xf32>,
    tpu.vector_store %arg36[%swap3A_1376], %select_n3A_1375 {strides = array<i32>} : memref<128xf32, #tpu.memory_space<vmem>>, vector<16xf32>,
    %gather3A_1378 = tpu.vector_load_idx %arg18[%get3A_1343] : memref<1024xi32, #tpu.memory_space<vmem>>[vector<16xi32>], vector<16xi32>,
    %swap3A_1379 = arith.constant 96 : index
    %swap3A_1380 = tpu.vector_load %arg34[%swap3A_1379] {strides = array<i32>} : memref<128xi32, #tpu.memory_space<vmem>>, vector<16xi32>,
    tpu.vector_store %arg34[%swap3A_1379], %gather3A_1378 {strides = array<i32>} : memref<128xi32, #tpu.memory_space<vmem>>, vector<16xi32>,
    %gather3A_1381 = tpu.vector_load_idx %arg19[%get3A_1343] : memref<1024xf32, #tpu.memory_space<vmem>>[vector<16xi32>], vector<16xf32>,
    %swap3A_1382 = arith.constant 96 : index
    %swap3A_1383 = tpu.vector_load %arg33[%swap3A_1382] {strides = array<i32>} : memref<128xf32, #tpu.memory_space<vmem>>, vector<16xf32>,
    tpu.vector_store %arg33[%swap3A_1382], %gather3A_1381 {strides = array<i32>} : memref<128xf32, #tpu.memory_space<vmem>>, vector<16xf32>,
    %gather3A_1384 = tpu.vector_load_idx %arg27[%get3A_1343] : memref<1024xi32, #tpu.memory_space<vmem>>[vector<16xi32>], vector<16xi32>,
    %gather3A_1385 = tpu.vector_load_idx %arg16[%add3A_70, %get3A_1343] : memref<7x1024xf32, #tpu.memory_space<vmem>>[vector<16xi32>, vector<16xi32>], vector<16xf32>,
    %swap3A_1386 = arith.constant 0 : i32
    %swap3A_1387 = arith.index_cast %swap3A_1386 : i32 to index
    %swap3A_1388 = arith.constant 96 : index
    %swap3A_1389 = tpu.vector_load %arg30[%swap3A_1387, %swap3A_1388] {strides = array<i32>} : memref<7x128xf32, #tpu.memory_space<vmem>>, vector<16xf32>,
    tpu.vector_store %arg30[%swap3A_1387, %swap3A_1388], %gather3A_1385 {strides = array<i32>} : memref<7x128xf32, #tpu.memory_space<vmem>>, vector<16xf32>,
    %gather3A_1390 = tpu.vector_load_idx %arg17[%add3A_70, %gather3A_1384] : memref<8x64xf32, #tpu.memory_space<vmem>>[vector<16xi32>, vector<16xi32>], vector<16xf32>,
    %swap3A_1391 = arith.constant 0 : i32
    %swap3A_1392 = arith.index_cast %swap3A_1391 : i32 to index
    %swap3A_1393 = arith.constant 96 : index
    %swap3A_1394 = tpu.vector_load %arg31[%swap3A_1392, %swap3A_1393] {strides = array<i32>} : memref<7x128xf32, #tpu.memory_space<vmem>>, vector<16xf32>,
    tpu.vector_store %arg31[%swap3A_1392, %swap3A_1393], %gather3A_1390 {strides = array<i32>} : memref<7x128xf32, #tpu.memory_space<vmem>>, vector<16xf32>,
    %gather3A_1395 = tpu.vector_load_idx %arg16[%add3A_73, %get3A_1343] : memref<7x1024xf32, #tpu.memory_space<vmem>>[vector<16xi32>, vector<16xi32>], vector<16xf32>,
    %swap3A_1396 = arith.constant 1 : i32
    %swap3A_1397 = arith.index_cast %swap3A_1396 : i32 to index
    %swap3A_1398 = arith.constant 96 : index
    %swap3A_1399 = tpu.vector_load %arg30[%swap3A_1397, %swap3A_1398] {strides = array<i32>} : memref<7x128xf32, #tpu.memory_space<vmem>>, vector<16xf32>,
    tpu.vector_store %arg30[%swap3A_1397, %swap3A_1398], %gather3A_1395 {strides = array<i32>} : memref<7x128xf32, #tpu.memory_space<vmem>>, vector<16xf32>,
    %gather3A_1400 = tpu.vector_load_idx %arg17[%add3A_73, %gather3A_1384] : memref<8x64xf32, #tpu.memory_space<vmem>>[vector<16xi32>, vector<16xi32>], vector<16xf32>,
    %swap3A_1401 = arith.constant 1 : i32
    %swap3A_1402 = arith.index_cast %swap3A_1401 : i32 to index
    %swap3A_1403 = arith.constant 96 : index
    %swap3A_1404 = tpu.vector_load %arg31[%swap3A_1402, %swap3A_1403] {strides = array<i32>} : memref<7x128xf32, #tpu.memory_space<vmem>>, vector<16xf32>,
    tpu.vector_store %arg31[%swap3A_1402, %swap3A_1403], %gather3A_1400 {strides = array<i32>} : memref<7x128xf32, #tpu.memory_space<vmem>>, vector<16xf32>,
    %gather3A_1405 = tpu.vector_load_idx %arg16[%add3A_76, %get3A_1343] : memref<7x1024xf32, #tpu.memory_space<vmem>>[vector<16xi32>, vector<16xi32>], vector<16xf32>,
    %swap3A_1406 = arith.constant 2 : i32
    %swap3A_1407 = arith.index_cast %swap3A_1406 : i32 to index
    %swap3A_1408 = arith.constant 96 : index
    %swap3A_1409 = tpu.vector_load %arg30[%swap3A_1407, %swap3A_1408] {strides = array<i32>} : memref<7x128xf32, #tpu.memory_space<vmem>>, vector<16xf32>,
    tpu.vector_store %arg30[%swap3A_1407, %swap3A_1408], %gather3A_1405 {strides = array<i32>} : memref<7x128xf32, #tpu.memory_space<vmem>>, vector<16xf32>,
    %gather3A_1410 = tpu.vector_load_idx %arg17[%add3A_76, %gather3A_1384] : memref<8x64xf32, #tpu.memory_space<vmem>>[vector<16xi32>, vector<16xi32>], vector<16xf32>,
    %swap3A_1411 = arith.constant 2 : i32
    %swap3A_1412 = arith.index_cast %swap3A_1411 : i32 to index
    %swap3A_1413 = arith.constant 96 : index
    %swap3A_1414 = tpu.vector_load %arg31[%swap3A_1412, %swap3A_1413] {strides = array<i32>} : memref<7x128xf32, #tpu.memory_space<vmem>>, vector<16xf32>,
    tpu.vector_store %arg31[%swap3A_1412, %swap3A_1413], %gather3A_1410 {strides = array<i32>} : memref<7x128xf32, #tpu.memory_space<vmem>>, vector<16xf32>,
    %gather3A_1415 = tpu.vector_load_idx %arg16[%add3A_79, %get3A_1343] : memref<7x1024xf32, #tpu.memory_space<vmem>>[vector<16xi32>, vector<16xi32>], vector<16xf32>,
    %swap3A_1416 = arith.constant 3 : i32
    %swap3A_1417 = arith.index_cast %swap3A_1416 : i32 to index
    %swap3A_1418 = arith.constant 96 : index
    %swap3A_1419 = tpu.vector_load %arg30[%swap3A_1417, %swap3A_1418] {strides = array<i32>} : memref<7x128xf32, #tpu.memory_space<vmem>>, vector<16xf32>,
    tpu.vector_store %arg30[%swap3A_1417, %swap3A_1418], %gather3A_1415 {strides = array<i32>} : memref<7x128xf32, #tpu.memory_space<vmem>>, vector<16xf32>,
    %gather3A_1420 = tpu.vector_load_idx %arg17[%add3A_79, %gather3A_1384] : memref<8x64xf32, #tpu.memory_space<vmem>>[vector<16xi32>, vector<16xi32>], vector<16xf32>,
    %swap3A_1421 = arith.constant 3 : i32
    %swap3A_1422 = arith.index_cast %swap3A_1421 : i32 to index
    %swap3A_1423 = arith.constant 96 : index
    %swap3A_1424 = tpu.vector_load %arg31[%swap3A_1422, %swap3A_1423] {strides = array<i32>} : memref<7x128xf32, #tpu.memory_space<vmem>>, vector<16xf32>,
    tpu.vector_store %arg31[%swap3A_1422, %swap3A_1423], %gather3A_1420 {strides = array<i32>} : memref<7x128xf32, #tpu.memory_space<vmem>>, vector<16xf32>,
    %gather3A_1425 = tpu.vector_load_idx %arg16[%add3A_82, %get3A_1343] : memref<7x1024xf32, #tpu.memory_space<vmem>>[vector<16xi32>, vector<16xi32>], vector<16xf32>,
    %swap3A_1426 = arith.constant 4 : i32
    %swap3A_1427 = arith.index_cast %swap3A_1426 : i32 to index
    %swap3A_1428 = arith.constant 96 : index
    %swap3A_1429 = tpu.vector_load %arg30[%swap3A_1427, %swap3A_1428] {strides = array<i32>} : memref<7x128xf32, #tpu.memory_space<vmem>>, vector<16xf32>,
    tpu.vector_store %arg30[%swap3A_1427, %swap3A_1428], %gather3A_1425 {strides = array<i32>} : memref<7x128xf32, #tpu.memory_space<vmem>>, vector<16xf32>,
    %gather3A_1430 = tpu.vector_load_idx %arg17[%add3A_82, %gather3A_1384] : memref<8x64xf32, #tpu.memory_space<vmem>>[vector<16xi32>, vector<16xi32>], vector<16xf32>,
    %swap3A_1431 = arith.constant 4 : i32
    %swap3A_1432 = arith.index_cast %swap3A_1431 : i32 to index
    %swap3A_1433 = arith.constant 96 : index
    %swap3A_1434 = tpu.vector_load %arg31[%swap3A_1432, %swap3A_1433] {strides = array<i32>} : memref<7x128xf32, #tpu.memory_space<vmem>>, vector<16xf32>,
    tpu.vector_store %arg31[%swap3A_1432, %swap3A_1433], %gather3A_1430 {strides = array<i32>} : memref<7x128xf32, #tpu.memory_space<vmem>>, vector<16xf32>,
    %gather3A_1435 = tpu.vector_load_idx %arg16[%add3A_85, %get3A_1343] : memref<7x1024xf32, #tpu.memory_space<vmem>>[vector<16xi32>, vector<16xi32>], vector<16xf32>,
    %swap3A_1436 = arith.constant 5 : i32
    %swap3A_1437 = arith.index_cast %swap3A_1436 : i32 to index
    %swap3A_1438 = arith.constant 96 : index
    %swap3A_1439 = tpu.vector_load %arg30[%swap3A_1437, %swap3A_1438] {strides = array<i32>} : memref<7x128xf32, #tpu.memory_space<vmem>>, vector<16xf32>,
    tpu.vector_store %arg30[%swap3A_1437, %swap3A_1438], %gather3A_1435 {strides = array<i32>} : memref<7x128xf32, #tpu.memory_space<vmem>>, vector<16xf32>,
    %gather3A_1440 = tpu.vector_load_idx %arg17[%add3A_85, %gather3A_1384] : memref<8x64xf32, #tpu.memory_space<vmem>>[vector<16xi32>, vector<16xi32>], vector<16xf32>,
    %swap3A_1441 = arith.constant 5 : i32
    %swap3A_1442 = arith.index_cast %swap3A_1441 : i32 to index
    %swap3A_1443 = arith.constant 96 : index
    %swap3A_1444 = tpu.vector_load %arg31[%swap3A_1442, %swap3A_1443] {strides = array<i32>} : memref<7x128xf32, #tpu.memory_space<vmem>>, vector<16xf32>,
    tpu.vector_store %arg31[%swap3A_1442, %swap3A_1443], %gather3A_1440 {strides = array<i32>} : memref<7x128xf32, #tpu.memory_space<vmem>>, vector<16xf32>,
    %gather3A_1445 = tpu.vector_load_idx %arg16[%add3A_88, %get3A_1343] : memref<7x1024xf32, #tpu.memory_space<vmem>>[vector<16xi32>, vector<16xi32>], vector<16xf32>,
    %swap3A_1446 = arith.constant 6 : i32
    %swap3A_1447 = arith.index_cast %swap3A_1446 : i32 to index
    %swap3A_1448 = arith.constant 96 : index
    %swap3A_1449 = tpu.vector_load %arg30[%swap3A_1447, %swap3A_1448] {strides = array<i32>} : memref<7x128xf32, #tpu.memory_space<vmem>>, vector<16xf32>,
    tpu.vector_store %arg30[%swap3A_1447, %swap3A_1448], %gather3A_1445 {strides = array<i32>} : memref<7x128xf32, #tpu.memory_space<vmem>>, vector<16xf32>,
    %gather3A_1450 = tpu.vector_load_idx %arg17[%add3A_88, %gather3A_1384] : memref<8x64xf32, #tpu.memory_space<vmem>>[vector<16xi32>, vector<16xi32>], vector<16xf32>,
    %swap3A_1451 = arith.constant 6 : i32
    %swap3A_1452 = arith.index_cast %swap3A_1451 : i32 to index
    %swap3A_1453 = arith.constant 96 : index
    %swap3A_1454 = tpu.vector_load %arg31[%swap3A_1452, %swap3A_1453] {strides = array<i32>} : memref<7x128xf32, #tpu.memory_space<vmem>>, vector<16xf32>,
    tpu.vector_store %arg31[%swap3A_1452, %swap3A_1453], %gather3A_1450 {strides = array<i32>} : memref<7x128xf32, #tpu.memory_space<vmem>>, vector<16xf32>,
    %mul3A_1455 = arith.constant 1024 : i32
    %mul3A_1456 = arith.muli %add3A, %mul3A_1455 : i32
    %add3A_1457 = vector.broadcast %mul3A_1456 : i32 to vector<16xi32>
    %add3A_1458 = arith.addi %get3A_1343, %add3A_1457 : vector<16xi32>
    %swap3A_1459 = arith.constant 96 : index
    %swap3A_1460 = tpu.vector_load %arg29[%swap3A_1459] {strides = array<i32>} : memref<128xi32, #tpu.memory_space<vmem>>, vector<16xi32>,
    tpu.vector_store %arg29[%swap3A_1459], %add3A_1458 {strides = array<i32>} : memref<128xi32, #tpu.memory_space<vmem>>, vector<16xi32>,
    %get3A_1461 = arith.constant 112 : index
    %get3A_1462 = tpu.vector_load %arg28[%get3A_1461] {strides = array<i32>} : memref<128xi32, #tpu.memory_space<vmem>>, vector<16xi32>,
    %gather3A_1463 = tpu.vector_load_idx %arg26[%get3A_1462] : memref<1024xf32, #tpu.memory_space<vmem>>[vector<16xi32>], vector<16xf32>,
    %swap3A_1464 = arith.constant 112 : index
    %swap3A_1465 = tpu.vector_load %arg32[%swap3A_1464] {strides = array<i32>} : memref<128xf32, #tpu.memory_space<vmem>>, vector<16xf32>,
    tpu.vector_store %arg32[%swap3A_1464], %gather3A_1463 {strides = array<i32>} : memref<128xf32, #tpu.memory_space<vmem>>, vector<16xf32>,
    %gt3A_1466 = arith.constant 5.500000e-01 : f32
    %gt3A_1467 = vector.broadcast %gt3A_1466 : f32 to vector<16xf32>
    %gt3A_1468 = arith.cmpf ogt, %gather3A_1463, %gt3A_1467 : vector<16xf32>
    %convert_element_type3A_1469 = arith.extui %gt3A_1468 : vector<16xi1> to vector<16xi32>
    %swap3A_1470 = arith.constant 112 : index
    %swap3A_1471 = tpu.vector_load %arg35[%swap3A_1470] {strides = array<i32>} : memref<128xi32, #tpu.memory_space<vmem>>, vector<16xi32>,
    tpu.vector_store %arg35[%swap3A_1470], %convert_element_type3A_1469 {strides = array<i32>} : memref<128xi32, #tpu.memory_space<vmem>>, vector<16xi32>,
    %gt3A_1472 = arith.constant 7.500000e-01 : f32
    %gt3A_1473 = vector.broadcast %gt3A_1472 : f32 to vector<16xf32>
    %gt3A_1474 = arith.cmpf ogt, %gather3A_1463, %gt3A_1473 : vector<16xf32>
    %lt3A_1475 = arith.constant 2.500000e-01 : f32
    %lt3A_1476 = vector.broadcast %lt3A_1475 : f32 to vector<16xf32>
    %lt3A_1477 = arith.cmpf olt, %gather3A_1463, %lt3A_1476 : vector<16xf32>
    %not3A_1478 = arith.constant dense<true> : vector<16xi1>
    %not3A_1479 = arith.xori %gt3A_1474, %not3A_1478 : vector<16xi1>
    %not3A_1480 = arith.constant dense<true> : vector<16xi1>
    %not3A_1481 = arith.xori %lt3A_1477, %not3A_1480 : vector<16xi1>
    %and3A_1482 = arith.andi %not3A_1479, %not3A_1481 : vector<16xi1>
    %sub3A_1483 = arith.constant 2.500000e-01 : f32
    %sub3A_1484 = vector.broadcast %sub3A_1483 : f32 to vector<16xf32>
    %sub3A_1485 = arith.subf %gather3A_1463, %sub3A_1484 : vector<16xf32>
    %mul3A_1486 = arith.constant 2.000000e+00 : f32
    %mul3A_1487 = vector.broadcast %mul3A_1486 : f32 to vector<16xf32>
    %mul3A_1488 = arith.mulf %sub3A_1485, %mul3A_1487 : vector<16xf32>
    %jit3A_1489 = arith.constant 1.000000e+00 : f32
    %jit3A_1490 = arith.constant 0.000000e+00 : f32
    %broadcast_in_dim3A_1491 = vector.broadcast %jit3A_1489 : f32 to vector<16xf32>
    %broadcast_in_dim3A_1492 = vector.broadcast %jit3A_1490 : f32 to vector<16xf32>
    %select_n3A_1493 = arith.select %gt3A_1474, %broadcast_in_dim3A_1491, %broadcast_in_dim3A_1492 : vector<16xi1>, vector<16xf32>
    %select_n3A_1494 = arith.select %and3A_1482, %mul3A_1488, %select_n3A_1493 : vector<16xi1>, vector<16xf32>
    %swap3A_1495 = arith.constant 112 : index
    %swap3A_1496 = tpu.vector_load %arg36[%swap3A_1495] {strides = array<i32>} : memref<128xf32, #tpu.memory_space<vmem>>, vector<16xf32>,
    tpu.vector_store %arg36[%swap3A_1495], %select_n3A_1494 {strides = array<i32>} : memref<128xf32, #tpu.memory_space<vmem>>, vector<16xf32>,
    %gather3A_1497 = tpu.vector_load_idx %arg18[%get3A_1462] : memref<1024xi32, #tpu.memory_space<vmem>>[vector<16xi32>], vector<16xi32>,
    %swap3A_1498 = arith.constant 112 : index
    %swap3A_1499 = tpu.vector_load %arg34[%swap3A_1498] {strides = array<i32>} : memref<128xi32, #tpu.memory_space<vmem>>, vector<16xi32>,
    tpu.vector_store %arg34[%swap3A_1498], %gather3A_1497 {strides = array<i32>} : memref<128xi32, #tpu.memory_space<vmem>>, vector<16xi32>,
    %gather3A_1500 = tpu.vector_load_idx %arg19[%get3A_1462] : memref<1024xf32, #tpu.memory_space<vmem>>[vector<16xi32>], vector<16xf32>,
    %swap3A_1501 = arith.constant 112 : index
    %swap3A_1502 = tpu.vector_load %arg33[%swap3A_1501] {strides = array<i32>} : memref<128xf32, #tpu.memory_space<vmem>>, vector<16xf32>,
    tpu.vector_store %arg33[%swap3A_1501], %gather3A_1500 {strides = array<i32>} : memref<128xf32, #tpu.memory_space<vmem>>, vector<16xf32>,
    %gather3A_1503 = tpu.vector_load_idx %arg27[%get3A_1462] : memref<1024xi32, #tpu.memory_space<vmem>>[vector<16xi32>], vector<16xi32>,
    %gather3A_1504 = tpu.vector_load_idx %arg16[%add3A_70, %get3A_1462] : memref<7x1024xf32, #tpu.memory_space<vmem>>[vector<16xi32>, vector<16xi32>], vector<16xf32>,
    %swap3A_1505 = arith.constant 0 : i32
    %swap3A_1506 = arith.index_cast %swap3A_1505 : i32 to index
    %swap3A_1507 = arith.constant 112 : index
    %swap3A_1508 = tpu.vector_load %arg30[%swap3A_1506, %swap3A_1507] {strides = array<i32>} : memref<7x128xf32, #tpu.memory_space<vmem>>, vector<16xf32>,
    tpu.vector_store %arg30[%swap3A_1506, %swap3A_1507], %gather3A_1504 {strides = array<i32>} : memref<7x128xf32, #tpu.memory_space<vmem>>, vector<16xf32>,
    %gather3A_1509 = tpu.vector_load_idx %arg17[%add3A_70, %gather3A_1503] : memref<8x64xf32, #tpu.memory_space<vmem>>[vector<16xi32>, vector<16xi32>], vector<16xf32>,
    %swap3A_1510 = arith.constant 0 : i32
    %swap3A_1511 = arith.index_cast %swap3A_1510 : i32 to index
    %swap3A_1512 = arith.constant 112 : index
    %swap3A_1513 = tpu.vector_load %arg31[%swap3A_1511, %swap3A_1512] {strides = array<i32>} : memref<7x128xf32, #tpu.memory_space<vmem>>, vector<16xf32>,
    tpu.vector_store %arg31[%swap3A_1511, %swap3A_1512], %gather3A_1509 {strides = array<i32>} : memref<7x128xf32, #tpu.memory_space<vmem>>, vector<16xf32>,
    %gather3A_1514 = tpu.vector_load_idx %arg16[%add3A_73, %get3A_1462] : memref<7x1024xf32, #tpu.memory_space<vmem>>[vector<16xi32>, vector<16xi32>], vector<16xf32>,
    %swap3A_1515 = arith.constant 1 : i32
    %swap3A_1516 = arith.index_cast %swap3A_1515 : i32 to index
    %swap3A_1517 = arith.constant 112 : index
    %swap3A_1518 = tpu.vector_load %arg30[%swap3A_1516, %swap3A_1517] {strides = array<i32>} : memref<7x128xf32, #tpu.memory_space<vmem>>, vector<16xf32>,
    tpu.vector_store %arg30[%swap3A_1516, %swap3A_1517], %gather3A_1514 {strides = array<i32>} : memref<7x128xf32, #tpu.memory_space<vmem>>, vector<16xf32>,
    %gather3A_1519 = tpu.vector_load_idx %arg17[%add3A_73, %gather3A_1503] : memref<8x64xf32, #tpu.memory_space<vmem>>[vector<16xi32>, vector<16xi32>], vector<16xf32>,
    %swap3A_1520 = arith.constant 1 : i32
    %swap3A_1521 = arith.index_cast %swap3A_1520 : i32 to index
    %swap3A_1522 = arith.constant 112 : index
    %swap3A_1523 = tpu.vector_load %arg31[%swap3A_1521, %swap3A_1522] {strides = array<i32>} : memref<7x128xf32, #tpu.memory_space<vmem>>, vector<16xf32>,
    tpu.vector_store %arg31[%swap3A_1521, %swap3A_1522], %gather3A_1519 {strides = array<i32>} : memref<7x128xf32, #tpu.memory_space<vmem>>, vector<16xf32>,
    %gather3A_1524 = tpu.vector_load_idx %arg16[%add3A_76, %get3A_1462] : memref<7x1024xf32, #tpu.memory_space<vmem>>[vector<16xi32>, vector<16xi32>], vector<16xf32>,
    %swap3A_1525 = arith.constant 2 : i32
    %swap3A_1526 = arith.index_cast %swap3A_1525 : i32 to index
    %swap3A_1527 = arith.constant 112 : index
    %swap3A_1528 = tpu.vector_load %arg30[%swap3A_1526, %swap3A_1527] {strides = array<i32>} : memref<7x128xf32, #tpu.memory_space<vmem>>, vector<16xf32>,
    tpu.vector_store %arg30[%swap3A_1526, %swap3A_1527], %gather3A_1524 {strides = array<i32>} : memref<7x128xf32, #tpu.memory_space<vmem>>, vector<16xf32>,
    %gather3A_1529 = tpu.vector_load_idx %arg17[%add3A_76, %gather3A_1503] : memref<8x64xf32, #tpu.memory_space<vmem>>[vector<16xi32>, vector<16xi32>], vector<16xf32>,
    %swap3A_1530 = arith.constant 2 : i32
    %swap3A_1531 = arith.index_cast %swap3A_1530 : i32 to index
    %swap3A_1532 = arith.constant 112 : index
    %swap3A_1533 = tpu.vector_load %arg31[%swap3A_1531, %swap3A_1532] {strides = array<i32>} : memref<7x128xf32, #tpu.memory_space<vmem>>, vector<16xf32>,
    tpu.vector_store %arg31[%swap3A_1531, %swap3A_1532], %gather3A_1529 {strides = array<i32>} : memref<7x128xf32, #tpu.memory_space<vmem>>, vector<16xf32>,
    %gather3A_1534 = tpu.vector_load_idx %arg16[%add3A_79, %get3A_1462] : memref<7x1024xf32, #tpu.memory_space<vmem>>[vector<16xi32>, vector<16xi32>], vector<16xf32>,
    %swap3A_1535 = arith.constant 3 : i32
    %swap3A_1536 = arith.index_cast %swap3A_1535 : i32 to index
    %swap3A_1537 = arith.constant 112 : index
    %swap3A_1538 = tpu.vector_load %arg30[%swap3A_1536, %swap3A_1537] {strides = array<i32>} : memref<7x128xf32, #tpu.memory_space<vmem>>, vector<16xf32>,
    tpu.vector_store %arg30[%swap3A_1536, %swap3A_1537], %gather3A_1534 {strides = array<i32>} : memref<7x128xf32, #tpu.memory_space<vmem>>, vector<16xf32>,
    %gather3A_1539 = tpu.vector_load_idx %arg17[%add3A_79, %gather3A_1503] : memref<8x64xf32, #tpu.memory_space<vmem>>[vector<16xi32>, vector<16xi32>], vector<16xf32>,
    %swap3A_1540 = arith.constant 3 : i32
    %swap3A_1541 = arith.index_cast %swap3A_1540 : i32 to index
    %swap3A_1542 = arith.constant 112 : index
    %swap3A_1543 = tpu.vector_load %arg31[%swap3A_1541, %swap3A_1542] {strides = array<i32>} : memref<7x128xf32, #tpu.memory_space<vmem>>, vector<16xf32>,
    tpu.vector_store %arg31[%swap3A_1541, %swap3A_1542], %gather3A_1539 {strides = array<i32>} : memref<7x128xf32, #tpu.memory_space<vmem>>, vector<16xf32>,
    %gather3A_1544 = tpu.vector_load_idx %arg16[%add3A_82, %get3A_1462] : memref<7x1024xf32, #tpu.memory_space<vmem>>[vector<16xi32>, vector<16xi32>], vector<16xf32>,
    %swap3A_1545 = arith.constant 4 : i32
    %swap3A_1546 = arith.index_cast %swap3A_1545 : i32 to index
    %swap3A_1547 = arith.constant 112 : index
    %swap3A_1548 = tpu.vector_load %arg30[%swap3A_1546, %swap3A_1547] {strides = array<i32>} : memref<7x128xf32, #tpu.memory_space<vmem>>, vector<16xf32>,
    tpu.vector_store %arg30[%swap3A_1546, %swap3A_1547], %gather3A_1544 {strides = array<i32>} : memref<7x128xf32, #tpu.memory_space<vmem>>, vector<16xf32>,
    %gather3A_1549 = tpu.vector_load_idx %arg17[%add3A_82, %gather3A_1503] : memref<8x64xf32, #tpu.memory_space<vmem>>[vector<16xi32>, vector<16xi32>], vector<16xf32>,
    %swap3A_1550 = arith.constant 4 : i32
    %swap3A_1551 = arith.index_cast %swap3A_1550 : i32 to index
    %swap3A_1552 = arith.constant 112 : index
    %swap3A_1553 = tpu.vector_load %arg31[%swap3A_1551, %swap3A_1552] {strides = array<i32>} : memref<7x128xf32, #tpu.memory_space<vmem>>, vector<16xf32>,
    tpu.vector_store %arg31[%swap3A_1551, %swap3A_1552], %gather3A_1549 {strides = array<i32>} : memref<7x128xf32, #tpu.memory_space<vmem>>, vector<16xf32>,
    %gather3A_1554 = tpu.vector_load_idx %arg16[%add3A_85, %get3A_1462] : memref<7x1024xf32, #tpu.memory_space<vmem>>[vector<16xi32>, vector<16xi32>], vector<16xf32>,
    %swap3A_1555 = arith.constant 5 : i32
    %swap3A_1556 = arith.index_cast %swap3A_1555 : i32 to index
    %swap3A_1557 = arith.constant 112 : index
    %swap3A_1558 = tpu.vector_load %arg30[%swap3A_1556, %swap3A_1557] {strides = array<i32>} : memref<7x128xf32, #tpu.memory_space<vmem>>, vector<16xf32>,
    tpu.vector_store %arg30[%swap3A_1556, %swap3A_1557], %gather3A_1554 {strides = array<i32>} : memref<7x128xf32, #tpu.memory_space<vmem>>, vector<16xf32>,
    %gather3A_1559 = tpu.vector_load_idx %arg17[%add3A_85, %gather3A_1503] : memref<8x64xf32, #tpu.memory_space<vmem>>[vector<16xi32>, vector<16xi32>], vector<16xf32>,
    %swap3A_1560 = arith.constant 5 : i32
    %swap3A_1561 = arith.index_cast %swap3A_1560 : i32 to index
    %swap3A_1562 = arith.constant 112 : index
    %swap3A_1563 = tpu.vector_load %arg31[%swap3A_1561, %swap3A_1562] {strides = array<i32>} : memref<7x128xf32, #tpu.memory_space<vmem>>, vector<16xf32>,
    tpu.vector_store %arg31[%swap3A_1561, %swap3A_1562], %gather3A_1559 {strides = array<i32>} : memref<7x128xf32, #tpu.memory_space<vmem>>, vector<16xf32>,
    %gather3A_1564 = tpu.vector_load_idx %arg16[%add3A_88, %get3A_1462] : memref<7x1024xf32, #tpu.memory_space<vmem>>[vector<16xi32>, vector<16xi32>], vector<16xf32>,
    %swap3A_1565 = arith.constant 6 : i32
    %swap3A_1566 = arith.index_cast %swap3A_1565 : i32 to index
    %swap3A_1567 = arith.constant 112 : index
    %swap3A_1568 = tpu.vector_load %arg30[%swap3A_1566, %swap3A_1567] {strides = array<i32>} : memref<7x128xf32, #tpu.memory_space<vmem>>, vector<16xf32>,
    tpu.vector_store %arg30[%swap3A_1566, %swap3A_1567], %gather3A_1564 {strides = array<i32>} : memref<7x128xf32, #tpu.memory_space<vmem>>, vector<16xf32>,
    %gather3A_1569 = tpu.vector_load_idx %arg17[%add3A_88, %gather3A_1503] : memref<8x64xf32, #tpu.memory_space<vmem>>[vector<16xi32>, vector<16xi32>], vector<16xf32>,
    %swap3A_1570 = arith.constant 6 : i32
    %swap3A_1571 = arith.index_cast %swap3A_1570 : i32 to index
    %swap3A_1572 = arith.constant 112 : index
    %swap3A_1573 = tpu.vector_load %arg31[%swap3A_1571, %swap3A_1572] {strides = array<i32>} : memref<7x128xf32, #tpu.memory_space<vmem>>, vector<16xf32>,
    tpu.vector_store %arg31[%swap3A_1571, %swap3A_1572], %gather3A_1569 {strides = array<i32>} : memref<7x128xf32, #tpu.memory_space<vmem>>, vector<16xf32>,
    %mul3A_1574 = arith.constant 1024 : i32
    %mul3A_1575 = arith.muli %add3A, %mul3A_1574 : i32
    %add3A_1576 = vector.broadcast %mul3A_1575 : i32 to vector<16xi32>
    %add3A_1577 = arith.addi %get3A_1462, %add3A_1576 : vector<16xi32>
    %swap3A_1578 = arith.constant 112 : index
    %swap3A_1579 = tpu.vector_load %arg29[%swap3A_1578] {strides = array<i32>} : memref<128xi32, #tpu.memory_space<vmem>>, vector<16xi32>,
    tpu.vector_store %arg29[%swap3A_1578], %add3A_1577 {strides = array<i32>} : memref<128xi32, #tpu.memory_space<vmem>>, vector<16xi32>,
    %dma_start3A_1580 = arith.constant 0 : i32
    %dma_start3A_1581 = arith.constant 0 : i32
    %dma_start3A_1582 = tpu.memref_slice %arg7[%dma_start3A_1580, %dma_start3A_1581] : memref<32768x128xf32, #tpu.memory_space<hbm>> -> memref<32768x128xf32, #tpu.memory_space<hbm>>
    tpu.enqueue_indirect_dma source(%dma_start3A_1582 : memref<32768x128xf32, #tpu.memory_space<hbm>>) target(%arg37 : memref<128x128xf32, #tpu.memory_space<vmem>>) offsets(%arg29 : memref<128xi32, #tpu.memory_space<vmem>>) semaphore(%arg38 : memref<!tpu.dma_semaphore, #tpu.memory_space<semaphore_mem>>)
    %dma_wait3A_1583 = arith.constant 0 : i32
    %dma_wait3A_1584 = arith.constant 0 : i32
    %dma_wait3A_1585 = tpu.memref_slice %arg7[%dma_wait3A_1583, %dma_wait3A_1584] : memref<32768x128xf32, #tpu.memory_space<hbm>> -> memref<32768x128xf32, #tpu.memory_space<hbm>>
    tpu.wait_indirect_dma semaphore(%arg38 : memref<!tpu.dma_semaphore, #tpu.memory_space<semaphore_mem>>) src(%dma_wait3A_1585 : memref<32768x128xf32, #tpu.memory_space<hbm>>) dst(%arg37 : memref<128x128xf32, #tpu.memory_space<vmem>>)
    %dma_start3A_1586 = arith.constant 0 : i32
    %dma_start3A_1587 = arith.constant 0 : i32
    %dma_start3A_1588 = tpu.memref_slice %arg8[%dma_start3A_1586, %add3A, %dma_start3A_1587] : memref<7x32x128xf32, #tpu.memory_space<hbm>> -> memref<7x1x128xf32, #tpu.memory_space<hbm>>
    %dma_start3A_1589 = tpu.memref_squeeze %dma_start3A_1588 : memref<7x1x128xf32, #tpu.memory_space<hbm>> -> memref<7x128xf32, #tpu.memory_space<hbm>>
    %dma_start3A_1590 = arith.constant 0 : i32
    %dma_start3A_1591 = arith.constant 0 : i32
    %dma_start3A_1592 = tpu.memref_slice %arg8[%dma_start3A_1590, %add3A, %dma_start3A_1591] : memref<7x32x128xf32, #tpu.memory_space<hbm>> -> memref<7x1x128xf32, #tpu.memory_space<hbm>>
    %dma_start3A_1593 = tpu.memref_squeeze %dma_start3A_1592 : memref<7x1x128xf32, #tpu.memory_space<hbm>> -> memref<7x128xf32, #tpu.memory_space<hbm>>
    tpu.enqueue_dma source(%arg30 : memref<7x128xf32, #tpu.memory_space<vmem>>) target(%dma_start3A_1593 : memref<7x128xf32, #tpu.memory_space<hbm>>) target_semaphore(%arg38 : memref<!tpu.dma_semaphore, #tpu.memory_space<semaphore_mem>>)
    %dma_start3A_1594 = arith.constant 0 : i32
    %dma_start3A_1595 = arith.constant 0 : i32
    %dma_start3A_1596 = tpu.memref_slice %arg9[%dma_start3A_1594, %add3A, %dma_start3A_1595] : memref<7x32x128xf32, #tpu.memory_space<hbm>> -> memref<7x1x128xf32, #tpu.memory_space<hbm>>
    %dma_start3A_1597 = tpu.memref_squeeze %dma_start3A_1596 : memref<7x1x128xf32, #tpu.memory_space<hbm>> -> memref<7x128xf32, #tpu.memory_space<hbm>>
    %dma_start3A_1598 = arith.constant 0 : i32
    %dma_start3A_1599 = arith.constant 0 : i32
    %dma_start3A_1600 = tpu.memref_slice %arg9[%dma_start3A_1598, %add3A, %dma_start3A_1599] : memref<7x32x128xf32, #tpu.memory_space<hbm>> -> memref<7x1x128xf32, #tpu.memory_space<hbm>>
    %dma_start3A_1601 = tpu.memref_squeeze %dma_start3A_1600 : memref<7x1x128xf32, #tpu.memory_space<hbm>> -> memref<7x128xf32, #tpu.memory_space<hbm>>
    tpu.enqueue_dma source(%arg31 : memref<7x128xf32, #tpu.memory_space<vmem>>) target(%dma_start3A_1601 : memref<7x128xf32, #tpu.memory_space<hbm>>) target_semaphore(%arg38 : memref<!tpu.dma_semaphore, #tpu.memory_space<semaphore_mem>>)
    %dma_start3A_1602 = arith.constant 0 : i32
    %dma_start3A_1603 = tpu.memref_slice %arg10[%add3A, %dma_start3A_1602] : memref<32x128xf32, #tpu.memory_space<hbm>> -> memref<1x128xf32, #tpu.memory_space<hbm>>
    %dma_start3A_1604 = tpu.memref_squeeze %dma_start3A_1603 : memref<1x128xf32, #tpu.memory_space<hbm>> -> memref<128xf32, #tpu.memory_space<hbm>>
    %dma_start3A_1605 = arith.constant 0 : i32
    %dma_start3A_1606 = tpu.memref_slice %arg10[%add3A, %dma_start3A_1605] : memref<32x128xf32, #tpu.memory_space<hbm>> -> memref<1x128xf32, #tpu.memory_space<hbm>>
    %dma_start3A_1607 = tpu.memref_squeeze %dma_start3A_1606 : memref<1x128xf32, #tpu.memory_space<hbm>> -> memref<128xf32, #tpu.memory_space<hbm>>
    tpu.enqueue_dma source(%arg32 : memref<128xf32, #tpu.memory_space<vmem>>) target(%dma_start3A_1607 : memref<128xf32, #tpu.memory_space<hbm>>) target_semaphore(%arg38 : memref<!tpu.dma_semaphore, #tpu.memory_space<semaphore_mem>>)
    %dma_start3A_1608 = arith.constant 0 : i32
    %dma_start3A_1609 = tpu.memref_slice %arg11[%add3A, %dma_start3A_1608] : memref<32x128xf32, #tpu.memory_space<hbm>> -> memref<1x128xf32, #tpu.memory_space<hbm>>
    %dma_start3A_1610 = tpu.memref_squeeze %dma_start3A_1609 : memref<1x128xf32, #tpu.memory_space<hbm>> -> memref<128xf32, #tpu.memory_space<hbm>>
    %dma_start3A_1611 = arith.constant 0 : i32
    %dma_start3A_1612 = tpu.memref_slice %arg11[%add3A, %dma_start3A_1611] : memref<32x128xf32, #tpu.memory_space<hbm>> -> memref<1x128xf32, #tpu.memory_space<hbm>>
    %dma_start3A_1613 = tpu.memref_squeeze %dma_start3A_1612 : memref<1x128xf32, #tpu.memory_space<hbm>> -> memref<128xf32, #tpu.memory_space<hbm>>
    tpu.enqueue_dma source(%arg33 : memref<128xf32, #tpu.memory_space<vmem>>) target(%dma_start3A_1613 : memref<128xf32, #tpu.memory_space<hbm>>) target_semaphore(%arg38 : memref<!tpu.dma_semaphore, #tpu.memory_space<semaphore_mem>>)
    %dma_start3A_1614 = arith.constant 0 : i32
    %dma_start3A_1615 = tpu.memref_slice %arg12[%add3A, %dma_start3A_1614] : memref<32x128xi32, #tpu.memory_space<hbm>> -> memref<1x128xi32, #tpu.memory_space<hbm>>
    %dma_start3A_1616 = tpu.memref_squeeze %dma_start3A_1615 : memref<1x128xi32, #tpu.memory_space<hbm>> -> memref<128xi32, #tpu.memory_space<hbm>>
    %dma_start3A_1617 = arith.constant 0 : i32
    %dma_start3A_1618 = tpu.memref_slice %arg12[%add3A, %dma_start3A_1617] : memref<32x128xi32, #tpu.memory_space<hbm>> -> memref<1x128xi32, #tpu.memory_space<hbm>>
    %dma_start3A_1619 = tpu.memref_squeeze %dma_start3A_1618 : memref<1x128xi32, #tpu.memory_space<hbm>> -> memref<128xi32, #tpu.memory_space<hbm>>
    tpu.enqueue_dma source(%arg34 : memref<128xi32, #tpu.memory_space<vmem>>) target(%dma_start3A_1619 : memref<128xi32, #tpu.memory_space<hbm>>) target_semaphore(%arg38 : memref<!tpu.dma_semaphore, #tpu.memory_space<semaphore_mem>>)
    %dma_start3A_1620 = arith.constant 0 : i32
    %dma_start3A_1621 = arith.constant 0 : i32
    %dma_start3A_1622 = tpu.memref_slice %arg13[%add3A, %dma_start3A_1620, %dma_start3A_1621] : memref<32x128x128xf32, #tpu.memory_space<hbm>> -> memref<1x128x128xf32, #tpu.memory_space<hbm>>
    %dma_start3A_1623 = tpu.memref_squeeze %dma_start3A_1622 : memref<1x128x128xf32, #tpu.memory_space<hbm>> -> memref<128x128xf32, #tpu.memory_space<hbm>>
    %dma_start3A_1624 = arith.constant 0 : i32
    %dma_start3A_1625 = arith.constant 0 : i32
    %dma_start3A_1626 = tpu.memref_slice %arg13[%add3A, %dma_start3A_1624, %dma_start3A_1625] : memref<32x128x128xf32, #tpu.memory_space<hbm>> -> memref<1x128x128xf32, #tpu.memory_space<hbm>>
    %dma_start3A_1627 = tpu.memref_squeeze %dma_start3A_1626 : memref<1x128x128xf32, #tpu.memory_space<hbm>> -> memref<128x128xf32, #tpu.memory_space<hbm>>
    tpu.enqueue_dma source(%arg37 : memref<128x128xf32, #tpu.memory_space<vmem>>) target(%dma_start3A_1627 : memref<128x128xf32, #tpu.memory_space<hbm>>) target_semaphore(%arg38 : memref<!tpu.dma_semaphore, #tpu.memory_space<semaphore_mem>>)
    %dma_start3A_1628 = arith.constant 0 : i32
    %dma_start3A_1629 = tpu.memref_slice %arg14[%add3A, %dma_start3A_1628] : memref<32x128xi32, #tpu.memory_space<hbm>> -> memref<1x128xi32, #tpu.memory_space<hbm>>
    %dma_start3A_1630 = tpu.memref_squeeze %dma_start3A_1629 : memref<1x128xi32, #tpu.memory_space<hbm>> -> memref<128xi32, #tpu.memory_space<hbm>>
    %dma_start3A_1631 = arith.constant 0 : i32
    %dma_start3A_1632 = tpu.memref_slice %arg14[%add3A, %dma_start3A_1631] : memref<32x128xi32, #tpu.memory_space<hbm>> -> memref<1x128xi32, #tpu.memory_space<hbm>>
    %dma_start3A_1633 = tpu.memref_squeeze %dma_start3A_1632 : memref<1x128xi32, #tpu.memory_space<hbm>> -> memref<128xi32, #tpu.memory_space<hbm>>
    tpu.enqueue_dma source(%arg35 : memref<128xi32, #tpu.memory_space<vmem>>) target(%dma_start3A_1633 : memref<128xi32, #tpu.memory_space<hbm>>) target_semaphore(%arg38 : memref<!tpu.dma_semaphore, #tpu.memory_space<semaphore_mem>>)
    %dma_start3A_1634 = arith.constant 0 : i32
    %dma_start3A_1635 = tpu.memref_slice %arg15[%add3A, %dma_start3A_1634] : memref<32x128xf32, #tpu.memory_space<hbm>> -> memref<1x128xf32, #tpu.memory_space<hbm>>
    %dma_start3A_1636 = tpu.memref_squeeze %dma_start3A_1635 : memref<1x128xf32, #tpu.memory_space<hbm>> -> memref<128xf32, #tpu.memory_space<hbm>>
    %dma_start3A_1637 = arith.constant 0 : i32
    %dma_start3A_1638 = tpu.memref_slice %arg15[%add3A, %dma_start3A_1637] : memref<32x128xf32, #tpu.memory_space<hbm>> -> memref<1x128xf32, #tpu.memory_space<hbm>>
    %dma_start3A_1639 = tpu.memref_squeeze %dma_start3A_1638 : memref<1x128xf32, #tpu.memory_space<hbm>> -> memref<128xf32, #tpu.memory_space<hbm>>
    tpu.enqueue_dma source(%arg36 : memref<128xf32, #tpu.memory_space<vmem>>) target(%dma_start3A_1639 : memref<128xf32, #tpu.memory_space<hbm>>) target_semaphore(%arg38 : memref<!tpu.dma_semaphore, #tpu.memory_space<semaphore_mem>>)
    %dma_wait3A_1640 = arith.constant 0 : i32
    %dma_wait3A_1641 = arith.constant 0 : i32
    %dma_wait3A_1642 = tpu.memref_slice %arg8[%dma_wait3A_1640, %add3A, %dma_wait3A_1641] : memref<7x32x128xf32, #tpu.memory_space<hbm>> -> memref<7x1x128xf32, #tpu.memory_space<hbm>>
    %dma_wait3A_1643 = tpu.memref_squeeze %dma_wait3A_1642 : memref<7x1x128xf32, #tpu.memory_space<hbm>> -> memref<7x128xf32, #tpu.memory_space<hbm>>
    %dma_wait3A_1644 = arith.constant 0 : i32
    %dma_wait3A_1645 = arith.constant 0 : i32
    %dma_wait3A_1646 = tpu.memref_slice %arg8[%dma_wait3A_1644, %add3A, %dma_wait3A_1645] : memref<7x32x128xf32, #tpu.memory_space<hbm>> -> memref<7x1x128xf32, #tpu.memory_space<hbm>>
    %dma_wait3A_1647 = tpu.memref_squeeze %dma_wait3A_1646 : memref<7x1x128xf32, #tpu.memory_space<hbm>> -> memref<7x128xf32, #tpu.memory_space<hbm>>
    tpu.wait_dma2 semaphore(%arg38 : memref<!tpu.dma_semaphore, #tpu.memory_space<semaphore_mem>>) src(%arg30 : memref<7x128xf32, #tpu.memory_space<vmem>>) dst(%dma_wait3A_1647 : memref<7x128xf32, #tpu.memory_space<hbm>>)
    %dma_wait3A_1648 = arith.constant 0 : i32
    %dma_wait3A_1649 = arith.constant 0 : i32
    %dma_wait3A_1650 = tpu.memref_slice %arg9[%dma_wait3A_1648, %add3A, %dma_wait3A_1649] : memref<7x32x128xf32, #tpu.memory_space<hbm>> -> memref<7x1x128xf32, #tpu.memory_space<hbm>>
    %dma_wait3A_1651 = tpu.memref_squeeze %dma_wait3A_1650 : memref<7x1x128xf32, #tpu.memory_space<hbm>> -> memref<7x128xf32, #tpu.memory_space<hbm>>
    %dma_wait3A_1652 = arith.constant 0 : i32
    %dma_wait3A_1653 = arith.constant 0 : i32
    %dma_wait3A_1654 = tpu.memref_slice %arg9[%dma_wait3A_1652, %add3A, %dma_wait3A_1653] : memref<7x32x128xf32, #tpu.memory_space<hbm>> -> memref<7x1x128xf32, #tpu.memory_space<hbm>>
    %dma_wait3A_1655 = tpu.memref_squeeze %dma_wait3A_1654 : memref<7x1x128xf32, #tpu.memory_space<hbm>> -> memref<7x128xf32, #tpu.memory_space<hbm>>
    tpu.wait_dma2 semaphore(%arg38 : memref<!tpu.dma_semaphore, #tpu.memory_space<semaphore_mem>>) src(%arg31 : memref<7x128xf32, #tpu.memory_space<vmem>>) dst(%dma_wait3A_1655 : memref<7x128xf32, #tpu.memory_space<hbm>>)
    %dma_wait3A_1656 = arith.constant 0 : i32
    %dma_wait3A_1657 = tpu.memref_slice %arg10[%add3A, %dma_wait3A_1656] : memref<32x128xf32, #tpu.memory_space<hbm>> -> memref<1x128xf32, #tpu.memory_space<hbm>>
    %dma_wait3A_1658 = tpu.memref_squeeze %dma_wait3A_1657 : memref<1x128xf32, #tpu.memory_space<hbm>> -> memref<128xf32, #tpu.memory_space<hbm>>
    %dma_wait3A_1659 = arith.constant 0 : i32
    %dma_wait3A_1660 = tpu.memref_slice %arg10[%add3A, %dma_wait3A_1659] : memref<32x128xf32, #tpu.memory_space<hbm>> -> memref<1x128xf32, #tpu.memory_space<hbm>>
    %dma_wait3A_1661 = tpu.memref_squeeze %dma_wait3A_1660 : memref<1x128xf32, #tpu.memory_space<hbm>> -> memref<128xf32, #tpu.memory_space<hbm>>
    tpu.wait_dma2 semaphore(%arg38 : memref<!tpu.dma_semaphore, #tpu.memory_space<semaphore_mem>>) src(%arg32 : memref<128xf32, #tpu.memory_space<vmem>>) dst(%dma_wait3A_1661 : memref<128xf32, #tpu.memory_space<hbm>>)
    %dma_wait3A_1662 = arith.constant 0 : i32
    %dma_wait3A_1663 = tpu.memref_slice %arg11[%add3A, %dma_wait3A_1662] : memref<32x128xf32, #tpu.memory_space<hbm>> -> memref<1x128xf32, #tpu.memory_space<hbm>>
    %dma_wait3A_1664 = tpu.memref_squeeze %dma_wait3A_1663 : memref<1x128xf32, #tpu.memory_space<hbm>> -> memref<128xf32, #tpu.memory_space<hbm>>
    %dma_wait3A_1665 = arith.constant 0 : i32
    %dma_wait3A_1666 = tpu.memref_slice %arg11[%add3A, %dma_wait3A_1665] : memref<32x128xf32, #tpu.memory_space<hbm>> -> memref<1x128xf32, #tpu.memory_space<hbm>>
    %dma_wait3A_1667 = tpu.memref_squeeze %dma_wait3A_1666 : memref<1x128xf32, #tpu.memory_space<hbm>> -> memref<128xf32, #tpu.memory_space<hbm>>
    tpu.wait_dma2 semaphore(%arg38 : memref<!tpu.dma_semaphore, #tpu.memory_space<semaphore_mem>>) src(%arg33 : memref<128xf32, #tpu.memory_space<vmem>>) dst(%dma_wait3A_1667 : memref<128xf32, #tpu.memory_space<hbm>>)
    %dma_wait3A_1668 = arith.constant 0 : i32
    %dma_wait3A_1669 = tpu.memref_slice %arg12[%add3A, %dma_wait3A_1668] : memref<32x128xi32, #tpu.memory_space<hbm>> -> memref<1x128xi32, #tpu.memory_space<hbm>>
    %dma_wait3A_1670 = tpu.memref_squeeze %dma_wait3A_1669 : memref<1x128xi32, #tpu.memory_space<hbm>> -> memref<128xi32, #tpu.memory_space<hbm>>
    %dma_wait3A_1671 = arith.constant 0 : i32
    %dma_wait3A_1672 = tpu.memref_slice %arg12[%add3A, %dma_wait3A_1671] : memref<32x128xi32, #tpu.memory_space<hbm>> -> memref<1x128xi32, #tpu.memory_space<hbm>>
    %dma_wait3A_1673 = tpu.memref_squeeze %dma_wait3A_1672 : memref<1x128xi32, #tpu.memory_space<hbm>> -> memref<128xi32, #tpu.memory_space<hbm>>
    tpu.wait_dma2 semaphore(%arg38 : memref<!tpu.dma_semaphore, #tpu.memory_space<semaphore_mem>>) src(%arg34 : memref<128xi32, #tpu.memory_space<vmem>>) dst(%dma_wait3A_1673 : memref<128xi32, #tpu.memory_space<hbm>>)
    %dma_wait3A_1674 = arith.constant 0 : i32
    %dma_wait3A_1675 = arith.constant 0 : i32
    %dma_wait3A_1676 = tpu.memref_slice %arg13[%add3A, %dma_wait3A_1674, %dma_wait3A_1675] : memref<32x128x128xf32, #tpu.memory_space<hbm>> -> memref<1x128x128xf32, #tpu.memory_space<hbm>>
    %dma_wait3A_1677 = tpu.memref_squeeze %dma_wait3A_1676 : memref<1x128x128xf32, #tpu.memory_space<hbm>> -> memref<128x128xf32, #tpu.memory_space<hbm>>
    %dma_wait3A_1678 = arith.constant 0 : i32
    %dma_wait3A_1679 = arith.constant 0 : i32
    %dma_wait3A_1680 = tpu.memref_slice %arg13[%add3A, %dma_wait3A_1678, %dma_wait3A_1679] : memref<32x128x128xf32, #tpu.memory_space<hbm>> -> memref<1x128x128xf32, #tpu.memory_space<hbm>>
    %dma_wait3A_1681 = tpu.memref_squeeze %dma_wait3A_1680 : memref<1x128x128xf32, #tpu.memory_space<hbm>> -> memref<128x128xf32, #tpu.memory_space<hbm>>
    tpu.wait_dma2 semaphore(%arg38 : memref<!tpu.dma_semaphore, #tpu.memory_space<semaphore_mem>>) src(%arg37 : memref<128x128xf32, #tpu.memory_space<vmem>>) dst(%dma_wait3A_1681 : memref<128x128xf32, #tpu.memory_space<hbm>>)
    %dma_wait3A_1682 = arith.constant 0 : i32
    %dma_wait3A_1683 = tpu.memref_slice %arg14[%add3A, %dma_wait3A_1682] : memref<32x128xi32, #tpu.memory_space<hbm>> -> memref<1x128xi32, #tpu.memory_space<hbm>>
    %dma_wait3A_1684 = tpu.memref_squeeze %dma_wait3A_1683 : memref<1x128xi32, #tpu.memory_space<hbm>> -> memref<128xi32, #tpu.memory_space<hbm>>
    %dma_wait3A_1685 = arith.constant 0 : i32
    %dma_wait3A_1686 = tpu.memref_slice %arg14[%add3A, %dma_wait3A_1685] : memref<32x128xi32, #tpu.memory_space<hbm>> -> memref<1x128xi32, #tpu.memory_space<hbm>>
    %dma_wait3A_1687 = tpu.memref_squeeze %dma_wait3A_1686 : memref<1x128xi32, #tpu.memory_space<hbm>> -> memref<128xi32, #tpu.memory_space<hbm>>
    tpu.wait_dma2 semaphore(%arg38 : memref<!tpu.dma_semaphore, #tpu.memory_space<semaphore_mem>>) src(%arg35 : memref<128xi32, #tpu.memory_space<vmem>>) dst(%dma_wait3A_1687 : memref<128xi32, #tpu.memory_space<hbm>>)
    %dma_wait3A_1688 = arith.constant 0 : i32
    %dma_wait3A_1689 = tpu.memref_slice %arg15[%add3A, %dma_wait3A_1688] : memref<32x128xf32, #tpu.memory_space<hbm>> -> memref<1x128xf32, #tpu.memory_space<hbm>>
    %dma_wait3A_1690 = tpu.memref_squeeze %dma_wait3A_1689 : memref<1x128xf32, #tpu.memory_space<hbm>> -> memref<128xf32, #tpu.memory_space<hbm>>
    %dma_wait3A_1691 = arith.constant 0 : i32
    %dma_wait3A_1692 = tpu.memref_slice %arg15[%add3A, %dma_wait3A_1691] : memref<32x128xf32, #tpu.memory_space<hbm>> -> memref<1x128xf32, #tpu.memory_space<hbm>>
    %dma_wait3A_1693 = tpu.memref_squeeze %dma_wait3A_1692 : memref<1x128xf32, #tpu.memory_space<hbm>> -> memref<128xf32, #tpu.memory_space<hbm>>
    tpu.wait_dma2 semaphore(%arg38 : memref<!tpu.dma_semaphore, #tpu.memory_space<semaphore_mem>>) src(%arg36 : memref<128xf32, #tpu.memory_space<vmem>>) dst(%dma_wait3A_1693 : memref<128xf32, #tpu.memory_space<hbm>>)
    return
  }
}

</mosaic_0001>

<sc_bundles>
// kernel: kernel.3.cloned.1.call-start
scs
__scs_entry_jumppad:
0x0: {  	(pc) =	sbr.rel $0x88, $3  }
0x1: {  	(tag) =	ssettag $0x0;
	lr =	simm.s32 $0x1  }
0x2: {  	[smem:$0x3F9C] =	sst lr;
	_ =	strace $0xD0000000  }
0x3: {  	_ = 	snop  }
0x4: {  	_ = 	snop  }
0x5: {  	_ = 	snop  }
0x6: {  	_ = 	snop  }
0x7: {  	_ = 	snop  }
__scs_overlays_trampoline_lowered:
0x8: {  	[smem:$0x3FAB] =	sst s0  }
0x9: {  	[smem:$0x3FAC] =	sst s1  }
0xa: {  	[smem:$0x3FAD] =	sst s2  }
0xb: {  	[smem:$0x3FAE] =	sst s3  }
0xc: {  	[smem:$0x3FAF] =	sst s4  }
0xd: {  	[smem:$0x3FB0] =	sst s5  }
0xe: {  	[smem:$0x3FB1] =	sst s6  }
0xf: {  	[smem:$0x3FB2] =	sst s7  }
0x10: {  	[smem:$0x3FB3] =	sst s8  }
0x11: {  	[smem:$0x3FB4] =	sst s9;
	s0 =	simm.s32 @!p0 $0x0  }
0x12: {  	s1 =	sld [smem:$0x3F9A];
	s0 =	simm.s32 @p0 $0x1  }
0x13: {  	[smem:$0x3FB5] =	sst s0;
	s0 =	simm.s32 @!p1 $0x0  }
0x14: {  	s2 =	sld [smem:$0x3F99];
	s0 =	simm.s32 @p1 $0x1  }
0x15: {  	[smem:$0x3FB6] =	sst s0;
	s0 =	simm.s32 @!p2 $0x0  }
0x16: {  	s3 =	sld [smem:$0x3FDB];
	s0 =	simm.s32 @p2 $0x1  }
0x17: {  	s4 =	simm.s32 $0x1BF5;
	[smem:$0x3FB8] =	sst s0  }
0x18: {  	s0 =	sld [smem:$0x3F9B];
	_ =	swait.ge [sflag:s4], $0x0  }
0x19: {  	s7 =	sld [smem:$0x3F9C]  }
0x1a: {  	s8 =	sadd.s32 $0xFFFFE003, lr  }
0x1b: {  	s9 =	sadd.s32 $0xFFFFFEF7, lr;
	s5 =	simm.s32 $0xFFFFFFFF;
	p2 =	slt.u32 s8, $0xFFFFF086  }
0x1c: {  	p1 =	slt.u32 s9, $0xF7A;
	s5 =	simm.s32 @!p2 $0x0  }
0x1d: {  	s5 =	simm.s32 @p1 $0x1;
	p0 =	seq.s32 s7, s2  }
0x1e: {  	s7 =	smul.u32 @!p0 $0xF7A, s2;
	p2 =	seq.s32 @!p0 s5, $0x0  }
0x1f: {  	s9 =	smul.u32 $0xF7A, s1;
	s8 =	simm.s32 @!p0 $0x1BF5;
	p2 =	por !p2, p0  }
0x20: {  	[sflag:s8] =	ssyncset.s32 @!p0 $0xFFFFF086;
	s6 =	sadd.s32 @!p0 s3, s7;
	s7 =	simm.s32 @!p0 $0x108  }
0x21: {  	s3 =	sadd.s32 s3, s9;
	s6 =	sadd.s32 @!p0 $0x88, s6;
	s7 =	simm.s32 @p2 $0x1082  }
0x22: {  	[simem:s7], [sflag:s8] =	dma.local @!p0 [hbm:s6], $0xF7A  }
0x23: {  	s9 =	sor.u32 $0xD0000000, s2;
	s6 =	simm.s32 $0x108;
	_ =	swait.ge @!p0 [sflag:s8], $0x0  }
0x24: {  	s3 =	sadd.s32 $0x88, s3;
	s6 =	simm.s32 @!p1 $0x1082;
	[sflag:s4] =	ssyncset.s32 $0xFFFFF086  }
0x25: {  	[simem:s6], [sflag:s4] =	dma.local [hbm:s3], $0xF7A  }
0x26: {  	[smem:$0x3F9C] =	sst s1;
	(tag) =	ssettag s2;
	_ =	strace s9  }
0x27: {  	s1 =	sld [smem:$0x3FAC]  }
0x28: {  	s2 =	sld [smem:$0x3FAD]  }
0x29: {  	s4 =	sld [smem:$0x3FAF]  }
0x2a: {  	p0 =	seq.s32 s5, $0x0;
	s5 =	sld [smem:$0x3FB0]  }
0x2b: {  	s6 =	sld [smem:$0x3FB1]  }
0x2c: {  	s7 =	sld [smem:$0x3FB2]  }
0x2d: {  	s3 =	simm.s32 $0x108;
	s8 =	sld [smem:$0x3FB3]  }
0x2e: {  	s3 =	simm.s32 @!p0 $0x1082;
	s9 =	sld [smem:$0x3FB4]  }
0x2f: {  	lr =	sadd.s32 s0, s3;
	s0 =	sld [smem:$0x3FAB]  }
0x30: {  	s3 =	sld [smem:$0x3FAE]  }
0x31: {  	[smem:$0x3FB7] =	sst s10  }
0x32: {  	s10 =	sld [smem:$0x3FB5];
	_ =	sdelay $0x3  }
0x33: {  	p0 =	seq.s32 s10, $0x1;
	s10 =	sld [smem:$0x3FB7];
	_ =	sdelay $0x3  }
0x34: {  	[smem:$0x3FB7] =	sst s10  }
0x35: {  	s10 =	sld [smem:$0x3FB6];
	_ =	sdelay $0x3  }
0x36: {  	p1 =	seq.s32 s10, $0x1;
	s10 =	sld [smem:$0x3FB7];
	_ =	sdelay $0x3  }
0x37: {  	[smem:$0x3FB7] =	sst s10  }
0x38: {  	s10 =	sld [smem:$0x3FB8]  }
0x39: {  	_ = 	snop;
	(pc) =	sbr.ind lr, $3  }
0x3a: {  	_ = 	snop  }
0x3b: {  	_ = 	snop  }
0x3c: {  	p2 =	seq.s32 s10, $0x1;
	s10 =	sld [smem:$0x3FB7]  }
0x3d: {  	_ =	shalt  }
0x3e: {  	_ =	shalt  }
0x3f: {  	_ =	shalt  }
0x40: {  	_ =	shalt  }
0x41: {  	_ =	shalt  }
0x42: {  	_ =	shalt  }
0x43: {  	_ =	shalt  }
0x44: {  	_ =	shalt  }
0x45: {  	_ =	shalt  }
0x46: {  	_ =	shalt  }
0x47: {  	_ =	shalt  }
0x48: {  	_ =	shalt  }
0x49: {  	_ =	shalt  }
0x4a: {  	_ =	shalt  }
0x4b: {  	_ =	shalt  }
0x4c: {  	_ =	shalt  }
0x4d: {  	_ =	shalt  }
0x4e: {  	_ =	shalt  }
0x4f: {  	_ =	shalt  }
0x50: {  	_ =	shalt  }
0x51: {  	_ =	shalt  }
0x52: {  	_ =	shalt  }
0x53: {  	_ =	shalt  }
0x54: {  	_ =	shalt  }
0x55: {  	_ =	shalt  }
0x56: {  	_ =	shalt  }
0x57: {  	_ =	shalt  }
0x58: {  	_ =	shalt  }
0x59: {  	_ =	shalt  }
0x5a: {  	_ =	shalt  }
0x5b: {  	_ =	shalt  }
0x5c: {  	_ =	shalt  }
0x5d: {  	_ =	shalt  }
0x5e: {  	_ =	shalt  }
0x5f: {  	_ =	shalt  }
0x60: {  	_ =	shalt  }
0x61: {  	_ =	shalt  }
0x62: {  	_ =	shalt  }
0x63: {  	_ =	shalt  }
0x64: {  	_ =	shalt  }
0x65: {  	_ =	shalt  }
0x66: {  	_ =	shalt  }
0x67: {  	_ =	shalt  }
0x68: {  	_ =	shalt  }
0x69: {  	_ =	shalt  }
0x6a: {  	_ =	shalt  }
0x6b: {  	_ =	shalt  }
0x6c: {  	_ =	shalt  }
0x6d: {  	_ =	shalt  }
0x6e: {  	_ =	shalt  }
0x6f: {  	_ =	shalt  }
0x70: {  	_ =	shalt  }
0x71: {  	_ =	shalt  }
0x72: {  	_ =	shalt  }
0x73: {  	_ =	shalt  }
0x74: {  	_ =	shalt  }
0x75: {  	_ =	shalt  }
0x76: {  	_ =	shalt  }
0x77: {  	_ =	shalt  }
0x78: {  	_ =	shalt  }
0x79: {  	_ =	shalt  }
0x7a: {  	_ =	shalt  }
0x7b: {  	_ =	shalt  }
0x7c: {  	_ =	shalt  }
0x7d: {  	_ =	shalt  }
0x7e: {  	_ =	shalt  }
0x7f: {  	_ =	shalt  }
0x80: {  	_ =	shalt  }
0x81: {  	_ =	shalt  }
0x82: {  	_ =	shalt  }
0x83: {  	_ =	shalt  }
0x84: {  	_ =	shalt  }
0x85: {  	_ =	shalt  }
0x86: {  	_ =	shalt  }
0x87: {  	_ =	shalt  }
.Lfunc_end0:
.L_simem_size_0:
called_computation_lowered:
.L_overlay_start_0:
0x88: {  	s2 =	sld [smem:$0x3FD9]  }
0x89: {  	s3 =	sld [smem:$0x3FFE];
	_ =	sdelay $0x1  }
0x8a: {  	s1 =	srdreg.scid  }
0x8b: {  	s0 =	sand.u32 $0x1, s1  }
0x8c: {  	s25 =	sshll.u32 s0, $0xA;
	s2 =	sadd.s32 s3, s2  }
0x8d: {  	s2 =	sadd.s32 s2, s25  }
0x8e: {  	[smem:$0x3FC3] =	sst s2  }
0x8f: {  	_ = 	snop  }
0x90: {  	s3 =	sld [smem:$0x3FC9]  }
0x91: {  	s2 =	sld [smem:$0x3FC8]  }
0x92: {  	s7 =	sld [smem:$0x3FD0]  }
0x93: {  	s5 =	sld [smem:$0x3FC7]  }
0x94: {  	s6 =	sld [smem:$0x3FC6]  }
0x95: {  	s14 =	simm.s32 $0xA;
	s8 =	simm.s32 $0x10;
	s4 =	sld [smem:$0x3FC5]  }
0x96: {  	[smem:s8], [sflag:s14] =	dma.local [hbm:s7], $0x1  }
0x97: {  	_ =	swait.eq [sflag:s14], $0x1  }
0x98: {  	s7 =	sld [smem:$0x10]  }
0x99: {  	s8 =	sld [smem:$0x11]  }
0x9a: {  	s9 =	sld [smem:$0x12]  }
0x9b: {  	s10 =	sld [smem:$0x13]  }
0x9c: {  	s11 =	sld [smem:$0x14]  }
0x9d: {  	s12 =	sld [smem:$0x15];
	[sflag:s14] =	ssyncset.done $0x0  }
0x9e: {  	s13 =	sld [smem:$0x16];
	[sflag:s14] =	ssyncadd.s32 $0xFFFFFFFF  }
0x9f: {  	s14 =	sld [smem:$0x17];
	(tm) =	ssettm $0x1  }
0xa0: {  	s15 =	sld [smem:$0x3FFB];
	_ =	sdelay $0x3  }
0xa1: {  	_ =	strace s15  }
0xa2: {  	s15 =	sld [smem:$0x3FFC];
	_ =	sdelay $0x3  }
0xa3: {  	_ =	strace s15  }
0xa4: {  	s15 =	sld [smem:$0x3FFD];
	_ =	sdelay $0x3  }
0xa5: {  	_ =	strace s15  }
0xa6: {  	_ =	strace $0x8FFFFFFF  }
0xa7: {  	s26 =	sld [smem:$0x3FDB];
	_ =	sdelay $0x1  }
0xa8: {  	s16 =	simm.s32 $_scs_section_size  }
0xa9: {  	s17 =	simm.s32 $_size__tile_task_arg_handler_lowered;
	s18 =	simm.s32 $_tile_task_arg_handler_lowered  }
0xaa: {  	s30 =	simm.s32 $0x1BFF;
	s29 =	sshll.u32 s18, $0x1;
	s16 =	sadd.s32 s16, s26  }
0xab: {  	s19 =	simm.s32 $0x60;
	s28 =	sshll.u32 s17, $0x1;
	s17 =	sadd.s32 s29, s16  }
0xac: {  	[timem:s19], [sflag:s30] =	dma.local [hbm:s17], s28  }
0xad: {  	_ =	swait.ge [sflag:s30], s28  }
0xae: {  	s31 =	simm.s32 $_tile_overlayer_lowered;
	s15 =	ssub.s32 $0x0, s28;
	[sflag:s30] =	ssyncset.done $0x0  }
0xaf: {  	s19 =	simm.s32 $_size__tile_overlayer_lowered;
	s17 =	sshll.u32 s31, $0x1;
	[sflag:s30] =	ssyncadd.s32 s15  }
0xb0: {  	s21 =	simm.s32 $0x0;
	s20 =	sshll.u32 s19, $0x1;
	s17 =	sadd.s32 s17, s16  }
0xb1: {  	[timem:s21], [sflag:s30] =	dma.local [hbm:s17], s20  }
0xb2: {  	_ =	swait.ge [sflag:s30], s20  }
0xb3: {  	s22 =	ssub.s32 $0x0, s20;
	[sflag:s30] =	ssyncset.done $0x0  }
0xb4: {  	[sflag:s30] =	ssyncadd.s32 s22;
	_ =	sdelay $0x1  }
0xb5: {  	s23 =	simm.s32 $0x1B8B  }
0xb6: {  	_ =	swait.ge [sflag:s23], $0x1  }
0xb7: {  	[sflag:s23] =	ssyncset.done $0x0  }
0xb8: {  	s25 =	simm.s32 $0x1B8E;
	s24 =	sld [smem:$0x3FFE];
	[sflag:s23] =	ssyncadd.s32 $0xFFFFFFFF  }
0xb9: {  	s26 =	simm.s32 $execute0_lowered;
	[smem:$0x3FD2] =	sst s25  }
0xba: {  	s18 =	sshll.u32 s26, $0x1;
	_ =	strace $0x80000046;
	[dreg:$0x1] =	wrdreg $0xFFFFFFFF  }
0xbb: {  	s16 =	sadd.s32 s16, s18;
	s28 =	simm.s32 $_size_execute0_lowered;
	[dreg:$0x0] =	wrdreg $0x0  }
0xbc: {  	s18 =	sshll.u32 s28, $0x1;
	[dreg:$0x2] =	wrdreg s16  }
0xbd: {  	[dreg:$0x3] =	wrdreg s18  }
0xbe: {  	[dreg:$0x4] =	wrdreg $0xC0  }
0xbf: {  	_ =	task [dreg:s21], $0x5FFFF  }
0xc0: {  	[dreg:$0x1] =	wrdreg $0xFFFFFFFF  }
0xc1: {  	[dreg:$0x0] =	wrdreg $0x30  }
0xc2: {  	[dreg:$0x2] =	wrdreg $0x0  }
0xc3: {  	[dreg:$0x3] =	wrdreg $0x9  }
0xc4: {  	_ =	task [dreg:s21], $0x4FFFF  }
0xc5: {  	[dreg:$0x1] =	wrdreg $0xFFFFFFFF  }
0xc6: {  	[dreg:$0x0] =	wrdreg $0x60  }
0xc7: {  	[dreg:$0x2] =	wrdreg s3  }
0xc8: {  	[dreg:$0x3] =	wrdreg s6  }
0xc9: {  	[dreg:$0x4] =	wrdreg s5  }
0xca: {  	[dreg:$0x5] =	wrdreg s2  }
0xcb: {  	[dreg:$0x6] =	wrdreg s24  }
0xcc: {  	[dreg:$0x7] =	wrdreg s4  }
0xcd: {  	[dreg:$0x8] =	wrdreg s7  }
0xce: {  	[dreg:$0x9] =	wrdreg s8  }
0xcf: {  	[dreg:$0xa] =	wrdreg s9  }
0xd0: {  	[dreg:$0xb] =	wrdreg s10  }
0xd1: {  	[dreg:$0xc] =	wrdreg s11  }
0xd2: {  	[dreg:$0xd] =	wrdreg s12  }
0xd3: {  	[dreg:$0xe] =	wrdreg s13  }
0xd4: {  	[dreg:$0xf] =	wrdreg s14  }
0xd5: {  	_ =	task.clear_ibuf [dreg:s21], $0x10FFFF;
	_ =	strace $0x90000046  }
0xd6: {  	s29 =	simm.s32 $0x9;
	_ =	strace $0x80000048  }
0xd7: {  	_ =	swait.ge [sflag:s29], $0x1  }
0xd8: {  	[sflag:s29] =	ssyncadd.s32 $0xFFFFFFFF  }
0xd9: {  	_ =	strace $0x90000048  }
0xda: {  	_ =	sfence  }
0xdb: {  	s30 =	sld [smem:$0x0];
	_ =	sdelay $0x2  }
0xdc: {  	s31 =	sshll.u32 s1, $0xD;
	s1 =	sshrl.u32 s1, $0x2  }
0xdd: {  	s3 =	sand.u32 $0x4000, s31;
	s1 =	sadd.s32 s1, s30  }
0xde: {  	s0 =	sor.u32 s3, s0;
	s1 =	sshll.u32 s1, $0x11  }
0xdf: {  	s0 =	sor.u32 s1, s0  }
0xe0: {  	s0 =	sadd.s32 $0x8F2B, s0  }
0xe1: {  	[sflag:s0] =	ssyncadd.remote.s32 $0x1  }
0xe2: {  	_ =	sfence.sel $0xFFFF  }
0xe3: {  	[dreg:$0x0] =	wrdreg $0xFFFFFFFF;
	(pc) =	sbr.abs _section_cstart, $3  }
0xe4: {  	[dreg:$0x1] =	wrdreg $0xFFFFFFFF  }
0xe5: {  	_ =	task.clear_ibuf [dreg:s21], $0x2FFFF;
	_ =	strace $0x9FFFFFFF  }
0xe6: {  	(tm) =	ssettm $0x7FFFFFFF  }
0xe7: {  	_ =	shalt  }
tec
_tile_task_arg_handler_lowered:
.L_overlay_start_1:
0x0: {  	(tag) =	ssettag $0x1  }
0x1: {  	s0 =	rddreg [dreg:$0x0]  }
0x2: {  	s1 =	rddreg [dreg:$0x1]  }
0x3: {  	s2 =	rddreg [dreg:$0x2]  }
0x4: {  	s3 =	rddreg [dreg:$0x3]  }
0x5: {  	s4 =	rddreg [dreg:$0x4]  }
0x6: {  	s5 =	rddreg [dreg:$0x5]  }
0x7: {  	s6 =	rddreg [dreg:$0x6]  }
0x8: {  	s7 =	rddreg [dreg:$0x7]  }
0x9: {  	s8 =	rddreg [dreg:$0x8]  }
0xa: {  	s9 =	rddreg [dreg:$0x9]  }
0xb: {  	s10 =	rddreg [dreg:$0xa]  }
0xc: {  	s11 =	rddreg [dreg:$0xb]  }
0xd: {  	s12 =	rddreg [dreg:$0xc]  }
0xe: {  	s13 =	rddreg [dreg:$0xd]  }
0xf: {  	[smem:s0] =	sst s1  }
0x10: {  	[smem:s0+$0x1] =	sst s2  }
0x11: {  	[smem:s0+$0x2] =	sst s3  }
0x12: {  	[smem:s0+$0x3] =	sst s4  }
0x13: {  	[smem:s0+$0x4] =	sst s5  }
0x14: {  	[smem:s0+$0x5] =	sst s6  }
0x15: {  	[smem:s0+$0x6] =	sst s7  }
0x16: {  	[smem:s0+$0x7] =	sst s8  }
0x17: {  	[smem:s0+$0x8] =	sst s9  }
0x18: {  	[smem:s0+$0x9] =	sst s10  }
0x19: {  	[smem:s0+$0xA] =	sst s11  }
0x1a: {  	[smem:s0+$0xB] =	sst s12  }
0x1b: {  	[smem:s0+$0xC] =	sst s13;
	_ =	shalt  }
.Lfunc_end2:
execute0_lowered:
.L_overlay_start_2:
0x1c: {  	(tag) =	ssettag $0x2  }
0x1d: {  	s0 =	rddreg [dreg:$0x0]  }
0x1e: {  	s1 =	rddreg [dreg:$0x1]  }
0x1f: {  	s2 =	rddreg [dreg:$0x2]  }
0x20: {  	s4 =	rddreg [dreg:$0x3]  }
0x21: {  	s5 =	rddreg [dreg:$0x4]  }
0x22: {  	s6 =	rddreg [dreg:$0x6]  }
0x23: {  	s7 =	rddreg [dreg:$0x7]  }
0x24: {  	s8 =	rddreg [dreg:$0x8]  }
0x25: {  	s9 =	rddreg [dreg:$0x9]  }
0x26: {  	s10 =	rddreg [dreg:$0xa]  }
0x27: {  	s3 =	srdreg.scid;
	s12 =	rddreg [dreg:$0xb]  }
0x28: {  	s17 =	stileid.u32;
	s13 =	rddreg [dreg:$0xc];
	s11 =	sand.u32 $0x1, s3  }
0x29: {  	s15 =	rddreg [dreg:$0xd];
	s3 =	sshll.u32 s11, $0x4;
	s11 =	ssub.s32 $0x2, s11  }
0x2a: {  	s14 =	sor.u32 s17, s3;
	s3 =	simm.s32 $0x0;
	s17 =	sshll.u32 s17, $0x7  }
0x2b: {  	s28 =	sshrl.u32 s11, $0x1;
	s16 =	sshrl.u32 s14, $0x3;
	[smem:$0x7FF] =	sst s3  }
0x2c: {  	s17 =	sand.u32 $0x380, s17;
	s11 =	ssub.s32 s11, s28;
	s19 =	sld [smem:$0x0]  }
0x2d: {  	s31 =	sshll.u32 s14, $0x7;
	s18 =	smul.u32 $0x3000, s16;
	s26 =	sshll.u32 s16, $0xD  }
0x2e: {  	s30 =	sshll.u32 s16, $0xA;
	s1 =	sadd.s32 s1, s31;
	s22 =	smax.u32 s11, $0x1  }
0x2f: {  	s18 =	sor.u32 s17, s18;
	[dreg:$0xe] =	wrdreg s19;
	s19 =	sor.u32 s17, s26  }
0x30: {  	_ =	strace $0x80000047;
	s19 =	sshrl.u32 s19, $0x3;
	[dreg:$0x10] =	wrdreg s1  }
0x31: {  	s18 =	sshrl.u32 s18, $0x3;
	[dreg:$0x1c] =	wrdreg s22;
	s2 =	sadd.s32 s2, s19  }
0x32: {  	s5 =	sadd.s32 s18, s5;
	s4 =	sadd.s32 s4, s19;
	[dreg:$0x11] =	wrdreg s2  }
0x33: {  	s20 =	sadd.s32 s0, s19;
	s5 =	sadd.s32 $0x800, s5;
	[dreg:$0x12] =	wrdreg s4  }
0x34: {  	s0 =	sor.u32 s17, s30;
	s17 =	sshll.u32 s14, $0xB;
	[dreg:$0x13] =	wrdreg s5  }
0x35: {  	s1 =	sadd.s32 s12, s17;
	[dreg:$0xf] =	wrdreg s20  }
0x36: {  	s23 =	sadd.s32 $0x80, s20;
	[dreg:$0x19] =	wrdreg s1  }
0x37: {  	s24 =	sadd.s32 $0x100, s20;
	[dreg:$0x1d] =	wrdreg s23  }
0x38: {  	s25 =	sadd.s32 $0x180, s20;
	[dreg:$0x1e] =	wrdreg s24  }
0x39: {  	s26 =	sadd.s32 $0x200, s20;
	[dreg:$0x1f] =	wrdreg s25  }
0x3a: {  	s29 =	simm.s32 $0x2000;
	s28 =	sadd.s32 $0x280, s20;
	[smem:$0x7FA] =	sst s26  }
0x3b: {  	s16 =	sshll.u32 s14, $0xA;
	s30 =	sadd.s32 $0x300, s20;
	[smem:$0x7FB] =	sst s28  }
0x3c: {  	s0 =	sshrl.u32 s0, $0x3;
	s31 =	sadd.s32 $0x380, s20;
	[smem:$0x7FC] =	sst s30  }
0x3d: {  	s11 =	simm.s32 $0x6980;
	s6 =	sadd.s32 s6, s0;
	[smem:$0x7FD] =	sst s31  }
0x3e: {  	s4 =	simm.s32 $0x80;
	s7 =	sadd.s32 s7, s0;
	[dreg:$0x14] =	wrdreg s6  }
0x3f: {  	s17 =	simm.s32 $0x1000;
	s8 =	sadd.s32 s8, s0;
	[dreg:$0x15] =	wrdreg s7  }
0x40: {  	s2 =	simm.s32 $0x5500;
	s18 =	sadd.s32 s9, s0;
	[dreg:$0x16] =	wrdreg s8  }
0x41: {  	s5 =	simm.s32 $0x3200;
	s19 =	sadd.s32 s10, s0;
	[dreg:$0x17] =	wrdreg s18  }
.Ltmp0:
0x42: {  	s21 =	sadd.s32 s13, s0;
	[dreg:$0x18] =	wrdreg s19;
	(pc) =	sbr.rel .LBB3_1-.Ltmp0, $4  }
0x43: {  	s0 =	sadd.s32 s15, s0;
	s9 =	simm.s32 $0x6180;
	[dreg:$0x1a] =	wrdreg s21  }
0x44: {  	s10 =	simm.s32 $0x6580;
	s13 =	simm.s32 $0x0;
	[dreg:$0x1b] =	wrdreg s0  }
0x45: {  	v1 =	vlaneseq.u32;
	v2 =	vimm.s32 $0x0;
	s18 =	simm.s32 $0x2400;
	s19 =	simm.s32 $0x2800;
	s0 =	simm.s32 $0x1  }
0x46: {  	v3 =	vor.u32 $0x10, v1;
	v4 =	vor.u32 $0x20, v1;
	v0 =	vmov s16;
	s6 =	simm.s32 $0x4100;
	s7 =	simm.s32 $0x5000;
	s8 =	simm.s32 $0x5580  }
.LBB3_39:
0x47: {  	v5 =	vld [tilespmem:$0x6980];
	_ =	sdelay $0x7  }
0x48: {  	v6 =	vld.idx.msk [tilespmem:v5+s9+$0x0], $0xffff;
	_ =	sdelay $0x4  }
0x49: {  	v7 =	vadd.f32 $-2.500000000e-01, v6;
	_ =	sdelay $0x1  }
0x4a: {  	vm0 =	vlt.f32 v6, $2.500000000e-01;
	v7 =	vadd.f32 v7, v7  }
0x4b: {  	vm1 =	vgt.f32 v6, $5.500000120e-01;
	vm2 =	vgt.f32 v6, $7.500000000e-01;
	vm0 =	vmneg vm0  }
0x4c: {  	[tilespmem:$0x7280] =	vst v6;
	v6 =	vsel vm1, $0x1, v2;
	vm11 =	vmneg vm2;
	v7 =	vnsel vm0, $0x0, v7  }
0x4d: {  	[tilespmem:$0x7400] =	vst v6;
	v6 =	vnsel vm11, $0x3F800000, v7  }
0x4e: {  	[tilespmem:$0x7480] =	vst v6  }
0x4f: {  	v6 =	vld.idx.msk [tilespmem:v5+s18+$0x0], $0xffff;
	_ =	sdelay $0x4  }
0x50: {  	[tilespmem:$0x7380] =	vst v6  }
0x51: {  	v6 =	vld.idx.msk [tilespmem:v5+s19+$0x0], $0xffff  }
0x52: {  	v7 =	vshll.u32 v5, $0x3  }
0x53: {  	v8 =	vand.u32 $0x7F, v5;
	v7 =	vand.u32 $0xFFFFFC00, v7  }
0x54: {  	v7 =	vor.u32 v8, v7;
	_ =	sdelay $0x1  }
0x55: {  	[tilespmem:$0x7300] =	vst v6  }
0x56: {  	v6 =	vld.idx.msk [tilespmem:v5+s10+$0x0], $0xffff;
	_ =	sdelay $0x1  }
0x57: {  	v8 =	vld.idx.msk [tilespmem:v7+s3+$0x0], $0xffff;
	_ =	sdelay $0x4  }
0x58: {  	[tilespmem:$0x6A80] =	vst v8  }
0x59: {  	v8 =	vld.idx.msk [tilespmem:v6+s29+$0x0], $0xffff  }
0x5a: {  	v9 =	vor.u32 $0x80, v7;
	_ =	sdelay $0x3  }
0x5b: {  	[tilespmem:$0x6E80] =	vst v8  }
0x5c: {  	v8 =	vld.idx.msk [tilespmem:v9+s3+$0x0], $0xffff  }
0x5d: {  	v29 =	vadd.s32 $0x80, v6;
	_ =	sdelay $0x3  }
0x5e: {  	[tilespmem:$0x6B00] =	vst v8  }
0x5f: {  	v8 =	vld.idx.msk [tilespmem:v29+s29+$0x0], $0xffff  }
0x60: {  	v30 =	vor.u32 $0x100, v7;
	_ =	sdelay $0x3  }
0x61: {  	[tilespmem:$0x6F00] =	vst v8  }
0x62: {  	v8 =	vld.idx.msk [tilespmem:v30+s3+$0x0], $0xffff  }
0x63: {  	v31 =	vadd.s32 $0x100, v6;
	_ =	sdelay $0x3  }
0x64: {  	[tilespmem:$0x6B80] =	vst v8  }
0x65: {  	v8 =	vld.idx.msk [tilespmem:v31+s29+$0x0], $0xffff  }
0x66: {  	v32 =	vor.u32 $0x180, v7;
	_ =	sdelay $0x3  }
0x67: {  	[tilespmem:$0x6F80] =	vst v8  }
0x68: {  	v8 =	vld.idx.msk [tilespmem:v32+s3+$0x0], $0xffff  }
0x69: {  	v33 =	vadd.s32 $0x180, v6;
	_ =	sdelay $0x3  }
0x6a: {  	[tilespmem:$0x6C00] =	vst v8  }
0x6b: {  	v8 =	vld.idx.msk [tilespmem:v33+s29+$0x0], $0xffff  }
0x6c: {  	v34 =	vor.u32 $0x200, v7;
	_ =	sdelay $0x3  }
0x6d: {  	[tilespmem:$0x7000] =	vst v8  }
0x6e: {  	v8 =	vld.idx.msk [tilespmem:v34+s3+$0x0], $0xffff  }
0x6f: {  	v35 =	vadd.s32 $0x200, v6;
	_ =	sdelay $0x3  }
0x70: {  	[tilespmem:$0x6C80] =	vst v8  }
0x71: {  	v8 =	vld.idx.msk [tilespmem:v35+s29+$0x0], $0xffff  }
0x72: {  	v36 =	vor.u32 $0x280, v7;
	_ =	sdelay $0x3  }
0x73: {  	[tilespmem:$0x7080] =	vst v8  }
0x74: {  	v8 =	vld.idx.msk [tilespmem:v36+s3+$0x0], $0xffff  }
0x75: {  	v37 =	vadd.s32 $0x280, v6;
	_ =	sdelay $0x3  }
0x76: {  	[tilespmem:$0x6D00] =	vst v8  }
0x77: {  	v8 =	vld.idx.msk [tilespmem:v37+s29+$0x0], $0xffff  }
0x78: {  	v7 =	vor.u32 $0x300, v7;
	_ =	sdelay $0x3  }
0x79: {  	[tilespmem:$0x7100] =	vst v8  }
0x7a: {  	v7 =	vld.idx.msk [tilespmem:v7+s3+$0x0], $0xffff;
	_ =	sdelay $0x1  }
0x7b: {  	v6 =	vadd.s32 $0x300, v6;
	_ =	sdelay $0x2  }
0x7c: {  	[tilespmem:$0x6D80] =	vst v7;
	v7 =	vld [tilespmem:$0x6990];
	_ =	sdelay $0x1  }
0x7d: {  	v6 =	vld.idx.msk [tilespmem:v6+s29+$0x0], $0xffff;
	_ =	sdelay $0x2  }
0x7e: {  	v5 =	vadd.s32 v0, v5  }
0x7f: {  	[tilespmem:$0x6A00] =	vst v5  }
0x80: {  	[tilespmem:$0x7180] =	vst v6  }
0x81: {  	v5 =	vld.idx.msk [tilespmem:v7+s9+$0x0], $0xffff;
	_ =	sdelay $0x4  }
0x82: {  	v6 =	vadd.f32 $-2.500000000e-01, v5;
	_ =	sdelay $0x1  }
0x83: {  	vm12 =	vlt.f32 v5, $2.500000000e-01;
	v6 =	vadd.f32 v6, v6  }
0x84: {  	vm13 =	vgt.f32 v5, $5.500000120e-01;
	vm14 =	vgt.f32 v5, $7.500000000e-01;
	vm0 =	vmneg vm12  }
0x85: {  	[tilespmem:$0x7290] =	vst v5;
	v5 =	vsel vm13, $0x1, v2;
	vm15 =	vmneg vm14;
	v6 =	vnsel vm0, $0x0, v6  }
0x86: {  	[tilespmem:$0x7410] =	vst v5;
	v5 =	vnsel vm15, $0x3F800000, v6  }
0x87: {  	[tilespmem:$0x7490] =	vst v5  }
0x88: {  	v5 =	vld.idx.msk [tilespmem:v7+s18+$0x0], $0xffff;
	_ =	sdelay $0x4  }
0x89: {  	[tilespmem:$0x7390] =	vst v5  }
0x8a: {  	v5 =	vld.idx.msk [tilespmem:v7+s19+$0x0], $0xffff  }
0x8b: {  	v6 =	vshll.u32 v7, $0x3  }
0x8c: {  	v38 =	vand.u32 $0x7F, v7;
	v6 =	vand.u32 $0xFFFFFC00, v6  }
0x8d: {  	v6 =	vor.u32 v38, v6;
	_ =	sdelay $0x1  }
0x8e: {  	[tilespmem:$0x7310] =	vst v5  }
0x8f: {  	v5 =	vld.idx.msk [tilespmem:v7+s10+$0x0], $0xffff;
	_ =	sdelay $0x1  }
0x90: {  	v8 =	vld.idx.msk [tilespmem:v6+s3+$0x0], $0xffff;
	_ =	sdelay $0x4  }
0x91: {  	[tilespmem:$0x6A90] =	vst v8  }
0x92: {  	v8 =	vld.idx.msk [tilespmem:v5+s29+$0x0], $0xffff  }
0x93: {  	v39 =	vor.u32 $0x80, v6;
	_ =	sdelay $0x3  }
0x94: {  	[tilespmem:$0x6E90] =	vst v8  }
0x95: {  	v8 =	vld.idx.msk [tilespmem:v39+s3+$0x0], $0xffff  }
0x96: {  	v40 =	vadd.s32 $0x80, v5;
	_ =	sdelay $0x3  }
0x97: {  	[tilespmem:$0x6B10] =	vst v8  }
0x98: {  	v8 =	vld.idx.msk [tilespmem:v40+s29+$0x0], $0xffff  }
0x99: {  	v41 =	vor.u32 $0x100, v6;
	_ =	sdelay $0x3  }
0x9a: {  	[tilespmem:$0x6F10] =	vst v8  }
0x9b: {  	v8 =	vld.idx.msk [tilespmem:v41+s3+$0x0], $0xffff  }
0x9c: {  	v42 =	vadd.s32 $0x100, v5;
	_ =	sdelay $0x3  }
0x9d: {  	[tilespmem:$0x6B90] =	vst v8  }
0x9e: {  	v8 =	vld.idx.msk [tilespmem:v42+s29+$0x0], $0xffff  }
0x9f: {  	v43 =	vor.u32 $0x180, v6;
	_ =	sdelay $0x3  }
0xa0: {  	[tilespmem:$0x6F90] =	vst v8  }
0xa1: {  	v8 =	vld.idx.msk [tilespmem:v43+s3+$0x0], $0xffff  }
0xa2: {  	v44 =	vadd.s32 $0x180, v5;
	_ =	sdelay $0x3  }
0xa3: {  	[tilespmem:$0x6C10] =	vst v8  }
0xa4: {  	v8 =	vld.idx.msk [tilespmem:v44+s29+$0x0], $0xffff  }
0xa5: {  	v45 =	vor.u32 $0x200, v6;
	_ =	sdelay $0x3  }
0xa6: {  	[tilespmem:$0x7010] =	vst v8  }
0xa7: {  	v8 =	vld.idx.msk [tilespmem:v45+s3+$0x0], $0xffff  }
0xa8: {  	v46 =	vadd.s32 $0x200, v5;
	_ =	sdelay $0x3  }
0xa9: {  	[tilespmem:$0x6C90] =	vst v8  }
0xaa: {  	v8 =	vld.idx.msk [tilespmem:v46+s29+$0x0], $0xffff  }
0xab: {  	v47 =	vor.u32 $0x280, v6;
	_ =	sdelay $0x3  }
0xac: {  	[tilespmem:$0x7090] =	vst v8  }
0xad: {  	v8 =	vld.idx.msk [tilespmem:v47+s3+$0x0], $0xffff  }
0xae: {  	v48 =	vadd.s32 $0x280, v5;
	_ =	sdelay $0x3  }
0xaf: {  	[tilespmem:$0x6D10] =	vst v8  }
0xb0: {  	v8 =	vld.idx.msk [tilespmem:v48+s29+$0x0], $0xffff  }
0xb1: {  	v6 =	vor.u32 $0x300, v6;
	_ =	sdelay $0x3  }
0xb2: {  	[tilespmem:$0x7110] =	vst v8  }
0xb3: {  	v6 =	vld.idx.msk [tilespmem:v6+s3+$0x0], $0xffff  }
0xb4: {  	v5 =	vadd.s32 $0x300, v5;
	_ =	sdelay $0x3  }
0xb5: {  	[tilespmem:$0x6D90] =	vst v6;
	v6 =	vld [tilespmem:$0x69A0]  }
0xb6: {  	v5 =	vld.idx.msk [tilespmem:v5+s29+$0x0], $0xffff;
	_ =	sdelay $0x4  }
0xb7: {  	[tilespmem:$0x7190] =	vst v5;
	v5 =	vadd.s32 v0, v7  }
0xb8: {  	[tilespmem:$0x6A10] =	vst v5  }
0xb9: {  	v5 =	vld.idx.msk [tilespmem:v6+s9+$0x0], $0xffff;
	_ =	sdelay $0x4  }
0xba: {  	v7 =	vadd.f32 $-2.500000000e-01, v5;
	_ =	sdelay $0x1  }
0xbb: {  	vm4 =	vlt.f32 v5, $2.500000000e-01;
	v7 =	vadd.f32 v7, v7  }
0xbc: {  	vm5 =	vgt.f32 v5, $5.500000120e-01;
	vm6 =	vgt.f32 v5, $7.500000000e-01;
	vm0 =	vmneg vm4  }
0xbd: {  	[tilespmem:$0x72A0] =	vst v5;
	v5 =	vsel vm5, $0x1, v2;
	vm7 =	vmneg vm6;
	v7 =	vnsel vm0, $0x0, v7  }
0xbe: {  	[tilespmem:$0x7420] =	vst v5;
	v5 =	vnsel vm7, $0x3F800000, v7  }
0xbf: {  	[tilespmem:$0x74A0] =	vst v5  }
0xc0: {  	v5 =	vld.idx.msk [tilespmem:v6+s18+$0x0], $0xffff;
	_ =	sdelay $0x4  }
0xc1: {  	[tilespmem:$0x73A0] =	vst v5  }
0xc2: {  	v5 =	vld.idx.msk [tilespmem:v6+s19+$0x0], $0xffff  }
0xc3: {  	v7 =	vshll.u32 v6, $0x3  }
0xc4: {  	v49 =	vand.u32 $0x7F, v6;
	v7 =	vand.u32 $0xFFFFFC00, v7  }
0xc5: {  	v7 =	vor.u32 v49, v7;
	_ =	sdelay $0x1  }
0xc6: {  	[tilespmem:$0x7320] =	vst v5  }
0xc7: {  	v5 =	vld.idx.msk [tilespmem:v6+s10+$0x0], $0xffff;
	_ =	sdelay $0x1  }
0xc8: {  	v8 =	vld.idx.msk [tilespmem:v7+s3+$0x0], $0xffff;
	_ =	sdelay $0x4  }
0xc9: {  	[tilespmem:$0x6AA0] =	vst v8  }
0xca: {  	v8 =	vld.idx.msk [tilespmem:v5+s29+$0x0], $0xffff  }
0xcb: {  	v50 =	vor.u32 $0x80, v7;
	_ =	sdelay $0x3  }
0xcc: {  	[tilespmem:$0x6EA0] =	vst v8  }
0xcd: {  	v8 =	vld.idx.msk [tilespmem:v50+s3+$0x0], $0xffff  }
0xce: {  	v51 =	vadd.s32 $0x80, v5;
	_ =	sdelay $0x3  }
0xcf: {  	[tilespmem:$0x6B20] =	vst v8  }
0xd0: {  	v8 =	vld.idx.msk [tilespmem:v51+s29+$0x0], $0xffff  }
0xd1: {  	v52 =	vor.u32 $0x100, v7;
	_ =	sdelay $0x3  }
0xd2: {  	[tilespmem:$0x6F20] =	vst v8  }
0xd3: {  	v8 =	vld.idx.msk [tilespmem:v52+s3+$0x0], $0xffff  }
0xd4: {  	v53 =	vadd.s32 $0x100, v5;
	_ =	sdelay $0x3  }
0xd5: {  	[tilespmem:$0x6BA0] =	vst v8  }
0xd6: {  	v8 =	vld.idx.msk [tilespmem:v53+s29+$0x0], $0xffff  }
0xd7: {  	v54 =	vor.u32 $0x180, v7;
	_ =	sdelay $0x3  }
0xd8: {  	[tilespmem:$0x6FA0] =	vst v8  }
0xd9: {  	v8 =	vld.idx.msk [tilespmem:v54+s3+$0x0], $0xffff  }
0xda: {  	v55 =	vadd.s32 $0x180, v5;
	_ =	sdelay $0x3  }
0xdb: {  	[tilespmem:$0x6C20] =	vst v8  }
0xdc: {  	v8 =	vld.idx.msk [tilespmem:v55+s29+$0x0], $0xffff  }
0xdd: {  	v56 =	vor.u32 $0x200, v7;
	_ =	sdelay $0x3  }
0xde: {  	[tilespmem:$0x7020] =	vst v8  }
0xdf: {  	v8 =	vld.idx.msk [tilespmem:v56+s3+$0x0], $0xffff  }
0xe0: {  	v57 =	vadd.s32 $0x200, v5;
	_ =	sdelay $0x3  }
0xe1: {  	[tilespmem:$0x6CA0] =	vst v8  }
0xe2: {  	v8 =	vld.idx.msk [tilespmem:v57+s29+$0x0], $0xffff  }
0xe3: {  	v58 =	vor.u32 $0x280, v7;
	_ =	sdelay $0x3  }
0xe4: {  	[tilespmem:$0x70A0] =	vst v8  }
0xe5: {  	v8 =	vld.idx.msk [tilespmem:v58+s3+$0x0], $0xffff  }
0xe6: {  	v59 =	vadd.s32 $0x280, v5;
	_ =	sdelay $0x3  }
0xe7: {  	[tilespmem:$0x6D20] =	vst v8  }
0xe8: {  	v8 =	vld.idx.msk [tilespmem:v59+s29+$0x0], $0xffff  }
0xe9: {  	v7 =	vor.u32 $0x300, v7;
	_ =	sdelay $0x3  }
0xea: {  	[tilespmem:$0x7120] =	vst v8  }
0xeb: {  	v7 =	vld.idx.msk [tilespmem:v7+s3+$0x0], $0xffff  }
0xec: {  	v5 =	vadd.s32 $0x300, v5;
	_ =	sdelay $0x3  }
0xed: {  	[tilespmem:$0x6DA0] =	vst v7;
	v7 =	vld [tilespmem:$0x69B0]  }
0xee: {  	v5 =	vld.idx.msk [tilespmem:v5+s29+$0x0], $0xffff;
	_ =	sdelay $0x4  }
0xef: {  	[tilespmem:$0x71A0] =	vst v5;
	v5 =	vadd.s32 v0, v6  }
0xf0: {  	[tilespmem:$0x6A20] =	vst v5  }
0xf1: {  	v5 =	vld.idx.msk [tilespmem:v7+s9+$0x0], $0xffff;
	_ =	sdelay $0x4  }
0xf2: {  	v6 =	vadd.f32 $-2.500000000e-01, v5;
	_ =	sdelay $0x1  }
0xf3: {  	vm8 =	vlt.f32 v5, $2.500000000e-01;
	v6 =	vadd.f32 v6, v6  }
0xf4: {  	vm9 =	vgt.f32 v5, $5.500000120e-01;
	vm10 =	vgt.f32 v5, $7.500000000e-01;
	vm0 =	vmneg vm8  }
0xf5: {  	[tilespmem:$0x72B0] =	vst v5;
	v5 =	vsel vm9, $0x1, v2;
	vm11 =	vmneg vm10;
	v6 =	vnsel vm0, $0x0, v6  }
0xf6: {  	[tilespmem:$0x7430] =	vst v5;
	v5 =	vnsel vm11, $0x3F800000, v6  }
0xf7: {  	[tilespmem:$0x74B0] =	vst v5  }
0xf8: {  	v5 =	vld.idx.msk [tilespmem:v7+s18+$0x0], $0xffff;
	_ =	sdelay $0x4  }
0xf9: {  	[tilespmem:$0x73B0] =	vst v5  }
0xfa: {  	v5 =	vld.idx.msk [tilespmem:v7+s19+$0x0], $0xffff  }
0xfb: {  	v6 =	vshll.u32 v7, $0x3  }
0xfc: {  	v60 =	vand.u32 $0x7F, v7;
	v6 =	vand.u32 $0xFFFFFC00, v6  }
0xfd: {  	v6 =	vor.u32 v60, v6;
	_ =	sdelay $0x1  }
0xfe: {  	[tilespmem:$0x7330] =	vst v5  }
0xff: {  	v5 =	vld.idx.msk [tilespmem:v7+s10+$0x0], $0xffff;
	_ =	sdelay $0x1  }
0x100: {  	v8 =	vld.idx.msk [tilespmem:v6+s3+$0x0], $0xffff;
	_ =	sdelay $0x4  }
0x101: {  	[tilespmem:$0x6AB0] =	vst v8  }
0x102: {  	v8 =	vld.idx.msk [tilespmem:v5+s29+$0x0], $0xffff  }
0x103: {  	v61 =	vor.u32 $0x80, v6;
	_ =	sdelay $0x3  }
0x104: {  	[tilespmem:$0x6EB0] =	vst v8  }
0x105: {  	v8 =	vld.idx.msk [tilespmem:v61+s3+$0x0], $0xffff  }
0x106: {  	v62 =	vadd.s32 $0x80, v5;
	_ =	sdelay $0x3  }
0x107: {  	[tilespmem:$0x6B30] =	vst v8  }
0x108: {  	v8 =	vld.idx.msk [tilespmem:v62+s29+$0x0], $0xffff  }
0x109: {  	v63 =	vor.u32 $0x100, v6;
	_ =	sdelay $0x3  }
0x10a: {  	[tilespmem:$0x6F30] =	vst v8  }
0x10b: {  	v8 =	vld.idx.msk [tilespmem:v63+s3+$0x0], $0xffff  }
0x10c: {  	v12 =	vadd.s32 $0x100, v5;
	_ =	sdelay $0x3  }
0x10d: {  	[tilespmem:$0x6BB0] =	vst v8  }
0x10e: {  	v8 =	vld.idx.msk [tilespmem:v12+s29+$0x0], $0xffff  }
0x10f: {  	v13 =	vor.u32 $0x180, v6;
	_ =	sdelay $0x3  }
0x110: {  	[tilespmem:$0x6FB0] =	vst v8  }
0x111: {  	v8 =	vld.idx.msk [tilespmem:v13+s3+$0x0], $0xffff  }
0x112: {  	v14 =	vadd.s32 $0x180, v5;
	_ =	sdelay $0x3  }
0x113: {  	[tilespmem:$0x6C30] =	vst v8  }
0x114: {  	v8 =	vld.idx.msk [tilespmem:v14+s29+$0x0], $0xffff  }
0x115: {  	v15 =	vor.u32 $0x200, v6;
	_ =	sdelay $0x3  }
0x116: {  	[tilespmem:$0x7030] =	vst v8  }
0x117: {  	v8 =	vld.idx.msk [tilespmem:v15+s3+$0x0], $0xffff  }
0x118: {  	v16 =	vadd.s32 $0x200, v5;
	_ =	sdelay $0x3  }
0x119: {  	[tilespmem:$0x6CB0] =	vst v8  }
0x11a: {  	v8 =	vld.idx.msk [tilespmem:v16+s29+$0x0], $0xffff  }
0x11b: {  	v17 =	vor.u32 $0x280, v6;
	_ =	sdelay $0x3  }
0x11c: {  	[tilespmem:$0x70B0] =	vst v8  }
0x11d: {  	v8 =	vld.idx.msk [tilespmem:v17+s3+$0x0], $0xffff  }
0x11e: {  	v18 =	vadd.s32 $0x280, v5;
	_ =	sdelay $0x3  }
0x11f: {  	[tilespmem:$0x6D30] =	vst v8  }
0x120: {  	v8 =	vld.idx.msk [tilespmem:v18+s29+$0x0], $0xffff  }
0x121: {  	v6 =	vor.u32 $0x300, v6;
	_ =	sdelay $0x3  }
0x122: {  	[tilespmem:$0x7130] =	vst v8  }
0x123: {  	v6 =	vld.idx.msk [tilespmem:v6+s3+$0x0], $0xffff  }
0x124: {  	v5 =	vadd.s32 $0x300, v5;
	_ =	sdelay $0x3  }
0x125: {  	[tilespmem:$0x6DB0] =	vst v6;
	v6 =	vld [tilespmem:$0x69C0]  }
0x126: {  	v5 =	vld.idx.msk [tilespmem:v5+s29+$0x0], $0xffff;
	_ =	sdelay $0x4  }
0x127: {  	[tilespmem:$0x71B0] =	vst v5;
	v5 =	vadd.s32 v0, v7  }
0x128: {  	[tilespmem:$0x6A30] =	vst v5  }
0x129: {  	v5 =	vld.idx.msk [tilespmem:v6+s9+$0x0], $0xffff;
	_ =	sdelay $0x4  }
0x12a: {  	v7 =	vadd.f32 $-2.500000000e-01, v5;
	_ =	sdelay $0x1  }
0x12b: {  	vm12 =	vlt.f32 v5, $2.500000000e-01;
	v7 =	vadd.f32 v7, v7  }
0x12c: {  	vm13 =	vgt.f32 v5, $5.500000120e-01;
	vm14 =	vgt.f32 v5, $7.500000000e-01;
	vm0 =	vmneg vm12  }
0x12d: {  	[tilespmem:$0x72C0] =	vst v5;
	v5 =	vsel vm13, $0x1, v2;
	vm15 =	vmneg vm14;
	v7 =	vnsel vm0, $0x0, v7  }
0x12e: {  	[tilespmem:$0x7440] =	vst v5;
	v5 =	vnsel vm15, $0x3F800000, v7  }
0x12f: {  	[tilespmem:$0x74C0] =	vst v5  }
0x130: {  	v5 =	vld.idx.msk [tilespmem:v6+s18+$0x0], $0xffff;
	_ =	sdelay $0x4  }
0x131: {  	[tilespmem:$0x73C0] =	vst v5  }
0x132: {  	v5 =	vld.idx.msk [tilespmem:v6+s19+$0x0], $0xffff  }
0x133: {  	v7 =	vshll.u32 v6, $0x3  }
0x134: {  	v19 =	vand.u32 $0x7F, v6;
	v7 =	vand.u32 $0xFFFFFC00, v7  }
0x135: {  	v7 =	vor.u32 v19, v7;
	_ =	sdelay $0x1  }
0x136: {  	[tilespmem:$0x7340] =	vst v5  }
0x137: {  	v5 =	vld.idx.msk [tilespmem:v6+s10+$0x0], $0xffff;
	_ =	sdelay $0x1  }
0x138: {  	v8 =	vld.idx.msk [tilespmem:v7+s3+$0x0], $0xffff;
	_ =	sdelay $0x4  }
0x139: {  	[tilespmem:$0x6AC0] =	vst v8  }
0x13a: {  	v8 =	vld.idx.msk [tilespmem:v5+s29+$0x0], $0xffff  }
0x13b: {  	v20 =	vor.u32 $0x80, v7;
	_ =	sdelay $0x3  }
0x13c: {  	[tilespmem:$0x6EC0] =	vst v8  }
0x13d: {  	v8 =	vld.idx.msk [tilespmem:v20+s3+$0x0], $0xffff  }
0x13e: {  	v21 =	vadd.s32 $0x80, v5;
	_ =	sdelay $0x3  }
0x13f: {  	[tilespmem:$0x6B40] =	vst v8  }
0x140: {  	v8 =	vld.idx.msk [tilespmem:v21+s29+$0x0], $0xffff  }
0x141: {  	v22 =	vor.u32 $0x100, v7;
	_ =	sdelay $0x3  }
0x142: {  	[tilespmem:$0x6F40] =	vst v8  }
0x143: {  	v8 =	vld.idx.msk [tilespmem:v22+s3+$0x0], $0xffff  }
0x144: {  	v23 =	vadd.s32 $0x100, v5;
	_ =	sdelay $0x3  }
0x145: {  	[tilespmem:$0x6BC0] =	vst v8  }
0x146: {  	v8 =	vld.idx.msk [tilespmem:v23+s29+$0x0], $0xffff  }
0x147: {  	v24 =	vor.u32 $0x180, v7;
	_ =	sdelay $0x3  }
0x148: {  	[tilespmem:$0x6FC0] =	vst v8  }
0x149: {  	v8 =	vld.idx.msk [tilespmem:v24+s3+$0x0], $0xffff  }
0x14a: {  	v25 =	vadd.s32 $0x180, v5;
	_ =	sdelay $0x3  }
0x14b: {  	[tilespmem:$0x6C40] =	vst v8  }
0x14c: {  	v8 =	vld.idx.msk [tilespmem:v25+s29+$0x0], $0xffff  }
0x14d: {  	v26 =	vor.u32 $0x200, v7;
	_ =	sdelay $0x3  }
0x14e: {  	[tilespmem:$0x7040] =	vst v8  }
0x14f: {  	v8 =	vld.idx.msk [tilespmem:v26+s3+$0x0], $0xffff  }
0x150: {  	v27 =	vadd.s32 $0x200, v5;
	_ =	sdelay $0x3  }
0x151: {  	[tilespmem:$0x6CC0] =	vst v8  }
0x152: {  	v8 =	vld.idx.msk [tilespmem:v27+s29+$0x0], $0xffff  }
0x153: {  	v28 =	vor.u32 $0x280, v7;
	_ =	sdelay $0x3  }
0x154: {  	[tilespmem:$0x70C0] =	vst v8  }
0x155: {  	v8 =	vld.idx.msk [tilespmem:v28+s3+$0x0], $0xffff  }
0x156: {  	v29 =	vadd.s32 $0x280, v5;
	_ =	sdelay $0x3  }
0x157: {  	[tilespmem:$0x6D40] =	vst v8  }
0x158: {  	v8 =	vld.idx.msk [tilespmem:v29+s29+$0x0], $0xffff  }
0x159: {  	v7 =	vor.u32 $0x300, v7;
	_ =	sdelay $0x3  }
0x15a: {  	[tilespmem:$0x7140] =	vst v8  }
0x15b: {  	v7 =	vld.idx.msk [tilespmem:v7+s3+$0x0], $0xffff  }
0x15c: {  	v5 =	vadd.s32 $0x300, v5;
	_ =	sdelay $0x3  }
0x15d: {  	[tilespmem:$0x6DC0] =	vst v7;
	v7 =	vld [tilespmem:$0x69D0]  }
0x15e: {  	v5 =	vld.idx.msk [tilespmem:v5+s29+$0x0], $0xffff;
	_ =	sdelay $0x4  }
0x15f: {  	[tilespmem:$0x71C0] =	vst v5;
	v5 =	vadd.s32 v0, v6  }
0x160: {  	[tilespmem:$0x6A40] =	vst v5  }
0x161: {  	v5 =	vld.idx.msk [tilespmem:v7+s9+$0x0], $0xffff;
	_ =	sdelay $0x4  }
0x162: {  	v6 =	vadd.f32 $-2.500000000e-01, v5;
	_ =	sdelay $0x1  }
0x163: {  	vm4 =	vlt.f32 v5, $2.500000000e-01;
	v6 =	vadd.f32 v6, v6  }
0x164: {  	vm5 =	vgt.f32 v5, $5.500000120e-01;
	vm6 =	vgt.f32 v5, $7.500000000e-01;
	vm0 =	vmneg vm4  }
0x165: {  	[tilespmem:$0x72D0] =	vst v5;
	v5 =	vsel vm5, $0x1, v2;
	vm7 =	vmneg vm6;
	v6 =	vnsel vm0, $0x0, v6  }
0x166: {  	[tilespmem:$0x7450] =	vst v5;
	v5 =	vnsel vm7, $0x3F800000, v6  }
0x167: {  	[tilespmem:$0x74D0] =	vst v5  }
0x168: {  	v5 =	vld.idx.msk [tilespmem:v7+s18+$0x0], $0xffff;
	_ =	sdelay $0x4  }
0x169: {  	[tilespmem:$0x73D0] =	vst v5  }
0x16a: {  	v5 =	vld.idx.msk [tilespmem:v7+s19+$0x0], $0xffff  }
0x16b: {  	v6 =	vshll.u32 v7, $0x3  }
0x16c: {  	v30 =	vand.u32 $0x7F, v7;
	v6 =	vand.u32 $0xFFFFFC00, v6  }
0x16d: {  	v6 =	vor.u32 v30, v6;
	_ =	sdelay $0x1  }
0x16e: {  	[tilespmem:$0x7350] =	vst v5  }
0x16f: {  	v5 =	vld.idx.msk [tilespmem:v7+s10+$0x0], $0xffff;
	_ =	sdelay $0x1  }
0x170: {  	v8 =	vld.idx.msk [tilespmem:v6+s3+$0x0], $0xffff;
	_ =	sdelay $0x4  }
0x171: {  	[tilespmem:$0x6AD0] =	vst v8  }
0x172: {  	v8 =	vld.idx.msk [tilespmem:v5+s29+$0x0], $0xffff  }
0x173: {  	v31 =	vor.u32 $0x80, v6;
	_ =	sdelay $0x3  }
0x174: {  	[tilespmem:$0x6ED0] =	vst v8  }
0x175: {  	v8 =	vld.idx.msk [tilespmem:v31+s3+$0x0], $0xffff  }
0x176: {  	v32 =	vadd.s32 $0x80, v5;
	_ =	sdelay $0x3  }
0x177: {  	[tilespmem:$0x6B50] =	vst v8  }
0x178: {  	v8 =	vld.idx.msk [tilespmem:v32+s29+$0x0], $0xffff  }
0x179: {  	v33 =	vor.u32 $0x100, v6;
	_ =	sdelay $0x3  }
0x17a: {  	[tilespmem:$0x6F50] =	vst v8  }
0x17b: {  	v8 =	vld.idx.msk [tilespmem:v33+s3+$0x0], $0xffff  }
0x17c: {  	v34 =	vadd.s32 $0x100, v5;
	_ =	sdelay $0x3  }
0x17d: {  	[tilespmem:$0x6BD0] =	vst v8  }
0x17e: {  	v8 =	vld.idx.msk [tilespmem:v34+s29+$0x0], $0xffff  }
0x17f: {  	v35 =	vor.u32 $0x180, v6;
	_ =	sdelay $0x3  }
0x180: {  	[tilespmem:$0x6FD0] =	vst v8  }
0x181: {  	v8 =	vld.idx.msk [tilespmem:v35+s3+$0x0], $0xffff  }
0x182: {  	v36 =	vadd.s32 $0x180, v5;
	_ =	sdelay $0x3  }
0x183: {  	[tilespmem:$0x6C50] =	vst v8  }
0x184: {  	v8 =	vld.idx.msk [tilespmem:v36+s29+$0x0], $0xffff  }
0x185: {  	v37 =	vor.u32 $0x200, v6;
	_ =	sdelay $0x3  }
0x186: {  	[tilespmem:$0x7050] =	vst v8  }
0x187: {  	v8 =	vld.idx.msk [tilespmem:v37+s3+$0x0], $0xffff  }
0x188: {  	v38 =	vadd.s32 $0x200, v5;
	_ =	sdelay $0x3  }
0x189: {  	[tilespmem:$0x6CD0] =	vst v8  }
0x18a: {  	v8 =	vld.idx.msk [tilespmem:v38+s29+$0x0], $0xffff  }
0x18b: {  	v39 =	vor.u32 $0x280, v6;
	_ =	sdelay $0x3  }
0x18c: {  	[tilespmem:$0x70D0] =	vst v8  }
0x18d: {  	v8 =	vld.idx.msk [tilespmem:v39+s3+$0x0], $0xffff  }
0x18e: {  	v40 =	vadd.s32 $0x280, v5;
	_ =	sdelay $0x3  }
0x18f: {  	[tilespmem:$0x6D50] =	vst v8  }
0x190: {  	v8 =	vld.idx.msk [tilespmem:v40+s29+$0x0], $0xffff  }
0x191: {  	v6 =	vor.u32 $0x300, v6;
	_ =	sdelay $0x3  }
0x192: {  	[tilespmem:$0x7150] =	vst v8  }
0x193: {  	v6 =	vld.idx.msk [tilespmem:v6+s3+$0x0], $0xffff  }
0x194: {  	v5 =	vadd.s32 $0x300, v5;
	_ =	sdelay $0x3  }
0x195: {  	[tilespmem:$0x6DD0] =	vst v6;
	v6 =	vld [tilespmem:$0x69E0]  }
0x196: {  	v5 =	vld.idx.msk [tilespmem:v5+s29+$0x0], $0xffff;
	_ =	sdelay $0x4  }
0x197: {  	[tilespmem:$0x71D0] =	vst v5;
	v5 =	vadd.s32 v0, v7  }
0x198: {  	[tilespmem:$0x6A50] =	vst v5  }
0x199: {  	v5 =	vld.idx.msk [tilespmem:v6+s9+$0x0], $0xffff;
	_ =	sdelay $0x4  }
0x19a: {  	v7 =	vadd.f32 $-2.500000000e-01, v5;
	_ =	sdelay $0x1  }
0x19b: {  	vm8 =	vlt.f32 v5, $2.500000000e-01;
	v7 =	vadd.f32 v7, v7  }
0x19c: {  	vm9 =	vgt.f32 v5, $5.500000120e-01;
	vm10 =	vgt.f32 v5, $7.500000000e-01;
	vm0 =	vmneg vm8  }
0x19d: {  	[tilespmem:$0x72E0] =	vst v5;
	v5 =	vsel vm9, $0x1, v2;
	vm11 =	vmneg vm10;
	v7 =	vnsel vm0, $0x0, v7  }
0x19e: {  	[tilespmem:$0x7460] =	vst v5;
	v5 =	vnsel vm11, $0x3F800000, v7  }
0x19f: {  	[tilespmem:$0x74E0] =	vst v5  }
0x1a0: {  	v5 =	vld.idx.msk [tilespmem:v6+s18+$0x0], $0xffff;
	_ =	sdelay $0x4  }
0x1a1: {  	[tilespmem:$0x73E0] =	vst v5  }
0x1a2: {  	v5 =	vld.idx.msk [tilespmem:v6+s19+$0x0], $0xffff  }
0x1a3: {  	v7 =	vshll.u32 v6, $0x3  }
0x1a4: {  	v41 =	vand.u32 $0x7F, v6;
	v7 =	vand.u32 $0xFFFFFC00, v7  }
0x1a5: {  	v7 =	vor.u32 v41, v7;
	_ =	sdelay $0x1  }
0x1a6: {  	[tilespmem:$0x7360] =	vst v5  }
0x1a7: {  	v5 =	vld.idx.msk [tilespmem:v6+s10+$0x0], $0xffff;
	_ =	sdelay $0x1  }
0x1a8: {  	v8 =	vld.idx.msk [tilespmem:v7+s3+$0x0], $0xffff;
	_ =	sdelay $0x4  }
0x1a9: {  	[tilespmem:$0x6AE0] =	vst v8  }
0x1aa: {  	v8 =	vld.idx.msk [tilespmem:v5+s29+$0x0], $0xffff  }
0x1ab: {  	v42 =	vor.u32 $0x80, v7;
	_ =	sdelay $0x3  }
0x1ac: {  	[tilespmem:$0x6EE0] =	vst v8  }
0x1ad: {  	v8 =	vld.idx.msk [tilespmem:v42+s3+$0x0], $0xffff  }
0x1ae: {  	v43 =	vadd.s32 $0x80, v5;
	_ =	sdelay $0x3  }
0x1af: {  	[tilespmem:$0x6B60] =	vst v8  }
0x1b0: {  	v8 =	vld.idx.msk [tilespmem:v43+s29+$0x0], $0xffff  }
0x1b1: {  	v44 =	vor.u32 $0x100, v7;
	_ =	sdelay $0x3  }
0x1b2: {  	[tilespmem:$0x6F60] =	vst v8  }
0x1b3: {  	v8 =	vld.idx.msk [tilespmem:v44+s3+$0x0], $0xffff  }
0x1b4: {  	v45 =	vadd.s32 $0x100, v5;
	_ =	sdelay $0x3  }
0x1b5: {  	[tilespmem:$0x6BE0] =	vst v8  }
0x1b6: {  	v8 =	vld.idx.msk [tilespmem:v45+s29+$0x0], $0xffff  }
0x1b7: {  	v46 =	vor.u32 $0x180, v7;
	_ =	sdelay $0x3  }
0x1b8: {  	[tilespmem:$0x6FE0] =	vst v8  }
0x1b9: {  	v8 =	vld.idx.msk [tilespmem:v46+s3+$0x0], $0xffff  }
0x1ba: {  	v47 =	vadd.s32 $0x180, v5;
	_ =	sdelay $0x3  }
0x1bb: {  	[tilespmem:$0x6C60] =	vst v8  }
0x1bc: {  	v8 =	vld.idx.msk [tilespmem:v47+s29+$0x0], $0xffff  }
0x1bd: {  	v48 =	vor.u32 $0x200, v7;
	_ =	sdelay $0x3  }
0x1be: {  	[tilespmem:$0x7060] =	vst v8  }
0x1bf: {  	v8 =	vld.idx.msk [tilespmem:v48+s3+$0x0], $0xffff  }
0x1c0: {  	v49 =	vadd.s32 $0x200, v5;
	_ =	sdelay $0x3  }
0x1c1: {  	[tilespmem:$0x6CE0] =	vst v8  }
0x1c2: {  	v8 =	vld.idx.msk [tilespmem:v49+s29+$0x0], $0xffff  }
0x1c3: {  	v50 =	vor.u32 $0x280, v7;
	_ =	sdelay $0x3  }
0x1c4: {  	[tilespmem:$0x70E0] =	vst v8  }
0x1c5: {  	v8 =	vld.idx.msk [tilespmem:v50+s3+$0x0], $0xffff  }
0x1c6: {  	v51 =	vadd.s32 $0x280, v5;
	_ =	sdelay $0x3  }
0x1c7: {  	[tilespmem:$0x6D60] =	vst v8  }
0x1c8: {  	v8 =	vld.idx.msk [tilespmem:v51+s29+$0x0], $0xffff  }
0x1c9: {  	v7 =	vor.u32 $0x300, v7;
	_ =	sdelay $0x3  }
0x1ca: {  	[tilespmem:$0x7160] =	vst v8  }
0x1cb: {  	v7 =	vld.idx.msk [tilespmem:v7+s3+$0x0], $0xffff  }
0x1cc: {  	v5 =	vadd.s32 $0x300, v5;
	_ =	sdelay $0x3  }
0x1cd: {  	[tilespmem:$0x6DE0] =	vst v7;
	v7 =	vld [tilespmem:$0x69F0]  }
0x1ce: {  	v5 =	vld.idx.msk [tilespmem:v5+s29+$0x0], $0xffff;
	_ =	sdelay $0x4  }
0x1cf: {  	[tilespmem:$0x71E0] =	vst v5;
	v5 =	vadd.s32 v0, v6  }
0x1d0: {  	[tilespmem:$0x6A60] =	vst v5  }
0x1d1: {  	v5 =	vld.idx.msk [tilespmem:v7+s9+$0x0], $0xffff;
	_ =	sdelay $0x4  }
0x1d2: {  	v6 =	vadd.f32 $-2.500000000e-01, v5;
	_ =	sdelay $0x1  }
0x1d3: {  	vm12 =	vlt.f32 v5, $2.500000000e-01;
	v6 =	vadd.f32 v6, v6  }
0x1d4: {  	vm13 =	vgt.f32 v5, $5.500000120e-01;
	vm14 =	vgt.f32 v5, $7.500000000e-01;
	vm0 =	vmneg vm12  }
0x1d5: {  	[tilespmem:$0x72F0] =	vst v5;
	v52 =	vsel vm13, $0x1, v2;
	vm15 =	vmneg vm14;
	v5 =	vnsel vm0, $0x0, v6  }
0x1d6: {  	[tilespmem:$0x7470] =	vst v52;
	v5 =	vnsel vm15, $0x3F800000, v5  }
0x1d7: {  	[tilespmem:$0x74F0] =	vst v5  }
0x1d8: {  	v5 =	vld.idx.msk [tilespmem:v7+s18+$0x0], $0xffff;
	_ =	sdelay $0x4  }
0x1d9: {  	[tilespmem:$0x73F0] =	vst v5  }
0x1da: {  	v5 =	vld.idx.msk [tilespmem:v7+s19+$0x0], $0xffff  }
0x1db: {  	v6 =	vshll.u32 v7, $0x3  }
0x1dc: {  	v53 =	vand.u32 $0x7F, v7;
	v6 =	vand.u32 $0xFFFFFC00, v6  }
0x1dd: {  	v6 =	vor.u32 v53, v6;
	_ =	sdelay $0x1  }
0x1de: {  	[tilespmem:$0x7370] =	vst v5  }
0x1df: {  	v5 =	vld.idx.msk [tilespmem:v7+s10+$0x0], $0xffff;
	_ =	sdelay $0x1  }
0x1e0: {  	v8 =	vld.idx.msk [tilespmem:v6+s3+$0x0], $0xffff;
	_ =	sdelay $0x4  }
0x1e1: {  	[tilespmem:$0x6AF0] =	vst v8  }
0x1e2: {  	v8 =	vld.idx.msk [tilespmem:v5+s29+$0x0], $0xffff  }
0x1e3: {  	v54 =	vor.u32 $0x80, v6;
	_ =	sdelay $0x3  }
0x1e4: {  	[tilespmem:$0x6EF0] =	vst v8  }
0x1e5: {  	v8 =	vld.idx.msk [tilespmem:v54+s3+$0x0], $0xffff  }
0x1e6: {  	v55 =	vadd.s32 $0x80, v5;
	_ =	sdelay $0x3  }
0x1e7: {  	[tilespmem:$0x6B70] =	vst v8  }
0x1e8: {  	v8 =	vld.idx.msk [tilespmem:v55+s29+$0x0], $0xffff  }
0x1e9: {  	v56 =	vor.u32 $0x100, v6;
	_ =	sdelay $0x3  }
0x1ea: {  	[tilespmem:$0x6F70] =	vst v8  }
0x1eb: {  	v8 =	vld.idx.msk [tilespmem:v56+s3+$0x0], $0xffff  }
0x1ec: {  	v57 =	vadd.s32 $0x100, v5;
	_ =	sdelay $0x3  }
0x1ed: {  	[tilespmem:$0x6BF0] =	vst v8  }
0x1ee: {  	v8 =	vld.idx.msk [tilespmem:v57+s29+$0x0], $0xffff  }
0x1ef: {  	v58 =	vor.u32 $0x180, v6;
	_ =	sdelay $0x3  }
0x1f0: {  	[tilespmem:$0x6FF0] =	vst v8  }
0x1f1: {  	v8 =	vld.idx.msk [tilespmem:v58+s3+$0x0], $0xffff  }
0x1f2: {  	v59 =	vadd.s32 $0x180, v5;
	_ =	sdelay $0x3  }
0x1f3: {  	[tilespmem:$0x6C70] =	vst v8  }
0x1f4: {  	v8 =	vld.idx.msk [tilespmem:v59+s29+$0x0], $0xffff  }
0x1f5: {  	v60 =	vor.u32 $0x200, v6;
	_ =	sdelay $0x3  }
0x1f6: {  	[tilespmem:$0x7070] =	vst v8  }
0x1f7: {  	v8 =	vld.idx.msk [tilespmem:v60+s3+$0x0], $0xffff  }
0x1f8: {  	v61 =	vadd.s32 $0x200, v5;
	_ =	sdelay $0x3  }
0x1f9: {  	[tilespmem:$0x6CF0] =	vst v8  }
0x1fa: {  	v8 =	vld.idx.msk [tilespmem:v61+s29+$0x0], $0xffff  }
0x1fb: {  	v62 =	vor.u32 $0x280, v6;
	_ =	sdelay $0x3  }
0x1fc: {  	[tilespmem:$0x70F0] =	vst v8  }
0x1fd: {  	v8 =	vld.idx.msk [tilespmem:v62+s3+$0x0], $0xffff  }
0x1fe: {  	v63 =	vadd.s32 $0x280, v5;
	_ =	sdelay $0x3  }
0x1ff: {  	[tilespmem:$0x6D70] =	vst v8  }
0x200: {  	v8 =	vld.idx.msk [tilespmem:v63+s29+$0x0], $0xffff  }
0x201: {  	v6 =	vor.u32 $0x300, v6;
	_ =	sdelay $0x3  }
0x202: {  	[tilespmem:$0x7170] =	vst v8  }
0x203: {  	v6 =	vld.idx.msk [tilespmem:v6+s3+$0x0], $0xffff  }
0x204: {  	v5 =	vadd.s32 $0x300, v5;
	_ =	sdelay $0x3  }
0x205: {  	[tilespmem:$0x6DF0] =	vst v6  }
0x206: {  	v5 =	vld.idx.msk [tilespmem:v5+s29+$0x0], $0xffff;
	_ =	sdelay $0x4  }
0x207: {  	s1 =	rddreg [dreg:$0x5];
	[tilespmem:$0x71F0] =	vst v5;
	v5 =	vadd.s32 v0, v7  }
0x208: {  	s4 =	simm.s32 $0x80;
	s12 =	simm.s32 $0x6A00;
	s14 =	simm.s32 $0x7500;
	[tilespmem:$0x6A70] =	vst v5  }
0x209: {  	[tilespmem:s14], [sflag:$0x1] =	stream.indirect.gather [hbm4b:s1+s4], $0x80, s12, s4, $0xb8;
	[tilespmem:$0xB500] =	vst v63  }
0x20a: {  	_ =	swait.ge [sflag:s0], $0x4000  }
0x20b: {  	[sflag:s0] =	ssyncset.done $0x0  }
0x20c: {  	s28 =	simm.s32 $0x6A80;
	s26 =	rddreg [dreg:$0x14];
	[sflag:s0] =	ssyncadd.s32 $0xFFFFC000  }
0x20d: {  	[hbm4b:s26+s4] =	stream.strided.scatter [tilespmem:s28], [sflag:$0x1], $0x380, s17, s4, $0x38;
	[tilespmem:$0xB500] =	vst v63  }
0x20e: {  	s31 =	simm.s32 $0x6E80;
	s30 =	rddreg [dreg:$0x15]  }
0x20f: {  	[hbm4b:s30+s4] =	stream.strided.scatter [tilespmem:s31], [sflag:$0x1], $0x380, s17, s4, $0x38;
	[tilespmem:$0xB500] =	vst v63  }
0x210: {  	s16 =	simm.s32 $0x7280;
	s15 =	rddreg [dreg:$0x16]  }
0x211: {  	[hbm4b:s15+s3] =	stream.linear.scatter [tilespmem:s16], [sflag:$0x1], $0x80, $0x38;
	[tilespmem:$0xB500] =	vst v63  }
0x212: {  	s21 =	simm.s32 $0x7300;
	s20 =	rddreg [dreg:$0x17]  }
0x213: {  	[hbm4b:s20+s3] =	stream.linear.scatter [tilespmem:s21], [sflag:$0x1], $0x80, $0x38;
	[tilespmem:$0xB500] =	vst v63  }
0x214: {  	s23 =	simm.s32 $0x7380;
	s22 =	rddreg [dreg:$0x18]  }
0x215: {  	[hbm4b:s22+s3] =	stream.linear.scatter [tilespmem:s23], [sflag:$0x1], $0x80, $0x38;
	[tilespmem:$0xB500] =	vst v63  }
0x216: {  	s24 =	rddreg [dreg:$0x19]  }
0x217: {  	[hbm4b:s24+s3] =	stream.linear.scatter [tilespmem:s14], [sflag:$0x1], $0x4000, $0x38;
	[tilespmem:$0xB500] =	vst v63  }
0x218: {  	s25 =	rddreg [dreg:$0x1a];
	s26 =	simm.s32 $0x7400  }
0x219: {  	[hbm4b:s25+s3] =	stream.linear.scatter [tilespmem:s26], [sflag:$0x1], $0x80, $0x38;
	[tilespmem:$0xB500] =	vst v63  }
0x21a: {  	s28 =	rddreg [dreg:$0x1b];
	s30 =	simm.s32 $0x7480  }
0x21b: {  	[hbm4b:s28+s3] =	stream.linear.scatter [tilespmem:s30], [sflag:$0x1], $0x80, $0x38;
	[tilespmem:$0xB500] =	vst v63  }
0x21c: {  	_ =	swait.ge [sflag:s0], $0x380  }
0x21d: {  	[sflag:s0] =	ssyncset.done $0x0  }
0x21e: {  	[sflag:s0] =	ssyncadd.s32 $0xFFFFFC80  }
0x21f: {  	_ =	swait.ge [sflag:s0], $0x380  }
0x220: {  	[sflag:s0] =	ssyncset.done $0x0  }
0x221: {  	[sflag:s0] =	ssyncadd.s32 $0xFFFFFC80  }
0x222: {  	_ =	swait.ge [sflag:s0], $0x80  }
0x223: {  	[sflag:s0] =	ssyncset.done $0x0  }
0x224: {  	[sflag:s0] =	ssyncadd.s32 $0xFFFFFF80  }
0x225: {  	_ =	swait.ge [sflag:s0], $0x80  }
0x226: {  	[sflag:s0] =	ssyncset.done $0x0  }
0x227: {  	[sflag:s0] =	ssyncadd.s32 $0xFFFFFF80  }
0x228: {  	_ =	swait.ge [sflag:s0], $0x80  }
0x229: {  	[sflag:s0] =	ssyncset.done $0x0  }
0x22a: {  	[sflag:s0] =	ssyncadd.s32 $0xFFFFFF80  }
0x22b: {  	_ =	swait.ge [sflag:s0], $0x4000  }
0x22c: {  	[sflag:s0] =	ssyncset.done $0x0  }
0x22d: {  	[sflag:s0] =	ssyncadd.s32 $0xFFFFC000  }
0x22e: {  	_ =	swait.ge [sflag:s0], $0x80  }
0x22f: {  	[sflag:s0] =	ssyncset.done $0x0  }
0x230: {  	[sflag:s0] =	ssyncadd.s32 $0xFFFFFF80  }
0x231: {  	_ =	swait.ge [sflag:s0], $0x80  }
0x232: {  	s13 =	sadd.s32 $0x1, s13;
	s31 =	rddreg [dreg:$0x1c]  }
0x233: {  	p0 =	sne.s32 s13, s31  }
.Ltmp1:
0x234: {  	_ = 	snop;
	(pc) =	sbr.rel @!p0 .LBB3_40-.Ltmp1, $3  }
0x235: {  	_ =	sdelay $0x1  }
0x236: {  	[sflag:s0] =	ssyncset.done $0x0  }
0x237: {  	[sflag:s0] =	ssyncadd.s32 $0xFFFFFF80  }
.LBB3_1:
0x238: {  	s1 =	rddreg [dreg:$0xf]  }
0x239: {  	s12 =	simm.s32 $0x8000;
	s26 =	rddreg [dreg:$0x1d]  }
0x23a: {  	[tilespmem:s3], [sflag:$0x1] =	stream.strided.gather [hbm4b:s1+s4], $0x380, s12, s4, $0x38;
	[tilespmem:$0xB500] =	vst v63  }
0x23b: {  	s14 =	simm.s32 $0x400;
	s28 =	rddreg [dreg:$0x1e]  }
0x23c: {  	[tilespmem:s14], [sflag:$0x1] =	stream.strided.gather [hbm4b:s26+s4], $0x380, s12, s4, $0x38;
	[tilespmem:$0xB500] =	vst v63  }
0x23d: {  	s15 =	simm.s32 $0x800;
	s30 =	rddreg [dreg:$0x1f]  }
0x23e: {  	[tilespmem:s15], [sflag:$0x1] =	stream.strided.gather [hbm4b:s28+s4], $0x380, s12, s4, $0x38;
	[tilespmem:$0xB500] =	vst v63  }
0x23f: {  	s31 =	simm.s32 $0xC00;
	s16 =	sld [smem:$0x7FA]  }
0x240: {  	[tilespmem:s31], [sflag:$0x1] =	stream.strided.gather [hbm4b:s30+s4], $0x380, s12, s4, $0x38;
	[tilespmem:$0xB500] =	vst v63  }
0x241: {  	_ = 	snop  }
0x242: {  	[tilespmem:s17], [sflag:$0x1] =	stream.strided.gather [hbm4b:s16+s4], $0x380, s12, s4, $0x38;
	[tilespmem:$0xB500] =	vst v63  }
0x243: {  	s17 =	sld [smem:$0x7FB];
	_ =	sdelay $0x1  }
0x244: {  	s20 =	simm.s32 $0x1400;
	s21 =	sld [smem:$0x7FC]  }
0x245: {  	[tilespmem:s20], [sflag:$0x1] =	stream.strided.gather [hbm4b:s17+s4], $0x380, s12, s4, $0x38;
	[tilespmem:$0xB500] =	vst v63  }
0x246: {  	s22 =	simm.s32 $0x1800;
	s23 =	sld [smem:$0x7FD]  }
0x247: {  	[tilespmem:s22], [sflag:$0x1] =	stream.strided.gather [hbm4b:s21+s4], $0x380, s12, s4, $0x38;
	[tilespmem:$0xB500] =	vst v63  }
0x248: {  	s24 =	simm.s32 $0x1C00  }
0x249: {  	[tilespmem:s24], [sflag:$0x1] =	stream.strided.gather [hbm4b:s23+s4], $0x380, s12, s4, $0x38;
	[tilespmem:$0xB500] =	vst v63  }
0x24a: {  	s25 =	rddreg [dreg:$0x10]  }
0x24b: {  	[tilespmem:s29], [sflag:$0x1] =	stream.linear.gather [hbm4b:s25+s3], $0x400, $0x38;
	[tilespmem:$0xB500] =	vst v63  }
0x24c: {  	s26 =	rddreg [dreg:$0x11]  }
0x24d: {  	[tilespmem:s18], [sflag:$0x1] =	stream.strided.gather [hbm4b:s26+s4], $0x400, s14, s4, $0x38;
	[tilespmem:$0xB500] =	vst v63  }
0x24e: {  	s28 =	rddreg [dreg:$0x12]  }
0x24f: {  	[tilespmem:s19], [sflag:$0x1] =	stream.strided.gather [hbm4b:s28+s4], $0x400, s14, s4, $0x38;
	[tilespmem:$0xB500] =	vst v63  }
0x250: {  	s30 =	rddreg [dreg:$0x13];
	s31 =	simm.s32 $0x2C00  }
0x251: {  	[tilespmem:s31], [sflag:$0x1] =	stream.strided.gather [hbm4b:s30+s4], $0x600, s14, s4, $0x38;
	[tilespmem:$0xB500] =	vst v63  }
0x252: {  	_ =	swait.ge [sflag:s0], $0x1C00  }
0x253: {  	[sflag:s0] =	ssyncset.done $0x0  }
0x254: {  	[sflag:s0] =	ssyncadd.s32 $0xFFFFE400  }
0x255: {  	_ =	swait.ge [sflag:s0], $0x400  }
0x256: {  	[sflag:s0] =	ssyncset.done $0x0  }
0x257: {  	[sflag:s0] =	ssyncadd.s32 $0xFFFFFC00  }
0x258: {  	_ =	swait.ge [sflag:s0], $0x400  }
0x259: {  	[sflag:s0] =	ssyncset.done $0x0  }
0x25a: {  	[sflag:s0] =	ssyncadd.s32 $0xFFFFFC00  }
0x25b: {  	_ =	swait.ge [sflag:s0], $0x400  }
0x25c: {  	[sflag:s0] =	ssyncset.done $0x0  }
0x25d: {  	[sflag:s0] =	ssyncadd.s32 $0xFFFFFC00  }
0x25e: {  	_ =	swait.ge [sflag:s0], $0x600  }
0x25f: {  	[sflag:s0] =	ssyncset.done $0x0  }
0x260: {  	[sflag:s0] =	ssyncadd.s32 $0xFFFFFA00  }
0x261: {  	v5 =	vld [tilespmem:$0x2380]  }
0x262: {  	v6 =	vld [tilespmem:$0x2390]  }
0x263: {  	v7 =	vld [tilespmem:$0x23A0];
	_ =	sdelay $0x1  }
0x264: {  	v8 =	vld [tilespmem:$0x23B0]  }
0x265: {  	v5 =	vtrunc.f32 v5  }
0x266: {  	v6 =	vtrunc.f32 v6;
	v5 =	vcvt.f32.s32 v5  }
0x267: {  	v11 =	vcvt.f32.s32 v6;
	v6 =	vtrunc.f32 v7  }
0x268: {  	v12 =	vcvt.f32.s32 v6  }
0x269: {  	v6 =	vtrunc.f32 v8;
	vm5 =	veq.s32 v5, $0x1;
	vm6 =	veq.s32 v11, $0x1  }
0x26a: {  	vm8 =	veq.s32 v5, $0x2;
	v20 =	vcvt.f32.s32 v6;
	vm2 =	veq.s32 v5, $0x3  }
0x26b: {  	vm7 =	veq.s32 v11, $0x2;
	v17 =	vmpcnt.ones.xlane vm5;
	v7 =	vmpcnt.ones.xlane vm6  }
0x26c: {  	v18 =	vmpcnt.ones.xlane vm8;
	v5 =	vsel vm5, $0x1, v2;
	v6 =	vmpcnt.ones.xlane vm7  }
0x26d: {  	vm3 =	veq.s32 v12, $0x1;
	vm4 =	veq.s32 v12, $0x2;
	(xrf0) =	vadd.scan.msk.s32 $0xffff, v5;
	v5 =	vsel vm8, $0x1, v2  }
0x26e: {  	v8 =	vmpcnt.ones.xlane vm4;
	vm1 =	veq.s32 v20, $0x1;
	(xrf0) =	vadd.scan.msk.s32 $0xffff, v5;
	v5 =	vsel vm2, $0x1, v2  }
0x26f: {  	vm0 =	veq.s32 v20, $0x2;
	v13 =	vadd.s32 v17, v7;
	v7 =	vmpcnt.ones.xlane vm3;
	(xrf0) =	vadd.scan.msk.s32 $0xffff, v5  }
0x270: {  	v14 =	vadd.s32 v18, v6;
	v6 =	vmpcnt.ones.xlane vm0;
	v5 =	vmpcnt.ones.xlane vm1  }
0x271: {  	v10 =	vadd.s32 v14, v8;
	v9 =	vadd.s32 v13, v7  }
0x272: {  	v6 =	vadd.s32 v10, v6;
	v5 =	vadd.s32 v9, v5  }
0x273: {  	v8 =	vadd.s32 $0x3, v6;
	v7 =	vadd.s32 $0x3, v5;
	v15, _, _ =	vpop (xrf0)  }
0x274: {  	v8 =	vand.u32 $0xFFFFFFFC, v8;
	v7 =	vand.u32 $0xFFFFFFFC, v7;
	v16, _, _ =	vpop (xrf0)  }
0x275: {  	v8 =	vadd.s32 v7, v8;
	v15 =	vadd.s32 $0xFFFFFFFF, v15;
	v16 =	vadd.s32 v16, v7;
	v19, _, _ =	vpop (xrf0)  }
0x276: {  	v15 =	vnsel vm5, $0x0, v15;
	v16 =	vadd.s32 $0xFFFFFFFF, v16;
	v19 =	vadd.s32 v19, v8  }
0x277: {  	v15 =	vsel vm8, v16, v15;
	v16 =	vadd.s32 $0xFFFFFFFF, v19  }
0x278: {  	v19 =	vsel vm2, v16, v15;
	_ =	sdelay $0x4  }
0x279: {  	[tilespmem:v19+s2+$0x0] =	vst.idx.msk $0xffff, v1  }
0x27a: {  	v24 =	vld [tilespmem:$0x2180]  }
0x27b: {  	v25 =	vld [tilespmem:$0x2200]  }
0x27c: {  	v23 =	vld [tilespmem:$0x2000];
	_ =	sdelay $0x1  }
0x27d: {  	vm5 =	veq.s32 v12, $0x3;
	v26 =	vld [tilespmem:$0x2280]  }
0x27e: {  	v15 =	vmpcnt.ones.xlane vm2;
	v30 =	vshll.u32 v19, $0x4;
	v27 =	vld [tilespmem:$0x2080];
	v12 =	vmul.f32 $5.000000000e-01, v24  }
0x27f: {  	vm2 =	veq.s32 v20, $0x3;
	v19 =	vor.u32 s3, v30;
	v29 =	vmul.f32 $5.000000000e-01, v25  }
0x280: {  	v28 =	vld [tilespmem:$0x2100];
	v32 =	vsub.f32 v23, v12;
	v20 =	vadd.f32 v12, v23;
	v12 =	vand.u32 $0xFFFFFF80, v30  }
0x281: {  	v33 =	vadd.s32 $0x500, v12;
	v34 =	vadd.s32 $0xA00, v12;
	v12 =	vand.u32 $0x7F, v19  }
0x282: {  	v35 =	vmul.f32 $5.000000000e-01, v26;
	v25 =	vmul.f32 v25, v24;
	v31 =	vor.u32 v33, v12  }
0x283: {  	v22 =	vsub.f32 v27, v29;
	v23 =	vadd.f32 v29, v27;
	v29 =	vor.u32 v34, v12  }
0x284: {  	vm8 =	veq.s32 v11, $0x3;
	v11 =	vmpcnt.ones.xlane vm5  }
0x285: {  	v16 =	vmpcnt.ones.xlane vm8;
	v21 =	vsub.f32 v28, v35;
	v25 =	vmul.f32 v26, v25;
	v26 =	vmovc v31  }
0x286: {  	s1 =	simm.s32 $0x1;
	v24 =	vadd.f32 v35, v28;
	v28 =	vmovc v19;
	v12 =	vmpcnt.ones.xlane vm2;
	[tilespmem:v19+s5+$0x0] =	vst.idx.msk $0xffff, v32;
	v27 =	vmov v29  }
.LBB3_2:
0x287: {  	v35 =	vor.u32 s1, v30;
	p0 =	sne.s32 s1, $0xF;
	s1 =	sadd.s32 $0x1, s1;
	[tilespmem:v31+s5+$0x0] =	vst.idx.msk $0xffff, v22  }
0x288: {  	v36 =	vand.u32 $0x7F, v35;
	[tilespmem:v29+s5+$0x0] =	vst.idx.msk $0xffff, v21  }
.Ltmp2:
0x289: {  	v31 =	vor.u32 v33, v36;
	[tilespmem:v19+s6+$0x0] =	vst.idx.msk $0xffff, v20;
	v19 =	vmov v35;
	(pc) =	sbr.rel @p0 .LBB3_2-.Ltmp2, $4  }
0x28a: {  	v29 =	vor.u32 v34, v36;
	[tilespmem:v26+s6+$0x0] =	vst.idx.msk $0xffff, v23;
	v26 =	vmov v31  }
0x28b: {  	[tilespmem:v27+s6+$0x0] =	vst.idx.msk $0xffff, v24;
	v27 =	vmov v29  }
0x28c: {  	[tilespmem:v28+s7+$0x0] =	vst.idx.msk $0xffff, v25;
	v28 =	vmov v35  }
0x28d: {  	[tilespmem:v35+s5+$0x0] =	vst.idx.msk $0xffff, v32  }
0x28e: {  	v30 =	vsel vm6, $0x1, v2  }
0x28f: {  	(xrf0) =	vadd.scan.msk.s32 $0xffff, v30;
	v30 =	vsel vm7, $0x1, v2  }
0x290: {  	(xrf0) =	vadd.scan.msk.s32 $0xffff, v30;
	v30 =	vsel vm8, $0x1, v2  }
0x291: {  	(xrf0) =	vadd.scan.msk.s32 $0xffff, v30;
	_ =	sdelay $0x3  }
0x292: {  	v30, _, _ =	vpop (xrf0)  }
0x293: {  	v32, _, _ =	vpop (xrf0)  }
0x294: {  	v17 =	vadd.s32 v30, v17;
	v18 =	vadd.s32 v32, v18;
	v30, _, _ =	vpop (xrf0)  }
0x295: {  	v17 =	vadd.s32 $0xFFFFFFFF, v17;
	v18 =	vadd.s32 v7, v18;
	v30 =	vadd.s32 v30, v15  }
0x296: {  	v17 =	vnsel vm6, $0x0, v17;
	v18 =	vadd.s32 $0xFFFFFFFF, v18;
	v30 =	vadd.s32 v8, v30  }
0x297: {  	[tilespmem:v31+s5+$0x0] =	vst.idx.msk $0xffff, v22;
	v17 =	vsel vm7, v18, v17;
	v18 =	vadd.s32 $0xFFFFFFFF, v30  }
0x298: {  	[tilespmem:v29+s5+$0x0] =	vst.idx.msk $0xffff, v21;
	v17 =	vsel vm8, v18, v17  }
0x299: {  	[tilespmem:v19+s6+$0x0] =	vst.idx.msk $0xffff, v20  }
0x29a: {  	[tilespmem:v26+s6+$0x0] =	vst.idx.msk $0xffff, v23  }
0x29b: {  	[tilespmem:v27+s6+$0x0] =	vst.idx.msk $0xffff, v24  }
0x29c: {  	[tilespmem:v28+s7+$0x0] =	vst.idx.msk $0xffff, v25  }
0x29d: {  	[tilespmem:v17+s2+$0x0] =	vst.idx.msk $0xffff, v3  }
0x29e: {  	v21 =	vld [tilespmem:$0x2190];
	_ =	sdelay $0x1  }
0x29f: {  	v18 =	vld [tilespmem:$0x2010]  }
0x2a0: {  	v22 =	vld [tilespmem:$0x2210];
	_ =	sdelay $0x1  }
0x2a1: {  	v23 =	vld [tilespmem:$0x2290];
	v26 =	vmul.f32 $5.000000000e-01, v21  }
0x2a2: {  	s1 =	simm.s32 $0x0;
	v29 =	vshll.u32 v17, $0x4;
	v24 =	vld [tilespmem:$0x2090]  }
0x2a3: {  	v17 =	vor.u32 s1, v29;
	v30 =	vsub.f32 v18, v26  }
0x2a4: {  	v25 =	vld [tilespmem:$0x2110];
	v18 =	vadd.f32 v26, v18;
	v26 =	vmul.f32 v22, v21;
	v21 =	vand.u32 $0xFFFFFF80, v29  }
0x2a5: {  	v27 =	vmul.f32 $5.000000000e-01, v22;
	v22 =	vand.u32 $0x7F, v17;
	v31 =	vadd.s32 $0x500, v21  }
0x2a6: {  	v33 =	vmul.f32 $5.000000000e-01, v23;
	v32 =	vadd.s32 $0xA00, v21;
	v28 =	vor.u32 v31, v22  }
0x2a7: {  	v20 =	vsub.f32 v24, v27;
	v21 =	vadd.f32 v27, v24;
	v27 =	vor.u32 v32, v22;
	_ =	sdelay $0x1  }
0x2a8: {  	v19 =	vsub.f32 v25, v33;
	v22 =	vadd.f32 v33, v25;
	v24 =	vmov v28  }
0x2a9: {  	s1 =	simm.s32 $0x1;
	v23 =	vmul.f32 v23, v26;
	[tilespmem:v17+s5+$0x0] =	vst.idx.msk $0xffff, v30;
	v25 =	vmov v27;
	v26 =	vmov v17  }
.LBB3_4:
0x2aa: {  	v33 =	vor.u32 s1, v29;
	p0 =	sne.s32 s1, $0xF;
	s1 =	sadd.s32 $0x1, s1;
	[tilespmem:v28+s5+$0x0] =	vst.idx.msk $0xffff, v20  }
0x2ab: {  	v34 =	vand.u32 $0x7F, v33;
	[tilespmem:v27+s5+$0x0] =	vst.idx.msk $0xffff, v19  }
.Ltmp3:
0x2ac: {  	v28 =	vor.u32 v31, v34;
	[tilespmem:v17+s6+$0x0] =	vst.idx.msk $0xffff, v18;
	v17 =	vmov v33;
	(pc) =	sbr.rel @p0 .LBB3_4-.Ltmp3, $4  }
0x2ad: {  	v27 =	vor.u32 v32, v34;
	[tilespmem:v24+s6+$0x0] =	vst.idx.msk $0xffff, v21;
	v24 =	vmov v28  }
0x2ae: {  	[tilespmem:v25+s6+$0x0] =	vst.idx.msk $0xffff, v22;
	v25 =	vmov v27  }
0x2af: {  	[tilespmem:v26+s7+$0x0] =	vst.idx.msk $0xffff, v23;
	v26 =	vmov v33  }
0x2b0: {  	[tilespmem:v33+s5+$0x0] =	vst.idx.msk $0xffff, v30  }
0x2b1: {  	v29 =	vsel vm3, $0x1, v2  }
0x2b2: {  	(xrf0) =	vadd.scan.msk.s32 $0xffff, v29;
	v29 =	vsel vm4, $0x1, v2  }
0x2b3: {  	(xrf0) =	vadd.scan.msk.s32 $0xffff, v29;
	v29 =	vsel vm5, $0x1, v2  }
0x2b4: {  	(xrf0) =	vadd.scan.msk.s32 $0xffff, v29;
	_ =	sdelay $0x3  }
0x2b5: {  	v29, _, _ =	vpop (xrf0)  }
0x2b6: {  	v30, _, _ =	vpop (xrf0)  }
0x2b7: {  	v15 =	vadd.s32 v15, v16;
	v13 =	vadd.s32 v13, v29;
	v14 =	vadd.s32 v14, v30;
	v16, _, _ =	vpop (xrf0)  }
0x2b8: {  	v13 =	vadd.s32 $0xFFFFFFFF, v13;
	v14 =	vadd.s32 v7, v14;
	v16 =	vadd.s32 v15, v16  }
0x2b9: {  	v13 =	vnsel vm3, $0x0, v13;
	v14 =	vadd.s32 $0xFFFFFFFF, v14;
	v16 =	vadd.s32 v8, v16  }
0x2ba: {  	[tilespmem:v28+s5+$0x0] =	vst.idx.msk $0xffff, v20;
	v13 =	vsel vm4, v14, v13;
	v14 =	vadd.s32 $0xFFFFFFFF, v16  }
0x2bb: {  	[tilespmem:v27+s5+$0x0] =	vst.idx.msk $0xffff, v19;
	v13 =	vsel vm5, v14, v13  }
0x2bc: {  	[tilespmem:v17+s6+$0x0] =	vst.idx.msk $0xffff, v18  }
0x2bd: {  	[tilespmem:v24+s6+$0x0] =	vst.idx.msk $0xffff, v21  }
0x2be: {  	[tilespmem:v25+s6+$0x0] =	vst.idx.msk $0xffff, v22  }
0x2bf: {  	[tilespmem:v26+s7+$0x0] =	vst.idx.msk $0xffff, v23  }
0x2c0: {  	[tilespmem:v13+s2+$0x0] =	vst.idx.msk $0xffff, v4  }
0x2c1: {  	v19 =	vld [tilespmem:$0x21A0];
	_ =	sdelay $0x1  }
0x2c2: {  	v16 =	vld [tilespmem:$0x2020]  }
0x2c3: {  	v20 =	vld [tilespmem:$0x2220];
	_ =	sdelay $0x1  }
0x2c4: {  	v21 =	vld [tilespmem:$0x22A0];
	v24 =	vmul.f32 $5.000000000e-01, v19  }
0x2c5: {  	s1 =	simm.s32 $0x0;
	v13 =	vshll.u32 v13, $0x4;
	v22 =	vld [tilespmem:$0x20A0]  }
0x2c6: {  	v14 =	vor.u32 s1, v13;
	v27 =	vsub.f32 v16, v24  }
0x2c7: {  	v23 =	vld [tilespmem:$0x2120];
	v16 =	vadd.f32 v24, v16;
	v24 =	vmul.f32 v20, v19;
	v19 =	vand.u32 $0xFFFFFF80, v13  }
0x2c8: {  	v25 =	vmul.f32 $5.000000000e-01, v20;
	v20 =	vand.u32 $0x7F, v14;
	v28 =	vadd.s32 $0x500, v19  }
0x2c9: {  	v30 =	vmul.f32 $5.000000000e-01, v21;
	v29 =	vadd.s32 $0xA00, v19;
	v26 =	vor.u32 v28, v20  }
0x2ca: {  	v18 =	vsub.f32 v22, v25;
	v19 =	vadd.f32 v25, v22;
	v25 =	vor.u32 v29, v20;
	_ =	sdelay $0x1  }
0x2cb: {  	v17 =	vsub.f32 v23, v30;
	v20 =	vadd.f32 v30, v23;
	v22 =	vmov v26  }
0x2cc: {  	s1 =	simm.s32 $0x1;
	v21 =	vmul.f32 v21, v24;
	[tilespmem:v14+s5+$0x0] =	vst.idx.msk $0xffff, v27;
	v23 =	vmov v25;
	v24 =	vmov v14  }
.LBB3_6:
0x2cd: {  	v30 =	vor.u32 s1, v13;
	p0 =	sne.s32 s1, $0xF;
	s1 =	sadd.s32 $0x1, s1;
	[tilespmem:v26+s5+$0x0] =	vst.idx.msk $0xffff, v18  }
0x2ce: {  	v31 =	vand.u32 $0x7F, v30;
	[tilespmem:v25+s5+$0x0] =	vst.idx.msk $0xffff, v17  }
.Ltmp4:
0x2cf: {  	v26 =	vor.u32 v28, v31;
	[tilespmem:v14+s6+$0x0] =	vst.idx.msk $0xffff, v16;
	v14 =	vmov v30;
	(pc) =	sbr.rel @p0 .LBB3_6-.Ltmp4, $4  }
0x2d0: {  	v25 =	vor.u32 v29, v31;
	[tilespmem:v22+s6+$0x0] =	vst.idx.msk $0xffff, v19;
	v22 =	vmov v26  }
0x2d1: {  	[tilespmem:v23+s6+$0x0] =	vst.idx.msk $0xffff, v20;
	v23 =	vmov v25  }
0x2d2: {  	[tilespmem:v24+s7+$0x0] =	vst.idx.msk $0xffff, v21;
	v24 =	vmov v30  }
0x2d3: {  	[tilespmem:v30+s5+$0x0] =	vst.idx.msk $0xffff, v27  }
0x2d4: {  	v13 =	vsel vm1, $0x1, v2  }
0x2d5: {  	(xrf0) =	vadd.scan.msk.s32 $0xffff, v13;
	v13 =	vsel vm0, $0x1, v2  }
0x2d6: {  	(xrf0) =	vadd.scan.msk.s32 $0xffff, v13;
	v13 =	vsel vm2, $0x1, v2  }
0x2d7: {  	(xrf0) =	vadd.scan.msk.s32 $0xffff, v13;
	_ =	sdelay $0x3  }
0x2d8: {  	v27, _, _ =	vpop (xrf0)  }
0x2d9: {  	v28, _, _ =	vpop (xrf0)  }
0x2da: {  	v13 =	vadd.s32 v15, v11;
	v9 =	vadd.s32 v9, v27;
	v10 =	vadd.s32 v10, v28;
	v11, _, _ =	vpop (xrf0)  }
0x2db: {  	v9 =	vadd.s32 $0xFFFFFFFF, v9;
	v10 =	vadd.s32 v7, v10;
	v11 =	vadd.s32 v13, v11  }
0x2dc: {  	v9 =	vnsel vm1, $0x0, v9;
	v10 =	vadd.s32 $0xFFFFFFFF, v10;
	v11 =	vadd.s32 v8, v11  }
0x2dd: {  	[tilespmem:v26+s5+$0x0] =	vst.idx.msk $0xffff, v18;
	v9 =	vsel vm0, v10, v9;
	v10 =	vadd.s32 $0xFFFFFFFF, v11  }
0x2de: {  	[tilespmem:v25+s5+$0x0] =	vst.idx.msk $0xffff, v17;
	v9 =	vsel vm2, v10, v9  }
0x2df: {  	[tilespmem:v14+s6+$0x0] =	vst.idx.msk $0xffff, v16  }
0x2e0: {  	[tilespmem:v22+s6+$0x0] =	vst.idx.msk $0xffff, v19  }
0x2e1: {  	[tilespmem:v23+s6+$0x0] =	vst.idx.msk $0xffff, v20  }
0x2e2: {  	[tilespmem:v24+s7+$0x0] =	vst.idx.msk $0xffff, v21;
	v10 =	vor.u32 $0x30, v1  }
0x2e3: {  	[tilespmem:v9+s2+$0x0] =	vst.idx.msk $0xffff, v10  }
0x2e4: {  	v16 =	vld [tilespmem:$0x2030]  }
0x2e5: {  	v17 =	vld [tilespmem:$0x21B0]  }
0x2e6: {  	v18 =	vld [tilespmem:$0x2230]  }
0x2e7: {  	v21 =	vld [tilespmem:$0x22B0]  }
0x2e8: {  	s12 =	simm.s32 $0x0;
	v9 =	vshll.u32 v9, $0x4  }
0x2e9: {  	v20 =	vld [tilespmem:$0x20B0];
	v10 =	vor.u32 s12, v9  }
0x2ea: {  	v22 =	vld [tilespmem:$0x2130];
	v26 =	vand.u32 $0x7F, v10;
	v19 =	vmul.f32 $5.000000000e-01, v17  }
0x2eb: {  	v23 =	vmul.f32 $5.000000000e-01, v18;
	v27 =	vmul.f32 v18, v17;
	v17 =	vand.u32 $0xFFFFFF80, v9  }
0x2ec: {  	p0 =	por $0x0, $0x0;
	v24 =	vmul.f32 $5.000000000e-01, v21;
	v18 =	vadd.s32 $0x500, v17;
	v11 =	vsub.f32 v16, v19  }
.Ltmp5:
0x2ed: {  	v16 =	vadd.f32 v19, v16;
	v19 =	vadd.s32 $0xA00, v17;
	v25 =	vor.u32 v18, v26;
	(pc) =	sbr.rel @p0 .LBB3_9-.Ltmp5, $4  }
0x2ee: {  	v26 =	vor.u32 v19, v26  }
0x2ef: {  	v14 =	vsub.f32 v20, v23;
	v15 =	vsub.f32 v22, v24  }
0x2f0: {  	v17 =	vadd.f32 v23, v20;
	v20 =	vadd.f32 v24, v22;
	v22 =	vmov v25  }
0x2f1: {  	s1 =	simm.s32 $0x1;
	v21 =	vmul.f32 v21, v27;
	[tilespmem:v10+s5+$0x0] =	vst.idx.msk $0xffff, v11;
	v23 =	vmov v26;
	v24 =	vmov v10  }
.LBB3_8:
0x2f2: {  	v27 =	vor.u32 s1, v9;
	p0 =	seq.s32 s1, $0xF;
	s1 =	sadd.s32 $0x1, s1;
	[tilespmem:v25+s5+$0x0] =	vst.idx.msk $0xffff, v14  }
0x2f3: {  	v28 =	vand.u32 $0x7F, v27;
	[tilespmem:v26+s5+$0x0] =	vst.idx.msk $0xffff, v15  }
.Ltmp6:
0x2f4: {  	v25 =	vor.u32 v18, v28;
	[tilespmem:v10+s6+$0x0] =	vst.idx.msk $0xffff, v16;
	v10 =	vmov v27;
	(pc) =	sbr.rel @!p0 .LBB3_8-.Ltmp6, $4  }
0x2f5: {  	v26 =	vor.u32 v19, v28;
	[tilespmem:v22+s6+$0x0] =	vst.idx.msk $0xffff, v17;
	v22 =	vmov v25  }
0x2f6: {  	[tilespmem:v23+s6+$0x0] =	vst.idx.msk $0xffff, v20;
	v23 =	vmov v26  }
0x2f7: {  	[tilespmem:v24+s7+$0x0] =	vst.idx.msk $0xffff, v21;
	v24 =	vmov v27  }
0x2f8: {  	[tilespmem:v27+s5+$0x0] =	vst.idx.msk $0xffff, v11  }
.LBB3_9:
0x2f9: {  	_ =	sdelay $0x3  }
0x2fa: {  	[tilespmem:v25+s5+$0x0] =	vst.idx.msk $0xffff, v14  }
0x2fb: {  	[tilespmem:v26+s5+$0x0] =	vst.idx.msk $0xffff, v15  }
0x2fc: {  	[tilespmem:v10+s6+$0x0] =	vst.idx.msk $0xffff, v16  }
0x2fd: {  	[tilespmem:v22+s6+$0x0] =	vst.idx.msk $0xffff, v17  }
0x2fe: {  	[tilespmem:v23+s6+$0x0] =	vst.idx.msk $0xffff, v20  }
0x2ff: {  	s4 =	simm.s32 $0x2400;
	[tilespmem:v24+s7+$0x0] =	vst.idx.msk $0xffff, v21  }
0x300: {  	v9 =	vld [tilespmem:s4+$0x0];
	_ =	sdelay $0x4  }
0x301: {  	vm1 =	veq.s32 v9, $0x1  }
0x302: {  	v10 =	vsel vm1, $0x1, v2  }
0x303: {  	(xrf0) =	vadd.scan.msk.s32 $0xffff, v10  }
0x304: {  	vm2 =	veq.s32 v9, $0x2  }
0x305: {  	vm0 =	veq.s32 v9, $0x3;
	v14 =	vsel vm2, $0x1, v2  }
0x306: {  	v9 =	vsel vm0, $0x1, v2;
	(xrf0) =	vadd.scan.msk.s32 $0xffff, v14;
	_ =	sdelay $0x1  }
0x307: {  	(xrf0) =	vadd.scan.msk.s32 $0xffff, v9  }
0x308: {  	v11 =	vimm.s32 $0x0;
	v9, _, _ =	vpop (xrf0)  }
0x309: {  	v9 =	vadd.s32 v9, v11  }
0x30a: {  	v9 =	vadd.s32 $0xFFFFFFFF, v9  }
0x30b: {  	v10, _, _ =	vpop (xrf0)  }
0x30c: {  	v10 =	vadd.s32 v10, v11  }
0x30d: {  	v15 =	vmpcnt.ones.xlane vm2;
	v18, _, _ =	vpop (xrf0);
	v16 =	vadd.s32 $0x3FF, v10;
	v10 =	vmpcnt.ones.xlane vm1  }
0x30e: {  	v14 =	vor.u32 s12, v1;
	v18 =	vadd.s32 v18, v11  }
0x30f: {  	[tilespmem:v9+s8+$0x0] =	vst.idx.msk vm1, v14;
	v9 =	vadd.s32 v11, v10;
	v10 =	vadd.s32 v11, v15;
	v15 =	vadd.s32 $0x7FF, v18  }
0x310: {  	v17 =	vmpcnt.ones.xlane vm0;
	_ =	sdelay $0x1  }
0x311: {  	s1 =	simm.s32 $0x10;
	v11 =	vadd.s32 v11, v17;
	[tilespmem:v16+s8+$0x0] =	vst.idx.msk vm2, v14  }
.LBB3_10:
0x312: {  	p0 =	seq.s32 s1, $0x3F0  }
0x313: {  	[tilespmem:v15+s8+$0x0] =	vst.idx.msk vm0, v14;
	s4 =	sadd.s32 $0x10, s4;
	v14 =	vmov v9;
	v15 =	vmov v10;
	v16 =	vmov v11;
	s12 =	smov.u32 s1;
	s1 =	sadd.s32 $0x10, s1  }
0x314: {  	v17 =	vld [tilespmem:s4+$0x0];
	_ =	sdelay $0x4  }
0x315: {  	vm1 =	veq.s32 v17, $0x1  }
0x316: {  	vm2 =	veq.s32 v17, $0x2;
	v18 =	vsel vm1, $0x1, v2;
	v19 =	vmpcnt.ones.xlane vm1  }
0x317: {  	vm0 =	veq.s32 v17, $0x3;
	v20 =	vsel vm2, $0x1, v2;
	v21 =	vmpcnt.ones.xlane vm2;
	(xrf0) =	vadd.scan.msk.s32 $0xffff, v18  }
0x318: {  	v17 =	vsel vm0, $0x1, v2;
	v18 =	vmpcnt.ones.xlane vm0;
	v9 =	vadd.s32 v9, v19;
	(xrf0) =	vadd.scan.msk.s32 $0xffff, v20  }
0x319: {  	v10 =	vadd.s32 v10, v21;
	(xrf0) =	vadd.scan.msk.s32 $0xffff, v17  }
0x31a: {  	v11 =	vadd.s32 v11, v18;
	_ =	sdelay $0x2  }
0x31b: {  	v17, _, _ =	vpop (xrf0)  }
0x31c: {  	v14 =	vadd.s32 v17, v14;
	v17, _, _ =	vpop (xrf0)  }
0x31d: {  	v18 =	vadd.s32 $0xFFFFFFFF, v14;
	v14 =	vadd.s32 v17, v15;
	v15, _, _ =	vpop (xrf0)  }
0x31e: {  	v17 =	vadd.s32 $0x3FF, v14;
	v14 =	vadd.s32 v15, v16  }
.Ltmp7:
0x31f: {  	v15 =	vadd.s32 $0x7FF, v14;
	(pc) =	sbr.rel @!p0 .LBB3_10-.Ltmp7, $4  }
0x320: {  	_ = 	snop  }
0x321: {  	v14 =	vor.u32 s12, v1  }
0x322: {  	[tilespmem:v18+s8+$0x0] =	vst.idx.msk vm1, v14  }
0x323: {  	[tilespmem:v17+s8+$0x0] =	vst.idx.msk vm2, v14  }
0x324: {  	_ = 	snop  }
.Ltmp8:
0x325: {  	_ = 	snop;
	(pc) =	sbr.rel .LBB3_12-.Ltmp8, $2  }
0x326: {  	_ =	sdelay $0x2  }
0x327: {  	[tilespmem:v15+s8+$0x0] =	vst.idx.msk vm0, v14;
	v12 =	vadd.s32 v13, v12;
	s14 =	simm.s32 $0x0  }
.LBB3_27:
0x328: {  	s14 =	sadd.s32 $0x1, s14  }
0x329: {  	p0 =	seq.s32 s14, $0x3  }
.Ltmp9:
0x32a: {  	_ = 	snop;
	(pc) =	sbr.rel @p0 .LBB3_28-.Ltmp9, $1  }
0x32b: {  	_ =	sdelay $0x3  }
.LBB3_12:
0x32c: {  	p1 =	seq.s32 s14, $0x1  }
0x32d: {  	p0 =	seq.s32 s14, $0x0;
	v13 =	vpsel p1, v10, v11  }
0x32e: {  	v13 =	vpsel p0, v9, v13  }
0x32f: {  	v13 =	vxor.u32 $0x80000000, v13  }
0x330: {  	(xrf0) =	vmax.scan.msk.u32 $0xffff, v13;
	_ =	sdelay $0x5  }
0x331: {  	v13, _, _ =	vpop (xrf0)  }
0x332: {  	(v2sf) =	vpush v13, $0xF;
	_ =	sdelay $0x2  }
0x333: {  	v14 =	vpsel p1, v7, v8  }
0x334: {  	v13 =	vxor.u32 $0x80000000, v14  }
0x335: {  	v13 =	vpsel p0, $0x80000000, v13  }
0x336: {  	(xrf0) =	vmax.scan.msk.u32 $0xffff, v13;
	_ =	sdelay $0x5  }
0x337: {  	v13, _, _ =	vpop (xrf0)  }
0x338: {  	(v2sf) =	vpush v13, $0xF;
	_ =	sdelay $0x1  }
0x339: {  	s1 =	spop (v2sf)  }
0x33a: {  	s4 =	sadd.s32 $0x8000000F, s1  }
0x33b: {  	s12 =	sand.u32 $0xF, s4  }
0x33c: {  	s15 =	sshra.s32 s4, $0x1F;
	p2 =	slt.s32 s4, $0x1;
	p3 =	sne.s32 s12, $0x0  }
0x33d: {  	s31 =	sshrl.u32 s15, $0x1C;
	p2 =	por !p2, !p3  }
0x33e: {  	s12 =	simm.s32 $0x1;
	s4 =	sadd.s32 s31, s4;
	p2 =	por !p2, !p2  }
0x33f: {  	s4 =	sshra.s32 s4, $0x4;
	s12 =	simm.s32 @!p2 $0x0  }
0x340: {  	s15 =	ssub.s32 s4, s12  }
0x341: {  	p2 =	slt.s32 s15, $0x1  }
.Ltmp10:
0x342: {  	_ = 	snop;
	(pc) =	sbr.rel @p2 .LBB3_27-.Ltmp10, $2  }
0x343: {  	_ =	sdelay $0x2  }
0x344: {  	s4 =	spop (v2sf)  }
0x345: {  	v13 =	vpsel p1, v6, v12  }
0x346: {  	v13 =	vpsel p0, v5, v13  }
0x347: {  	v13 =	vxor.u32 $0x80000000, v13  }
0x348: {  	(xrf0) =	vmax.scan.msk.u32 $0xffff, v13;
	_ =	sdelay $0x5  }
0x349: {  	v13, _, _ =	vpop (xrf0)  }
0x34a: {  	(v2sf) =	vpush v13, $0xF;
	_ =	sdelay $0xd  }
.Ltmp11:
0x34b: {  	s16 =	sshll.u32 s14, $0xA;
	s28 =	sxor.u32 $0x80000000, s4;
	(pc) =	sbr.rel .LBB3_14-.Ltmp11, $4  }
0x34c: {  	s30 =	sshll.u32 s4, $0x6;
	s19 =	sxor.u32 $0x80000000, s1;
	s12 =	spop (v2sf)  }
0x34d: {  	s20 =	sshll.u32 s4, $0x4;
	s17 =	sshra.s32 s30, $0x2;
	s18 =	sxor.u32 $0x80000000, s12  }
0x34e: {  	s23 =	simm.s32 $0x0;
	s21 =	sadd.s32 $0x4100, s17;
	s31 =	sadd.s32 s18, s28  }
0x34f: {  	s4 =	sadd.s32 $0x5000, s17;
	s12 =	sadd.s32 $0x3200, s17;
	p0 =	sge.s32 s28, s31  }
.LBB3_16:
0x350: {  	v30 =	vimm.f32 $1.000000000e+00;
	v34 =	vimm.f32 $0.0e+00;
	s22 =	smov.u32 s4;
	s17 =	smov.u32 s28;
	v31 =	vimm.s32 $0xFFFFFFFF  }
.LBB3_25:
0x351: {  	v39 =	vld [tilespmem:s31+$0x3700]  }
0x352: {  	v35 =	vmax.f32 @p1 v35, $0.0e+00;
	v40 =	vmul.f32 @p2 v33, v30;
	v41 =	vmul.f32 @p2 v37, v34  }
0x353: {  	v60 =	vld [tilespmem:s31+$0x3C00];
	v23 =	vmin.f32 v23, v25;
	v25 =	vadd.f32 @p1 v27, v17;
	v35 =	vmul.f32 @p1 v35, v38  }
0x354: {  	v27 =	vmax.f32 @p1 v36, $0.0e+00;
	v62 =	vmin.f32 v21, v32;
	v22 =	vmax.f32 v22, v26  }
0x355: {  	s1 =	sadd.s32 @p1 $0x10, s22;
	s22 =	smov.u32 s4;
	vm0 =	vgt.f32 @p2 v40, v41;
	v22 =	vsub.f32 v23, v22;
	v26 =	vmul.f32 @p1 v27, v35  }
0x356: {  	s22 =	smov.u32 @p1 s1;
	v27 =	vsel @p2 vm0, v33, v34;
	v20 =	vmin.f32 v20, v24;
	v18 =	vmax.f32 v18, v39  }
0x357: {  	v61 =	vld [tilespmem:s22+$0x0];
	v21 =	vsel @p2 vm0, v37, v30;
	v22 =	vmax.f32 v22, $0.0e+00;
	v18 =	vsub.f32 v20, v18  }
0x358: {  	v21 =	vpsel p2, v21, v16;
	v23 =	vsub.f32 @p1 v25, v26;
	v19 =	vmax.f32 v19, v60  }
0x359: {  	v25 =	vpsel p2, v27, v14;
	v19 =	vsub.f32 v62, v19;
	v18 =	vmax.f32 v18, $0.0e+00  }
0x35a: {  	v20 =	vmax.f32 @p1 v23, $9.999999970e-07;
	v23 =	vpsel p1, v26, v28;
	v18 =	vmul.f32 v18, v22  }
0x35b: {  	v20 =	vpsel p1, v20, v29;
	v19 =	vmax.f32 v19, $0.0e+00;
	v22 =	vmul.f32 @p1 v23, v21  }
0x35c: {  	v17 =	vadd.f32 v61, v17;
	v26 =	vmul.f32 @p1 v20, v25;
	v18 =	vmul.f32 v19, v18  }
0x35d: {  	s1 =	sadd.s32 @p3 $0x1, s17;
	s17 =	smov.u32 s28  }
0x35e: {  	s17 =	smov.u32 @p3 s1;
	vm1 =	vgt.f32 @p1 v22, v26;
	v17 =	vsub.f32 v17, v18  }
0x35f: {  	v19 =	vsel @p2 vm0, s17, v31;
	v22 =	vsel @p1 vm1, v23, v25;
	v20 =	vsel @p1 vm1, v20, v21  }
0x360: {  	s1 =	sadd.s32 @p2 $0x1, s17;
	s17 =	smov.u32 s28;
	v16 =	vpsel p1, v20, v16;
	v14 =	vpsel p1, v22, v14;
	v17 =	vmax.f32 v17, $9.999999970e-07  }
0x361: {  	v19 =	vpsel p2, v19, v15;
	s17 =	smov.u32 @p2 s1;
	v20 =	vmul.f32 v18, v16;
	v63 =	vmul.f32 v17, v14  }
0x362: {  	v19 =	vsel @p1 vm1, s17, v19;
	s1 =	sadd.s32 @p1 $0x1, s17;
	s17 =	smov.u32 s28  }
0x363: {  	v15 =	vpsel p1, v19, v15;
	s17 =	smov.u32 @p1 s1;
	vm15 =	vgt.f32 v20, v63  }
0x364: {  	v14 =	vsel vm15, v18, v14;
	v16 =	vsel vm15, v17, v16;
	v15 =	vsel vm15, s17, v15  }
.LBB3_26:
0x365: {  	(erf) = vrcp.f32 v16  }
0x366: {  	vm0 =	vlt.s32 v15, $0x0  }
0x367: {  	v15 =	vsel vm0, $0x0, v15;
	_ =	sdelay $0x1  }
0x368: {  	s1 =	ssub.s32 s19, s24  }
0x369: {  	v62 =	vmov s1  }
0x36a: {  	vm1 =	vgt.s32 v62, v1  }
0x36b: {  	v13 =	vand.u32 $0x3FF, v13;
	s23 =	sadd.s32 $0x1, s23;
	v15 =	vld.idx.msk [tilespmem:v15+s2+$0x0], $0xffff  }
0x36c: {  	p1 =	sne.s32 s23, s15  }
.Ltmp12:
0x36d: {  	v63 =	vpop (erf);
	(pc) =	sbr.rel @!p1 .LBB3_27-.Ltmp12, $3  }
0x36e: {  	v14 =	vmul.f32 v63, v14;
	_ =	sdelay $0x1  }
0x36f: {  	v15 =	vsel vm0, $0x0, v15;
	[tilespmem:v13+s9+$0x0] =	vst.idx.msk vm1, v14  }
0x370: {  	[tilespmem:v13+s10+$0x0] =	vst.idx.msk vm1, v15  }
.LBB3_14:
.Ltmp13:
0x371: {  	s24 =	sshll.u32 s23, $0x4;
	(pc) =	sbr.rel @p0 .LBB3_26-.Ltmp13, $4  }
0x372: {  	s1 =	sadd.s32 s16, s24  }
0x373: {  	s17 =	sand.u32 $0x70, s24;
	s1 =	sand.u32 $0xFFFFFF80, s1  }
0x374: {  	s1 =	sor.u32 s17, s1  }
0x375: {  	v14 =	vimm.f32 $0.0e+00;
	v16 =	vimm.f32 $1.000000000e+00;
	v15 =	vimm.s32 $0xFFFFFFFF;
	v13 =	vld [tilespmem:s1+$0x5580]  }
0x376: {  	_ =	sdelay $0x3  }
0x377: {  	v17 =	vshll.u32 v13, $0x3  }
0x378: {  	v18 =	vand.u32 $0x7F, v13;
	v17 =	vand.u32 $0x1C00, v17  }
0x379: {  	v17 =	vor.u32 v18, v17  }
0x37a: {  	v18 =	vor.u32 $0x180, v17  }
0x37b: {  	v19 =	vor.u32 $0x200, v17  }
0x37c: {  	v20 =	vor.u32 $0x280, v17;
	_ =	sdelay $0x1  }
0x37d: {  	v21 =	vor.u32 $0x80, v17  }
0x37e: {  	v22 =	vor.u32 $0x100, v17;
	v18 =	vld.idx.msk [tilespmem:v18+s3+$0x0], $0xffff  }
0x37f: {  	v19 =	vld.idx.msk [tilespmem:v19+s3+$0x0], $0xffff  }
0x380: {  	v24 =	vld.idx.msk [tilespmem:v20+s3+$0x0], $0xffff  }
0x381: {  	v17 =	vld.idx.msk [tilespmem:v17+s3+$0x0], $0xffff  }
0x382: {  	v20 =	vld.idx.msk [tilespmem:v21+s3+$0x0], $0xffff  }
0x383: {  	p4 =	sne.s32 s18, $0x1;
	v21 =	vld.idx.msk [tilespmem:v22+s3+$0x0], $0xffff  }
.Ltmp14:
0x384: {  	v23 =	vmul.f32 $5.000000000e-01, v18;
	(pc) =	sbr.rel @!p4 .LBB3_16-.Ltmp14, $4  }
0x385: {  	v25 =	vld [tilespmem:s21+$0x0];
	v27 =	vmul.f32 $5.000000000e-01, v19;
	v28 =	vmul.f32 $5.000000000e-01, v24  }
0x386: {  	v26 =	vld [tilespmem:s12+$0x0];
	s31 =	sand.u32 $0xFFFFFFF0, s20;
	v22 =	vsub.f32 v17, v23;
	v23 =	vadd.f32 v23, v17;
	v17 =	vmul.f32 v19, v18  }
0x387: {  	s22 =	sadd.s32 $0xFFFFFFFF, s18;
	v32 =	vld [tilespmem:s31+$0x4B00];
	v18 =	vsub.f32 v20, v27;
	v20 =	vadd.f32 v27, v20  }
0x388: {  	p1 =	por $0x0, $0x0;
	p2 =	por $0x0, $0x0;
	p3 =	por $0x0, $0x0;
	v19 =	vsub.f32 v21, v28;
	v21 =	vadd.f32 v28, v21;
	v17 =	vmul.f32 v24, v17;
	v24 =	vld [tilespmem:s31+$0x4600]  }
0x389: {  	v28 =	vld [tilespmem:s31+$0x3700]  }
0x38a: {  	v30 =	vld [tilespmem:s31+$0x3C00]  }
0x38b: {  	p4 =	sne.s32 s22, $0x1  }
.Ltmp15:
0x38c: {  	v27 =	vld [tilespmem:s4+$0x0];
	s25 =	sadd.s32 $0x10, s21;
	(pc) =	sbr.rel @!p4 .LBB3_18-.Ltmp15, $4  }
0x38d: {  	s1 =	sadd.s32 $0x10, s20;
	s17 =	sadd.s32 $0x10, s12;
	v29 =	vmin.f32 v23, v25;
	v25 =	vld [tilespmem:s25+$0x0];
	v26 =	vmax.f32 v22, v26  }
0x38e: {  	s31 =	sand.u32 $0xFFFFFFF0, s1;
	v31 =	vsub.f32 v29, v26;
	v26 =	vld [tilespmem:s17+$0x0];
	v32 =	vmin.f32 v21, v32  }
0x38f: {  	v29 =	vld [tilespmem:s31+$0x4B00];
	v24 =	vmin.f32 v20, v24;
	v28 =	vmax.f32 v18, v28;
	v30 =	vmax.f32 v19, v30  }
0x390: {  	s30 =	sadd.s32 $0xFFFFFFFF, s22;
	p1 =	por $0x1, $0x1;
	v38 =	vmax.f32 v31, $0.0e+00;
	v35 =	vsub.f32 v24, v28;
	v24 =	vld [tilespmem:s31+$0x4600];
	v36 =	vsub.f32 v32, v30  }
0x391: {  	_ = 	snop  }
0x392: {  	v30 =	vld [tilespmem:s31+$0x3700];
	v28 =	vmax.f32 v35, $0.0e+00  }
0x393: {  	v31 =	vld [tilespmem:s31+$0x3C00];
	v28 =	vmul.f32 v28, v38  }
0x394: {  	v32 =	vadd.f32 v27, v17;
	s22 =	sadd.s32 $0x10, s4;
	p4 =	sne.s32 s30, $0x1;
	v33 =	vmax.f32 v36, $0.0e+00  }
.Ltmp16:
0x395: {  	s26 =	sadd.s32 $0x10, s25;
	v34 =	vmin.f32 v23, v25;
	v27 =	vld [tilespmem:s22+$0x0];
	v26 =	vmax.f32 v22, v26;
	v28 =	vmul.f32 v33, v28;
	(pc) =	sbr.rel @!p4 .LBB3_20-.Ltmp16, $4  }
0x396: {  	s1 =	sadd.s32 $0x10, s1;
	s25 =	sadd.s32 $0x10, s17;
	v25 =	vld [tilespmem:s26+$0x0];
	v62 =	vsub.f32 v34, v26  }
0x397: {  	s31 =	sand.u32 $0xFFFFFFF0, s1;
	v26 =	vld [tilespmem:s25+$0x0];
	v24 =	vmin.f32 v20, v24;
	v30 =	vmax.f32 v18, v30;
	v63 =	vsub.f32 v32, v28  }
0x398: {  	v29 =	vmin.f32 v21, v29;
	v32 =	vld [tilespmem:s31+$0x4B00];
	v35 =	vsub.f32 v24, v30;
	v30 =	vmax.f32 v19, v31  }
0x399: {  	s17 =	sadd.s32 $0xFFFFFFFF, s30;
	p2 =	por $0x1, $0x1;
	v38 =	vmax.f32 v62, $0.0e+00;
	v24 =	vld [tilespmem:s31+$0x4600];
	v36 =	vsub.f32 v29, v30;
	v29 =	vmax.f32 v63, $9.999999970e-07  }
0x39a: {  	v37 =	vld [tilespmem:s31+$0x3700];
	v30 =	vmax.f32 v35, $0.0e+00;
	v31 =	vmul.f32 v28, v16;
	v33 =	vmul.f32 v29, v14  }
0x39b: {  	v40 =	vld [tilespmem:s31+$0x3C00];
	v59 =	vmin.f32 v23, v25;
	v25 =	vmul.f32 v30, v38  }
0x39c: {  	v60 =	vadd.f32 v27, v17;
	s22 =	sadd.s32 $0x10, s22;
	p4 =	sne.s32 s17, $0x1;
	v30 =	vmax.f32 v36, $0.0e+00;
	vm0 =	vgt.f32 v31, v33  }
.Ltmp17:
0x39d: {  	s26 =	sadd.s32 $0x10, s26;
	v27 =	vld [tilespmem:s22+$0x0];
	v26 =	vmax.f32 v22, v26;
	v33 =	vmul.f32 v30, v25;
	v34 =	vsel vm0, v28, v14;
	(pc) =	sbr.rel @!p4 .LBB3_22-.Ltmp17, $4  }
0x39e: {  	s30 =	sadd.s32 $0x10, s1;
	s1 =	sadd.s32 $0x10, s25;
	v30 =	vsel vm0, v29, v16;
	v25 =	vld [tilespmem:s26+$0x0];
	v61 =	vsub.f32 v59, v26;
	v31 =	vsel vm0, s28, v15  }
0x39f: {  	s31 =	sand.u32 $0xFFFFFFF0, s30;
	v26 =	vld [tilespmem:s1+$0x0];
	v24 =	vmin.f32 v20, v24;
	v62 =	vmax.f32 v18, v37;
	v63 =	vsub.f32 v60, v33  }
0x3a0: {  	v39 =	vld [tilespmem:s31+$0x4B00];
	v32 =	vmin.f32 v21, v32;
	v40 =	vmax.f32 v19, v40;
	v35 =	vsub.f32 v24, v62  }
0x3a1: {  	s25 =	sadd.s32 $0xFFFFFFFF, s17;
	p3 =	por $0x1, $0x1;
	s17 =	smov.u32 s28;
	v38 =	vmax.f32 v61, $0.0e+00;
	v24 =	vld [tilespmem:s31+$0x4600];
	v36 =	vsub.f32 v32, v40;
	v37 =	vmax.f32 v63, $9.999999970e-07  }
.LBB3_23:
0x3a2: {  	p4 =	sne.s32 s25, $0x1;
	v32 =	vld [tilespmem:s31+$0x3700];
	v35 =	vmax.f32 v35, $0.0e+00;
	v40 =	vmul.f32 v33, v30;
	v41 =	vmul.f32 v37, v34  }
0x3a3: {  	v42 =	vmin.f32 v23, v25;
	v43 =	vld [tilespmem:s31+$0x3C00];
	v25 =	vmul.f32 v35, v38;
	v35 =	vadd.f32 v27, v17  }
0x3a4: {  	s22 =	sadd.s32 $0x10, s22;
	v36 =	vmax.f32 v36, $0.0e+00;
	v26 =	vmax.f32 v22, v26;
	vm0 =	vgt.f32 v40, v41  }
.Ltmp18:
0x3a5: {  	s26 =	sadd.s32 $0x10, s26;
	s17 =	sadd.s32 $0x1, s17;
	v27 =	vld [tilespmem:s22+$0x0];
	v34 =	vsel vm0, v33, v34;
	v33 =	vmul.f32 v36, v25;
	v30 =	vsel vm0, v37, v30;
	(pc) =	sbr.rel @p4 .LBB3_23-.Ltmp18, $4  }
0x3a6: {  	s30 =	sadd.s32 $0x10, s30;
	s1 =	sadd.s32 $0x10, s1;
	v36 =	vsub.f32 v42, v26;
	v31 =	vsel vm0, s17, v31;
	v25 =	vld [tilespmem:s26+$0x0]  }
0x3a7: {  	s31 =	sand.u32 $0xFFFFFFF0, s30;
	v24 =	vmin.f32 v20, v24;
	v26 =	vld [tilespmem:s1+$0x0];
	v32 =	vmax.f32 v18, v32;
	v37 =	vsub.f32 v35, v33  }
0x3a8: {  	v35 =	vsub.f32 v24, v32;
	v32 =	vmin.f32 v21, v39;
	v39 =	vld [tilespmem:s31+$0x4B00];
	v40 =	vmax.f32 v19, v43  }
0x3a9: {  	s25 =	sadd.s32 $0xFFFFFFFF, s25;
	v38 =	vmax.f32 v36, $0.0e+00;
	v24 =	vld [tilespmem:s31+$0x4600];
	v36 =	vsub.f32 v32, v40;
	v37 =	vmax.f32 v37, $9.999999970e-07  }
.Ltmp19:
0x3aa: {  	(pc) =	sbr.rel .LBB3_25-.Ltmp19, $2  }
0x3ab: {  	_ =	sdelay $0x2  }
0x3ac: {  	v32 =	vmov v39  }
.LBB3_18:
.Ltmp20:
0x3ad: {  	(pc) =	sbr.rel .LBB3_25-.Ltmp20, $2  }
0x3ae: {  	_ =	sdelay $0x2  }
0x3af: {  	v30 =	vimm.f32 $1.000000000e+00;
	v34 =	vimm.f32 $0.0e+00;
	s22 =	smov.u32 s4;
	s17 =	smov.u32 s28;
	v31 =	vimm.s32 $0xFFFFFFFF;
	v32 =	vmovc v29  }
.LBB3_20:
.Ltmp21:
0x3b0: {  	(pc) =	sbr.rel .LBB3_25-.Ltmp21, $2  }
0x3b1: {  	_ =	sdelay $0x2  }
0x3b2: {  	v30 =	vimm.f32 $1.000000000e+00;
	v33 =	vmovc v28;
	v34 =	vimm.f32 $0.0e+00;
	v37 =	vmovc v29;
	s17 =	smov.u32 s28;
	v31 =	vimm.s32 $0xFFFFFFFF  }
.LBB3_22:
.Ltmp22:
0x3b3: {  	(pc) =	sbr.rel .LBB3_25-.Ltmp22, $2  }
0x3b4: {  	_ =	sdelay $0x2  }
0x3b5: {  	s17 =	smov.u32 s28;
	v32 =	vmov v39  }
.LBB3_28:
0x3b6: {  	v5 =	vimm.s32 $0x0;
	s4 =	simm.s32 $0x0;
	s12 =	simm.s32 $0x2C00;
	v6 =	vimm.s32 $0x0;
	v7 =	vimm.s32 $0x0  }
.LBB3_29:
0x3b7: {  	v8 =	vld [tilespmem:s12+$0x0];
	_ =	sdelay $0x4  }
0x3b8: {  	v9 =	vand.u32 $0xFFFF, v8;
	_ =	sdelay $0x4  }
0x3b9: {  	v10 =	vld.idx.msk [tilespmem:v9+s9+$0x0], $0xffff;
	_ =	sdelay $0x4  }
0x3ba: {  	vm1 =	vge.f32 v10, $5.500000120e-01  }
0x3bb: {  	v10 =	vsel vm1, $0x1, v2  }
0x3bc: {  	(xrf0) =	vadd.scan.msk.s32 $0xffff, v10;
	_ =	sdelay $0x5  }
0x3bd: {  	v10, _, _ =	vpop (xrf0)  }
0x3be: {  	v10 =	vadd.s32 v10, v7  }
0x3bf: {  	v10 =	vadd.s32 $0xFFFFFFFF, v10  }
0x3c0: {  	vm0 =	vlt.s32 v10, $0x40  }
0x3c1: {  	vm0 =	vmand vm1, vm0;
	_ =	sdelay $0x1  }
0x3c2: {  	v8 =	vshra.s32 v8, $0x10;
	_ =	sdelay $0x3  }
0x3c3: {  	[tilespmem:v10+s11+$0x0] =	vst.idx.msk vm0, v9  }
0x3c4: {  	v9 =	vld.idx.msk [tilespmem:v8+s9+$0x0], $0xffff;
	_ =	sdelay $0x4  }
0x3c5: {  	vm6 =	vge.f32 v9, $5.500000120e-01  }
0x3c6: {  	v9 =	vsel vm6, $0x1, v2  }
0x3c7: {  	(xrf0) =	vadd.scan.msk.s32 $0xffff, v9;
	_ =	sdelay $0x3  }
0x3c8: {  	v48 =	vmpcnt.ones.xlane vm1;
	_ =	sdelay $0x1  }
0x3c9: {  	v7 =	vadd.s32 v7, v48;
	v49, _, _ =	vpop (xrf0)  }
0x3ca: {  	v9 =	vadd.s32 v49, v7  }
0x3cb: {  	v9 =	vadd.s32 $0xFFFFFFFF, v9  }
0x3cc: {  	vm7 =	vlt.s32 v9, $0x40  }
0x3cd: {  	vm1 =	vmand vm6, vm7;
	_ =	sdelay $0x5  }
0x3ce: {  	s1 =	sand.u32 $0x1F0, s4;
	[tilespmem:v9+s11+$0x0] =	vst.idx.msk vm1, v8  }
0x3cf: {  	v8 =	vld [tilespmem:s1+$0x2E00];
	_ =	sdelay $0x4  }
0x3d0: {  	v50 =	vand.u32 $0xFFFF, v8;
	_ =	sdelay $0x4  }
0x3d1: {  	v10 =	vld.idx.msk [tilespmem:v50+s9+$0x0], $0xffff;
	_ =	sdelay $0x4  }
0x3d2: {  	vm8 =	vlt.f32 v10, $5.500000120e-01;
	vm2 =	vge.f32 v10, $1.000000010e-01  }
0x3d3: {  	vm2 =	vmand vm8, vm2  }
0x3d4: {  	v51 =	vsel vm2, $0x1, v2  }
0x3d5: {  	(xrf0) =	vadd.scan.msk.s32 $0xffff, v51;
	_ =	sdelay $0x5  }
0x3d6: {  	v10, _, _ =	vpop (xrf0)  }
0x3d7: {  	v10 =	vadd.s32 v6, v10  }
0x3d8: {  	v11 =	vadd.s32 $0xFFFFFFFF, v10  }
0x3d9: {  	vm9 =	vlt.s32 v11, $0x33  }
0x3da: {  	vm1 =	vmand vm2, vm9  }
0x3db: {  	v10 =	vadd.s32 $0x3F, v10  }
0x3dc: {  	v8 =	vshra.s32 v8, $0x10;
	_ =	sdelay $0x3  }
0x3dd: {  	[tilespmem:v10+s11+$0x0] =	vst.idx.msk vm1, v50  }
0x3de: {  	v9 =	vld.idx.msk [tilespmem:v8+s9+$0x0], $0xffff;
	_ =	sdelay $0x4  }
0x3df: {  	vm10 =	vlt.f32 v9, $5.500000120e-01;
	vm3 =	vge.f32 v9, $1.000000010e-01  }
0x3e0: {  	vm1 =	vmand vm10, vm3  }
0x3e1: {  	v52 =	vsel vm1, $0x1, v2  }
0x3e2: {  	(xrf0) =	vadd.scan.msk.s32 $0xffff, v52;
	_ =	sdelay $0x3  }
0x3e3: {  	v53 =	vmpcnt.ones.xlane vm2;
	_ =	sdelay $0x1  }
0x3e4: {  	v6 =	vadd.s32 v6, v53;
	v54, _, _ =	vpop (xrf0)  }
0x3e5: {  	v9 =	vadd.s32 v6, v54  }
0x3e6: {  	v55 =	vadd.s32 $0xFFFFFFFF, v9  }
0x3e7: {  	vm11 =	vlt.s32 v55, $0x33  }
0x3e8: {  	vm2 =	vmand vm1, vm11  }
0x3e9: {  	v9 =	vadd.s32 $0x3F, v9;
	_ =	sdelay $0x4  }
0x3ea: {  	[tilespmem:v9+s11+$0x0] =	vst.idx.msk vm2, v8  }
0x3eb: {  	v8 =	vld [tilespmem:s1+$0x3000];
	_ =	sdelay $0x4  }
0x3ec: {  	v56 =	vand.u32 $0xFFFF, v8;
	_ =	sdelay $0x4  }
0x3ed: {  	v57 =	vld.idx.msk [tilespmem:v56+s9+$0x0], $0xffff;
	_ =	sdelay $0x4  }
0x3ee: {  	vm12 =	vlt.f32 v57, $1.000000010e-01  }
0x3ef: {  	v10 =	vsel vm12, $0x1, v2  }
0x3f0: {  	(xrf0) =	vadd.scan.msk.s32 $0xffff, v10;
	_ =	sdelay $0x5  }
0x3f1: {  	v10, _, _ =	vpop (xrf0)  }
0x3f2: {  	v10 =	vadd.s32 v5, v10  }
0x3f3: {  	v58 =	vadd.s32 $0xFFFFFFFF, v10  }
0x3f4: {  	vm13 =	vlt.s32 v58, $0xD  }
0x3f5: {  	vm3 =	vmand vm12, vm13  }
0x3f6: {  	v10 =	vadd.s32 $0x72, v10  }
0x3f7: {  	v8 =	vshra.s32 v8, $0x10;
	_ =	sdelay $0x3  }
0x3f8: {  	[tilespmem:v10+s11+$0x0] =	vst.idx.msk vm3, v56  }
0x3f9: {  	v9 =	vld.idx.msk [tilespmem:v8+s9+$0x0], $0xffff;
	_ =	sdelay $0x4  }
0x3fa: {  	vm14 =	vlt.f32 v9, $1.000000010e-01  }
0x3fb: {  	v9 =	vsel vm14, $0x1, v2  }
0x3fc: {  	(xrf0) =	vadd.scan.msk.s32 $0xffff, v9;
	_ =	sdelay $0x3  }
0x3fd: {  	v59 =	vmpcnt.ones.xlane vm12;
	_ =	sdelay $0x1  }
0x3fe: {  	v5 =	vadd.s32 v5, v59;
	v60, _, _ =	vpop (xrf0)  }
0x3ff: {  	v9 =	vadd.s32 v5, v60  }
0x400: {  	v61 =	vadd.s32 $0xFFFFFFFF, v9  }
0x401: {  	vm15 =	vlt.s32 v61, $0xD  }
0x402: {  	vm2 =	vmand vm14, vm15  }
0x403: {  	p0 =	seq.s32 s4, $0x1F0;
	v9 =	vadd.s32 $0x72, v9  }
.Ltmp23:
0x404: {  	_ = 	snop;
	(pc) =	sbr.rel @!p0 .LBB3_29-.Ltmp23, $4  }
0x405: {  	v62 =	vmpcnt.ones.xlane vm6  }
0x406: {  	v63 =	vmpcnt.ones.xlane vm1;
	v12 =	vmpcnt.ones.xlane vm14  }
0x407: {  	v7 =	vadd.s32 v7, v62  }
0x408: {  	s12 =	sadd.s32 $0x10, s12;
	s4 =	sadd.s32 $0x10, s4;
	v6 =	vadd.s32 v6, v63;
	v5 =	vadd.s32 v5, v12;
	[tilespmem:v9+s11+$0x0] =	vst.idx.msk vm2, v8  }
0x409: {  	v8 =	vxor.u32 $0x80000000, v7  }
0x40a: {  	(xrf0) =	vmax.scan.msk.u32 $0xffff, v8;
	_ =	sdelay $0x5  }
0x40b: {  	v8, _, _ =	vpop (xrf0)  }
0x40c: {  	(v2sf) =	vpush v8, $0xF;
	_ =	sdelay $0xe  }
0x40d: {  	s1 =	spop (v2sf)  }
0x40e: {  	p0 =	slt.u32 s1, $0x80000040  }
.Ltmp24:
0x40f: {  	_ = 	snop;
	(pc) =	sbr.rel @!p0 .LBB3_33-.Ltmp24, $2  }
0x410: {  	_ =	sdelay $0x2  }
0x411: {  	s17 =	simm.s32 $0x1000;
	s18 =	simm.s32 $0x2400;
	s19 =	simm.s32 $0x2800  }
0x412: {  	s1 =	simm.s32 $0x6180;
	s12 =	simm.s32 $0x0;
	s4 =	simm.s32 $0x0  }
.LBB3_32:
0x413: {  	v8 =	vld [tilespmem:s1+$0x0];
	_ =	sdelay $0x4  }
0x414: {  	vm0 =	vge.f32 v8, $5.500000120e-01  }
0x415: {  	vm0 =	vmneg vm0  }
0x416: {  	v8 =	vsel vm0, $0x1, v2  }
0x417: {  	(xrf0) =	vadd.scan.msk.s32 $0xffff, v8;
	_ =	sdelay $0x4  }
0x418: {  	v9 =	vmpcnt.ones.xlane vm0  }
0x419: {  	v8, _, _ =	vpop (xrf0)  }
0x41a: {  	v8 =	vadd.s32 v8, v7;
	v7 =	vadd.s32 v7, v9  }
0x41b: {  	v9 =	vxor.u32 $0x80000000, v7  }
0x41c: {  	(xrf0) =	vmax.scan.msk.u32 $0xffff, v9;
	_ =	sdelay $0x5  }
0x41d: {  	v9, _, _ =	vpop (xrf0)  }
0x41e: {  	(v2sf) =	vpush v9, $0xF;
	_ =	sdelay $0xd  }
0x41f: {  	v8 =	vadd.s32 $0xFFFFFFFF, v8  }
0x420: {  	p0 =	sgt.u32 s12, $0x3E;
	vm1 =	vlt.s32 v8, $0x40;
	s14 =	spop (v2sf)  }
0x421: {  	vm0 =	vmand vm0, vm1;
	p1 =	slt.u32 @!p0 s14, $0x80000040  }
0x422: {  	p0 =	por p0, !p1  }
.Ltmp25:
0x423: {  	_ = 	snop;
	(pc) =	sbr.rel @!p0 .LBB3_32-.Ltmp25, $3  }
0x424: {  	_ =	sdelay $0x1  }
0x425: {  	v63 =	vor.u32 s4, v1  }
0x426: {  	s12 =	sadd.s32 $0x1, s12;
	s1 =	sadd.s32 $0x10, s1;
	s4 =	sadd.s32 $0x10, s4;
	[tilespmem:v8+s11+$0x0] =	vst.idx.msk vm0, v63  }
.LBB3_33:
0x427: {  	v7 =	vxor.u32 $0x80000000, v6  }
0x428: {  	(xrf0) =	vmax.scan.msk.u32 $0xffff, v7;
	_ =	sdelay $0x5  }
0x429: {  	v7, _, _ =	vpop (xrf0)  }
0x42a: {  	(v2sf) =	vpush v7, $0xF;
	_ =	sdelay $0xe  }
0x42b: {  	s1 =	spop (v2sf)  }
0x42c: {  	p0 =	slt.u32 s1, $0x80000033  }
.Ltmp26:
0x42d: {  	_ = 	snop;
	(pc) =	sbr.rel @!p0 .LBB3_36-.Ltmp26, $1  }
0x42e: {  	_ =	sdelay $0x3  }
0x42f: {  	s1 =	simm.s32 $0x6180;
	s12 =	simm.s32 $0x0;
	s4 =	simm.s32 $0x0  }
.LBB3_35:
0x430: {  	v7 =	vld [tilespmem:s1+$0x0];
	_ =	sdelay $0x4  }
0x431: {  	vm0 =	vlt.f32 v7, $5.500000120e-01;
	vm1 =	vge.f32 v7, $1.000000010e-01  }
0x432: {  	vm0 =	vmneg vm0;
	vm1 =	vmneg vm1  }
0x433: {  	vm0 =	vmor vm0, vm1  }
0x434: {  	v7 =	vsel vm0, $0x1, v2  }
0x435: {  	(xrf0) =	vadd.scan.msk.s32 $0xffff, v7;
	_ =	sdelay $0x4  }
0x436: {  	v8 =	vmpcnt.ones.xlane vm0  }
0x437: {  	v7, _, _ =	vpop (xrf0)  }
0x438: {  	v7 =	vadd.s32 v6, v7;
	v6 =	vadd.s32 v6, v8  }
0x439: {  	v8 =	vxor.u32 $0x80000000, v6  }
0x43a: {  	(xrf0) =	vmax.scan.msk.u32 $0xffff, v8;
	_ =	sdelay $0x5  }
0x43b: {  	v8, _, _ =	vpop (xrf0)  }
0x43c: {  	(v2sf) =	vpush v8, $0xF;
	_ =	sdelay $0xd  }
0x43d: {  	v8 =	vadd.s32 $0xFFFFFFFF, v7  }
0x43e: {  	p0 =	sgt.u32 s12, $0x3E;
	vm15 =	vlt.s32 v8, $0x33;
	s14 =	spop (v2sf)  }
0x43f: {  	vm0 =	vmand vm0, vm15;
	p1 =	slt.u32 @!p0 s14, $0x80000033  }
0x440: {  	v7 =	vadd.s32 $0x3F, v7;
	p0 =	por p0, !p1  }
.Ltmp27:
0x441: {  	_ = 	snop;
	(pc) =	sbr.rel @!p0 .LBB3_35-.Ltmp27, $3  }
0x442: {  	_ =	sdelay $0x1  }
0x443: {  	v8 =	vor.u32 s4, v1  }
0x444: {  	s12 =	sadd.s32 $0x1, s12;
	s1 =	sadd.s32 $0x10, s1;
	s4 =	sadd.s32 $0x10, s4;
	[tilespmem:v7+s11+$0x0] =	vst.idx.msk vm0, v8  }
.LBB3_36:
0x445: {  	v6 =	vxor.u32 $0x80000000, v5  }
0x446: {  	(xrf0) =	vmax.scan.msk.u32 $0xffff, v6;
	_ =	sdelay $0x5  }
0x447: {  	v6, _, _ =	vpop (xrf0)  }
0x448: {  	(v2sf) =	vpush v6, $0xF;
	_ =	sdelay $0xe  }
0x449: {  	s1 =	spop (v2sf)  }
0x44a: {  	p0 =	slt.u32 s1, $0x8000000D  }
.Ltmp28:
0x44b: {  	_ = 	snop;
	(pc) =	sbr.rel @!p0 .LBB3_39-.Ltmp28, $1  }
0x44c: {  	_ =	sdelay $0x3  }
0x44d: {  	s1 =	simm.s32 $0x6180;
	s12 =	simm.s32 $0x0;
	s4 =	simm.s32 $0x0  }
.LBB3_38:
0x44e: {  	v6 =	vld [tilespmem:s1+$0x0];
	_ =	sdelay $0x4  }
0x44f: {  	vm0 =	vlt.f32 v6, $1.000000010e-01  }
0x450: {  	vm0 =	vmneg vm0  }
0x451: {  	v6 =	vsel vm0, $0x1, v2  }
0x452: {  	(xrf0) =	vadd.scan.msk.s32 $0xffff, v6;
	_ =	sdelay $0x4  }
0x453: {  	v7 =	vmpcnt.ones.xlane vm0  }
0x454: {  	v6, _, _ =	vpop (xrf0)  }
0x455: {  	v6 =	vadd.s32 v5, v6;
	v5 =	vadd.s32 v5, v7  }
0x456: {  	v7 =	vxor.u32 $0x80000000, v5  }
0x457: {  	(xrf0) =	vmax.scan.msk.u32 $0xffff, v7;
	_ =	sdelay $0x5  }
0x458: {  	v7, _, _ =	vpop (xrf0)  }
0x459: {  	(v2sf) =	vpush v7, $0xF;
	_ =	sdelay $0xd  }
0x45a: {  	v7 =	vadd.s32 $0xFFFFFFFF, v6  }
0x45b: {  	p0 =	sgt.u32 s12, $0x3E;
	vm1 =	vlt.s32 v7, $0xD;
	s14 =	spop (v2sf)  }
0x45c: {  	vm0 =	vmand vm0, vm1;
	p1 =	slt.u32 @!p0 s14, $0x8000000D  }
0x45d: {  	v6 =	vadd.s32 $0x72, v6;
	p0 =	por p0, !p1  }
.Ltmp29:
0x45e: {  	_ = 	snop;
	(pc) =	sbr.rel @!p0 .LBB3_38-.Ltmp29, $3  }
0x45f: {  	_ =	sdelay $0x1  }
0x460: {  	v7 =	vor.u32 s4, v1  }
0x461: {  	s12 =	sadd.s32 $0x1, s12;
	s1 =	sadd.s32 $0x10, s1;
	s4 =	sadd.s32 $0x10, s4;
	[tilespmem:v6+s11+$0x0] =	vst.idx.msk vm0, v7  }
.Ltmp30:
0x462: {  	_ = 	snop;
	(pc) =	sbr.rel .LBB3_39-.Ltmp30, $1  }
0x463: {  	_ =	sdelay $0x3  }
.LBB3_40:
0x464: {  	_ =	sfence.sel $0x180000  }
0x465: {  	[bflag:$0x0] =	sbarrier.arrive $0xFFFF  }
0x466: {  	_ =	strace $0x90000047  }
0x467: {  	s0 =	stileid.u32;
	[bflag:$0x2] =	sbarrier.arrive $0xFFFF  }
0x468: {  	p0 =	sne.s32 s0, $0x0;
	s0 =	rddreg [dreg:$0xe]  }
0x469: {  	s0 =	sadd.s32 @!p0 $0x100000, s0  }
0x46a: {  	[sflag:s0] =	ssyncadd.tile.s32 @!p0 $0x1;
	_ =	shalt  }
.Lfunc_end3:
_tile_overlayer_lowered:
.L_overlay_start_3:
0x46b: {  	(tag) =	ssettag $0x3  }
0x46c: {  	s0 =	rddreg [dreg:$0x0];
	s2 =	stileid.u32  }
0x46d: {  	s1 =	rddreg [dreg:$0x1];
	p0 =	sne.s32 s2, $0x0  }
0x46e: {  	s3 =	rddreg [dreg:$0x2];
	[bflag:$0x3] =	sbarrier.arrive $0xFFFF;
	s2 =	simm.s32 @!p0 $0x1C02  }
0x46f: {  	[timem:s3], [sflag:s2] =	dma.local @!p0 [hbm:s0], s1  }
0x470: {  	s0 =	simm.s32 @!p0 $0x2  }
0x471: {  	_ =	swait.ge @!p0 [sflag:s0], s1  }
0x472: {  	s1 =	ssub.s32 @!p0 $0x0, s1;
	[sflag:s0] =	ssyncset.done @!p0 $0x0  }
0x473: {  	[sflag:s0] =	ssyncadd.s32 @!p0 s1  }
0x474: {  	[bflag:$0x3] =	sbarrier.arrive $0xFFFF  }
0x475: {  	_ =	shalt  }

</sc_bundles>
